<compile_context>
chip_gen: v7x
topology: tpu7x:2x2x1
jax: 0.10.2.dev20260603
libtpu: 0.0.44.dev20260713+nightly
codegen_flags: <defaults>
</compile_context>

<pallas_src>
import functools

import numpy as np

import jax
import jax.numpy as jnp
from jax import lax
from jax.experimental import pallas as pl
from jax.experimental.pallas import tpu as pltpu
from jax.experimental.pallas import tpu_sc as plsc

N_NODES = 10000
N_EDGES = 320000
H = 64
GROUPS = 8
N_REC = 2

_NC = 2
_NS = 16
_NW = _NC * _NS
_PER_W = N_EDGES // _NW
_CH = 128
_NFULL = _PER_W // _CH
_TAIL = _PER_W - _NFULL * _CH


def _sc_mesh():
    return plsc.VectorSubcoreMesh(
        core_axis_name="c", subcore_axis_name="s",
        num_cores=_NC, num_subcores=_NS)


def _sc_gather(tab_s, tab_r, snd3, rcv3):
    cpw = _NFULL + 1

    @functools.partial(
        pl.kernel,
        out_type=(jax.ShapeDtypeStruct((N_EDGES, H), jnp.float32),
                  jax.ShapeDtypeStruct((N_EDGES, H), jnp.float32)),
        mesh=_sc_mesh(),
        compiler_params=pltpu.CompilerParams(use_tc_tiling_on_sc=False),
        scratch_types=[
            pltpu.VMEM((cpw, _CH), jnp.int32),
            pltpu.VMEM((cpw, _CH), jnp.int32),
            pltpu.VMEM((_CH, H), jnp.float32),
            pltpu.VMEM((_CH, H), jnp.float32),
            pltpu.VMEM((_CH, H), jnp.float32),
            pltpu.VMEM((_CH, H), jnp.float32),
            pltpu.SemaphoreType.DMA,
            pltpu.SemaphoreType.DMA,
            pltpu.SemaphoreType.DMA,
            pltpu.SemaphoreType.DMA,
        ])
    def k(ts_h, tr_h, s3_h, r3_h, gs_h, gr_h,
          idxs, idxr, rs0, rr0, rs1, rr1, gsem0, gsem1, wsem0, wsem1):
        wid = lax.axis_index("s") * _NC + lax.axis_index("c")
        base = wid * _PER_W
        pltpu.sync_copy(s3_h.at[wid], idxs)
        pltpu.sync_copy(r3_h.at[wid], idxr)
        pltpu.async_copy(ts_h.at[idxs.at[0]], rs0, gsem0)
        pltpu.async_copy(tr_h.at[idxr.at[0]], rr0, gsem0)

        def body(kk, carry):
            c0 = 2 * kk
            pltpu.async_copy(ts_h.at[idxs.at[c0 + 1]], rs1, gsem1)
            pltpu.async_copy(tr_h.at[idxr.at[c0 + 1]], rr1, gsem1)
            pltpu.make_async_copy(ts_h.at[idxs.at[c0]], rs0, gsem0).wait()
            pltpu.make_async_copy(tr_h.at[idxr.at[c0]], rr0, gsem0).wait()
            off0 = base + c0 * _CH
            w1 = pltpu.async_copy(rs0, gs_h.at[pl.ds(off0, _CH)], wsem0)
            w2 = pltpu.async_copy(rr0, gr_h.at[pl.ds(off0, _CH)], wsem0)
            w1.wait()
            w2.wait()
            pltpu.async_copy(ts_h.at[idxs.at[c0 + 2]], rs0, gsem0)
            pltpu.async_copy(tr_h.at[idxr.at[c0 + 2]], rr0, gsem0)
            pltpu.make_async_copy(
                ts_h.at[idxs.at[c0 + 1]], rs1, gsem1).wait()
            pltpu.make_async_copy(
                tr_h.at[idxr.at[c0 + 1]], rr1, gsem1).wait()
            off1 = off0 + _CH
            w3 = pltpu.async_copy(rs1, gs_h.at[pl.ds(off1, _CH)], wsem1)
            w4 = pltpu.async_copy(rr1, gr_h.at[pl.ds(off1, _CH)], wsem1)
            w3.wait()
            w4.wait()
            return carry

        lax.fori_loop(0, _NFULL // 2, body, 0)
        pltpu.make_async_copy(ts_h.at[idxs.at[_NFULL]], rs0, gsem0).wait()
        pltpu.make_async_copy(tr_h.at[idxr.at[_NFULL]], rr0, gsem0).wait()
        offt = base + _NFULL * _CH
        pltpu.sync_copy(rs0.at[pl.ds(0, _TAIL)],
                        gs_h.at[pl.ds(offt, _TAIL)])
        pltpu.sync_copy(rr0.at[pl.ds(0, _TAIL)],
                        gr_h.at[pl.ds(offt, _TAIL)])

    return k(tab_s, tab_r, snd3, rcv3)


def _sc_segsum(ne, snd3, rcv3, snd, rcv, zeros_nd):
    rpt = N_NODES // _NS
    cpw = _NFULL + 1

    @functools.partial(
        pl.kernel,
        out_type=(jax.ShapeDtypeStruct((_NC * N_NODES, H), jnp.float32),
                  jax.ShapeDtypeStruct((_NC * N_NODES, H), jnp.float32)),
        mesh=_sc_mesh(),
        compiler_params=pltpu.CompilerParams(use_tc_tiling_on_sc=False),
        scratch_types=[
            pltpu.VMEM((cpw, _CH), jnp.int32),
            pltpu.VMEM((cpw, _CH), jnp.int32),
            pltpu.VMEM((_CH, H), jnp.float32),
            pltpu.VMEM((_CH, H), jnp.float32),
            pltpu.VMEM((_TAIL,), jnp.int32),
            pltpu.VMEM((_TAIL,), jnp.int32),
            pltpu.VMEM((_TAIL, H), jnp.float32),
            pltpu.VMEM_SHARED((N_NODES, H), jnp.float32),
            pltpu.VMEM_SHARED((N_NODES, H), jnp.float32),
            pltpu.SemaphoreType.DMA,
            pltpu.SemaphoreType.DMA,
        ])
    def k(ne_h, s3_h, r3_h, s_h, r_h, z_h, ps_h, pr_h,
          idxs, idxr, rows0, rows1, idx_st, idx_rt, rows_t, acc_s, acc_r,
          lsem0, lsem1):
        cid = lax.axis_index("c")
        sid = lax.axis_index("s")
        wid = sid * _NC + cid
        base = wid * _PER_W
        pltpu.sync_copy(s3_h.at[wid], idxs)
        pltpu.sync_copy(r3_h.at[wid], idxr)
        pltpu.sync_copy(z_h.at[pl.ds(sid * rpt, rpt)],
                        acc_s.at[pl.ds(sid * rpt, rpt)])
        pltpu.sync_copy(z_h.at[pl.ds(sid * rpt, rpt)],
                        acc_r.at[pl.ds(sid * rpt, rpt)])
        plsc.subcore_barrier()
        pltpu.async_copy(ne_h.at[pl.ds(base, _CH)], rows0, lsem0)

        def body(kk, carry):
            c0 = 2 * kk
            pltpu.async_copy(ne_h.at[pl.ds(base + (c0 + 1) * _CH, _CH)],
                             rows1, lsem1)
            pltpu.make_async_copy(
                ne_h.at[pl.ds(base, _CH)], rows0, lsem0).wait()
            pltpu.sync_copy(rows0, acc_s.at[idxs.at[c0]], add=True)
            pltpu.sync_copy(rows0, acc_r.at[idxr.at[c0]], add=True)

            @pl.when(c0 + 2 < _NFULL)
            def _():
                pltpu.async_copy(
                    ne_h.at[pl.ds(base + (c0 + 2) * _CH, _CH)],
                    rows0, lsem0)

            pltpu.make_async_copy(
                ne_h.at[pl.ds(base, _CH)], rows1, lsem1).wait()
            pltpu.sync_copy(rows1, acc_s.at[idxs.at[c0 + 1]], add=True)
            pltpu.sync_copy(rows1, acc_r.at[idxr.at[c0 + 1]], add=True)
            return carry

        lax.fori_loop(0, _NFULL // 2, body, 0)
        off = base + _NFULL * _CH
        pltpu.sync_copy(s_h.at[pl.ds(off, _TAIL)], idx_st)
        pltpu.sync_copy(r_h.at[pl.ds(off, _TAIL)], idx_rt)
        pltpu.sync_copy(ne_h.at[pl.ds(off, _TAIL)], rows_t)
        pltpu.sync_copy(rows_t, acc_s.at[idx_st], add=True)
        pltpu.sync_copy(rows_t, acc_r.at[idx_rt], add=True)
        plsc.subcore_barrier()
        pltpu.sync_copy(acc_s.at[pl.ds(sid * rpt, rpt)],
                        ps_h.at[pl.ds(cid * N_NODES + sid * rpt, rpt)])
        pltpu.sync_copy(acc_r.at[pl.ds(sid * rpt, rpt)],
                        pr_h.at[pl.ds(cid * N_NODES + sid * rpt, rpt)])

    return k(ne, snd3, rcv3, snd, rcv, zeros_nd)


def _mm(x, w):
    return jnp.dot(x.astype(jnp.bfloat16), w.astype(jnp.bfloat16),
                   preferred_element_type=jnp.float32)


def _mm_stats(x, w):
    xh = x.astype(jnp.bfloat16)
    r1 = x - xh.astype(jnp.float32)
    xl = r1.astype(jnp.bfloat16)
    xll = (r1 - xl.astype(jnp.float32)).astype(jnp.bfloat16)
    wb = w.astype(jnp.bfloat16)
    return (jnp.dot(xh, wb, preferred_element_type=jnp.float32)
            + (jnp.dot(xl, wb, preferred_element_type=jnp.float32)
               + jnp.dot(xll, wb, preferred_element_type=jnp.float32)))


def _mlp_stage(groups, ws, adds, grow, W1, b1, sc, of, Mgn, blk,
               proj_specs=(), with_sum=False, pack_first=False):
    f32 = jnp.float32
    R = groups[0][0].shape[0]
    if pack_first:
        R = R // 2
    grid = R // blk
    ng = len(groups)
    ws = [w if isinstance(w, (list, tuple)) else [w] for w in ws]
    flat_w = [w for wl in ws for w in wl]
    wsizes = [len(wl) for wl in ws]
    flat_x = [a for g in groups for a in g]
    gsizes = [len(g) for g in groups]
    nadds = len(adds)
    pw_flat = [w for (spec, _b) in proj_specs for (_s, w) in spec]
    pb_flat = [b for (_spec, b) in proj_specs if b is not None]
    n_proj = len(proj_specs)

    def body(*refs):
        pos = 0
        xr = refs[pos:pos + len(flat_x)]; pos += len(flat_x)
        ar = refs[pos:pos + nadds]; pos += nadds
        wr = refs[pos:pos + len(flat_w)]; pos += len(flat_w)
        growr, W1r, b1r, scr, ofr, Mr = refs[pos:pos + 6]; pos += 6
        pwr = refs[pos:pos + len(pw_flat)]; pos += len(pw_flat)
        pbr = refs[pos:pos + len(pb_flat)]; pos += len(pb_flat)
        yr = refs[pos]; pos += 1
        sumr = None
        if with_sum:
            sumr = refs[pos]; pos += 1
        projr = refs[pos:pos + n_proj]

        gv = []
        xi = 0
        for gs_ in gsizes:
            v = xr[xi][...]
            for t in range(1, gs_):
                v = v + xr[xi + t][...]
            xi += gs_
            gv.append(v)
        h = None
        wi = 0
        for j in range(ng):
            for _ in range(wsizes[j]):
                t = _mm(gv[j], wr[wi][...])
                wi += 1
                if pack_first and j == 0:
                    t = t.reshape(blk, 2 * t.shape[1])
                h = t if h is None else h + t
        for a in ar:
            h = h + a[...]
        h = jnp.maximum(h + growr[...], 0.0)
        h = jnp.maximum(_mm(h, W1r[...]) + b1r[...], 0.0)
        d = scr.shape[1]
        hh = jnp.concatenate([h, h * h], axis=1)
        mq = _mm_stats(hh, Mr[...])
        m = mq[:, :d]
        q = mq[:, d:]
        y = (h - m) * lax.rsqrt(q - m * m + 1e-5) * scr[...] + ofr[...]
        yr[...] = y
        if with_sum:
            @pl.when(pl.program_id(0) == 0)
            def _init():
                sumr[...] = jnp.zeros((1, d), f32)
            sumr[...] += jnp.sum(y, axis=0, keepdims=True)
        k = 0
        bi = 0
        for piN, (spec, b) in enumerate(proj_specs):
            accv = None
            for (src, _w) in spec:
                xv = y if src == "y" else gv[src]
                t = _mm(xv, pwr[k][...])
                k += 1
                accv = t if accv is None else accv + t
            if b is not None:
                accv = accv + pbr[bi][...]
                bi += 1
            projr[piN][...] = accv

    def rowspec(a, first=False):
        b = 2 * blk if first else blk
        return pl.BlockSpec((b, a.shape[1]), lambda i: (i, 0))

    def fullspec(a):
        return pl.BlockSpec(a.shape, lambda i: (0, 0))

    full_in = flat_w + [grow, W1, b1, sc, of, Mgn] + pw_flat + pb_flat
    in_arrays = flat_x + list(adds) + full_in
    in_specs = ([rowspec(a, first=(pack_first and xi < gsizes[0]))
                 for xi, a in enumerate(flat_x)]
                + [rowspec(a) for a in adds]
                + [fullspec(a) for a in full_in])

    d = sc.shape[1]
    out_shape = [jax.ShapeDtypeStruct((R, d), f32)]
    out_specs = [pl.BlockSpec((blk, d), lambda i: (i, 0))]
    if with_sum:
        out_shape.append(jax.ShapeDtypeStruct((1, d), f32))
        out_specs.append(pl.BlockSpec((1, d), lambda i: (0, 0)))
    for (spec, _b) in proj_specs:
        dp = spec[0][1].shape[1]
        out_shape.append(jax.ShapeDtypeStruct((R, dp), f32))
        out_specs.append(pl.BlockSpec((blk, dp), lambda i: (i, 0)))

    return pl.pallas_call(
        body, grid=(grid,), in_specs=in_specs, out_specs=out_specs,
        out_shape=out_shape)(*in_arrays)


def kernel(nodes, edges, senders, receivers, globals_, params):
    p_en = params["enc_node"]
    p_ee = params["enc_edge"]
    p_eg = params["enc_glob"]
    rec = params["rec"]
    f32 = jnp.float32

    def r1(v):
        return v.reshape(1, -1)

    M1 = np.kron(np.eye(GROUPS, dtype=np.float32),
                 np.ones((H // GROUPS, H // GROUPS), dtype=np.float32)
                 / (H // GROUPS))
    Z = np.zeros_like(M1)
    Mgn = jnp.asarray(np.block([[M1, Z], [Z, M1]]))
    Mp = np.kron(np.eye(2, dtype=np.float32), M1)
    Zp = np.zeros_like(Mp)
    Mgn_p = jnp.asarray(np.block([[Mp, Zp], [Zp, Mp]]))

    def kr(w):
        return jnp.kron(jnp.eye(2, dtype=w.dtype), w)

    def t2(v):
        return jnp.tile(v.reshape(1, -1), (1, 2))

    snd = senders.astype(jnp.int32)
    rcv = receivers.astype(jnp.int32)

    def tile3(ix):
        pad = (_NFULL + 1) * _CH - _PER_W
        return jnp.pad(ix.reshape(_NW, _PER_W),
                       ((0, 0), (0, pad))).reshape(_NW, _NFULL + 1, _CH)

    snd3 = tile3(snd)
    rcv3 = tile3(rcv)

    edges_p = edges.reshape(N_EDGES // 2, 8)
    enc_e_p = _mlp_stage([[edges_p]], [kr(p_ee["W0"])], [], t2(p_ee["b0"]),
                         kr(p_ee["W1"]), t2(p_ee["b1"]), t2(p_ee["s"]),
                         t2(p_ee["o"]), Mgn_p, 2000)[0]
    e0 = rec[0]["edge"]["W0"]
    n0 = rec[0]["node"]["W0"]
    enc_n, tab_s, tab_r = _mlp_stage(
        [[nodes]], [p_en["W0"]], [], r1(p_en["b0"]), p_en["W1"],
        r1(p_en["b1"]), r1(p_en["s"]), r1(p_en["o"]), Mgn, 1000,
        proj_specs=[([("y", e0[128:192]), ("y", e0[192:256])], None),
                    ([("y", e0[256:320]), ("y", e0[320:384])], None)])
    enc_g, gte, gtn = _mlp_stage(
        [[globals_]], [p_eg["W0"]], [], r1(p_eg["b0"]), p_eg["W1"],
        r1(p_eg["b1"]), r1(p_eg["s"]), r1(p_eg["o"]), Mgn, 1,
        proj_specs=[([("y", e0[384:448]), ("y", e0[448:512])],
                     r1(rec[0]["edge"]["b0"])),
                    ([("y", n0[256:320]), ("y", n0[320:384])],
                     r1(rec[0]["node"]["b0"]))])

    zeros_nd = jnp.zeros((N_NODES, H), f32)
    out_n, out_e_p, out_g = enc_n, enc_e_p, enc_g

    for r in range(N_REC):
        p_e = rec[r]["edge"]
        p_n = rec[r]["node"]
        p_g = rec[r]["glob"]
        W0e = p_e["W0"]
        W0n = p_n["W0"]
        W0g = p_g["W0"]

        gath_s, gath_r = _sc_gather(tab_s, tab_r, snd3, rcv3)
        gs_p = gath_s.reshape(N_EDGES // 2, 2 * H)
        gr_p = gath_r.reshape(N_EDGES // 2, 2 * H)

        if r == 0:
            egroups = [[enc_e_p]]
            ews = [[kr(W0e[0:64]), kr(W0e[64:128])]]
        else:
            egroups = [[out_e_p], [enc_e_p]]
            ews = [kr(W0e[0:64]), kr(W0e[64:128])]
        new_e_p, esum_p = _mlp_stage(
            egroups, ews, [gs_p, gr_p], jnp.tile(gte, (1, 2)), kr(p_e["W1"]),
            t2(p_e["b1"]), t2(p_e["s"]), t2(p_e["o"]), Mgn_p, 2000,
            with_sum=True)

        ps, pr = _sc_segsum(new_e_p.reshape(N_EDGES, H), snd3, rcv3, snd,
                            rcv, zeros_nd)
        ps0, ps1 = ps[:N_NODES], ps[N_NODES:]
        pr0, pr1 = pr[:N_NODES], pr[N_NODES:]

        if r == 0:
            ngroups = [[enc_n], [ps0, ps1], [pr0, pr1]]
            nws = [[W0n[0:64], W0n[64:128]], W0n[128:192], W0n[192:256]]
            enc_idx = 0
        else:
            ngroups = [[out_n], [enc_n], [ps0, ps1], [pr0, pr1]]
            nws = [W0n[0:64], W0n[64:128], W0n[128:192], W0n[192:256]]
            enc_idx = 1
        if r < N_REC - 1:
            e1 = rec[r + 1]["edge"]["W0"]
            nproj = [([("y", e1[128:192]), (enc_idx, e1[192:256])], None),
                     ([("y", e1[256:320]), (enc_idx, e1[320:384])], None)]
        else:
            nproj = []
        res = _mlp_stage(
            ngroups, nws, [], gtn, p_n["W1"], r1(p_n["b1"]), r1(p_n["s"]),
            r1(p_n["o"]), Mgn, 1000, with_sum=True, proj_specs=nproj)
        if nproj:
            new_n, nsum, tab_s, tab_r = res
        else:
            new_n, nsum = res

        esum_pair = [esum_p[:, :H], esum_p[:, H:]]
        if r == 0:
            ggroups = [[nsum], esum_pair, [enc_g]]
            gws = [W0g[0:64], W0g[64:128], [W0g[128:192], W0g[192:256]]]
            encg_idx = 2
        else:
            ggroups = [[nsum], esum_pair, [out_g], [enc_g]]
            gws = [W0g[0:64], W0g[64:128], W0g[128:192], W0g[192:256]]
            encg_idx = 3
        if r < N_REC - 1:
            e1 = rec[r + 1]["edge"]["W0"]
            n1 = rec[r + 1]["node"]["W0"]
            gproj = [([("y", e1[384:448]), (encg_idx, e1[448:512])],
                      r1(rec[r + 1]["edge"]["b0"])),
                     ([("y", n1[256:320]), (encg_idx, n1[320:384])],
                      r1(rec[r + 1]["node"]["b0"]))]
        else:
            gproj = []
        res = _mlp_stage(
            ggroups, gws, [], r1(p_g["b0"]), p_g["W1"], r1(p_g["b1"]),
            r1(p_g["s"]), r1(p_g["o"]), Mgn, 1, proj_specs=gproj)
        if gproj:
            new_g, gte, gtn = res
        else:
            new_g = res[0]

        out_n, out_e_p, out_g = new_n, new_e_p, new_g

    return (out_n, out_e_p.reshape(N_EDGES, H), out_g)

# --- scband reference (transcript-rebuilt; emitter-appended) ---
"""Pipeline reference for scband-graph-net-encoder-21784074125519 (READ-ONLY COPY).

The authoritative reference and input builder live on the scoring server;
editing this copy changes nothing except your own understanding.
"""

import jax, jax.numpy as jnp
import numpy as np

N_NODES = 10000
N_EDGES = 320000
D_NODE = 128
D_EDGE = 4
D_GLOB = 16
H = 64
N_REC = 2
GROUPS = 8


def _mlp_params(key, d_in, sizes=(H, H)):
    dims = [d_in] + list(sizes)
    p = {}
    for i in range(len(sizes)):
        key, sub = jax.random.split(key)
        p['W%d' % i] = jax.random.normal(sub, (dims[i], dims[i + 1]), dtype=jnp.float32) / np.sqrt(dims[i])
        p['b%d' % i] = jnp.zeros((dims[i + 1],), dtype=jnp.float32)
    p['s'] = jnp.ones((sizes[-1],), dtype=jnp.float32)
    p['o'] = jnp.zeros((sizes[-1],), dtype=jnp.float32)
    return p


def _group_norm(x, scale, offset, groups=GROUPS, eps=1e-5):
    n, c = x.shape
    xg = x.reshape(n, groups, c // groups)
    mean = jnp.mean(xg, axis=-1, keepdims=True)
    var = jnp.var(xg, axis=-1, keepdims=True)
    xg = (xg - mean) * jax.lax.rsqrt(var + eps)
    return xg.reshape(n, c) * scale + offset


def _mlp_norm(x, p):
    h = jax.nn.relu(jnp.dot(x, p['W0']) + p['b0'])
    h = jax.nn.relu(jnp.dot(h, p['W1']) + p['b1'])
    return _group_norm(h, p['s'], p['o'])


def setup_inputs(seed: int = 0):
    key = jax.random.key(seed)
    ks = jax.random.split(key, 8)
    nodes = jax.random.normal(ks[0], (N_NODES, D_NODE), dtype=jnp.float32)
    edges = jax.random.normal(ks[1], (N_EDGES, D_EDGE), dtype=jnp.float32)
    senders = jax.random.randint(ks[2], (N_EDGES,), 0, N_NODES, dtype=jnp.int32)
    receivers = jax.random.randint(ks[3], (N_EDGES,), 0, N_NODES, dtype=jnp.int32)
    globals_ = jax.random.normal(ks[4], (1, D_GLOB), dtype=jnp.float32)
    pkey = ks[5]
    pkey, k1, k2, k3 = jax.random.split(pkey, 4)
    params = {'enc_node': _mlp_params(k1, D_NODE), 'enc_edge': _mlp_params(k2, D_EDGE), 'enc_glob': _mlp_params(k3, D_GLOB), 'rec': []}
    for r in range(N_REC):
        pkey, ke, kn, kg = jax.random.split(pkey, 4)
        params['rec'].append({'edge': _mlp_params(ke, 8 * H), 'node': _mlp_params(kn, 6 * H), 'glob': _mlp_params(kg, 4 * H)})
    return {'nodes': nodes, 'edges': edges, 'senders': senders, 'receivers': receivers, 'globals_': globals_, 'params': params}


def reference(nodes, edges, senders, receivers, globals_, params):
    n = nodes.shape[0]
    e = edges.shape[0]
    enc_n = _mlp_norm(nodes, params['enc_node'])
    enc_e = _mlp_norm(edges, params['enc_edge'])
    enc_g = _mlp_norm(globals_, params['enc_glob'])
    out_n, out_e, out_g = enc_n, enc_e, enc_g
    for r in range(N_REC):
        p = params['rec'][r]
        n_cat = jnp.concatenate([out_n, enc_n], axis=-1)
        e_cat = jnp.concatenate([out_e, enc_e], axis=-1)
        g_cat = jnp.concatenate([out_g, enc_g], axis=-1)
        g_edge = jnp.broadcast_to(g_cat, (e, g_cat.shape[-1]))
        g_node = jnp.broadcast_to(g_cat, (n, g_cat.shape[-1]))
        edge_in = jnp.concatenate([e_cat, n_cat[senders], n_cat[receivers], g_edge], axis=-1)
        new_e = _mlp_norm(edge_in, p['edge'])
        sent_agg = jax.ops.segment_sum(new_e, senders, num_segments=n)
        recv_agg = jax.ops.segment_sum(new_e, receivers, num_segments=n)
        node_in = jnp.concatenate([n_cat, sent_agg, recv_agg, g_node], axis=-1)
        new_n = _mlp_norm(node_in, p['node'])
        glob_in = jnp.concatenate([jnp.sum(new_n, axis=0, keepdims=True), jnp.sum(new_e, axis=0, keepdims=True), g_cat], axis=-1)
        new_g = _mlp_norm(glob_in, p['glob'])
        out_n, out_e, out_g = new_n, new_e, new_g
    return (out_n, out_e, out_g)

if __name__ == "__main__":
    import jax
    _d = setup_inputs()
    print(jax.jit(kernel)(*tuple(_d.values())))

</pallas_src>

<mosaic_0001>
#map = affine_map<(d0, d1) -> (0, 0)>
#map1 = affine_map<(d0, d1) -> (0, 0, 0)>
#map2 = affine_map<(d0, d1) -> (0)>
module attributes {stable_mosaic.version = 14 : i64} {
  func.func @k(%arg0: i32, %arg1: i32, %arg2: memref<320000x64xf32, #tpu.memory_space<hbm>>, %arg3: memref<32x79x128xi32, #tpu.memory_space<hbm>>, %arg4: memref<32x79x128xi32, #tpu.memory_space<hbm>>, %arg5: memref<320000xi32, #tpu.memory_space<hbm>>, %arg6: memref<320000xi32, #tpu.memory_space<hbm>>, %arg7: memref<10000x64xf32, #tpu.memory_space<hbm>>, %arg8: memref<20000x64xf32, #tpu.memory_space<hbm>>, %arg9: memref<20000x64xf32, #tpu.memory_space<hbm>>, %arg10: memref<79x128xi32, #tpu.memory_space<vmem>>, %arg11: memref<79x128xi32, #tpu.memory_space<vmem>>, %arg12: memref<128x64xf32, #tpu.memory_space<vmem>>, %arg13: memref<128x64xf32, #tpu.memory_space<vmem>>, %arg14: memref<16xi32, #tpu.memory_space<vmem>>, %arg15: memref<16xi32, #tpu.memory_space<vmem>>, %arg16: memref<16x64xf32, #tpu.memory_space<vmem>>, %arg17: memref<10000x64xf32, #tpu.memory_space<vmem_shared>>, %arg18: memref<10000x64xf32, #tpu.memory_space<vmem_shared>>, %arg19: memref<!tpu.dma_semaphore, #tpu.memory_space<semaphore_mem>>, %arg20: memref<!tpu.dma_semaphore, #tpu.memory_space<semaphore_mem>>) attributes {dimension_semantics = [#tpu.dimension_semantics<core_parallel>, #tpu.dimension_semantics<subcore_parallel>], iteration_bounds = array<i64: 2, 16>, scalar_prefetch = 0 : i64, scratch_operands = 11 : i64, tpu.core_type = #tpu.core_type<sc_vector_subcore>, window_params = [{transform_indices = #map}, {transform_indices = #map1}, {transform_indices = #map1}, {transform_indices = #map2}, {transform_indices = #map2}, {transform_indices = #map}, {transform_indices = #map}, {transform_indices = #map}]} {
    %mul3A = arith.constant 2 : i32
    %mul3A_0 = arith.muli %arg1, %mul3A : i32
    %add3A = arith.addi %mul3A_0, %arg0 : i32
    %mul3A_1 = arith.constant 10000 : i32
    %mul3A_2 = arith.muli %add3A, %mul3A_1 : i32
    "tpu.region"() ({
      %run_scoped3A = tpu.sem_alloc : memref<!tpu.dma_semaphore, #tpu.memory_space<semaphore_mem>>
      %dma_start3A_36 = arith.constant 0 : i32
      %dma_start3A_37 = arith.constant 0 : i32
      %dma_start3A_38 = tpu.memref_slice %arg3[%add3A, %dma_start3A_36, %dma_start3A_37] : memref<32x79x128xi32, #tpu.memory_space<hbm>> -> memref<1x79x128xi32, #tpu.memory_space<hbm>>
      %dma_start3A_39 = tpu.memref_squeeze %dma_start3A_38 : memref<1x79x128xi32, #tpu.memory_space<hbm>> -> memref<79x128xi32, #tpu.memory_space<hbm>>
      %dma_start3A_40 = arith.constant 0 : i32
      %dma_start3A_41 = arith.constant 0 : i32
      %dma_start3A_42 = tpu.memref_slice %arg3[%add3A, %dma_start3A_40, %dma_start3A_41] : memref<32x79x128xi32, #tpu.memory_space<hbm>> -> memref<1x79x128xi32, #tpu.memory_space<hbm>>
      %dma_start3A_43 = tpu.memref_squeeze %dma_start3A_42 : memref<1x79x128xi32, #tpu.memory_space<hbm>> -> memref<79x128xi32, #tpu.memory_space<hbm>>
      tpu.enqueue_dma source(%dma_start3A_43 : memref<79x128xi32, #tpu.memory_space<hbm>>) target(%arg10 : memref<79x128xi32, #tpu.memory_space<vmem>>) target_semaphore(%run_scoped3A : memref<!tpu.dma_semaphore, #tpu.memory_space<semaphore_mem>>)
      %dma_wait3A = arith.constant 0 : i32
      %dma_wait3A_44 = arith.constant 0 : i32
      %dma_wait3A_45 = tpu.memref_slice %arg3[%add3A, %dma_wait3A, %dma_wait3A_44] : memref<32x79x128xi32, #tpu.memory_space<hbm>> -> memref<1x79x128xi32, #tpu.memory_space<hbm>>
      %dma_wait3A_46 = tpu.memref_squeeze %dma_wait3A_45 : memref<1x79x128xi32, #tpu.memory_space<hbm>> -> memref<79x128xi32, #tpu.memory_space<hbm>>
      %dma_wait3A_47 = arith.constant 0 : i32
      %dma_wait3A_48 = arith.constant 0 : i32
      %dma_wait3A_49 = tpu.memref_slice %arg3[%add3A, %dma_wait3A_47, %dma_wait3A_48] : memref<32x79x128xi32, #tpu.memory_space<hbm>> -> memref<1x79x128xi32, #tpu.memory_space<hbm>>
      %dma_wait3A_50 = tpu.memref_squeeze %dma_wait3A_49 : memref<1x79x128xi32, #tpu.memory_space<hbm>> -> memref<79x128xi32, #tpu.memory_space<hbm>>
      tpu.wait_dma2 semaphore(%run_scoped3A : memref<!tpu.dma_semaphore, #tpu.memory_space<semaphore_mem>>) src(%dma_wait3A_50 : memref<79x128xi32, #tpu.memory_space<hbm>>) dst(%arg10 : memref<79x128xi32, #tpu.memory_space<vmem>>)
      tpu.yield
    }) : () -> ()
    "tpu.region"() ({
      %run_scoped3A = tpu.sem_alloc : memref<!tpu.dma_semaphore, #tpu.memory_space<semaphore_mem>>
      %dma_start3A_36 = arith.constant 0 : i32
      %dma_start3A_37 = arith.constant 0 : i32
      %dma_start3A_38 = tpu.memref_slice %arg4[%add3A, %dma_start3A_36, %dma_start3A_37] : memref<32x79x128xi32, #tpu.memory_space<hbm>> -> memref<1x79x128xi32, #tpu.memory_space<hbm>>
      %dma_start3A_39 = tpu.memref_squeeze %dma_start3A_38 : memref<1x79x128xi32, #tpu.memory_space<hbm>> -> memref<79x128xi32, #tpu.memory_space<hbm>>
      %dma_start3A_40 = arith.constant 0 : i32
      %dma_start3A_41 = arith.constant 0 : i32
      %dma_start3A_42 = tpu.memref_slice %arg4[%add3A, %dma_start3A_40, %dma_start3A_41] : memref<32x79x128xi32, #tpu.memory_space<hbm>> -> memref<1x79x128xi32, #tpu.memory_space<hbm>>
      %dma_start3A_43 = tpu.memref_squeeze %dma_start3A_42 : memref<1x79x128xi32, #tpu.memory_space<hbm>> -> memref<79x128xi32, #tpu.memory_space<hbm>>
      tpu.enqueue_dma source(%dma_start3A_43 : memref<79x128xi32, #tpu.memory_space<hbm>>) target(%arg11 : memref<79x128xi32, #tpu.memory_space<vmem>>) target_semaphore(%run_scoped3A : memref<!tpu.dma_semaphore, #tpu.memory_space<semaphore_mem>>)
      %dma_wait3A = arith.constant 0 : i32
      %dma_wait3A_44 = arith.constant 0 : i32
      %dma_wait3A_45 = tpu.memref_slice %arg4[%add3A, %dma_wait3A, %dma_wait3A_44] : memref<32x79x128xi32, #tpu.memory_space<hbm>> -> memref<1x79x128xi32, #tpu.memory_space<hbm>>
      %dma_wait3A_46 = tpu.memref_squeeze %dma_wait3A_45 : memref<1x79x128xi32, #tpu.memory_space<hbm>> -> memref<79x128xi32, #tpu.memory_space<hbm>>
      %dma_wait3A_47 = arith.constant 0 : i32
      %dma_wait3A_48 = arith.constant 0 : i32
      %dma_wait3A_49 = tpu.memref_slice %arg4[%add3A, %dma_wait3A_47, %dma_wait3A_48] : memref<32x79x128xi32, #tpu.memory_space<hbm>> -> memref<1x79x128xi32, #tpu.memory_space<hbm>>
      %dma_wait3A_50 = tpu.memref_squeeze %dma_wait3A_49 : memref<1x79x128xi32, #tpu.memory_space<hbm>> -> memref<79x128xi32, #tpu.memory_space<hbm>>
      tpu.wait_dma2 semaphore(%run_scoped3A : memref<!tpu.dma_semaphore, #tpu.memory_space<semaphore_mem>>) src(%dma_wait3A_50 : memref<79x128xi32, #tpu.memory_space<hbm>>) dst(%arg11 : memref<79x128xi32, #tpu.memory_space<vmem>>)
      tpu.yield
    }) : () -> ()
    %mul3A_3 = arith.constant 625 : i32
    %mul3A_4 = arith.muli %arg1, %mul3A_3 : i32
    %mul3A_5 = arith.constant 625 : i32
    %mul3A_6 = arith.muli %arg1, %mul3A_5 : i32
    "tpu.region"() ({
      %run_scoped3A = tpu.sem_alloc : memref<!tpu.dma_semaphore, #tpu.memory_space<semaphore_mem>>
      %dma_start3A_36 = arith.constant 0 : i32
      %dma_start3A_37 = tpu.memref_slice %arg17[%mul3A_6, %dma_start3A_36] : memref<10000x64xf32, #tpu.memory_space<vmem_shared>> -> memref<625x64xf32, #tpu.memory_space<vmem_shared>>
      %dma_start3A_38 = arith.constant 0 : i32
      %dma_start3A_39 = tpu.memref_slice %arg7[%mul3A_4, %dma_start3A_38] : memref<10000x64xf32, #tpu.memory_space<hbm>> -> memref<625x64xf32, #tpu.memory_space<hbm>>
      tpu.enqueue_dma source(%dma_start3A_39 : memref<625x64xf32, #tpu.memory_space<hbm>>) target(%dma_start3A_37 : memref<625x64xf32, #tpu.memory_space<vmem_shared>>) target_semaphore(%run_scoped3A : memref<!tpu.dma_semaphore, #tpu.memory_space<semaphore_mem>>)
      %dma_wait3A = arith.constant 0 : i32
      %dma_wait3A_40 = tpu.memref_slice %arg17[%mul3A_6, %dma_wait3A] : memref<10000x64xf32, #tpu.memory_space<vmem_shared>> -> memref<625x64xf32, #tpu.memory_space<vmem_shared>>
      %dma_wait3A_41 = arith.constant 0 : i32
      %dma_wait3A_42 = tpu.memref_slice %arg7[%mul3A_4, %dma_wait3A_41] : memref<10000x64xf32, #tpu.memory_space<hbm>> -> memref<625x64xf32, #tpu.memory_space<hbm>>
      tpu.wait_dma2 semaphore(%run_scoped3A : memref<!tpu.dma_semaphore, #tpu.memory_space<semaphore_mem>>) src(%dma_wait3A_42 : memref<625x64xf32, #tpu.memory_space<hbm>>) dst(%dma_wait3A_40 : memref<625x64xf32, #tpu.memory_space<vmem_shared>>)
      tpu.yield
    }) : () -> ()
    %mul3A_7 = arith.constant 625 : i32
    %mul3A_8 = arith.muli %arg1, %mul3A_7 : i32
    %mul3A_9 = arith.constant 625 : i32
    %mul3A_10 = arith.muli %arg1, %mul3A_9 : i32
    "tpu.region"() ({
      %run_scoped3A = tpu.sem_alloc : memref<!tpu.dma_semaphore, #tpu.memory_space<semaphore_mem>>
      %dma_start3A_36 = arith.constant 0 : i32
      %dma_start3A_37 = tpu.memref_slice %arg18[%mul3A_10, %dma_start3A_36] : memref<10000x64xf32, #tpu.memory_space<vmem_shared>> -> memref<625x64xf32, #tpu.memory_space<vmem_shared>>
      %dma_start3A_38 = arith.constant 0 : i32
      %dma_start3A_39 = tpu.memref_slice %arg7[%mul3A_8, %dma_start3A_38] : memref<10000x64xf32, #tpu.memory_space<hbm>> -> memref<625x64xf32, #tpu.memory_space<hbm>>
      tpu.enqueue_dma source(%dma_start3A_39 : memref<625x64xf32, #tpu.memory_space<hbm>>) target(%dma_start3A_37 : memref<625x64xf32, #tpu.memory_space<vmem_shared>>) target_semaphore(%run_scoped3A : memref<!tpu.dma_semaphore, #tpu.memory_space<semaphore_mem>>)
      %dma_wait3A = arith.constant 0 : i32
      %dma_wait3A_40 = tpu.memref_slice %arg18[%mul3A_10, %dma_wait3A] : memref<10000x64xf32, #tpu.memory_space<vmem_shared>> -> memref<625x64xf32, #tpu.memory_space<vmem_shared>>
      %dma_wait3A_41 = arith.constant 0 : i32
      %dma_wait3A_42 = tpu.memref_slice %arg7[%mul3A_8, %dma_wait3A_41] : memref<10000x64xf32, #tpu.memory_space<hbm>> -> memref<625x64xf32, #tpu.memory_space<hbm>>
      tpu.wait_dma2 semaphore(%run_scoped3A : memref<!tpu.dma_semaphore, #tpu.memory_space<semaphore_mem>>) src(%dma_wait3A_42 : memref<625x64xf32, #tpu.memory_space<hbm>>) dst(%dma_wait3A_40 : memref<625x64xf32, #tpu.memory_space<vmem_shared>>)
      tpu.yield
    }) : () -> ()
    %barrier3A = arith.constant 0 : index
    tpu.barrier barrier_id(%barrier3A)
    %dma_start3A = arith.constant 0 : i32
    %dma_start3A_11 = tpu.memref_slice %arg2[%mul3A_2, %dma_start3A] : memref<320000x64xf32, #tpu.memory_space<hbm>> -> memref<128x64xf32, #tpu.memory_space<hbm>>
    %dma_start3A_12 = arith.constant 0 : i32
    %dma_start3A_13 = tpu.memref_slice %arg2[%mul3A_2, %dma_start3A_12] : memref<320000x64xf32, #tpu.memory_space<hbm>> -> memref<128x64xf32, #tpu.memory_space<hbm>>
    tpu.enqueue_dma source(%dma_start3A_13 : memref<128x64xf32, #tpu.memory_space<hbm>>) target(%arg12 : memref<128x64xf32, #tpu.memory_space<vmem>>) target_semaphore(%arg19 : memref<!tpu.dma_semaphore, #tpu.memory_space<semaphore_mem>>)
    %scan3A = arith.constant 0 : i32
    %scan3A_14 = arith.constant 0 : i32
    %scan3A_15 = arith.constant 39 : i32
    %scan3A_16 = arith.addi %scan3A_14, %scan3A_15 : i32
    %scan3A_17 = arith.constant 1 : i32
    scf.for %scan3A_36 = %scan3A_14 to %scan3A_16 step %scan3A_17  : i32 {
      %mul3A_37 = arith.constant 2 : i32
      %mul3A_38 = arith.muli %mul3A_37, %scan3A_36 : i32
      %add3A_39 = arith.constant 1 : i32
      %add3A_40 = arith.addi %mul3A_38, %add3A_39 : i32
      %mul3A_41 = arith.constant 128 : i32
      %mul3A_42 = arith.muli %add3A_40, %mul3A_41 : i32
      %add3A_43 = arith.addi %mul3A_2, %mul3A_42 : i32
      %dma_start3A_44 = arith.constant 0 : i32
      %dma_start3A_45 = tpu.memref_slice %arg2[%add3A_43, %dma_start3A_44] : memref<320000x64xf32, #tpu.memory_space<hbm>> -> memref<128x64xf32, #tpu.memory_space<hbm>>
      %dma_start3A_46 = arith.constant 0 : i32
      %dma_start3A_47 = tpu.memref_slice %arg2[%add3A_43, %dma_start3A_46] : memref<320000x64xf32, #tpu.memory_space<hbm>> -> memref<128x64xf32, #tpu.memory_space<hbm>>
      tpu.enqueue_dma source(%dma_start3A_47 : memref<128x64xf32, #tpu.memory_space<hbm>>) target(%arg13 : memref<128x64xf32, #tpu.memory_space<vmem>>) target_semaphore(%arg20 : memref<!tpu.dma_semaphore, #tpu.memory_space<semaphore_mem>>)
      %dma_wait3A = arith.constant 0 : i32
      %dma_wait3A_48 = tpu.memref_slice %arg2[%mul3A_2, %dma_wait3A] : memref<320000x64xf32, #tpu.memory_space<hbm>> -> memref<128x64xf32, #tpu.memory_space<hbm>>
      %dma_wait3A_49 = arith.constant 0 : i32
      %dma_wait3A_50 = tpu.memref_slice %arg2[%mul3A_2, %dma_wait3A_49] : memref<320000x64xf32, #tpu.memory_space<hbm>> -> memref<128x64xf32, #tpu.memory_space<hbm>>
      tpu.wait_dma2 semaphore(%arg19 : memref<!tpu.dma_semaphore, #tpu.memory_space<semaphore_mem>>) src(%dma_wait3A_50 : memref<128x64xf32, #tpu.memory_space<hbm>>) dst(%arg12 : memref<128x64xf32, #tpu.memory_space<vmem>>)
      "tpu.region"() ({
        %run_scoped3A = tpu.sem_alloc : memref<!tpu.dma_semaphore, #tpu.memory_space<semaphore_mem>>
        %dma_start3A_63 = arith.constant 0 : i32
        %dma_start3A_64 = tpu.memref_slice %arg10[%mul3A_38, %dma_start3A_63] : memref<79x128xi32, #tpu.memory_space<vmem>> -> memref<1x128xi32, #tpu.memory_space<vmem>>
        %dma_start3A_65 = tpu.memref_squeeze %dma_start3A_64 : memref<1x128xi32, #tpu.memory_space<vmem>> -> memref<128xi32, #tpu.memory_space<vmem>>
        %dma_start3A_66 = arith.constant 0 : i32
        %dma_start3A_67 = arith.constant 0 : i32
        %dma_start3A_68 = tpu.memref_slice %arg17[%dma_start3A_66, %dma_start3A_67] : memref<10000x64xf32, #tpu.memory_space<vmem_shared>> -> memref<10000x64xf32, #tpu.memory_space<vmem_shared>>
        tpu.enqueue_indirect_dma source(%arg12 : memref<128x64xf32, #tpu.memory_space<vmem>>) target(%dma_start3A_68 : memref<10000x64xf32, #tpu.memory_space<vmem_shared>>) offsets(%dma_start3A_65 : memref<128xi32, #tpu.memory_space<vmem>>) semaphore(%run_scoped3A : memref<!tpu.dma_semaphore, #tpu.memory_space<semaphore_mem>>) {add = true}
        %dma_wait3A_69 = arith.constant 0 : i32
        %dma_wait3A_70 = tpu.memref_slice %arg10[%mul3A_38, %dma_wait3A_69] : memref<79x128xi32, #tpu.memory_space<vmem>> -> memref<1x128xi32, #tpu.memory_space<vmem>>
        %dma_wait3A_71 = tpu.memref_squeeze %dma_wait3A_70 : memref<1x128xi32, #tpu.memory_space<vmem>> -> memref<128xi32, #tpu.memory_space<vmem>>
        %dma_wait3A_72 = arith.constant 0 : i32
        %dma_wait3A_73 = arith.constant 0 : i32
        %dma_wait3A_74 = tpu.memref_slice %arg17[%dma_wait3A_72, %dma_wait3A_73] : memref<10000x64xf32, #tpu.memory_space<vmem_shared>> -> memref<10000x64xf32, #tpu.memory_space<vmem_shared>>
        tpu.wait_indirect_dma semaphore(%run_scoped3A : memref<!tpu.dma_semaphore, #tpu.memory_space<semaphore_mem>>) src(%arg12 : memref<128x64xf32, #tpu.memory_space<vmem>>) dst(%dma_wait3A_74 : memref<10000x64xf32, #tpu.memory_space<vmem_shared>>)
        tpu.yield
      }) : () -> ()
      "tpu.region"() ({
        %run_scoped3A = tpu.sem_alloc : memref<!tpu.dma_semaphore, #tpu.memory_space<semaphore_mem>>
        %dma_start3A_63 = arith.constant 0 : i32
        %dma_start3A_64 = tpu.memref_slice %arg11[%mul3A_38, %dma_start3A_63] : memref<79x128xi32, #tpu.memory_space<vmem>> -> memref<1x128xi32, #tpu.memory_space<vmem>>
        %dma_start3A_65 = tpu.memref_squeeze %dma_start3A_64 : memref<1x128xi32, #tpu.memory_space<vmem>> -> memref<128xi32, #tpu.memory_space<vmem>>
        %dma_start3A_66 = arith.constant 0 : i32
        %dma_start3A_67 = arith.constant 0 : i32
        %dma_start3A_68 = tpu.memref_slice %arg18[%dma_start3A_66, %dma_start3A_67] : memref<10000x64xf32, #tpu.memory_space<vmem_shared>> -> memref<10000x64xf32, #tpu.memory_space<vmem_shared>>
        tpu.enqueue_indirect_dma source(%arg12 : memref<128x64xf32, #tpu.memory_space<vmem>>) target(%dma_start3A_68 : memref<10000x64xf32, #tpu.memory_space<vmem_shared>>) offsets(%dma_start3A_65 : memref<128xi32, #tpu.memory_space<vmem>>) semaphore(%run_scoped3A : memref<!tpu.dma_semaphore, #tpu.memory_space<semaphore_mem>>) {add = true}
        %dma_wait3A_69 = arith.constant 0 : i32
        %dma_wait3A_70 = tpu.memref_slice %arg11[%mul3A_38, %dma_wait3A_69] : memref<79x128xi32, #tpu.memory_space<vmem>> -> memref<1x128xi32, #tpu.memory_space<vmem>>
        %dma_wait3A_71 = tpu.memref_squeeze %dma_wait3A_70 : memref<1x128xi32, #tpu.memory_space<vmem>> -> memref<128xi32, #tpu.memory_space<vmem>>
        %dma_wait3A_72 = arith.constant 0 : i32
        %dma_wait3A_73 = arith.constant 0 : i32
        %dma_wait3A_74 = tpu.memref_slice %arg18[%dma_wait3A_72, %dma_wait3A_73] : memref<10000x64xf32, #tpu.memory_space<vmem_shared>> -> memref<10000x64xf32, #tpu.memory_space<vmem_shared>>
        tpu.wait_indirect_dma semaphore(%run_scoped3A : memref<!tpu.dma_semaphore, #tpu.memory_space<semaphore_mem>>) src(%arg12 : memref<128x64xf32, #tpu.memory_space<vmem>>) dst(%dma_wait3A_74 : memref<10000x64xf32, #tpu.memory_space<vmem_shared>>)
        tpu.yield
      }) : () -> ()
      %add3A_51 = arith.constant 2 : i32
      %add3A_52 = arith.addi %mul3A_38, %add3A_51 : i32
      %lt3A = arith.constant 78 : i32
      %lt3A_53 = arith.cmpi slt, %add3A_52, %lt3A : i32
      %convert_element_type3A = arith.extui %lt3A_53 : i1 to i32
      %cond3A = arith.constant 0 : i32
      %cond3A_54 = arith.cmpi ne, %convert_element_type3A, %cond3A : i32
      scf.if %cond3A_54 {
        %add3A_63 = arith.constant 2 : i32
        %add3A_64 = arith.addi %mul3A_38, %add3A_63 : i32
        %mul3A_65 = arith.constant 128 : i32
        %mul3A_66 = arith.muli %add3A_64, %mul3A_65 : i32
        %add3A_67 = arith.addi %mul3A_2, %mul3A_66 : i32
        %dma_start3A_68 = arith.constant 0 : i32
        %dma_start3A_69 = tpu.memref_slice %arg2[%add3A_67, %dma_start3A_68] : memref<320000x64xf32, #tpu.memory_space<hbm>> -> memref<128x64xf32, #tpu.memory_space<hbm>>
        %dma_start3A_70 = arith.constant 0 : i32
        %dma_start3A_71 = tpu.memref_slice %arg2[%add3A_67, %dma_start3A_70] : memref<320000x64xf32, #tpu.memory_space<hbm>> -> memref<128x64xf32, #tpu.memory_space<hbm>>
        tpu.enqueue_dma source(%dma_start3A_71 : memref<128x64xf32, #tpu.memory_space<hbm>>) target(%arg12 : memref<128x64xf32, #tpu.memory_space<vmem>>) target_semaphore(%arg19 : memref<!tpu.dma_semaphore, #tpu.memory_space<semaphore_mem>>)
      } else {
      }
      %dma_wait3A_55 = arith.constant 0 : i32
      %dma_wait3A_56 = tpu.memref_slice %arg2[%mul3A_2, %dma_wait3A_55] : memref<320000x64xf32, #tpu.memory_space<hbm>> -> memref<128x64xf32, #tpu.memory_space<hbm>>
      %dma_wait3A_57 = arith.constant 0 : i32
      %dma_wait3A_58 = tpu.memref_slice %arg2[%mul3A_2, %dma_wait3A_57] : memref<320000x64xf32, #tpu.memory_space<hbm>> -> memref<128x64xf32, #tpu.memory_space<hbm>>
      tpu.wait_dma2 semaphore(%arg20 : memref<!tpu.dma_semaphore, #tpu.memory_space<semaphore_mem>>) src(%dma_wait3A_58 : memref<128x64xf32, #tpu.memory_space<hbm>>) dst(%arg13 : memref<128x64xf32, #tpu.memory_space<vmem>>)
      %add3A_59 = arith.constant 1 : i32
      %add3A_60 = arith.addi %mul3A_38, %add3A_59 : i32
      "tpu.region"() ({
        %run_scoped3A = tpu.sem_alloc : memref<!tpu.dma_semaphore, #tpu.memory_space<semaphore_mem>>
        %dma_start3A_63 = arith.constant 0 : i32
        %dma_start3A_64 = tpu.memref_slice %arg10[%add3A_60, %dma_start3A_63] : memref<79x128xi32, #tpu.memory_space<vmem>> -> memref<1x128xi32, #tpu.memory_space<vmem>>
        %dma_start3A_65 = tpu.memref_squeeze %dma_start3A_64 : memref<1x128xi32, #tpu.memory_space<vmem>> -> memref<128xi32, #tpu.memory_space<vmem>>
        %dma_start3A_66 = arith.constant 0 : i32
        %dma_start3A_67 = arith.constant 0 : i32
        %dma_start3A_68 = tpu.memref_slice %arg17[%dma_start3A_66, %dma_start3A_67] : memref<10000x64xf32, #tpu.memory_space<vmem_shared>> -> memref<10000x64xf32, #tpu.memory_space<vmem_shared>>
        tpu.enqueue_indirect_dma source(%arg13 : memref<128x64xf32, #tpu.memory_space<vmem>>) target(%dma_start3A_68 : memref<10000x64xf32, #tpu.memory_space<vmem_shared>>) offsets(%dma_start3A_65 : memref<128xi32, #tpu.memory_space<vmem>>) semaphore(%run_scoped3A : memref<!tpu.dma_semaphore, #tpu.memory_space<semaphore_mem>>) {add = true}
        %dma_wait3A_69 = arith.constant 0 : i32
        %dma_wait3A_70 = tpu.memref_slice %arg10[%add3A_60, %dma_wait3A_69] : memref<79x128xi32, #tpu.memory_space<vmem>> -> memref<1x128xi32, #tpu.memory_space<vmem>>
        %dma_wait3A_71 = tpu.memref_squeeze %dma_wait3A_70 : memref<1x128xi32, #tpu.memory_space<vmem>> -> memref<128xi32, #tpu.memory_space<vmem>>
        %dma_wait3A_72 = arith.constant 0 : i32
        %dma_wait3A_73 = arith.constant 0 : i32
        %dma_wait3A_74 = tpu.memref_slice %arg17[%dma_wait3A_72, %dma_wait3A_73] : memref<10000x64xf32, #tpu.memory_space<vmem_shared>> -> memref<10000x64xf32, #tpu.memory_space<vmem_shared>>
        tpu.wait_indirect_dma semaphore(%run_scoped3A : memref<!tpu.dma_semaphore, #tpu.memory_space<semaphore_mem>>) src(%arg13 : memref<128x64xf32, #tpu.memory_space<vmem>>) dst(%dma_wait3A_74 : memref<10000x64xf32, #tpu.memory_space<vmem_shared>>)
        tpu.yield
      }) : () -> ()
      %add3A_61 = arith.constant 1 : i32
      %add3A_62 = arith.addi %mul3A_38, %add3A_61 : i32
      "tpu.region"() ({
        %run_scoped3A = tpu.sem_alloc : memref<!tpu.dma_semaphore, #tpu.memory_space<semaphore_mem>>
        %dma_start3A_63 = arith.constant 0 : i32
        %dma_start3A_64 = tpu.memref_slice %arg11[%add3A_62, %dma_start3A_63] : memref<79x128xi32, #tpu.memory_space<vmem>> -> memref<1x128xi32, #tpu.memory_space<vmem>>
        %dma_start3A_65 = tpu.memref_squeeze %dma_start3A_64 : memref<1x128xi32, #tpu.memory_space<vmem>> -> memref<128xi32, #tpu.memory_space<vmem>>
        %dma_start3A_66 = arith.constant 0 : i32
        %dma_start3A_67 = arith.constant 0 : i32
        %dma_start3A_68 = tpu.memref_slice %arg18[%dma_start3A_66, %dma_start3A_67] : memref<10000x64xf32, #tpu.memory_space<vmem_shared>> -> memref<10000x64xf32, #tpu.memory_space<vmem_shared>>
        tpu.enqueue_indirect_dma source(%arg13 : memref<128x64xf32, #tpu.memory_space<vmem>>) target(%dma_start3A_68 : memref<10000x64xf32, #tpu.memory_space<vmem_shared>>) offsets(%dma_start3A_65 : memref<128xi32, #tpu.memory_space<vmem>>) semaphore(%run_scoped3A : memref<!tpu.dma_semaphore, #tpu.memory_space<semaphore_mem>>) {add = true}
        %dma_wait3A_69 = arith.constant 0 : i32
        %dma_wait3A_70 = tpu.memref_slice %arg11[%add3A_62, %dma_wait3A_69] : memref<79x128xi32, #tpu.memory_space<vmem>> -> memref<1x128xi32, #tpu.memory_space<vmem>>
        %dma_wait3A_71 = tpu.memref_squeeze %dma_wait3A_70 : memref<1x128xi32, #tpu.memory_space<vmem>> -> memref<128xi32, #tpu.memory_space<vmem>>
        %dma_wait3A_72 = arith.constant 0 : i32
        %dma_wait3A_73 = arith.constant 0 : i32
        %dma_wait3A_74 = tpu.memref_slice %arg18[%dma_wait3A_72, %dma_wait3A_73] : memref<10000x64xf32, #tpu.memory_space<vmem_shared>> -> memref<10000x64xf32, #tpu.memory_space<vmem_shared>>
        tpu.wait_indirect_dma semaphore(%run_scoped3A : memref<!tpu.dma_semaphore, #tpu.memory_space<semaphore_mem>>) src(%arg13 : memref<128x64xf32, #tpu.memory_space<vmem>>) dst(%dma_wait3A_74 : memref<10000x64xf32, #tpu.memory_space<vmem_shared>>)
        tpu.yield
      }) : () -> ()
    }
    %scan3A_18 = arith.constant 39 : i32
    %add3A_19 = arith.constant 9984 : i32
    %add3A_20 = arith.addi %mul3A_2, %add3A_19 : i32
    "tpu.region"() ({
      %run_scoped3A = tpu.sem_alloc : memref<!tpu.dma_semaphore, #tpu.memory_space<semaphore_mem>>
      %dma_start3A_36 = tpu.memref_slice %arg5[%add3A_20] : memref<320000xi32, #tpu.memory_space<hbm>> -> memref<16xi32, #tpu.memory_space<hbm>>
      %dma_start3A_37 = tpu.memref_slice %arg5[%add3A_20] : memref<320000xi32, #tpu.memory_space<hbm>> -> memref<16xi32, #tpu.memory_space<hbm>>
      tpu.enqueue_dma source(%dma_start3A_37 : memref<16xi32, #tpu.memory_space<hbm>>) target(%arg14 : memref<16xi32, #tpu.memory_space<vmem>>) target_semaphore(%run_scoped3A : memref<!tpu.dma_semaphore, #tpu.memory_space<semaphore_mem>>)
      %dma_wait3A = tpu.memref_slice %arg5[%add3A_20] : memref<320000xi32, #tpu.memory_space<hbm>> -> memref<16xi32, #tpu.memory_space<hbm>>
      %dma_wait3A_38 = tpu.memref_slice %arg5[%add3A_20] : memref<320000xi32, #tpu.memory_space<hbm>> -> memref<16xi32, #tpu.memory_space<hbm>>
      tpu.wait_dma2 semaphore(%run_scoped3A : memref<!tpu.dma_semaphore, #tpu.memory_space<semaphore_mem>>) src(%dma_wait3A_38 : memref<16xi32, #tpu.memory_space<hbm>>) dst(%arg14 : memref<16xi32, #tpu.memory_space<vmem>>)
      tpu.yield
    }) : () -> ()
    "tpu.region"() ({
      %run_scoped3A = tpu.sem_alloc : memref<!tpu.dma_semaphore, #tpu.memory_space<semaphore_mem>>
      %dma_start3A_36 = tpu.memref_slice %arg6[%add3A_20] : memref<320000xi32, #tpu.memory_space<hbm>> -> memref<16xi32, #tpu.memory_space<hbm>>
      %dma_start3A_37 = tpu.memref_slice %arg6[%add3A_20] : memref<320000xi32, #tpu.memory_space<hbm>> -> memref<16xi32, #tpu.memory_space<hbm>>
      tpu.enqueue_dma source(%dma_start3A_37 : memref<16xi32, #tpu.memory_space<hbm>>) target(%arg15 : memref<16xi32, #tpu.memory_space<vmem>>) target_semaphore(%run_scoped3A : memref<!tpu.dma_semaphore, #tpu.memory_space<semaphore_mem>>)
      %dma_wait3A = tpu.memref_slice %arg6[%add3A_20] : memref<320000xi32, #tpu.memory_space<hbm>> -> memref<16xi32, #tpu.memory_space<hbm>>
      %dma_wait3A_38 = tpu.memref_slice %arg6[%add3A_20] : memref<320000xi32, #tpu.memory_space<hbm>> -> memref<16xi32, #tpu.memory_space<hbm>>
      tpu.wait_dma2 semaphore(%run_scoped3A : memref<!tpu.dma_semaphore, #tpu.memory_space<semaphore_mem>>) src(%dma_wait3A_38 : memref<16xi32, #tpu.memory_space<hbm>>) dst(%arg15 : memref<16xi32, #tpu.memory_space<vmem>>)
      tpu.yield
    }) : () -> ()
    "tpu.region"() ({
      %run_scoped3A = tpu.sem_alloc : memref<!tpu.dma_semaphore, #tpu.memory_space<semaphore_mem>>
      %dma_start3A_36 = arith.constant 0 : i32
      %dma_start3A_37 = tpu.memref_slice %arg2[%add3A_20, %dma_start3A_36] : memref<320000x64xf32, #tpu.memory_space<hbm>> -> memref<16x64xf32, #tpu.memory_space<hbm>>
      %dma_start3A_38 = arith.constant 0 : i32
      %dma_start3A_39 = tpu.memref_slice %arg2[%add3A_20, %dma_start3A_38] : memref<320000x64xf32, #tpu.memory_space<hbm>> -> memref<16x64xf32, #tpu.memory_space<hbm>>
      tpu.enqueue_dma source(%dma_start3A_39 : memref<16x64xf32, #tpu.memory_space<hbm>>) target(%arg16 : memref<16x64xf32, #tpu.memory_space<vmem>>) target_semaphore(%run_scoped3A : memref<!tpu.dma_semaphore, #tpu.memory_space<semaphore_mem>>)
      %dma_wait3A = arith.constant 0 : i32
      %dma_wait3A_40 = tpu.memref_slice %arg2[%add3A_20, %dma_wait3A] : memref<320000x64xf32, #tpu.memory_space<hbm>> -> memref<16x64xf32, #tpu.memory_space<hbm>>
      %dma_wait3A_41 = arith.constant 0 : i32
      %dma_wait3A_42 = tpu.memref_slice %arg2[%add3A_20, %dma_wait3A_41] : memref<320000x64xf32, #tpu.memory_space<hbm>> -> memref<16x64xf32, #tpu.memory_space<hbm>>
      tpu.wait_dma2 semaphore(%run_scoped3A : memref<!tpu.dma_semaphore, #tpu.memory_space<semaphore_mem>>) src(%dma_wait3A_42 : memref<16x64xf32, #tpu.memory_space<hbm>>) dst(%arg16 : memref<16x64xf32, #tpu.memory_space<vmem>>)
      tpu.yield
    }) : () -> ()
    "tpu.region"() ({
      %run_scoped3A = tpu.sem_alloc : memref<!tpu.dma_semaphore, #tpu.memory_space<semaphore_mem>>
      %dma_start3A_36 = arith.constant 0 : i32
      %dma_start3A_37 = arith.constant 0 : i32
      %dma_start3A_38 = tpu.memref_slice %arg17[%dma_start3A_36, %dma_start3A_37] : memref<10000x64xf32, #tpu.memory_space<vmem_shared>> -> memref<10000x64xf32, #tpu.memory_space<vmem_shared>>
      tpu.enqueue_indirect_dma source(%arg16 : memref<16x64xf32, #tpu.memory_space<vmem>>) target(%dma_start3A_38 : memref<10000x64xf32, #tpu.memory_space<vmem_shared>>) offsets(%arg14 : memref<16xi32, #tpu.memory_space<vmem>>) semaphore(%run_scoped3A : memref<!tpu.dma_semaphore, #tpu.memory_space<semaphore_mem>>) {add = true}
      %dma_wait3A = arith.constant 0 : i32
      %dma_wait3A_39 = arith.constant 0 : i32
      %dma_wait3A_40 = tpu.memref_slice %arg17[%dma_wait3A, %dma_wait3A_39] : memref<10000x64xf32, #tpu.memory_space<vmem_shared>> -> memref<10000x64xf32, #tpu.memory_space<vmem_shared>>
      tpu.wait_indirect_dma semaphore(%run_scoped3A : memref<!tpu.dma_semaphore, #tpu.memory_space<semaphore_mem>>) src(%arg16 : memref<16x64xf32, #tpu.memory_space<vmem>>) dst(%dma_wait3A_40 : memref<10000x64xf32, #tpu.memory_space<vmem_shared>>)
      tpu.yield
    }) : () -> ()
    "tpu.region"() ({
      %run_scoped3A = tpu.sem_alloc : memref<!tpu.dma_semaphore, #tpu.memory_space<semaphore_mem>>
      %dma_start3A_36 = arith.constant 0 : i32
      %dma_start3A_37 = arith.constant 0 : i32
      %dma_start3A_38 = tpu.memref_slice %arg18[%dma_start3A_36, %dma_start3A_37] : memref<10000x64xf32, #tpu.memory_space<vmem_shared>> -> memref<10000x64xf32, #tpu.memory_space<vmem_shared>>
      tpu.enqueue_indirect_dma source(%arg16 : memref<16x64xf32, #tpu.memory_space<vmem>>) target(%dma_start3A_38 : memref<10000x64xf32, #tpu.memory_space<vmem_shared>>) offsets(%arg15 : memref<16xi32, #tpu.memory_space<vmem>>) semaphore(%run_scoped3A : memref<!tpu.dma_semaphore, #tpu.memory_space<semaphore_mem>>) {add = true}
      %dma_wait3A = arith.constant 0 : i32
      %dma_wait3A_39 = arith.constant 0 : i32
      %dma_wait3A_40 = tpu.memref_slice %arg18[%dma_wait3A, %dma_wait3A_39] : memref<10000x64xf32, #tpu.memory_space<vmem_shared>> -> memref<10000x64xf32, #tpu.memory_space<vmem_shared>>
      tpu.wait_indirect_dma semaphore(%run_scoped3A : memref<!tpu.dma_semaphore, #tpu.memory_space<semaphore_mem>>) src(%arg16 : memref<16x64xf32, #tpu.memory_space<vmem>>) dst(%dma_wait3A_40 : memref<10000x64xf32, #tpu.memory_space<vmem_shared>>)
      tpu.yield
    }) : () -> ()
    %barrier3A_21 = arith.constant 0 : index
    tpu.barrier barrier_id(%barrier3A_21)
    %mul3A_22 = arith.constant 625 : i32
    %mul3A_23 = arith.muli %arg1, %mul3A_22 : i32
    %mul3A_24 = arith.constant 10000 : i32
    %mul3A_25 = arith.muli %arg0, %mul3A_24 : i32
    %mul3A_26 = arith.constant 625 : i32
    %mul3A_27 = arith.muli %arg1, %mul3A_26 : i32
    %add3A_28 = arith.addi %mul3A_25, %mul3A_27 : i32
    "tpu.region"() ({
      %run_scoped3A = tpu.sem_alloc : memref<!tpu.dma_semaphore, #tpu.memory_space<semaphore_mem>>
      %dma_start3A_36 = arith.constant 0 : i32
      %dma_start3A_37 = tpu.memref_slice %arg8[%add3A_28, %dma_start3A_36] : memref<20000x64xf32, #tpu.memory_space<hbm>> -> memref<625x64xf32, #tpu.memory_space<hbm>>
      %dma_start3A_38 = arith.constant 0 : i32
      %dma_start3A_39 = tpu.memref_slice %arg17[%mul3A_23, %dma_start3A_38] : memref<10000x64xf32, #tpu.memory_space<vmem_shared>> -> memref<625x64xf32, #tpu.memory_space<vmem_shared>>
      tpu.enqueue_dma source(%dma_start3A_39 : memref<625x64xf32, #tpu.memory_space<vmem_shared>>) target(%dma_start3A_37 : memref<625x64xf32, #tpu.memory_space<hbm>>) target_semaphore(%run_scoped3A : memref<!tpu.dma_semaphore, #tpu.memory_space<semaphore_mem>>)
      %dma_wait3A = arith.constant 0 : i32
      %dma_wait3A_40 = tpu.memref_slice %arg8[%add3A_28, %dma_wait3A] : memref<20000x64xf32, #tpu.memory_space<hbm>> -> memref<625x64xf32, #tpu.memory_space<hbm>>
      %dma_wait3A_41 = arith.constant 0 : i32
      %dma_wait3A_42 = tpu.memref_slice %arg17[%mul3A_23, %dma_wait3A_41] : memref<10000x64xf32, #tpu.memory_space<vmem_shared>> -> memref<625x64xf32, #tpu.memory_space<vmem_shared>>
      tpu.wait_dma2 semaphore(%run_scoped3A : memref<!tpu.dma_semaphore, #tpu.memory_space<semaphore_mem>>) src(%dma_wait3A_42 : memref<625x64xf32, #tpu.memory_space<vmem_shared>>) dst(%dma_wait3A_40 : memref<625x64xf32, #tpu.memory_space<hbm>>)
      tpu.yield
    }) : () -> ()
    %mul3A_29 = arith.constant 625 : i32
    %mul3A_30 = arith.muli %arg1, %mul3A_29 : i32
    %mul3A_31 = arith.constant 10000 : i32
    %mul3A_32 = arith.muli %arg0, %mul3A_31 : i32
    %mul3A_33 = arith.constant 625 : i32
    %mul3A_34 = arith.muli %arg1, %mul3A_33 : i32
    %add3A_35 = arith.addi %mul3A_32, %mul3A_34 : i32
    "tpu.region"() ({
      %run_scoped3A = tpu.sem_alloc : memref<!tpu.dma_semaphore, #tpu.memory_space<semaphore_mem>>
      %dma_start3A_36 = arith.constant 0 : i32
      %dma_start3A_37 = tpu.memref_slice %arg9[%add3A_35, %dma_start3A_36] : memref<20000x64xf32, #tpu.memory_space<hbm>> -> memref<625x64xf32, #tpu.memory_space<hbm>>
      %dma_start3A_38 = arith.constant 0 : i32
      %dma_start3A_39 = tpu.memref_slice %arg18[%mul3A_30, %dma_start3A_38] : memref<10000x64xf32, #tpu.memory_space<vmem_shared>> -> memref<625x64xf32, #tpu.memory_space<vmem_shared>>
      tpu.enqueue_dma source(%dma_start3A_39 : memref<625x64xf32, #tpu.memory_space<vmem_shared>>) target(%dma_start3A_37 : memref<625x64xf32, #tpu.memory_space<hbm>>) target_semaphore(%run_scoped3A : memref<!tpu.dma_semaphore, #tpu.memory_space<semaphore_mem>>)
      %dma_wait3A = arith.constant 0 : i32
      %dma_wait3A_40 = tpu.memref_slice %arg9[%add3A_35, %dma_wait3A] : memref<20000x64xf32, #tpu.memory_space<hbm>> -> memref<625x64xf32, #tpu.memory_space<hbm>>
      %dma_wait3A_41 = arith.constant 0 : i32
      %dma_wait3A_42 = tpu.memref_slice %arg18[%mul3A_30, %dma_wait3A_41] : memref<10000x64xf32, #tpu.memory_space<vmem_shared>> -> memref<625x64xf32, #tpu.memory_space<vmem_shared>>
      tpu.wait_dma2 semaphore(%run_scoped3A : memref<!tpu.dma_semaphore, #tpu.memory_space<semaphore_mem>>) src(%dma_wait3A_42 : memref<625x64xf32, #tpu.memory_space<vmem_shared>>) dst(%dma_wait3A_40 : memref<625x64xf32, #tpu.memory_space<hbm>>)
      tpu.yield
    }) : () -> ()
    return
  }
}

#map = affine_map<(d0, d1) -> (0, 0)>
#map1 = affine_map<(d0, d1) -> (0, 0, 0)>
module attributes {stable_mosaic.version = 14 : i64} {
  func.func @k(%arg0: i32, %arg1: i32, %arg2: memref<10000x64xf32, #tpu.memory_space<hbm>>, %arg3: memref<10000x64xf32, #tpu.memory_space<hbm>>, %arg4: memref<32x79x128xi32, #tpu.memory_space<hbm>>, %arg5: memref<32x79x128xi32, #tpu.memory_space<hbm>>, %arg6: memref<320000x64xf32, #tpu.memory_space<hbm>>, %arg7: memref<320000x64xf32, #tpu.memory_space<hbm>>, %arg8: memref<79x128xi32, #tpu.memory_space<vmem>>, %arg9: memref<79x128xi32, #tpu.memory_space<vmem>>, %arg10: memref<128x64xf32, #tpu.memory_space<vmem>>, %arg11: memref<128x64xf32, #tpu.memory_space<vmem>>, %arg12: memref<128x64xf32, #tpu.memory_space<vmem>>, %arg13: memref<128x64xf32, #tpu.memory_space<vmem>>, %arg14: memref<!tpu.dma_semaphore, #tpu.memory_space<semaphore_mem>>, %arg15: memref<!tpu.dma_semaphore, #tpu.memory_space<semaphore_mem>>, %arg16: memref<!tpu.dma_semaphore, #tpu.memory_space<semaphore_mem>>, %arg17: memref<!tpu.dma_semaphore, #tpu.memory_space<semaphore_mem>>) attributes {dimension_semantics = [#tpu.dimension_semantics<core_parallel>, #tpu.dimension_semantics<subcore_parallel>], iteration_bounds = array<i64: 2, 16>, scalar_prefetch = 0 : i64, scratch_operands = 10 : i64, tpu.core_type = #tpu.core_type<sc_vector_subcore>, window_params = [{transform_indices = #map}, {transform_indices = #map}, {transform_indices = #map1}, {transform_indices = #map1}, {transform_indices = #map}, {transform_indices = #map}]} {
    %mul3A = arith.constant 2 : i32
    %mul3A_0 = arith.muli %arg1, %mul3A : i32
    %add3A = arith.addi %mul3A_0, %arg0 : i32
    %mul3A_1 = arith.constant 10000 : i32
    %mul3A_2 = arith.muli %add3A, %mul3A_1 : i32
    "tpu.region"() ({
      %run_scoped3A = tpu.sem_alloc : memref<!tpu.dma_semaphore, #tpu.memory_space<semaphore_mem>>
      %dma_start3A_36 = arith.constant 0 : i32
      %dma_start3A_37 = arith.constant 0 : i32
      %dma_start3A_38 = tpu.memref_slice %arg4[%add3A, %dma_start3A_36, %dma_start3A_37] : memref<32x79x128xi32, #tpu.memory_space<hbm>> -> memref<1x79x128xi32, #tpu.memory_space<hbm>>
      %dma_start3A_39 = tpu.memref_squeeze %dma_start3A_38 : memref<1x79x128xi32, #tpu.memory_space<hbm>> -> memref<79x128xi32, #tpu.memory_space<hbm>>
      %dma_start3A_40 = arith.constant 0 : i32
      %dma_start3A_41 = arith.constant 0 : i32
      %dma_start3A_42 = tpu.memref_slice %arg4[%add3A, %dma_start3A_40, %dma_start3A_41] : memref<32x79x128xi32, #tpu.memory_space<hbm>> -> memref<1x79x128xi32, #tpu.memory_space<hbm>>
      %dma_start3A_43 = tpu.memref_squeeze %dma_start3A_42 : memref<1x79x128xi32, #tpu.memory_space<hbm>> -> memref<79x128xi32, #tpu.memory_space<hbm>>
      tpu.enqueue_dma source(%dma_start3A_43 : memref<79x128xi32, #tpu.memory_space<hbm>>) target(%arg8 : memref<79x128xi32, #tpu.memory_space<vmem>>) target_semaphore(%run_scoped3A : memref<!tpu.dma_semaphore, #tpu.memory_space<semaphore_mem>>)
      %dma_wait3A_44 = arith.constant 0 : i32
      %dma_wait3A_45 = arith.constant 0 : i32
      %dma_wait3A_46 = tpu.memref_slice %arg4[%add3A, %dma_wait3A_44, %dma_wait3A_45] : memref<32x79x128xi32, #tpu.memory_space<hbm>> -> memref<1x79x128xi32, #tpu.memory_space<hbm>>
      %dma_wait3A_47 = tpu.memref_squeeze %dma_wait3A_46 : memref<1x79x128xi32, #tpu.memory_space<hbm>> -> memref<79x128xi32, #tpu.memory_space<hbm>>
      %dma_wait3A_48 = arith.constant 0 : i32
      %dma_wait3A_49 = arith.constant 0 : i32
      %dma_wait3A_50 = tpu.memref_slice %arg4[%add3A, %dma_wait3A_48, %dma_wait3A_49] : memref<32x79x128xi32, #tpu.memory_space<hbm>> -> memref<1x79x128xi32, #tpu.memory_space<hbm>>
      %dma_wait3A_51 = tpu.memref_squeeze %dma_wait3A_50 : memref<1x79x128xi32, #tpu.memory_space<hbm>> -> memref<79x128xi32, #tpu.memory_space<hbm>>
      tpu.wait_dma2 semaphore(%run_scoped3A : memref<!tpu.dma_semaphore, #tpu.memory_space<semaphore_mem>>) src(%dma_wait3A_51 : memref<79x128xi32, #tpu.memory_space<hbm>>) dst(%arg8 : memref<79x128xi32, #tpu.memory_space<vmem>>)
      tpu.yield
    }) : () -> ()
    "tpu.region"() ({
      %run_scoped3A = tpu.sem_alloc : memref<!tpu.dma_semaphore, #tpu.memory_space<semaphore_mem>>
      %dma_start3A_36 = arith.constant 0 : i32
      %dma_start3A_37 = arith.constant 0 : i32
      %dma_start3A_38 = tpu.memref_slice %arg5[%add3A, %dma_start3A_36, %dma_start3A_37] : memref<32x79x128xi32, #tpu.memory_space<hbm>> -> memref<1x79x128xi32, #tpu.memory_space<hbm>>
      %dma_start3A_39 = tpu.memref_squeeze %dma_start3A_38 : memref<1x79x128xi32, #tpu.memory_space<hbm>> -> memref<79x128xi32, #tpu.memory_space<hbm>>
      %dma_start3A_40 = arith.constant 0 : i32
      %dma_start3A_41 = arith.constant 0 : i32
      %dma_start3A_42 = tpu.memref_slice %arg5[%add3A, %dma_start3A_40, %dma_start3A_41] : memref<32x79x128xi32, #tpu.memory_space<hbm>> -> memref<1x79x128xi32, #tpu.memory_space<hbm>>
      %dma_start3A_43 = tpu.memref_squeeze %dma_start3A_42 : memref<1x79x128xi32, #tpu.memory_space<hbm>> -> memref<79x128xi32, #tpu.memory_space<hbm>>
      tpu.enqueue_dma source(%dma_start3A_43 : memref<79x128xi32, #tpu.memory_space<hbm>>) target(%arg9 : memref<79x128xi32, #tpu.memory_space<vmem>>) target_semaphore(%run_scoped3A : memref<!tpu.dma_semaphore, #tpu.memory_space<semaphore_mem>>)
      %dma_wait3A_44 = arith.constant 0 : i32
      %dma_wait3A_45 = arith.constant 0 : i32
      %dma_wait3A_46 = tpu.memref_slice %arg5[%add3A, %dma_wait3A_44, %dma_wait3A_45] : memref<32x79x128xi32, #tpu.memory_space<hbm>> -> memref<1x79x128xi32, #tpu.memory_space<hbm>>
      %dma_wait3A_47 = tpu.memref_squeeze %dma_wait3A_46 : memref<1x79x128xi32, #tpu.memory_space<hbm>> -> memref<79x128xi32, #tpu.memory_space<hbm>>
      %dma_wait3A_48 = arith.constant 0 : i32
      %dma_wait3A_49 = arith.constant 0 : i32
      %dma_wait3A_50 = tpu.memref_slice %arg5[%add3A, %dma_wait3A_48, %dma_wait3A_49] : memref<32x79x128xi32, #tpu.memory_space<hbm>> -> memref<1x79x128xi32, #tpu.memory_space<hbm>>
      %dma_wait3A_51 = tpu.memref_squeeze %dma_wait3A_50 : memref<1x79x128xi32, #tpu.memory_space<hbm>> -> memref<79x128xi32, #tpu.memory_space<hbm>>
      tpu.wait_dma2 semaphore(%run_scoped3A : memref<!tpu.dma_semaphore, #tpu.memory_space<semaphore_mem>>) src(%dma_wait3A_51 : memref<79x128xi32, #tpu.memory_space<hbm>>) dst(%arg9 : memref<79x128xi32, #tpu.memory_space<vmem>>)
      tpu.yield
    }) : () -> ()
    %dma_start3A = arith.constant 0 : i32
    %dma_start3A_3 = arith.constant 0 : i32
    %dma_start3A_4 = tpu.memref_slice %arg8[%dma_start3A, %dma_start3A_3] : memref<79x128xi32, #tpu.memory_space<vmem>> -> memref<1x128xi32, #tpu.memory_space<vmem>>
    %dma_start3A_5 = tpu.memref_squeeze %dma_start3A_4 : memref<1x128xi32, #tpu.memory_space<vmem>> -> memref<128xi32, #tpu.memory_space<vmem>>
    %dma_start3A_6 = arith.constant 0 : i32
    %dma_start3A_7 = arith.constant 0 : i32
    %dma_start3A_8 = tpu.memref_slice %arg2[%dma_start3A_6, %dma_start3A_7] : memref<10000x64xf32, #tpu.memory_space<hbm>> -> memref<10000x64xf32, #tpu.memory_space<hbm>>
    tpu.enqueue_indirect_dma source(%dma_start3A_8 : memref<10000x64xf32, #tpu.memory_space<hbm>>) target(%arg10 : memref<128x64xf32, #tpu.memory_space<vmem>>) offsets(%dma_start3A_5 : memref<128xi32, #tpu.memory_space<vmem>>) semaphore(%arg14 : memref<!tpu.dma_semaphore, #tpu.memory_space<semaphore_mem>>)
    %dma_start3A_9 = arith.constant 0 : i32
    %dma_start3A_10 = arith.constant 0 : i32
    %dma_start3A_11 = tpu.memref_slice %arg9[%dma_start3A_9, %dma_start3A_10] : memref<79x128xi32, #tpu.memory_space<vmem>> -> memref<1x128xi32, #tpu.memory_space<vmem>>
    %dma_start3A_12 = tpu.memref_squeeze %dma_start3A_11 : memref<1x128xi32, #tpu.memory_space<vmem>> -> memref<128xi32, #tpu.memory_space<vmem>>
    %dma_start3A_13 = arith.constant 0 : i32
    %dma_start3A_14 = arith.constant 0 : i32
    %dma_start3A_15 = tpu.memref_slice %arg3[%dma_start3A_13, %dma_start3A_14] : memref<10000x64xf32, #tpu.memory_space<hbm>> -> memref<10000x64xf32, #tpu.memory_space<hbm>>
    tpu.enqueue_indirect_dma source(%dma_start3A_15 : memref<10000x64xf32, #tpu.memory_space<hbm>>) target(%arg11 : memref<128x64xf32, #tpu.memory_space<vmem>>) offsets(%dma_start3A_12 : memref<128xi32, #tpu.memory_space<vmem>>) semaphore(%arg14 : memref<!tpu.dma_semaphore, #tpu.memory_space<semaphore_mem>>)
    %scan3A = arith.constant 0 : i32
    %scan3A_16 = arith.constant 0 : i32
    %scan3A_17 = arith.constant 39 : i32
    %scan3A_18 = arith.addi %scan3A_16, %scan3A_17 : i32
    %scan3A_19 = arith.constant 1 : i32
    scf.for %scan3A_36 = %scan3A_16 to %scan3A_18 step %scan3A_19  : i32 {
      %mul3A_37 = arith.constant 2 : i32
      %mul3A_38 = arith.muli %mul3A_37, %scan3A_36 : i32
      %add3A_39 = arith.constant 1 : i32
      %add3A_40 = arith.addi %mul3A_38, %add3A_39 : i32
      %dma_start3A_41 = arith.constant 0 : i32
      %dma_start3A_42 = tpu.memref_slice %arg8[%add3A_40, %dma_start3A_41] : memref<79x128xi32, #tpu.memory_space<vmem>> -> memref<1x128xi32, #tpu.memory_space<vmem>>
      %dma_start3A_43 = tpu.memref_squeeze %dma_start3A_42 : memref<1x128xi32, #tpu.memory_space<vmem>> -> memref<128xi32, #tpu.memory_space<vmem>>
      %dma_start3A_44 = arith.constant 0 : i32
      %dma_start3A_45 = arith.constant 0 : i32
      %dma_start3A_46 = tpu.memref_slice %arg2[%dma_start3A_44, %dma_start3A_45] : memref<10000x64xf32, #tpu.memory_space<hbm>> -> memref<10000x64xf32, #tpu.memory_space<hbm>>
      tpu.enqueue_indirect_dma source(%dma_start3A_46 : memref<10000x64xf32, #tpu.memory_space<hbm>>) target(%arg12 : memref<128x64xf32, #tpu.memory_space<vmem>>) offsets(%dma_start3A_43 : memref<128xi32, #tpu.memory_space<vmem>>) semaphore(%arg15 : memref<!tpu.dma_semaphore, #tpu.memory_space<semaphore_mem>>)
      %add3A_47 = arith.constant 1 : i32
      %add3A_48 = arith.addi %mul3A_38, %add3A_47 : i32
      %dma_start3A_49 = arith.constant 0 : i32
      %dma_start3A_50 = tpu.memref_slice %arg9[%add3A_48, %dma_start3A_49] : memref<79x128xi32, #tpu.memory_space<vmem>> -> memref<1x128xi32, #tpu.memory_space<vmem>>
      %dma_start3A_51 = tpu.memref_squeeze %dma_start3A_50 : memref<1x128xi32, #tpu.memory_space<vmem>> -> memref<128xi32, #tpu.memory_space<vmem>>
      %dma_start3A_52 = arith.constant 0 : i32
      %dma_start3A_53 = arith.constant 0 : i32
      %dma_start3A_54 = tpu.memref_slice %arg3[%dma_start3A_52, %dma_start3A_53] : memref<10000x64xf32, #tpu.memory_space<hbm>> -> memref<10000x64xf32, #tpu.memory_space<hbm>>
      tpu.enqueue_indirect_dma source(%dma_start3A_54 : memref<10000x64xf32, #tpu.memory_space<hbm>>) target(%arg13 : memref<128x64xf32, #tpu.memory_space<vmem>>) offsets(%dma_start3A_51 : memref<128xi32, #tpu.memory_space<vmem>>) semaphore(%arg15 : memref<!tpu.dma_semaphore, #tpu.memory_space<semaphore_mem>>)
      %dma_wait3A_55 = arith.constant 0 : i32
      %dma_wait3A_56 = tpu.memref_slice %arg8[%mul3A_38, %dma_wait3A_55] : memref<79x128xi32, #tpu.memory_space<vmem>> -> memref<1x128xi32, #tpu.memory_space<vmem>>
      %dma_wait3A_57 = tpu.memref_squeeze %dma_wait3A_56 : memref<1x128xi32, #tpu.memory_space<vmem>> -> memref<128xi32, #tpu.memory_space<vmem>>
      %dma_wait3A_58 = arith.constant 0 : i32
      %dma_wait3A_59 = arith.constant 0 : i32
      %dma_wait3A_60 = tpu.memref_slice %arg2[%dma_wait3A_58, %dma_wait3A_59] : memref<10000x64xf32, #tpu.memory_space<hbm>> -> memref<10000x64xf32, #tpu.memory_space<hbm>>
      tpu.wait_indirect_dma semaphore(%arg14 : memref<!tpu.dma_semaphore, #tpu.memory_space<semaphore_mem>>) src(%dma_wait3A_60 : memref<10000x64xf32, #tpu.memory_space<hbm>>) dst(%arg10 : memref<128x64xf32, #tpu.memory_space<vmem>>)
      %dma_wait3A_61 = arith.constant 0 : i32
      %dma_wait3A_62 = tpu.memref_slice %arg9[%mul3A_38, %dma_wait3A_61] : memref<79x128xi32, #tpu.memory_space<vmem>> -> memref<1x128xi32, #tpu.memory_space<vmem>>
      %dma_wait3A_63 = tpu.memref_squeeze %dma_wait3A_62 : memref<1x128xi32, #tpu.memory_space<vmem>> -> memref<128xi32, #tpu.memory_space<vmem>>
      %dma_wait3A_64 = arith.constant 0 : i32
      %dma_wait3A_65 = arith.constant 0 : i32
      %dma_wait3A_66 = tpu.memref_slice %arg3[%dma_wait3A_64, %dma_wait3A_65] : memref<10000x64xf32, #tpu.memory_space<hbm>> -> memref<10000x64xf32, #tpu.memory_space<hbm>>
      tpu.wait_indirect_dma semaphore(%arg14 : memref<!tpu.dma_semaphore, #tpu.memory_space<semaphore_mem>>) src(%dma_wait3A_66 : memref<10000x64xf32, #tpu.memory_space<hbm>>) dst(%arg11 : memref<128x64xf32, #tpu.memory_space<vmem>>)
      %mul3A_67 = arith.constant 128 : i32
      %mul3A_68 = arith.muli %mul3A_38, %mul3A_67 : i32
      %add3A_69 = arith.addi %mul3A_2, %mul3A_68 : i32
      %dma_start3A_70 = arith.constant 0 : i32
      %dma_start3A_71 = tpu.memref_slice %arg6[%add3A_69, %dma_start3A_70] : memref<320000x64xf32, #tpu.memory_space<hbm>> -> memref<128x64xf32, #tpu.memory_space<hbm>>
      %dma_start3A_72 = arith.constant 0 : i32
      %dma_start3A_73 = tpu.memref_slice %arg6[%add3A_69, %dma_start3A_72] : memref<320000x64xf32, #tpu.memory_space<hbm>> -> memref<128x64xf32, #tpu.memory_space<hbm>>
      tpu.enqueue_dma source(%arg10 : memref<128x64xf32, #tpu.memory_space<vmem>>) target(%dma_start3A_73 : memref<128x64xf32, #tpu.memory_space<hbm>>) target_semaphore(%arg16 : memref<!tpu.dma_semaphore, #tpu.memory_space<semaphore_mem>>)
      %dma_start3A_74 = arith.constant 0 : i32
      %dma_start3A_75 = tpu.memref_slice %arg7[%add3A_69, %dma_start3A_74] : memref<320000x64xf32, #tpu.memory_space<hbm>> -> memref<128x64xf32, #tpu.memory_space<hbm>>
      %dma_start3A_76 = arith.constant 0 : i32
      %dma_start3A_77 = tpu.memref_slice %arg7[%add3A_69, %dma_start3A_76] : memref<320000x64xf32, #tpu.memory_space<hbm>> -> memref<128x64xf32, #tpu.memory_space<hbm>>
      tpu.enqueue_dma source(%arg11 : memref<128x64xf32, #tpu.memory_space<vmem>>) target(%dma_start3A_77 : memref<128x64xf32, #tpu.memory_space<hbm>>) target_semaphore(%arg16 : memref<!tpu.dma_semaphore, #tpu.memory_space<semaphore_mem>>)
      %dma_wait3A_78 = arith.constant 0 : i32
      %dma_wait3A_79 = tpu.memref_slice %arg6[%add3A_69, %dma_wait3A_78] : memref<320000x64xf32, #tpu.memory_space<hbm>> -> memref<128x64xf32, #tpu.memory_space<hbm>>
      %dma_wait3A_80 = arith.constant 0 : i32
      %dma_wait3A_81 = tpu.memref_slice %arg6[%add3A_69, %dma_wait3A_80] : memref<320000x64xf32, #tpu.memory_space<hbm>> -> memref<128x64xf32, #tpu.memory_space<hbm>>
      tpu.wait_dma2 semaphore(%arg16 : memref<!tpu.dma_semaphore, #tpu.memory_space<semaphore_mem>>) src(%arg10 : memref<128x64xf32, #tpu.memory_space<vmem>>) dst(%dma_wait3A_81 : memref<128x64xf32, #tpu.memory_space<hbm>>)
      %dma_wait3A_82 = arith.constant 0 : i32
      %dma_wait3A_83 = tpu.memref_slice %arg7[%add3A_69, %dma_wait3A_82] : memref<320000x64xf32, #tpu.memory_space<hbm>> -> memref<128x64xf32, #tpu.memory_space<hbm>>
      %dma_wait3A_84 = arith.constant 0 : i32
      %dma_wait3A_85 = tpu.memref_slice %arg7[%add3A_69, %dma_wait3A_84] : memref<320000x64xf32, #tpu.memory_space<hbm>> -> memref<128x64xf32, #tpu.memory_space<hbm>>
      tpu.wait_dma2 semaphore(%arg16 : memref<!tpu.dma_semaphore, #tpu.memory_space<semaphore_mem>>) src(%arg11 : memref<128x64xf32, #tpu.memory_space<vmem>>) dst(%dma_wait3A_85 : memref<128x64xf32, #tpu.memory_space<hbm>>)
      %add3A_86 = arith.constant 2 : i32
      %add3A_87 = arith.addi %mul3A_38, %add3A_86 : i32
      %dma_start3A_88 = arith.constant 0 : i32
      %dma_start3A_89 = tpu.memref_slice %arg8[%add3A_87, %dma_start3A_88] : memref<79x128xi32, #tpu.memory_space<vmem>> -> memref<1x128xi32, #tpu.memory_space<vmem>>
      %dma_start3A_90 = tpu.memref_squeeze %dma_start3A_89 : memref<1x128xi32, #tpu.memory_space<vmem>> -> memref<128xi32, #tpu.memory_space<vmem>>
      %dma_start3A_91 = arith.constant 0 : i32
      %dma_start3A_92 = arith.constant 0 : i32
      %dma_start3A_93 = tpu.memref_slice %arg2[%dma_start3A_91, %dma_start3A_92] : memref<10000x64xf32, #tpu.memory_space<hbm>> -> memref<10000x64xf32, #tpu.memory_space<hbm>>
      tpu.enqueue_indirect_dma source(%dma_start3A_93 : memref<10000x64xf32, #tpu.memory_space<hbm>>) target(%arg10 : memref<128x64xf32, #tpu.memory_space<vmem>>) offsets(%dma_start3A_90 : memref<128xi32, #tpu.memory_space<vmem>>) semaphore(%arg14 : memref<!tpu.dma_semaphore, #tpu.memory_space<semaphore_mem>>)
      %add3A_94 = arith.constant 2 : i32
      %add3A_95 = arith.addi %mul3A_38, %add3A_94 : i32
      %dma_start3A_96 = arith.constant 0 : i32
      %dma_start3A_97 = tpu.memref_slice %arg9[%add3A_95, %dma_start3A_96] : memref<79x128xi32, #tpu.memory_space<vmem>> -> memref<1x128xi32, #tpu.memory_space<vmem>>
      %dma_start3A_98 = tpu.memref_squeeze %dma_start3A_97 : memref<1x128xi32, #tpu.memory_space<vmem>> -> memref<128xi32, #tpu.memory_space<vmem>>
      %dma_start3A_99 = arith.constant 0 : i32
      %dma_start3A_100 = arith.constant 0 : i32
      %dma_start3A_101 = tpu.memref_slice %arg3[%dma_start3A_99, %dma_start3A_100] : memref<10000x64xf32, #tpu.memory_space<hbm>> -> memref<10000x64xf32, #tpu.memory_space<hbm>>
      tpu.enqueue_indirect_dma source(%dma_start3A_101 : memref<10000x64xf32, #tpu.memory_space<hbm>>) target(%arg11 : memref<128x64xf32, #tpu.memory_space<vmem>>) offsets(%dma_start3A_98 : memref<128xi32, #tpu.memory_space<vmem>>) semaphore(%arg14 : memref<!tpu.dma_semaphore, #tpu.memory_space<semaphore_mem>>)
      %add3A_102 = arith.constant 1 : i32
      %add3A_103 = arith.addi %mul3A_38, %add3A_102 : i32
      %dma_wait3A_104 = arith.constant 0 : i32
      %dma_wait3A_105 = tpu.memref_slice %arg8[%add3A_103, %dma_wait3A_104] : memref<79x128xi32, #tpu.memory_space<vmem>> -> memref<1x128xi32, #tpu.memory_space<vmem>>
      %dma_wait3A_106 = tpu.memref_squeeze %dma_wait3A_105 : memref<1x128xi32, #tpu.memory_space<vmem>> -> memref<128xi32, #tpu.memory_space<vmem>>
      %dma_wait3A_107 = arith.constant 0 : i32
      %dma_wait3A_108 = arith.constant 0 : i32
      %dma_wait3A_109 = tpu.memref_slice %arg2[%dma_wait3A_107, %dma_wait3A_108] : memref<10000x64xf32, #tpu.memory_space<hbm>> -> memref<10000x64xf32, #tpu.memory_space<hbm>>
      tpu.wait_indirect_dma semaphore(%arg15 : memref<!tpu.dma_semaphore, #tpu.memory_space<semaphore_mem>>) src(%dma_wait3A_109 : memref<10000x64xf32, #tpu.memory_space<hbm>>) dst(%arg12 : memref<128x64xf32, #tpu.memory_space<vmem>>)
      %add3A_110 = arith.constant 1 : i32
      %add3A_111 = arith.addi %mul3A_38, %add3A_110 : i32
      %dma_wait3A_112 = arith.constant 0 : i32
      %dma_wait3A_113 = tpu.memref_slice %arg9[%add3A_111, %dma_wait3A_112] : memref<79x128xi32, #tpu.memory_space<vmem>> -> memref<1x128xi32, #tpu.memory_space<vmem>>
      %dma_wait3A_114 = tpu.memref_squeeze %dma_wait3A_113 : memref<1x128xi32, #tpu.memory_space<vmem>> -> memref<128xi32, #tpu.memory_space<vmem>>
      %dma_wait3A_115 = arith.constant 0 : i32
      %dma_wait3A_116 = arith.constant 0 : i32
      %dma_wait3A_117 = tpu.memref_slice %arg3[%dma_wait3A_115, %dma_wait3A_116] : memref<10000x64xf32, #tpu.memory_space<hbm>> -> memref<10000x64xf32, #tpu.memory_space<hbm>>
      tpu.wait_indirect_dma semaphore(%arg15 : memref<!tpu.dma_semaphore, #tpu.memory_space<semaphore_mem>>) src(%dma_wait3A_117 : memref<10000x64xf32, #tpu.memory_space<hbm>>) dst(%arg13 : memref<128x64xf32, #tpu.memory_space<vmem>>)
      %add3A_118 = arith.constant 128 : i32
      %add3A_119 = arith.addi %add3A_69, %add3A_118 : i32
      %dma_start3A_120 = arith.constant 0 : i32
      %dma_start3A_121 = tpu.memref_slice %arg6[%add3A_119, %dma_start3A_120] : memref<320000x64xf32, #tpu.memory_space<hbm>> -> memref<128x64xf32, #tpu.memory_space<hbm>>
      %dma_start3A_122 = arith.constant 0 : i32
      %dma_start3A_123 = tpu.memref_slice %arg6[%add3A_119, %dma_start3A_122] : memref<320000x64xf32, #tpu.memory_space<hbm>> -> memref<128x64xf32, #tpu.memory_space<hbm>>
      tpu.enqueue_dma source(%arg12 : memref<128x64xf32, #tpu.memory_space<vmem>>) target(%dma_start3A_123 : memref<128x64xf32, #tpu.memory_space<hbm>>) target_semaphore(%arg17 : memref<!tpu.dma_semaphore, #tpu.memory_space<semaphore_mem>>)
      %dma_start3A_124 = arith.constant 0 : i32
      %dma_start3A_125 = tpu.memref_slice %arg7[%add3A_119, %dma_start3A_124] : memref<320000x64xf32, #tpu.memory_space<hbm>> -> memref<128x64xf32, #tpu.memory_space<hbm>>
      %dma_start3A_126 = arith.constant 0 : i32
      %dma_start3A_127 = tpu.memref_slice %arg7[%add3A_119, %dma_start3A_126] : memref<320000x64xf32, #tpu.memory_space<hbm>> -> memref<128x64xf32, #tpu.memory_space<hbm>>
      tpu.enqueue_dma source(%arg13 : memref<128x64xf32, #tpu.memory_space<vmem>>) target(%dma_start3A_127 : memref<128x64xf32, #tpu.memory_space<hbm>>) target_semaphore(%arg17 : memref<!tpu.dma_semaphore, #tpu.memory_space<semaphore_mem>>)
      %dma_wait3A_128 = arith.constant 0 : i32
      %dma_wait3A_129 = tpu.memref_slice %arg6[%add3A_119, %dma_wait3A_128] : memref<320000x64xf32, #tpu.memory_space<hbm>> -> memref<128x64xf32, #tpu.memory_space<hbm>>
      %dma_wait3A_130 = arith.constant 0 : i32
      %dma_wait3A_131 = tpu.memref_slice %arg6[%add3A_119, %dma_wait3A_130] : memref<320000x64xf32, #tpu.memory_space<hbm>> -> memref<128x64xf32, #tpu.memory_space<hbm>>
      tpu.wait_dma2 semaphore(%arg17 : memref<!tpu.dma_semaphore, #tpu.memory_space<semaphore_mem>>) src(%arg12 : memref<128x64xf32, #tpu.memory_space<vmem>>) dst(%dma_wait3A_131 : memref<128x64xf32, #tpu.memory_space<hbm>>)
      %dma_wait3A_132 = arith.constant 0 : i32
      %dma_wait3A_133 = tpu.memref_slice %arg7[%add3A_119, %dma_wait3A_132] : memref<320000x64xf32, #tpu.memory_space<hbm>> -> memref<128x64xf32, #tpu.memory_space<hbm>>
      %dma_wait3A_134 = arith.constant 0 : i32
      %dma_wait3A_135 = tpu.memref_slice %arg7[%add3A_119, %dma_wait3A_134] : memref<320000x64xf32, #tpu.memory_space<hbm>> -> memref<128x64xf32, #tpu.memory_space<hbm>>
      tpu.wait_dma2 semaphore(%arg17 : memref<!tpu.dma_semaphore, #tpu.memory_space<semaphore_mem>>) src(%arg13 : memref<128x64xf32, #tpu.memory_space<vmem>>) dst(%dma_wait3A_135 : memref<128x64xf32, #tpu.memory_space<hbm>>)
    }
    %scan3A_20 = arith.constant 39 : i32
    %dma_wait3A = arith.constant 78 : i32
    %dma_wait3A_21 = arith.constant 0 : i32
    %dma_wait3A_22 = tpu.memref_slice %arg8[%dma_wait3A, %dma_wait3A_21] : memref<79x128xi32, #tpu.memory_space<vmem>> -> memref<1x128xi32, #tpu.memory_space<vmem>>
    %dma_wait3A_23 = tpu.memref_squeeze %dma_wait3A_22 : memref<1x128xi32, #tpu.memory_space<vmem>> -> memref<128xi32, #tpu.memory_space<vmem>>
    %dma_wait3A_24 = arith.constant 0 : i32
    %dma_wait3A_25 = arith.constant 0 : i32
    %dma_wait3A_26 = tpu.memref_slice %arg2[%dma_wait3A_24, %dma_wait3A_25] : memref<10000x64xf32, #tpu.memory_space<hbm>> -> memref<10000x64xf32, #tpu.memory_space<hbm>>
    tpu.wait_indirect_dma semaphore(%arg14 : memref<!tpu.dma_semaphore, #tpu.memory_space<semaphore_mem>>) src(%dma_wait3A_26 : memref<10000x64xf32, #tpu.memory_space<hbm>>) dst(%arg10 : memref<128x64xf32, #tpu.memory_space<vmem>>)
    %dma_wait3A_27 = arith.constant 78 : i32
    %dma_wait3A_28 = arith.constant 0 : i32
    %dma_wait3A_29 = tpu.memref_slice %arg9[%dma_wait3A_27, %dma_wait3A_28] : memref<79x128xi32, #tpu.memory_space<vmem>> -> memref<1x128xi32, #tpu.memory_space<vmem>>
    %dma_wait3A_30 = tpu.memref_squeeze %dma_wait3A_29 : memref<1x128xi32, #tpu.memory_space<vmem>> -> memref<128xi32, #tpu.memory_space<vmem>>
    %dma_wait3A_31 = arith.constant 0 : i32
    %dma_wait3A_32 = arith.constant 0 : i32
    %dma_wait3A_33 = tpu.memref_slice %arg3[%dma_wait3A_31, %dma_wait3A_32] : memref<10000x64xf32, #tpu.memory_space<hbm>> -> memref<10000x64xf32, #tpu.memory_space<hbm>>
    tpu.wait_indirect_dma semaphore(%arg14 : memref<!tpu.dma_semaphore, #tpu.memory_space<semaphore_mem>>) src(%dma_wait3A_33 : memref<10000x64xf32, #tpu.memory_space<hbm>>) dst(%arg11 : memref<128x64xf32, #tpu.memory_space<vmem>>)
    %add3A_34 = arith.constant 9984 : i32
    %add3A_35 = arith.addi %mul3A_2, %add3A_34 : i32
    "tpu.region"() ({
      %run_scoped3A = tpu.sem_alloc : memref<!tpu.dma_semaphore, #tpu.memory_space<semaphore_mem>>
      %dma_start3A_36 = arith.constant 0 : i32
      %dma_start3A_37 = arith.constant 0 : i32
      %dma_start3A_38 = tpu.memref_slice %arg10[%dma_start3A_36, %dma_start3A_37] : memref<128x64xf32, #tpu.memory_space<vmem>> -> memref<16x64xf32, #tpu.memory_space<vmem>>
      %dma_start3A_39 = arith.constant 0 : i32
      %dma_start3A_40 = tpu.memref_slice %arg6[%add3A_35, %dma_start3A_39] : memref<320000x64xf32, #tpu.memory_space<hbm>> -> memref<16x64xf32, #tpu.memory_space<hbm>>
      %dma_start3A_41 = arith.constant 0 : i32
      %dma_start3A_42 = tpu.memref_slice %arg6[%add3A_35, %dma_start3A_41] : memref<320000x64xf32, #tpu.memory_space<hbm>> -> memref<16x64xf32, #tpu.memory_space<hbm>>
      %dma_start3A_43 = arith.constant 0 : i32
      %dma_start3A_44 = arith.constant 0 : i32
      %dma_start3A_45 = tpu.memref_slice %arg10[%dma_start3A_43, %dma_start3A_44] : memref<128x64xf32, #tpu.memory_space<vmem>> -> memref<16x64xf32, #tpu.memory_space<vmem>>
      tpu.enqueue_dma source(%dma_start3A_45 : memref<16x64xf32, #tpu.memory_space<vmem>>) target(%dma_start3A_42 : memref<16x64xf32, #tpu.memory_space<hbm>>) target_semaphore(%run_scoped3A : memref<!tpu.dma_semaphore, #tpu.memory_space<semaphore_mem>>)
      %dma_wait3A_46 = arith.constant 0 : i32
      %dma_wait3A_47 = arith.constant 0 : i32
      %dma_wait3A_48 = tpu.memref_slice %arg10[%dma_wait3A_46, %dma_wait3A_47] : memref<128x64xf32, #tpu.memory_space<vmem>> -> memref<16x64xf32, #tpu.memory_space<vmem>>
      %dma_wait3A_49 = arith.constant 0 : i32
      %dma_wait3A_50 = tpu.memref_slice %arg6[%add3A_35, %dma_wait3A_49] : memref<320000x64xf32, #tpu.memory_space<hbm>> -> memref<16x64xf32, #tpu.memory_space<hbm>>
      %dma_wait3A_51 = arith.constant 0 : i32
      %dma_wait3A_52 = tpu.memref_slice %arg6[%add3A_35, %dma_wait3A_51] : memref<320000x64xf32, #tpu.memory_space<hbm>> -> memref<16x64xf32, #tpu.memory_space<hbm>>
      %dma_wait3A_53 = arith.constant 0 : i32
      %dma_wait3A_54 = arith.constant 0 : i32
      %dma_wait3A_55 = tpu.memref_slice %arg10[%dma_wait3A_53, %dma_wait3A_54] : memref<128x64xf32, #tpu.memory_space<vmem>> -> memref<16x64xf32, #tpu.memory_space<vmem>>
      tpu.wait_dma2 semaphore(%run_scoped3A : memref<!tpu.dma_semaphore, #tpu.memory_space<semaphore_mem>>) src(%dma_wait3A_55 : memref<16x64xf32, #tpu.memory_space<vmem>>) dst(%dma_wait3A_52 : memref<16x64xf32, #tpu.memory_space<hbm>>)
      tpu.yield
    }) : () -> ()
    "tpu.region"() ({
      %run_scoped3A = tpu.sem_alloc : memref<!tpu.dma_semaphore, #tpu.memory_space<semaphore_mem>>
      %dma_start3A_36 = arith.constant 0 : i32
      %dma_start3A_37 = arith.constant 0 : i32
      %dma_start3A_38 = tpu.memref_slice %arg11[%dma_start3A_36, %dma_start3A_37] : memref<128x64xf32, #tpu.memory_space<vmem>> -> memref<16x64xf32, #tpu.memory_space<vmem>>
      %dma_start3A_39 = arith.constant 0 : i32
      %dma_start3A_40 = tpu.memref_slice %arg7[%add3A_35, %dma_start3A_39] : memref<320000x64xf32, #tpu.memory_space<hbm>> -> memref<16x64xf32, #tpu.memory_space<hbm>>
      %dma_start3A_41 = arith.constant 0 : i32
      %dma_start3A_42 = tpu.memref_slice %arg7[%add3A_35, %dma_start3A_41] : memref<320000x64xf32, #tpu.memory_space<hbm>> -> memref<16x64xf32, #tpu.memory_space<hbm>>
      %dma_start3A_43 = arith.constant 0 : i32
      %dma_start3A_44 = arith.constant 0 : i32
      %dma_start3A_45 = tpu.memref_slice %arg11[%dma_start3A_43, %dma_start3A_44] : memref<128x64xf32, #tpu.memory_space<vmem>> -> memref<16x64xf32, #tpu.memory_space<vmem>>
      tpu.enqueue_dma source(%dma_start3A_45 : memref<16x64xf32, #tpu.memory_space<vmem>>) target(%dma_start3A_42 : memref<16x64xf32, #tpu.memory_space<hbm>>) target_semaphore(%run_scoped3A : memref<!tpu.dma_semaphore, #tpu.memory_space<semaphore_mem>>)
      %dma_wait3A_46 = arith.constant 0 : i32
      %dma_wait3A_47 = arith.constant 0 : i32
      %dma_wait3A_48 = tpu.memref_slice %arg11[%dma_wait3A_46, %dma_wait3A_47] : memref<128x64xf32, #tpu.memory_space<vmem>> -> memref<16x64xf32, #tpu.memory_space<vmem>>
      %dma_wait3A_49 = arith.constant 0 : i32
      %dma_wait3A_50 = tpu.memref_slice %arg7[%add3A_35, %dma_wait3A_49] : memref<320000x64xf32, #tpu.memory_space<hbm>> -> memref<16x64xf32, #tpu.memory_space<hbm>>
      %dma_wait3A_51 = arith.constant 0 : i32
      %dma_wait3A_52 = tpu.memref_slice %arg7[%add3A_35, %dma_wait3A_51] : memref<320000x64xf32, #tpu.memory_space<hbm>> -> memref<16x64xf32, #tpu.memory_space<hbm>>
      %dma_wait3A_53 = arith.constant 0 : i32
      %dma_wait3A_54 = arith.constant 0 : i32
      %dma_wait3A_55 = tpu.memref_slice %arg11[%dma_wait3A_53, %dma_wait3A_54] : memref<128x64xf32, #tpu.memory_space<vmem>> -> memref<16x64xf32, #tpu.memory_space<vmem>>
      tpu.wait_dma2 semaphore(%run_scoped3A : memref<!tpu.dma_semaphore, #tpu.memory_space<semaphore_mem>>) src(%dma_wait3A_55 : memref<16x64xf32, #tpu.memory_space<vmem>>) dst(%dma_wait3A_52 : memref<16x64xf32, #tpu.memory_space<hbm>>)
      tpu.yield
    }) : () -> ()
    return
  }
}

#map = affine_map<(d0, d1) -> (0, 0)>
#map1 = affine_map<(d0, d1) -> (0, 0, 0)>
#map2 = affine_map<(d0, d1) -> (0)>
module attributes {stable_mosaic.version = 14 : i64} {
  func.func @k(%arg0: i32, %arg1: i32, %arg2: memref<320000x64xf32, #tpu.memory_space<hbm>>, %arg3: memref<32x79x128xi32, #tpu.memory_space<hbm>>, %arg4: memref<32x79x128xi32, #tpu.memory_space<hbm>>, %arg5: memref<320000xi32, #tpu.memory_space<hbm>>, %arg6: memref<320000xi32, #tpu.memory_space<hbm>>, %arg7: memref<10000x64xf32, #tpu.memory_space<hbm>>, %arg8: memref<20000x64xf32, #tpu.memory_space<hbm>>, %arg9: memref<20000x64xf32, #tpu.memory_space<hbm>>, %arg10: memref<79x128xi32, #tpu.memory_space<vmem>>, %arg11: memref<79x128xi32, #tpu.memory_space<vmem>>, %arg12: memref<128x64xf32, #tpu.memory_space<vmem>>, %arg13: memref<128x64xf32, #tpu.memory_space<vmem>>, %arg14: memref<16xi32, #tpu.memory_space<vmem>>, %arg15: memref<16xi32, #tpu.memory_space<vmem>>, %arg16: memref<16x64xf32, #tpu.memory_space<vmem>>, %arg17: memref<10000x64xf32, #tpu.memory_space<vmem_shared>>, %arg18: memref<10000x64xf32, #tpu.memory_space<vmem_shared>>, %arg19: memref<!tpu.dma_semaphore, #tpu.memory_space<semaphore_mem>>, %arg20: memref<!tpu.dma_semaphore, #tpu.memory_space<semaphore_mem>>) attributes {dimension_semantics = [#tpu.dimension_semantics<core_parallel>, #tpu.dimension_semantics<subcore_parallel>], iteration_bounds = array<i64: 2, 16>, scalar_prefetch = 0 : i64, scratch_operands = 11 : i64, tpu.core_type = #tpu.core_type<sc_vector_subcore>, window_params = [{transform_indices = #map}, {transform_indices = #map1}, {transform_indices = #map1}, {transform_indices = #map2}, {transform_indices = #map2}, {transform_indices = #map}, {transform_indices = #map}, {transform_indices = #map}]} {
    %mul3A = arith.constant 2 : i32
    %mul3A_0 = arith.muli %arg1, %mul3A : i32
    %add3A = arith.addi %mul3A_0, %arg0 : i32
    %mul3A_1 = arith.constant 10000 : i32
    %mul3A_2 = arith.muli %add3A, %mul3A_1 : i32
    "tpu.region"() ({
      %run_scoped3A = tpu.sem_alloc : memref<!tpu.dma_semaphore, #tpu.memory_space<semaphore_mem>>
      %dma_start3A_36 = arith.constant 0 : i32
      %dma_start3A_37 = arith.constant 0 : i32
      %dma_start3A_38 = tpu.memref_slice %arg3[%add3A, %dma_start3A_36, %dma_start3A_37] : memref<32x79x128xi32, #tpu.memory_space<hbm>> -> memref<1x79x128xi32, #tpu.memory_space<hbm>>
      %dma_start3A_39 = tpu.memref_squeeze %dma_start3A_38 : memref<1x79x128xi32, #tpu.memory_space<hbm>> -> memref<79x128xi32, #tpu.memory_space<hbm>>
      %dma_start3A_40 = arith.constant 0 : i32
      %dma_start3A_41 = arith.constant 0 : i32
      %dma_start3A_42 = tpu.memref_slice %arg3[%add3A, %dma_start3A_40, %dma_start3A_41] : memref<32x79x128xi32, #tpu.memory_space<hbm>> -> memref<1x79x128xi32, #tpu.memory_space<hbm>>
      %dma_start3A_43 = tpu.memref_squeeze %dma_start3A_42 : memref<1x79x128xi32, #tpu.memory_space<hbm>> -> memref<79x128xi32, #tpu.memory_space<hbm>>
      tpu.enqueue_dma source(%dma_start3A_43 : memref<79x128xi32, #tpu.memory_space<hbm>>) target(%arg10 : memref<79x128xi32, #tpu.memory_space<vmem>>) target_semaphore(%run_scoped3A : memref<!tpu.dma_semaphore, #tpu.memory_space<semaphore_mem>>)
      %dma_wait3A = arith.constant 0 : i32
      %dma_wait3A_44 = arith.constant 0 : i32
      %dma_wait3A_45 = tpu.memref_slice %arg3[%add3A, %dma_wait3A, %dma_wait3A_44] : memref<32x79x128xi32, #tpu.memory_space<hbm>> -> memref<1x79x128xi32, #tpu.memory_space<hbm>>
      %dma_wait3A_46 = tpu.memref_squeeze %dma_wait3A_45 : memref<1x79x128xi32, #tpu.memory_space<hbm>> -> memref<79x128xi32, #tpu.memory_space<hbm>>
      %dma_wait3A_47 = arith.constant 0 : i32
      %dma_wait3A_48 = arith.constant 0 : i32
      %dma_wait3A_49 = tpu.memref_slice %arg3[%add3A, %dma_wait3A_47, %dma_wait3A_48] : memref<32x79x128xi32, #tpu.memory_space<hbm>> -> memref<1x79x128xi32, #tpu.memory_space<hbm>>
      %dma_wait3A_50 = tpu.memref_squeeze %dma_wait3A_49 : memref<1x79x128xi32, #tpu.memory_space<hbm>> -> memref<79x128xi32, #tpu.memory_space<hbm>>
      tpu.wait_dma2 semaphore(%run_scoped3A : memref<!tpu.dma_semaphore, #tpu.memory_space<semaphore_mem>>) src(%dma_wait3A_50 : memref<79x128xi32, #tpu.memory_space<hbm>>) dst(%arg10 : memref<79x128xi32, #tpu.memory_space<vmem>>)
      tpu.yield
    }) : () -> ()
    "tpu.region"() ({
      %run_scoped3A = tpu.sem_alloc : memref<!tpu.dma_semaphore, #tpu.memory_space<semaphore_mem>>
      %dma_start3A_36 = arith.constant 0 : i32
      %dma_start3A_37 = arith.constant 0 : i32
      %dma_start3A_38 = tpu.memref_slice %arg4[%add3A, %dma_start3A_36, %dma_start3A_37] : memref<32x79x128xi32, #tpu.memory_space<hbm>> -> memref<1x79x128xi32, #tpu.memory_space<hbm>>
      %dma_start3A_39 = tpu.memref_squeeze %dma_start3A_38 : memref<1x79x128xi32, #tpu.memory_space<hbm>> -> memref<79x128xi32, #tpu.memory_space<hbm>>
      %dma_start3A_40 = arith.constant 0 : i32
      %dma_start3A_41 = arith.constant 0 : i32
      %dma_start3A_42 = tpu.memref_slice %arg4[%add3A, %dma_start3A_40, %dma_start3A_41] : memref<32x79x128xi32, #tpu.memory_space<hbm>> -> memref<1x79x128xi32, #tpu.memory_space<hbm>>
      %dma_start3A_43 = tpu.memref_squeeze %dma_start3A_42 : memref<1x79x128xi32, #tpu.memory_space<hbm>> -> memref<79x128xi32, #tpu.memory_space<hbm>>
      tpu.enqueue_dma source(%dma_start3A_43 : memref<79x128xi32, #tpu.memory_space<hbm>>) target(%arg11 : memref<79x128xi32, #tpu.memory_space<vmem>>) target_semaphore(%run_scoped3A : memref<!tpu.dma_semaphore, #tpu.memory_space<semaphore_mem>>)
      %dma_wait3A = arith.constant 0 : i32
      %dma_wait3A_44 = arith.constant 0 : i32
      %dma_wait3A_45 = tpu.memref_slice %arg4[%add3A, %dma_wait3A, %dma_wait3A_44] : memref<32x79x128xi32, #tpu.memory_space<hbm>> -> memref<1x79x128xi32, #tpu.memory_space<hbm>>
      %dma_wait3A_46 = tpu.memref_squeeze %dma_wait3A_45 : memref<1x79x128xi32, #tpu.memory_space<hbm>> -> memref<79x128xi32, #tpu.memory_space<hbm>>
      %dma_wait3A_47 = arith.constant 0 : i32
      %dma_wait3A_48 = arith.constant 0 : i32
      %dma_wait3A_49 = tpu.memref_slice %arg4[%add3A, %dma_wait3A_47, %dma_wait3A_48] : memref<32x79x128xi32, #tpu.memory_space<hbm>> -> memref<1x79x128xi32, #tpu.memory_space<hbm>>
      %dma_wait3A_50 = tpu.memref_squeeze %dma_wait3A_49 : memref<1x79x128xi32, #tpu.memory_space<hbm>> -> memref<79x128xi32, #tpu.memory_space<hbm>>
      tpu.wait_dma2 semaphore(%run_scoped3A : memref<!tpu.dma_semaphore, #tpu.memory_space<semaphore_mem>>) src(%dma_wait3A_50 : memref<79x128xi32, #tpu.memory_space<hbm>>) dst(%arg11 : memref<79x128xi32, #tpu.memory_space<vmem>>)
      tpu.yield
    }) : () -> ()
    %mul3A_3 = arith.constant 625 : i32
    %mul3A_4 = arith.muli %arg1, %mul3A_3 : i32
    %mul3A_5 = arith.constant 625 : i32
    %mul3A_6 = arith.muli %arg1, %mul3A_5 : i32
    "tpu.region"() ({
      %run_scoped3A = tpu.sem_alloc : memref<!tpu.dma_semaphore, #tpu.memory_space<semaphore_mem>>
      %dma_start3A_36 = arith.constant 0 : i32
      %dma_start3A_37 = tpu.memref_slice %arg17[%mul3A_6, %dma_start3A_36] : memref<10000x64xf32, #tpu.memory_space<vmem_shared>> -> memref<625x64xf32, #tpu.memory_space<vmem_shared>>
      %dma_start3A_38 = arith.constant 0 : i32
      %dma_start3A_39 = tpu.memref_slice %arg7[%mul3A_4, %dma_start3A_38] : memref<10000x64xf32, #tpu.memory_space<hbm>> -> memref<625x64xf32, #tpu.memory_space<hbm>>
      tpu.enqueue_dma source(%dma_start3A_39 : memref<625x64xf32, #tpu.memory_space<hbm>>) target(%dma_start3A_37 : memref<625x64xf32, #tpu.memory_space<vmem_shared>>) target_semaphore(%run_scoped3A : memref<!tpu.dma_semaphore, #tpu.memory_space<semaphore_mem>>)
      %dma_wait3A = arith.constant 0 : i32
      %dma_wait3A_40 = tpu.memref_slice %arg17[%mul3A_6, %dma_wait3A] : memref<10000x64xf32, #tpu.memory_space<vmem_shared>> -> memref<625x64xf32, #tpu.memory_space<vmem_shared>>
      %dma_wait3A_41 = arith.constant 0 : i32
      %dma_wait3A_42 = tpu.memref_slice %arg7[%mul3A_4, %dma_wait3A_41] : memref<10000x64xf32, #tpu.memory_space<hbm>> -> memref<625x64xf32, #tpu.memory_space<hbm>>
      tpu.wait_dma2 semaphore(%run_scoped3A : memref<!tpu.dma_semaphore, #tpu.memory_space<semaphore_mem>>) src(%dma_wait3A_42 : memref<625x64xf32, #tpu.memory_space<hbm>>) dst(%dma_wait3A_40 : memref<625x64xf32, #tpu.memory_space<vmem_shared>>)
      tpu.yield
    }) : () -> ()
    %mul3A_7 = arith.constant 625 : i32
    %mul3A_8 = arith.muli %arg1, %mul3A_7 : i32
    %mul3A_9 = arith.constant 625 : i32
    %mul3A_10 = arith.muli %arg1, %mul3A_9 : i32
    "tpu.region"() ({
      %run_scoped3A = tpu.sem_alloc : memref<!tpu.dma_semaphore, #tpu.memory_space<semaphore_mem>>
      %dma_start3A_36 = arith.constant 0 : i32
      %dma_start3A_37 = tpu.memref_slice %arg18[%mul3A_10, %dma_start3A_36] : memref<10000x64xf32, #tpu.memory_space<vmem_shared>> -> memref<625x64xf32, #tpu.memory_space<vmem_shared>>
      %dma_start3A_38 = arith.constant 0 : i32
      %dma_start3A_39 = tpu.memref_slice %arg7[%mul3A_8, %dma_start3A_38] : memref<10000x64xf32, #tpu.memory_space<hbm>> -> memref<625x64xf32, #tpu.memory_space<hbm>>
      tpu.enqueue_dma source(%dma_start3A_39 : memref<625x64xf32, #tpu.memory_space<hbm>>) target(%dma_start3A_37 : memref<625x64xf32, #tpu.memory_space<vmem_shared>>) target_semaphore(%run_scoped3A : memref<!tpu.dma_semaphore, #tpu.memory_space<semaphore_mem>>)
      %dma_wait3A = arith.constant 0 : i32
      %dma_wait3A_40 = tpu.memref_slice %arg18[%mul3A_10, %dma_wait3A] : memref<10000x64xf32, #tpu.memory_space<vmem_shared>> -> memref<625x64xf32, #tpu.memory_space<vmem_shared>>
      %dma_wait3A_41 = arith.constant 0 : i32
      %dma_wait3A_42 = tpu.memref_slice %arg7[%mul3A_8, %dma_wait3A_41] : memref<10000x64xf32, #tpu.memory_space<hbm>> -> memref<625x64xf32, #tpu.memory_space<hbm>>
      tpu.wait_dma2 semaphore(%run_scoped3A : memref<!tpu.dma_semaphore, #tpu.memory_space<semaphore_mem>>) src(%dma_wait3A_42 : memref<625x64xf32, #tpu.memory_space<hbm>>) dst(%dma_wait3A_40 : memref<625x64xf32, #tpu.memory_space<vmem_shared>>)
      tpu.yield
    }) : () -> ()
    %barrier3A = arith.constant 0 : index
    tpu.barrier barrier_id(%barrier3A)
    %dma_start3A = arith.constant 0 : i32
    %dma_start3A_11 = tpu.memref_slice %arg2[%mul3A_2, %dma_start3A] : memref<320000x64xf32, #tpu.memory_space<hbm>> -> memref<128x64xf32, #tpu.memory_space<hbm>>
    %dma_start3A_12 = arith.constant 0 : i32
    %dma_start3A_13 = tpu.memref_slice %arg2[%mul3A_2, %dma_start3A_12] : memref<320000x64xf32, #tpu.memory_space<hbm>> -> memref<128x64xf32, #tpu.memory_space<hbm>>
    tpu.enqueue_dma source(%dma_start3A_13 : memref<128x64xf32, #tpu.memory_space<hbm>>) target(%arg12 : memref<128x64xf32, #tpu.memory_space<vmem>>) target_semaphore(%arg19 : memref<!tpu.dma_semaphore, #tpu.memory_space<semaphore_mem>>)
    %scan3A = arith.constant 0 : i32
    %scan3A_14 = arith.constant 0 : i32
    %scan3A_15 = arith.constant 39 : i32
    %scan3A_16 = arith.addi %scan3A_14, %scan3A_15 : i32
    %scan3A_17 = arith.constant 1 : i32
    scf.for %scan3A_36 = %scan3A_14 to %scan3A_16 step %scan3A_17  : i32 {
      %mul3A_37 = arith.constant 2 : i32
      %mul3A_38 = arith.muli %mul3A_37, %scan3A_36 : i32
      %add3A_39 = arith.constant 1 : i32
      %add3A_40 = arith.addi %mul3A_38, %add3A_39 : i32
      %mul3A_41 = arith.constant 128 : i32
      %mul3A_42 = arith.muli %add3A_40, %mul3A_41 : i32
      %add3A_43 = arith.addi %mul3A_2, %mul3A_42 : i32
      %dma_start3A_44 = arith.constant 0 : i32
      %dma_start3A_45 = tpu.memref_slice %arg2[%add3A_43, %dma_start3A_44] : memref<320000x64xf32, #tpu.memory_space<hbm>> -> memref<128x64xf32, #tpu.memory_space<hbm>>
      %dma_start3A_46 = arith.constant 0 : i32
      %dma_start3A_47 = tpu.memref_slice %arg2[%add3A_43, %dma_start3A_46] : memref<320000x64xf32, #tpu.memory_space<hbm>> -> memref<128x64xf32, #tpu.memory_space<hbm>>
      tpu.enqueue_dma source(%dma_start3A_47 : memref<128x64xf32, #tpu.memory_space<hbm>>) target(%arg13 : memref<128x64xf32, #tpu.memory_space<vmem>>) target_semaphore(%arg20 : memref<!tpu.dma_semaphore, #tpu.memory_space<semaphore_mem>>)
      %dma_wait3A = arith.constant 0 : i32
      %dma_wait3A_48 = tpu.memref_slice %arg2[%mul3A_2, %dma_wait3A] : memref<320000x64xf32, #tpu.memory_space<hbm>> -> memref<128x64xf32, #tpu.memory_space<hbm>>
      %dma_wait3A_49 = arith.constant 0 : i32
      %dma_wait3A_50 = tpu.memref_slice %arg2[%mul3A_2, %dma_wait3A_49] : memref<320000x64xf32, #tpu.memory_space<hbm>> -> memref<128x64xf32, #tpu.memory_space<hbm>>
      tpu.wait_dma2 semaphore(%arg19 : memref<!tpu.dma_semaphore, #tpu.memory_space<semaphore_mem>>) src(%dma_wait3A_50 : memref<128x64xf32, #tpu.memory_space<hbm>>) dst(%arg12 : memref<128x64xf32, #tpu.memory_space<vmem>>)
      "tpu.region"() ({
        %run_scoped3A = tpu.sem_alloc : memref<!tpu.dma_semaphore, #tpu.memory_space<semaphore_mem>>
        %dma_start3A_63 = arith.constant 0 : i32
        %dma_start3A_64 = tpu.memref_slice %arg10[%mul3A_38, %dma_start3A_63] : memref<79x128xi32, #tpu.memory_space<vmem>> -> memref<1x128xi32, #tpu.memory_space<vmem>>
        %dma_start3A_65 = tpu.memref_squeeze %dma_start3A_64 : memref<1x128xi32, #tpu.memory_space<vmem>> -> memref<128xi32, #tpu.memory_space<vmem>>
        %dma_start3A_66 = arith.constant 0 : i32
        %dma_start3A_67 = arith.constant 0 : i32
        %dma_start3A_68 = tpu.memref_slice %arg17[%dma_start3A_66, %dma_start3A_67] : memref<10000x64xf32, #tpu.memory_space<vmem_shared>> -> memref<10000x64xf32, #tpu.memory_space<vmem_shared>>
        tpu.enqueue_indirect_dma source(%arg12 : memref<128x64xf32, #tpu.memory_space<vmem>>) target(%dma_start3A_68 : memref<10000x64xf32, #tpu.memory_space<vmem_shared>>) offsets(%dma_start3A_65 : memref<128xi32, #tpu.memory_space<vmem>>) semaphore(%run_scoped3A : memref<!tpu.dma_semaphore, #tpu.memory_space<semaphore_mem>>) {add = true}
        %dma_wait3A_69 = arith.constant 0 : i32
        %dma_wait3A_70 = tpu.memref_slice %arg10[%mul3A_38, %dma_wait3A_69] : memref<79x128xi32, #tpu.memory_space<vmem>> -> memref<1x128xi32, #tpu.memory_space<vmem>>
        %dma_wait3A_71 = tpu.memref_squeeze %dma_wait3A_70 : memref<1x128xi32, #tpu.memory_space<vmem>> -> memref<128xi32, #tpu.memory_space<vmem>>
        %dma_wait3A_72 = arith.constant 0 : i32
        %dma_wait3A_73 = arith.constant 0 : i32
        %dma_wait3A_74 = tpu.memref_slice %arg17[%dma_wait3A_72, %dma_wait3A_73] : memref<10000x64xf32, #tpu.memory_space<vmem_shared>> -> memref<10000x64xf32, #tpu.memory_space<vmem_shared>>
        tpu.wait_indirect_dma semaphore(%run_scoped3A : memref<!tpu.dma_semaphore, #tpu.memory_space<semaphore_mem>>) src(%arg12 : memref<128x64xf32, #tpu.memory_space<vmem>>) dst(%dma_wait3A_74 : memref<10000x64xf32, #tpu.memory_space<vmem_shared>>)
        tpu.yield
      }) : () -> ()
      "tpu.region"() ({
        %run_scoped3A = tpu.sem_alloc : memref<!tpu.dma_semaphore, #tpu.memory_space<semaphore_mem>>
        %dma_start3A_63 = arith.constant 0 : i32
        %dma_start3A_64 = tpu.memref_slice %arg11[%mul3A_38, %dma_start3A_63] : memref<79x128xi32, #tpu.memory_space<vmem>> -> memref<1x128xi32, #tpu.memory_space<vmem>>
        %dma_start3A_65 = tpu.memref_squeeze %dma_start3A_64 : memref<1x128xi32, #tpu.memory_space<vmem>> -> memref<128xi32, #tpu.memory_space<vmem>>
        %dma_start3A_66 = arith.constant 0 : i32
        %dma_start3A_67 = arith.constant 0 : i32
        %dma_start3A_68 = tpu.memref_slice %arg18[%dma_start3A_66, %dma_start3A_67] : memref<10000x64xf32, #tpu.memory_space<vmem_shared>> -> memref<10000x64xf32, #tpu.memory_space<vmem_shared>>
        tpu.enqueue_indirect_dma source(%arg12 : memref<128x64xf32, #tpu.memory_space<vmem>>) target(%dma_start3A_68 : memref<10000x64xf32, #tpu.memory_space<vmem_shared>>) offsets(%dma_start3A_65 : memref<128xi32, #tpu.memory_space<vmem>>) semaphore(%run_scoped3A : memref<!tpu.dma_semaphore, #tpu.memory_space<semaphore_mem>>) {add = true}
        %dma_wait3A_69 = arith.constant 0 : i32
        %dma_wait3A_70 = tpu.memref_slice %arg11[%mul3A_38, %dma_wait3A_69] : memref<79x128xi32, #tpu.memory_space<vmem>> -> memref<1x128xi32, #tpu.memory_space<vmem>>
        %dma_wait3A_71 = tpu.memref_squeeze %dma_wait3A_70 : memref<1x128xi32, #tpu.memory_space<vmem>> -> memref<128xi32, #tpu.memory_space<vmem>>
        %dma_wait3A_72 = arith.constant 0 : i32
        %dma_wait3A_73 = arith.constant 0 : i32
        %dma_wait3A_74 = tpu.memref_slice %arg18[%dma_wait3A_72, %dma_wait3A_73] : memref<10000x64xf32, #tpu.memory_space<vmem_shared>> -> memref<10000x64xf32, #tpu.memory_space<vmem_shared>>
        tpu.wait_indirect_dma semaphore(%run_scoped3A : memref<!tpu.dma_semaphore, #tpu.memory_space<semaphore_mem>>) src(%arg12 : memref<128x64xf32, #tpu.memory_space<vmem>>) dst(%dma_wait3A_74 : memref<10000x64xf32, #tpu.memory_space<vmem_shared>>)
        tpu.yield
      }) : () -> ()
      %add3A_51 = arith.constant 2 : i32
      %add3A_52 = arith.addi %mul3A_38, %add3A_51 : i32
      %lt3A = arith.constant 78 : i32
      %lt3A_53 = arith.cmpi slt, %add3A_52, %lt3A : i32
      %convert_element_type3A = arith.extui %lt3A_53 : i1 to i32
      %cond3A = arith.constant 0 : i32
      %cond3A_54 = arith.cmpi ne, %convert_element_type3A, %cond3A : i32
      scf.if %cond3A_54 {
        %add3A_63 = arith.constant 2 : i32
        %add3A_64 = arith.addi %mul3A_38, %add3A_63 : i32
        %mul3A_65 = arith.constant 128 : i32
        %mul3A_66 = arith.muli %add3A_64, %mul3A_65 : i32
        %add3A_67 = arith.addi %mul3A_2, %mul3A_66 : i32
        %dma_start3A_68 = arith.constant 0 : i32
        %dma_start3A_69 = tpu.memref_slice %arg2[%add3A_67, %dma_start3A_68] : memref<320000x64xf32, #tpu.memory_space<hbm>> -> memref<128x64xf32, #tpu.memory_space<hbm>>
        %dma_start3A_70 = arith.constant 0 : i32
        %dma_start3A_71 = tpu.memref_slice %arg2[%add3A_67, %dma_start3A_70] : memref<320000x64xf32, #tpu.memory_space<hbm>> -> memref<128x64xf32, #tpu.memory_space<hbm>>
        tpu.enqueue_dma source(%dma_start3A_71 : memref<128x64xf32, #tpu.memory_space<hbm>>) target(%arg12 : memref<128x64xf32, #tpu.memory_space<vmem>>) target_semaphore(%arg19 : memref<!tpu.dma_semaphore, #tpu.memory_space<semaphore_mem>>)
      } else {
      }
      %dma_wait3A_55 = arith.constant 0 : i32
      %dma_wait3A_56 = tpu.memref_slice %arg2[%mul3A_2, %dma_wait3A_55] : memref<320000x64xf32, #tpu.memory_space<hbm>> -> memref<128x64xf32, #tpu.memory_space<hbm>>
      %dma_wait3A_57 = arith.constant 0 : i32
      %dma_wait3A_58 = tpu.memref_slice %arg2[%mul3A_2, %dma_wait3A_57] : memref<320000x64xf32, #tpu.memory_space<hbm>> -> memref<128x64xf32, #tpu.memory_space<hbm>>
      tpu.wait_dma2 semaphore(%arg20 : memref<!tpu.dma_semaphore, #tpu.memory_space<semaphore_mem>>) src(%dma_wait3A_58 : memref<128x64xf32, #tpu.memory_space<hbm>>) dst(%arg13 : memref<128x64xf32, #tpu.memory_space<vmem>>)
      %add3A_59 = arith.constant 1 : i32
      %add3A_60 = arith.addi %mul3A_38, %add3A_59 : i32
      "tpu.region"() ({
        %run_scoped3A = tpu.sem_alloc : memref<!tpu.dma_semaphore, #tpu.memory_space<semaphore_mem>>
        %dma_start3A_63 = arith.constant 0 : i32
        %dma_start3A_64 = tpu.memref_slice %arg10[%add3A_60, %dma_start3A_63] : memref<79x128xi32, #tpu.memory_space<vmem>> -> memref<1x128xi32, #tpu.memory_space<vmem>>
        %dma_start3A_65 = tpu.memref_squeeze %dma_start3A_64 : memref<1x128xi32, #tpu.memory_space<vmem>> -> memref<128xi32, #tpu.memory_space<vmem>>
        %dma_start3A_66 = arith.constant 0 : i32
        %dma_start3A_67 = arith.constant 0 : i32
        %dma_start3A_68 = tpu.memref_slice %arg17[%dma_start3A_66, %dma_start3A_67] : memref<10000x64xf32, #tpu.memory_space<vmem_shared>> -> memref<10000x64xf32, #tpu.memory_space<vmem_shared>>
        tpu.enqueue_indirect_dma source(%arg13 : memref<128x64xf32, #tpu.memory_space<vmem>>) target(%dma_start3A_68 : memref<10000x64xf32, #tpu.memory_space<vmem_shared>>) offsets(%dma_start3A_65 : memref<128xi32, #tpu.memory_space<vmem>>) semaphore(%run_scoped3A : memref<!tpu.dma_semaphore, #tpu.memory_space<semaphore_mem>>) {add = true}
        %dma_wait3A_69 = arith.constant 0 : i32
        %dma_wait3A_70 = tpu.memref_slice %arg10[%add3A_60, %dma_wait3A_69] : memref<79x128xi32, #tpu.memory_space<vmem>> -> memref<1x128xi32, #tpu.memory_space<vmem>>
        %dma_wait3A_71 = tpu.memref_squeeze %dma_wait3A_70 : memref<1x128xi32, #tpu.memory_space<vmem>> -> memref<128xi32, #tpu.memory_space<vmem>>
        %dma_wait3A_72 = arith.constant 0 : i32
        %dma_wait3A_73 = arith.constant 0 : i32
        %dma_wait3A_74 = tpu.memref_slice %arg17[%dma_wait3A_72, %dma_wait3A_73] : memref<10000x64xf32, #tpu.memory_space<vmem_shared>> -> memref<10000x64xf32, #tpu.memory_space<vmem_shared>>
        tpu.wait_indirect_dma semaphore(%run_scoped3A : memref<!tpu.dma_semaphore, #tpu.memory_space<semaphore_mem>>) src(%arg13 : memref<128x64xf32, #tpu.memory_space<vmem>>) dst(%dma_wait3A_74 : memref<10000x64xf32, #tpu.memory_space<vmem_shared>>)
        tpu.yield
      }) : () -> ()
      %add3A_61 = arith.constant 1 : i32
      %add3A_62 = arith.addi %mul3A_38, %add3A_61 : i32
      "tpu.region"() ({
        %run_scoped3A = tpu.sem_alloc : memref<!tpu.dma_semaphore, #tpu.memory_space<semaphore_mem>>
        %dma_start3A_63 = arith.constant 0 : i32
        %dma_start3A_64 = tpu.memref_slice %arg11[%add3A_62, %dma_start3A_63] : memref<79x128xi32, #tpu.memory_space<vmem>> -> memref<1x128xi32, #tpu.memory_space<vmem>>
        %dma_start3A_65 = tpu.memref_squeeze %dma_start3A_64 : memref<1x128xi32, #tpu.memory_space<vmem>> -> memref<128xi32, #tpu.memory_space<vmem>>
        %dma_start3A_66 = arith.constant 0 : i32
        %dma_start3A_67 = arith.constant 0 : i32
        %dma_start3A_68 = tpu.memref_slice %arg18[%dma_start3A_66, %dma_start3A_67] : memref<10000x64xf32, #tpu.memory_space<vmem_shared>> -> memref<10000x64xf32, #tpu.memory_space<vmem_shared>>
        tpu.enqueue_indirect_dma source(%arg13 : memref<128x64xf32, #tpu.memory_space<vmem>>) target(%dma_start3A_68 : memref<10000x64xf32, #tpu.memory_space<vmem_shared>>) offsets(%dma_start3A_65 : memref<128xi32, #tpu.memory_space<vmem>>) semaphore(%run_scoped3A : memref<!tpu.dma_semaphore, #tpu.memory_space<semaphore_mem>>) {add = true}
        %dma_wait3A_69 = arith.constant 0 : i32
        %dma_wait3A_70 = tpu.memref_slice %arg11[%add3A_62, %dma_wait3A_69] : memref<79x128xi32, #tpu.memory_space<vmem>> -> memref<1x128xi32, #tpu.memory_space<vmem>>
        %dma_wait3A_71 = tpu.memref_squeeze %dma_wait3A_70 : memref<1x128xi32, #tpu.memory_space<vmem>> -> memref<128xi32, #tpu.memory_space<vmem>>
        %dma_wait3A_72 = arith.constant 0 : i32
        %dma_wait3A_73 = arith.constant 0 : i32
        %dma_wait3A_74 = tpu.memref_slice %arg18[%dma_wait3A_72, %dma_wait3A_73] : memref<10000x64xf32, #tpu.memory_space<vmem_shared>> -> memref<10000x64xf32, #tpu.memory_space<vmem_shared>>
        tpu.wait_indirect_dma semaphore(%run_scoped3A : memref<!tpu.dma_semaphore, #tpu.memory_space<semaphore_mem>>) src(%arg13 : memref<128x64xf32, #tpu.memory_space<vmem>>) dst(%dma_wait3A_74 : memref<10000x64xf32, #tpu.memory_space<vmem_shared>>)
        tpu.yield
      }) : () -> ()
    }
    %scan3A_18 = arith.constant 39 : i32
    %add3A_19 = arith.constant 9984 : i32
    %add3A_20 = arith.addi %mul3A_2, %add3A_19 : i32
    "tpu.region"() ({
      %run_scoped3A = tpu.sem_alloc : memref<!tpu.dma_semaphore, #tpu.memory_space<semaphore_mem>>
      %dma_start3A_36 = tpu.memref_slice %arg5[%add3A_20] : memref<320000xi32, #tpu.memory_space<hbm>> -> memref<16xi32, #tpu.memory_space<hbm>>
      %dma_start3A_37 = tpu.memref_slice %arg5[%add3A_20] : memref<320000xi32, #tpu.memory_space<hbm>> -> memref<16xi32, #tpu.memory_space<hbm>>
      tpu.enqueue_dma source(%dma_start3A_37 : memref<16xi32, #tpu.memory_space<hbm>>) target(%arg14 : memref<16xi32, #tpu.memory_space<vmem>>) target_semaphore(%run_scoped3A : memref<!tpu.dma_semaphore, #tpu.memory_space<semaphore_mem>>)
      %dma_wait3A = tpu.memref_slice %arg5[%add3A_20] : memref<320000xi32, #tpu.memory_space<hbm>> -> memref<16xi32, #tpu.memory_space<hbm>>
      %dma_wait3A_38 = tpu.memref_slice %arg5[%add3A_20] : memref<320000xi32, #tpu.memory_space<hbm>> -> memref<16xi32, #tpu.memory_space<hbm>>
      tpu.wait_dma2 semaphore(%run_scoped3A : memref<!tpu.dma_semaphore, #tpu.memory_space<semaphore_mem>>) src(%dma_wait3A_38 : memref<16xi32, #tpu.memory_space<hbm>>) dst(%arg14 : memref<16xi32, #tpu.memory_space<vmem>>)
      tpu.yield
    }) : () -> ()
    "tpu.region"() ({
      %run_scoped3A = tpu.sem_alloc : memref<!tpu.dma_semaphore, #tpu.memory_space<semaphore_mem>>
      %dma_start3A_36 = tpu.memref_slice %arg6[%add3A_20] : memref<320000xi32, #tpu.memory_space<hbm>> -> memref<16xi32, #tpu.memory_space<hbm>>
      %dma_start3A_37 = tpu.memref_slice %arg6[%add3A_20] : memref<320000xi32, #tpu.memory_space<hbm>> -> memref<16xi32, #tpu.memory_space<hbm>>
      tpu.enqueue_dma source(%dma_start3A_37 : memref<16xi32, #tpu.memory_space<hbm>>) target(%arg15 : memref<16xi32, #tpu.memory_space<vmem>>) target_semaphore(%run_scoped3A : memref<!tpu.dma_semaphore, #tpu.memory_space<semaphore_mem>>)
      %dma_wait3A = tpu.memref_slice %arg6[%add3A_20] : memref<320000xi32, #tpu.memory_space<hbm>> -> memref<16xi32, #tpu.memory_space<hbm>>
      %dma_wait3A_38 = tpu.memref_slice %arg6[%add3A_20] : memref<320000xi32, #tpu.memory_space<hbm>> -> memref<16xi32, #tpu.memory_space<hbm>>
      tpu.wait_dma2 semaphore(%run_scoped3A : memref<!tpu.dma_semaphore, #tpu.memory_space<semaphore_mem>>) src(%dma_wait3A_38 : memref<16xi32, #tpu.memory_space<hbm>>) dst(%arg15 : memref<16xi32, #tpu.memory_space<vmem>>)
      tpu.yield
    }) : () -> ()
    "tpu.region"() ({
      %run_scoped3A = tpu.sem_alloc : memref<!tpu.dma_semaphore, #tpu.memory_space<semaphore_mem>>
      %dma_start3A_36 = arith.constant 0 : i32
      %dma_start3A_37 = tpu.memref_slice %arg2[%add3A_20, %dma_start3A_36] : memref<320000x64xf32, #tpu.memory_space<hbm>> -> memref<16x64xf32, #tpu.memory_space<hbm>>
      %dma_start3A_38 = arith.constant 0 : i32
      %dma_start3A_39 = tpu.memref_slice %arg2[%add3A_20, %dma_start3A_38] : memref<320000x64xf32, #tpu.memory_space<hbm>> -> memref<16x64xf32, #tpu.memory_space<hbm>>
      tpu.enqueue_dma source(%dma_start3A_39 : memref<16x64xf32, #tpu.memory_space<hbm>>) target(%arg16 : memref<16x64xf32, #tpu.memory_space<vmem>>) target_semaphore(%run_scoped3A : memref<!tpu.dma_semaphore, #tpu.memory_space<semaphore_mem>>)
      %dma_wait3A = arith.constant 0 : i32
      %dma_wait3A_40 = tpu.memref_slice %arg2[%add3A_20, %dma_wait3A] : memref<320000x64xf32, #tpu.memory_space<hbm>> -> memref<16x64xf32, #tpu.memory_space<hbm>>
      %dma_wait3A_41 = arith.constant 0 : i32
      %dma_wait3A_42 = tpu.memref_slice %arg2[%add3A_20, %dma_wait3A_41] : memref<320000x64xf32, #tpu.memory_space<hbm>> -> memref<16x64xf32, #tpu.memory_space<hbm>>
      tpu.wait_dma2 semaphore(%run_scoped3A : memref<!tpu.dma_semaphore, #tpu.memory_space<semaphore_mem>>) src(%dma_wait3A_42 : memref<16x64xf32, #tpu.memory_space<hbm>>) dst(%arg16 : memref<16x64xf32, #tpu.memory_space<vmem>>)
      tpu.yield
    }) : () -> ()
    "tpu.region"() ({
      %run_scoped3A = tpu.sem_alloc : memref<!tpu.dma_semaphore, #tpu.memory_space<semaphore_mem>>
      %dma_start3A_36 = arith.constant 0 : i32
      %dma_start3A_37 = arith.constant 0 : i32
      %dma_start3A_38 = tpu.memref_slice %arg17[%dma_start3A_36, %dma_start3A_37] : memref<10000x64xf32, #tpu.memory_space<vmem_shared>> -> memref<10000x64xf32, #tpu.memory_space<vmem_shared>>
      tpu.enqueue_indirect_dma source(%arg16 : memref<16x64xf32, #tpu.memory_space<vmem>>) target(%dma_start3A_38 : memref<10000x64xf32, #tpu.memory_space<vmem_shared>>) offsets(%arg14 : memref<16xi32, #tpu.memory_space<vmem>>) semaphore(%run_scoped3A : memref<!tpu.dma_semaphore, #tpu.memory_space<semaphore_mem>>) {add = true}
      %dma_wait3A = arith.constant 0 : i32
      %dma_wait3A_39 = arith.constant 0 : i32
      %dma_wait3A_40 = tpu.memref_slice %arg17[%dma_wait3A, %dma_wait3A_39] : memref<10000x64xf32, #tpu.memory_space<vmem_shared>> -> memref<10000x64xf32, #tpu.memory_space<vmem_shared>>
      tpu.wait_indirect_dma semaphore(%run_scoped3A : memref<!tpu.dma_semaphore, #tpu.memory_space<semaphore_mem>>) src(%arg16 : memref<16x64xf32, #tpu.memory_space<vmem>>) dst(%dma_wait3A_40 : memref<10000x64xf32, #tpu.memory_space<vmem_shared>>)
      tpu.yield
    }) : () -> ()
    "tpu.region"() ({
      %run_scoped3A = tpu.sem_alloc : memref<!tpu.dma_semaphore, #tpu.memory_space<semaphore_mem>>
      %dma_start3A_36 = arith.constant 0 : i32
      %dma_start3A_37 = arith.constant 0 : i32
      %dma_start3A_38 = tpu.memref_slice %arg18[%dma_start3A_36, %dma_start3A_37] : memref<10000x64xf32, #tpu.memory_space<vmem_shared>> -> memref<10000x64xf32, #tpu.memory_space<vmem_shared>>
      tpu.enqueue_indirect_dma source(%arg16 : memref<16x64xf32, #tpu.memory_space<vmem>>) target(%dma_start3A_38 : memref<10000x64xf32, #tpu.memory_space<vmem_shared>>) offsets(%arg15 : memref<16xi32, #tpu.memory_space<vmem>>) semaphore(%run_scoped3A : memref<!tpu.dma_semaphore, #tpu.memory_space<semaphore_mem>>) {add = true}
      %dma_wait3A = arith.constant 0 : i32
      %dma_wait3A_39 = arith.constant 0 : i32
      %dma_wait3A_40 = tpu.memref_slice %arg18[%dma_wait3A, %dma_wait3A_39] : memref<10000x64xf32, #tpu.memory_space<vmem_shared>> -> memref<10000x64xf32, #tpu.memory_space<vmem_shared>>
      tpu.wait_indirect_dma semaphore(%run_scoped3A : memref<!tpu.dma_semaphore, #tpu.memory_space<semaphore_mem>>) src(%arg16 : memref<16x64xf32, #tpu.memory_space<vmem>>) dst(%dma_wait3A_40 : memref<10000x64xf32, #tpu.memory_space<vmem_shared>>)
      tpu.yield
    }) : () -> ()
    %barrier3A_21 = arith.constant 0 : index
    tpu.barrier barrier_id(%barrier3A_21)
    %mul3A_22 = arith.constant 625 : i32
    %mul3A_23 = arith.muli %arg1, %mul3A_22 : i32
    %mul3A_24 = arith.constant 10000 : i32
    %mul3A_25 = arith.muli %arg0, %mul3A_24 : i32
    %mul3A_26 = arith.constant 625 : i32
    %mul3A_27 = arith.muli %arg1, %mul3A_26 : i32
    %add3A_28 = arith.addi %mul3A_25, %mul3A_27 : i32
    "tpu.region"() ({
      %run_scoped3A = tpu.sem_alloc : memref<!tpu.dma_semaphore, #tpu.memory_space<semaphore_mem>>
      %dma_start3A_36 = arith.constant 0 : i32
      %dma_start3A_37 = tpu.memref_slice %arg8[%add3A_28, %dma_start3A_36] : memref<20000x64xf32, #tpu.memory_space<hbm>> -> memref<625x64xf32, #tpu.memory_space<hbm>>
      %dma_start3A_38 = arith.constant 0 : i32
      %dma_start3A_39 = tpu.memref_slice %arg17[%mul3A_23, %dma_start3A_38] : memref<10000x64xf32, #tpu.memory_space<vmem_shared>> -> memref<625x64xf32, #tpu.memory_space<vmem_shared>>
      tpu.enqueue_dma source(%dma_start3A_39 : memref<625x64xf32, #tpu.memory_space<vmem_shared>>) target(%dma_start3A_37 : memref<625x64xf32, #tpu.memory_space<hbm>>) target_semaphore(%run_scoped3A : memref<!tpu.dma_semaphore, #tpu.memory_space<semaphore_mem>>)
      %dma_wait3A = arith.constant 0 : i32
      %dma_wait3A_40 = tpu.memref_slice %arg8[%add3A_28, %dma_wait3A] : memref<20000x64xf32, #tpu.memory_space<hbm>> -> memref<625x64xf32, #tpu.memory_space<hbm>>
      %dma_wait3A_41 = arith.constant 0 : i32
      %dma_wait3A_42 = tpu.memref_slice %arg17[%mul3A_23, %dma_wait3A_41] : memref<10000x64xf32, #tpu.memory_space<vmem_shared>> -> memref<625x64xf32, #tpu.memory_space<vmem_shared>>
      tpu.wait_dma2 semaphore(%run_scoped3A : memref<!tpu.dma_semaphore, #tpu.memory_space<semaphore_mem>>) src(%dma_wait3A_42 : memref<625x64xf32, #tpu.memory_space<vmem_shared>>) dst(%dma_wait3A_40 : memref<625x64xf32, #tpu.memory_space<hbm>>)
      tpu.yield
    }) : () -> ()
    %mul3A_29 = arith.constant 625 : i32
    %mul3A_30 = arith.muli %arg1, %mul3A_29 : i32
    %mul3A_31 = arith.constant 10000 : i32
    %mul3A_32 = arith.muli %arg0, %mul3A_31 : i32
    %mul3A_33 = arith.constant 625 : i32
    %mul3A_34 = arith.muli %arg1, %mul3A_33 : i32
    %add3A_35 = arith.addi %mul3A_32, %mul3A_34 : i32
    "tpu.region"() ({
      %run_scoped3A = tpu.sem_alloc : memref<!tpu.dma_semaphore, #tpu.memory_space<semaphore_mem>>
      %dma_start3A_36 = arith.constant 0 : i32
      %dma_start3A_37 = tpu.memref_slice %arg9[%add3A_35, %dma_start3A_36] : memref<20000x64xf32, #tpu.memory_space<hbm>> -> memref<625x64xf32, #tpu.memory_space<hbm>>
      %dma_start3A_38 = arith.constant 0 : i32
      %dma_start3A_39 = tpu.memref_slice %arg18[%mul3A_30, %dma_start3A_38] : memref<10000x64xf32, #tpu.memory_space<vmem_shared>> -> memref<625x64xf32, #tpu.memory_space<vmem_shared>>
      tpu.enqueue_dma source(%dma_start3A_39 : memref<625x64xf32, #tpu.memory_space<vmem_shared>>) target(%dma_start3A_37 : memref<625x64xf32, #tpu.memory_space<hbm>>) target_semaphore(%run_scoped3A : memref<!tpu.dma_semaphore, #tpu.memory_space<semaphore_mem>>)
      %dma_wait3A = arith.constant 0 : i32
      %dma_wait3A_40 = tpu.memref_slice %arg9[%add3A_35, %dma_wait3A] : memref<20000x64xf32, #tpu.memory_space<hbm>> -> memref<625x64xf32, #tpu.memory_space<hbm>>
      %dma_wait3A_41 = arith.constant 0 : i32
      %dma_wait3A_42 = tpu.memref_slice %arg18[%mul3A_30, %dma_wait3A_41] : memref<10000x64xf32, #tpu.memory_space<vmem_shared>> -> memref<625x64xf32, #tpu.memory_space<vmem_shared>>
      tpu.wait_dma2 semaphore(%run_scoped3A : memref<!tpu.dma_semaphore, #tpu.memory_space<semaphore_mem>>) src(%dma_wait3A_42 : memref<625x64xf32, #tpu.memory_space<vmem_shared>>) dst(%dma_wait3A_40 : memref<625x64xf32, #tpu.memory_space<hbm>>)
      tpu.yield
    }) : () -> ()
    return
  }
}

#map = affine_map<(d0, d1) -> (0, 0)>
#map1 = affine_map<(d0, d1) -> (0, 0, 0)>
module attributes {stable_mosaic.version = 14 : i64} {
  func.func @k(%arg0: i32, %arg1: i32, %arg2: memref<10000x64xf32, #tpu.memory_space<hbm>>, %arg3: memref<10000x64xf32, #tpu.memory_space<hbm>>, %arg4: memref<32x79x128xi32, #tpu.memory_space<hbm>>, %arg5: memref<32x79x128xi32, #tpu.memory_space<hbm>>, %arg6: memref<320000x64xf32, #tpu.memory_space<hbm>>, %arg7: memref<320000x64xf32, #tpu.memory_space<hbm>>, %arg8: memref<79x128xi32, #tpu.memory_space<vmem>>, %arg9: memref<79x128xi32, #tpu.memory_space<vmem>>, %arg10: memref<128x64xf32, #tpu.memory_space<vmem>>, %arg11: memref<128x64xf32, #tpu.memory_space<vmem>>, %arg12: memref<128x64xf32, #tpu.memory_space<vmem>>, %arg13: memref<128x64xf32, #tpu.memory_space<vmem>>, %arg14: memref<!tpu.dma_semaphore, #tpu.memory_space<semaphore_mem>>, %arg15: memref<!tpu.dma_semaphore, #tpu.memory_space<semaphore_mem>>, %arg16: memref<!tpu.dma_semaphore, #tpu.memory_space<semaphore_mem>>, %arg17: memref<!tpu.dma_semaphore, #tpu.memory_space<semaphore_mem>>) attributes {dimension_semantics = [#tpu.dimension_semantics<core_parallel>, #tpu.dimension_semantics<subcore_parallel>], iteration_bounds = array<i64: 2, 16>, scalar_prefetch = 0 : i64, scratch_operands = 10 : i64, tpu.core_type = #tpu.core_type<sc_vector_subcore>, window_params = [{transform_indices = #map}, {transform_indices = #map}, {transform_indices = #map1}, {transform_indices = #map1}, {transform_indices = #map}, {transform_indices = #map}]} {
    %mul3A = arith.constant 2 : i32
    %mul3A_0 = arith.muli %arg1, %mul3A : i32
    %add3A = arith.addi %mul3A_0, %arg0 : i32
    %mul3A_1 = arith.constant 10000 : i32
    %mul3A_2 = arith.muli %add3A, %mul3A_1 : i32
    "tpu.region"() ({
      %run_scoped3A = tpu.sem_alloc : memref<!tpu.dma_semaphore, #tpu.memory_space<semaphore_mem>>
      %dma_start3A_36 = arith.constant 0 : i32
      %dma_start3A_37 = arith.constant 0 : i32
      %dma_start3A_38 = tpu.memref_slice %arg4[%add3A, %dma_start3A_36, %dma_start3A_37] : memref<32x79x128xi32, #tpu.memory_space<hbm>> -> memref<1x79x128xi32, #tpu.memory_space<hbm>>
      %dma_start3A_39 = tpu.memref_squeeze %dma_start3A_38 : memref<1x79x128xi32, #tpu.memory_space<hbm>> -> memref<79x128xi32, #tpu.memory_space<hbm>>
      %dma_start3A_40 = arith.constant 0 : i32
      %dma_start3A_41 = arith.constant 0 : i32
      %dma_start3A_42 = tpu.memref_slice %arg4[%add3A, %dma_start3A_40, %dma_start3A_41] : memref<32x79x128xi32, #tpu.memory_space<hbm>> -> memref<1x79x128xi32, #tpu.memory_space<hbm>>
      %dma_start3A_43 = tpu.memref_squeeze %dma_start3A_42 : memref<1x79x128xi32, #tpu.memory_space<hbm>> -> memref<79x128xi32, #tpu.memory_space<hbm>>
      tpu.enqueue_dma source(%dma_start3A_43 : memref<79x128xi32, #tpu.memory_space<hbm>>) target(%arg8 : memref<79x128xi32, #tpu.memory_space<vmem>>) target_semaphore(%run_scoped3A : memref<!tpu.dma_semaphore, #tpu.memory_space<semaphore_mem>>)
      %dma_wait3A_44 = arith.constant 0 : i32
      %dma_wait3A_45 = arith.constant 0 : i32
      %dma_wait3A_46 = tpu.memref_slice %arg4[%add3A, %dma_wait3A_44, %dma_wait3A_45] : memref<32x79x128xi32, #tpu.memory_space<hbm>> -> memref<1x79x128xi32, #tpu.memory_space<hbm>>
      %dma_wait3A_47 = tpu.memref_squeeze %dma_wait3A_46 : memref<1x79x128xi32, #tpu.memory_space<hbm>> -> memref<79x128xi32, #tpu.memory_space<hbm>>
      %dma_wait3A_48 = arith.constant 0 : i32
      %dma_wait3A_49 = arith.constant 0 : i32
      %dma_wait3A_50 = tpu.memref_slice %arg4[%add3A, %dma_wait3A_48, %dma_wait3A_49] : memref<32x79x128xi32, #tpu.memory_space<hbm>> -> memref<1x79x128xi32, #tpu.memory_space<hbm>>
      %dma_wait3A_51 = tpu.memref_squeeze %dma_wait3A_50 : memref<1x79x128xi32, #tpu.memory_space<hbm>> -> memref<79x128xi32, #tpu.memory_space<hbm>>
      tpu.wait_dma2 semaphore(%run_scoped3A : memref<!tpu.dma_semaphore, #tpu.memory_space<semaphore_mem>>) src(%dma_wait3A_51 : memref<79x128xi32, #tpu.memory_space<hbm>>) dst(%arg8 : memref<79x128xi32, #tpu.memory_space<vmem>>)
      tpu.yield
    }) : () -> ()
    "tpu.region"() ({
      %run_scoped3A = tpu.sem_alloc : memref<!tpu.dma_semaphore, #tpu.memory_space<semaphore_mem>>
      %dma_start3A_36 = arith.constant 0 : i32
      %dma_start3A_37 = arith.constant 0 : i32
      %dma_start3A_38 = tpu.memref_slice %arg5[%add3A, %dma_start3A_36, %dma_start3A_37] : memref<32x79x128xi32, #tpu.memory_space<hbm>> -> memref<1x79x128xi32, #tpu.memory_space<hbm>>
      %dma_start3A_39 = tpu.memref_squeeze %dma_start3A_38 : memref<1x79x128xi32, #tpu.memory_space<hbm>> -> memref<79x128xi32, #tpu.memory_space<hbm>>
      %dma_start3A_40 = arith.constant 0 : i32
      %dma_start3A_41 = arith.constant 0 : i32
      %dma_start3A_42 = tpu.memref_slice %arg5[%add3A, %dma_start3A_40, %dma_start3A_41] : memref<32x79x128xi32, #tpu.memory_space<hbm>> -> memref<1x79x128xi32, #tpu.memory_space<hbm>>
      %dma_start3A_43 = tpu.memref_squeeze %dma_start3A_42 : memref<1x79x128xi32, #tpu.memory_space<hbm>> -> memref<79x128xi32, #tpu.memory_space<hbm>>
      tpu.enqueue_dma source(%dma_start3A_43 : memref<79x128xi32, #tpu.memory_space<hbm>>) target(%arg9 : memref<79x128xi32, #tpu.memory_space<vmem>>) target_semaphore(%run_scoped3A : memref<!tpu.dma_semaphore, #tpu.memory_space<semaphore_mem>>)
      %dma_wait3A_44 = arith.constant 0 : i32
      %dma_wait3A_45 = arith.constant 0 : i32
      %dma_wait3A_46 = tpu.memref_slice %arg5[%add3A, %dma_wait3A_44, %dma_wait3A_45] : memref<32x79x128xi32, #tpu.memory_space<hbm>> -> memref<1x79x128xi32, #tpu.memory_space<hbm>>
      %dma_wait3A_47 = tpu.memref_squeeze %dma_wait3A_46 : memref<1x79x128xi32, #tpu.memory_space<hbm>> -> memref<79x128xi32, #tpu.memory_space<hbm>>
      %dma_wait3A_48 = arith.constant 0 : i32
      %dma_wait3A_49 = arith.constant 0 : i32
      %dma_wait3A_50 = tpu.memref_slice %arg5[%add3A, %dma_wait3A_48, %dma_wait3A_49] : memref<32x79x128xi32, #tpu.memory_space<hbm>> -> memref<1x79x128xi32, #tpu.memory_space<hbm>>
      %dma_wait3A_51 = tpu.memref_squeeze %dma_wait3A_50 : memref<1x79x128xi32, #tpu.memory_space<hbm>> -> memref<79x128xi32, #tpu.memory_space<hbm>>
      tpu.wait_dma2 semaphore(%run_scoped3A : memref<!tpu.dma_semaphore, #tpu.memory_space<semaphore_mem>>) src(%dma_wait3A_51 : memref<79x128xi32, #tpu.memory_space<hbm>>) dst(%arg9 : memref<79x128xi32, #tpu.memory_space<vmem>>)
      tpu.yield
    }) : () -> ()
    %dma_start3A = arith.constant 0 : i32
    %dma_start3A_3 = arith.constant 0 : i32
    %dma_start3A_4 = tpu.memref_slice %arg8[%dma_start3A, %dma_start3A_3] : memref<79x128xi32, #tpu.memory_space<vmem>> -> memref<1x128xi32, #tpu.memory_space<vmem>>
    %dma_start3A_5 = tpu.memref_squeeze %dma_start3A_4 : memref<1x128xi32, #tpu.memory_space<vmem>> -> memref<128xi32, #tpu.memory_space<vmem>>
    %dma_start3A_6 = arith.constant 0 : i32
    %dma_start3A_7 = arith.constant 0 : i32
    %dma_start3A_8 = tpu.memref_slice %arg2[%dma_start3A_6, %dma_start3A_7] : memref<10000x64xf32, #tpu.memory_space<hbm>> -> memref<10000x64xf32, #tpu.memory_space<hbm>>
    tpu.enqueue_indirect_dma source(%dma_start3A_8 : memref<10000x64xf32, #tpu.memory_space<hbm>>) target(%arg10 : memref<128x64xf32, #tpu.memory_space<vmem>>) offsets(%dma_start3A_5 : memref<128xi32, #tpu.memory_space<vmem>>) semaphore(%arg14 : memref<!tpu.dma_semaphore, #tpu.memory_space<semaphore_mem>>)
    %dma_start3A_9 = arith.constant 0 : i32
    %dma_start3A_10 = arith.constant 0 : i32
    %dma_start3A_11 = tpu.memref_slice %arg9[%dma_start3A_9, %dma_start3A_10] : memref<79x128xi32, #tpu.memory_space<vmem>> -> memref<1x128xi32, #tpu.memory_space<vmem>>
    %dma_start3A_12 = tpu.memref_squeeze %dma_start3A_11 : memref<1x128xi32, #tpu.memory_space<vmem>> -> memref<128xi32, #tpu.memory_space<vmem>>
    %dma_start3A_13 = arith.constant 0 : i32
    %dma_start3A_14 = arith.constant 0 : i32
    %dma_start3A_15 = tpu.memref_slice %arg3[%dma_start3A_13, %dma_start3A_14] : memref<10000x64xf32, #tpu.memory_space<hbm>> -> memref<10000x64xf32, #tpu.memory_space<hbm>>
    tpu.enqueue_indirect_dma source(%dma_start3A_15 : memref<10000x64xf32, #tpu.memory_space<hbm>>) target(%arg11 : memref<128x64xf32, #tpu.memory_space<vmem>>) offsets(%dma_start3A_12 : memref<128xi32, #tpu.memory_space<vmem>>) semaphore(%arg14 : memref<!tpu.dma_semaphore, #tpu.memory_space<semaphore_mem>>)
    %scan3A = arith.constant 0 : i32
    %scan3A_16 = arith.constant 0 : i32
    %scan3A_17 = arith.constant 39 : i32
    %scan3A_18 = arith.addi %scan3A_16, %scan3A_17 : i32
    %scan3A_19 = arith.constant 1 : i32
    scf.for %scan3A_36 = %scan3A_16 to %scan3A_18 step %scan3A_19  : i32 {
      %mul3A_37 = arith.constant 2 : i32
      %mul3A_38 = arith.muli %mul3A_37, %scan3A_36 : i32
      %add3A_39 = arith.constant 1 : i32
      %add3A_40 = arith.addi %mul3A_38, %add3A_39 : i32
      %dma_start3A_41 = arith.constant 0 : i32
      %dma_start3A_42 = tpu.memref_slice %arg8[%add3A_40, %dma_start3A_41] : memref<79x128xi32, #tpu.memory_space<vmem>> -> memref<1x128xi32, #tpu.memory_space<vmem>>
      %dma_start3A_43 = tpu.memref_squeeze %dma_start3A_42 : memref<1x128xi32, #tpu.memory_space<vmem>> -> memref<128xi32, #tpu.memory_space<vmem>>
      %dma_start3A_44 = arith.constant 0 : i32
      %dma_start3A_45 = arith.constant 0 : i32
      %dma_start3A_46 = tpu.memref_slice %arg2[%dma_start3A_44, %dma_start3A_45] : memref<10000x64xf32, #tpu.memory_space<hbm>> -> memref<10000x64xf32, #tpu.memory_space<hbm>>
      tpu.enqueue_indirect_dma source(%dma_start3A_46 : memref<10000x64xf32, #tpu.memory_space<hbm>>) target(%arg12 : memref<128x64xf32, #tpu.memory_space<vmem>>) offsets(%dma_start3A_43 : memref<128xi32, #tpu.memory_space<vmem>>) semaphore(%arg15 : memref<!tpu.dma_semaphore, #tpu.memory_space<semaphore_mem>>)
      %add3A_47 = arith.constant 1 : i32
      %add3A_48 = arith.addi %mul3A_38, %add3A_47 : i32
      %dma_start3A_49 = arith.constant 0 : i32
      %dma_start3A_50 = tpu.memref_slice %arg9[%add3A_48, %dma_start3A_49] : memref<79x128xi32, #tpu.memory_space<vmem>> -> memref<1x128xi32, #tpu.memory_space<vmem>>
      %dma_start3A_51 = tpu.memref_squeeze %dma_start3A_50 : memref<1x128xi32, #tpu.memory_space<vmem>> -> memref<128xi32, #tpu.memory_space<vmem>>
      %dma_start3A_52 = arith.constant 0 : i32
      %dma_start3A_53 = arith.constant 0 : i32
      %dma_start3A_54 = tpu.memref_slice %arg3[%dma_start3A_52, %dma_start3A_53] : memref<10000x64xf32, #tpu.memory_space<hbm>> -> memref<10000x64xf32, #tpu.memory_space<hbm>>
      tpu.enqueue_indirect_dma source(%dma_start3A_54 : memref<10000x64xf32, #tpu.memory_space<hbm>>) target(%arg13 : memref<128x64xf32, #tpu.memory_space<vmem>>) offsets(%dma_start3A_51 : memref<128xi32, #tpu.memory_space<vmem>>) semaphore(%arg15 : memref<!tpu.dma_semaphore, #tpu.memory_space<semaphore_mem>>)
      %dma_wait3A_55 = arith.constant 0 : i32
      %dma_wait3A_56 = tpu.memref_slice %arg8[%mul3A_38, %dma_wait3A_55] : memref<79x128xi32, #tpu.memory_space<vmem>> -> memref<1x128xi32, #tpu.memory_space<vmem>>
      %dma_wait3A_57 = tpu.memref_squeeze %dma_wait3A_56 : memref<1x128xi32, #tpu.memory_space<vmem>> -> memref<128xi32, #tpu.memory_space<vmem>>
      %dma_wait3A_58 = arith.constant 0 : i32
      %dma_wait3A_59 = arith.constant 0 : i32
      %dma_wait3A_60 = tpu.memref_slice %arg2[%dma_wait3A_58, %dma_wait3A_59] : memref<10000x64xf32, #tpu.memory_space<hbm>> -> memref<10000x64xf32, #tpu.memory_space<hbm>>
      tpu.wait_indirect_dma semaphore(%arg14 : memref<!tpu.dma_semaphore, #tpu.memory_space<semaphore_mem>>) src(%dma_wait3A_60 : memref<10000x64xf32, #tpu.memory_space<hbm>>) dst(%arg10 : memref<128x64xf32, #tpu.memory_space<vmem>>)
      %dma_wait3A_61 = arith.constant 0 : i32
      %dma_wait3A_62 = tpu.memref_slice %arg9[%mul3A_38, %dma_wait3A_61] : memref<79x128xi32, #tpu.memory_space<vmem>> -> memref<1x128xi32, #tpu.memory_space<vmem>>
      %dma_wait3A_63 = tpu.memref_squeeze %dma_wait3A_62 : memref<1x128xi32, #tpu.memory_space<vmem>> -> memref<128xi32, #tpu.memory_space<vmem>>
      %dma_wait3A_64 = arith.constant 0 : i32
      %dma_wait3A_65 = arith.constant 0 : i32
      %dma_wait3A_66 = tpu.memref_slice %arg3[%dma_wait3A_64, %dma_wait3A_65] : memref<10000x64xf32, #tpu.memory_space<hbm>> -> memref<10000x64xf32, #tpu.memory_space<hbm>>
      tpu.wait_indirect_dma semaphore(%arg14 : memref<!tpu.dma_semaphore, #tpu.memory_space<semaphore_mem>>) src(%dma_wait3A_66 : memref<10000x64xf32, #tpu.memory_space<hbm>>) dst(%arg11 : memref<128x64xf32, #tpu.memory_space<vmem>>)
      %mul3A_67 = arith.constant 128 : i32
      %mul3A_68 = arith.muli %mul3A_38, %mul3A_67 : i32
      %add3A_69 = arith.addi %mul3A_2, %mul3A_68 : i32
      %dma_start3A_70 = arith.constant 0 : i32
      %dma_start3A_71 = tpu.memref_slice %arg6[%add3A_69, %dma_start3A_70] : memref<320000x64xf32, #tpu.memory_space<hbm>> -> memref<128x64xf32, #tpu.memory_space<hbm>>
      %dma_start3A_72 = arith.constant 0 : i32
      %dma_start3A_73 = tpu.memref_slice %arg6[%add3A_69, %dma_start3A_72] : memref<320000x64xf32, #tpu.memory_space<hbm>> -> memref<128x64xf32, #tpu.memory_space<hbm>>
      tpu.enqueue_dma source(%arg10 : memref<128x64xf32, #tpu.memory_space<vmem>>) target(%dma_start3A_73 : memref<128x64xf32, #tpu.memory_space<hbm>>) target_semaphore(%arg16 : memref<!tpu.dma_semaphore, #tpu.memory_space<semaphore_mem>>)
      %dma_start3A_74 = arith.constant 0 : i32
      %dma_start3A_75 = tpu.memref_slice %arg7[%add3A_69, %dma_start3A_74] : memref<320000x64xf32, #tpu.memory_space<hbm>> -> memref<128x64xf32, #tpu.memory_space<hbm>>
      %dma_start3A_76 = arith.constant 0 : i32
      %dma_start3A_77 = tpu.memref_slice %arg7[%add3A_69, %dma_start3A_76] : memref<320000x64xf32, #tpu.memory_space<hbm>> -> memref<128x64xf32, #tpu.memory_space<hbm>>
      tpu.enqueue_dma source(%arg11 : memref<128x64xf32, #tpu.memory_space<vmem>>) target(%dma_start3A_77 : memref<128x64xf32, #tpu.memory_space<hbm>>) target_semaphore(%arg16 : memref<!tpu.dma_semaphore, #tpu.memory_space<semaphore_mem>>)
      %dma_wait3A_78 = arith.constant 0 : i32
      %dma_wait3A_79 = tpu.memref_slice %arg6[%add3A_69, %dma_wait3A_78] : memref<320000x64xf32, #tpu.memory_space<hbm>> -> memref<128x64xf32, #tpu.memory_space<hbm>>
      %dma_wait3A_80 = arith.constant 0 : i32
      %dma_wait3A_81 = tpu.memref_slice %arg6[%add3A_69, %dma_wait3A_80] : memref<320000x64xf32, #tpu.memory_space<hbm>> -> memref<128x64xf32, #tpu.memory_space<hbm>>
      tpu.wait_dma2 semaphore(%arg16 : memref<!tpu.dma_semaphore, #tpu.memory_space<semaphore_mem>>) src(%arg10 : memref<128x64xf32, #tpu.memory_space<vmem>>) dst(%dma_wait3A_81 : memref<128x64xf32, #tpu.memory_space<hbm>>)
      %dma_wait3A_82 = arith.constant 0 : i32
      %dma_wait3A_83 = tpu.memref_slice %arg7[%add3A_69, %dma_wait3A_82] : memref<320000x64xf32, #tpu.memory_space<hbm>> -> memref<128x64xf32, #tpu.memory_space<hbm>>
      %dma_wait3A_84 = arith.constant 0 : i32
      %dma_wait3A_85 = tpu.memref_slice %arg7[%add3A_69, %dma_wait3A_84] : memref<320000x64xf32, #tpu.memory_space<hbm>> -> memref<128x64xf32, #tpu.memory_space<hbm>>
      tpu.wait_dma2 semaphore(%arg16 : memref<!tpu.dma_semaphore, #tpu.memory_space<semaphore_mem>>) src(%arg11 : memref<128x64xf32, #tpu.memory_space<vmem>>) dst(%dma_wait3A_85 : memref<128x64xf32, #tpu.memory_space<hbm>>)
      %add3A_86 = arith.constant 2 : i32
      %add3A_87 = arith.addi %mul3A_38, %add3A_86 : i32
      %dma_start3A_88 = arith.constant 0 : i32
      %dma_start3A_89 = tpu.memref_slice %arg8[%add3A_87, %dma_start3A_88] : memref<79x128xi32, #tpu.memory_space<vmem>> -> memref<1x128xi32, #tpu.memory_space<vmem>>
      %dma_start3A_90 = tpu.memref_squeeze %dma_start3A_89 : memref<1x128xi32, #tpu.memory_space<vmem>> -> memref<128xi32, #tpu.memory_space<vmem>>
      %dma_start3A_91 = arith.constant 0 : i32
      %dma_start3A_92 = arith.constant 0 : i32
      %dma_start3A_93 = tpu.memref_slice %arg2[%dma_start3A_91, %dma_start3A_92] : memref<10000x64xf32, #tpu.memory_space<hbm>> -> memref<10000x64xf32, #tpu.memory_space<hbm>>
      tpu.enqueue_indirect_dma source(%dma_start3A_93 : memref<10000x64xf32, #tpu.memory_space<hbm>>) target(%arg10 : memref<128x64xf32, #tpu.memory_space<vmem>>) offsets(%dma_start3A_90 : memref<128xi32, #tpu.memory_space<vmem>>) semaphore(%arg14 : memref<!tpu.dma_semaphore, #tpu.memory_space<semaphore_mem>>)
      %add3A_94 = arith.constant 2 : i32
      %add3A_95 = arith.addi %mul3A_38, %add3A_94 : i32
      %dma_start3A_96 = arith.constant 0 : i32
      %dma_start3A_97 = tpu.memref_slice %arg9[%add3A_95, %dma_start3A_96] : memref<79x128xi32, #tpu.memory_space<vmem>> -> memref<1x128xi32, #tpu.memory_space<vmem>>
      %dma_start3A_98 = tpu.memref_squeeze %dma_start3A_97 : memref<1x128xi32, #tpu.memory_space<vmem>> -> memref<128xi32, #tpu.memory_space<vmem>>
      %dma_start3A_99 = arith.constant 0 : i32
      %dma_start3A_100 = arith.constant 0 : i32
      %dma_start3A_101 = tpu.memref_slice %arg3[%dma_start3A_99, %dma_start3A_100] : memref<10000x64xf32, #tpu.memory_space<hbm>> -> memref<10000x64xf32, #tpu.memory_space<hbm>>
      tpu.enqueue_indirect_dma source(%dma_start3A_101 : memref<10000x64xf32, #tpu.memory_space<hbm>>) target(%arg11 : memref<128x64xf32, #tpu.memory_space<vmem>>) offsets(%dma_start3A_98 : memref<128xi32, #tpu.memory_space<vmem>>) semaphore(%arg14 : memref<!tpu.dma_semaphore, #tpu.memory_space<semaphore_mem>>)
      %add3A_102 = arith.constant 1 : i32
      %add3A_103 = arith.addi %mul3A_38, %add3A_102 : i32
      %dma_wait3A_104 = arith.constant 0 : i32
      %dma_wait3A_105 = tpu.memref_slice %arg8[%add3A_103, %dma_wait3A_104] : memref<79x128xi32, #tpu.memory_space<vmem>> -> memref<1x128xi32, #tpu.memory_space<vmem>>
      %dma_wait3A_106 = tpu.memref_squeeze %dma_wait3A_105 : memref<1x128xi32, #tpu.memory_space<vmem>> -> memref<128xi32, #tpu.memory_space<vmem>>
      %dma_wait3A_107 = arith.constant 0 : i32
      %dma_wait3A_108 = arith.constant 0 : i32
      %dma_wait3A_109 = tpu.memref_slice %arg2[%dma_wait3A_107, %dma_wait3A_108] : memref<10000x64xf32, #tpu.memory_space<hbm>> -> memref<10000x64xf32, #tpu.memory_space<hbm>>
      tpu.wait_indirect_dma semaphore(%arg15 : memref<!tpu.dma_semaphore, #tpu.memory_space<semaphore_mem>>) src(%dma_wait3A_109 : memref<10000x64xf32, #tpu.memory_space<hbm>>) dst(%arg12 : memref<128x64xf32, #tpu.memory_space<vmem>>)
      %add3A_110 = arith.constant 1 : i32
      %add3A_111 = arith.addi %mul3A_38, %add3A_110 : i32
      %dma_wait3A_112 = arith.constant 0 : i32
      %dma_wait3A_113 = tpu.memref_slice %arg9[%add3A_111, %dma_wait3A_112] : memref<79x128xi32, #tpu.memory_space<vmem>> -> memref<1x128xi32, #tpu.memory_space<vmem>>
      %dma_wait3A_114 = tpu.memref_squeeze %dma_wait3A_113 : memref<1x128xi32, #tpu.memory_space<vmem>> -> memref<128xi32, #tpu.memory_space<vmem>>
      %dma_wait3A_115 = arith.constant 0 : i32
      %dma_wait3A_116 = arith.constant 0 : i32
      %dma_wait3A_117 = tpu.memref_slice %arg3[%dma_wait3A_115, %dma_wait3A_116] : memref<10000x64xf32, #tpu.memory_space<hbm>> -> memref<10000x64xf32, #tpu.memory_space<hbm>>
      tpu.wait_indirect_dma semaphore(%arg15 : memref<!tpu.dma_semaphore, #tpu.memory_space<semaphore_mem>>) src(%dma_wait3A_117 : memref<10000x64xf32, #tpu.memory_space<hbm>>) dst(%arg13 : memref<128x64xf32, #tpu.memory_space<vmem>>)
      %add3A_118 = arith.constant 128 : i32
      %add3A_119 = arith.addi %add3A_69, %add3A_118 : i32
      %dma_start3A_120 = arith.constant 0 : i32
      %dma_start3A_121 = tpu.memref_slice %arg6[%add3A_119, %dma_start3A_120] : memref<320000x64xf32, #tpu.memory_space<hbm>> -> memref<128x64xf32, #tpu.memory_space<hbm>>
      %dma_start3A_122 = arith.constant 0 : i32
      %dma_start3A_123 = tpu.memref_slice %arg6[%add3A_119, %dma_start3A_122] : memref<320000x64xf32, #tpu.memory_space<hbm>> -> memref<128x64xf32, #tpu.memory_space<hbm>>
      tpu.enqueue_dma source(%arg12 : memref<128x64xf32, #tpu.memory_space<vmem>>) target(%dma_start3A_123 : memref<128x64xf32, #tpu.memory_space<hbm>>) target_semaphore(%arg17 : memref<!tpu.dma_semaphore, #tpu.memory_space<semaphore_mem>>)
      %dma_start3A_124 = arith.constant 0 : i32
      %dma_start3A_125 = tpu.memref_slice %arg7[%add3A_119, %dma_start3A_124] : memref<320000x64xf32, #tpu.memory_space<hbm>> -> memref<128x64xf32, #tpu.memory_space<hbm>>
      %dma_start3A_126 = arith.constant 0 : i32
      %dma_start3A_127 = tpu.memref_slice %arg7[%add3A_119, %dma_start3A_126] : memref<320000x64xf32, #tpu.memory_space<hbm>> -> memref<128x64xf32, #tpu.memory_space<hbm>>
      tpu.enqueue_dma source(%arg13 : memref<128x64xf32, #tpu.memory_space<vmem>>) target(%dma_start3A_127 : memref<128x64xf32, #tpu.memory_space<hbm>>) target_semaphore(%arg17 : memref<!tpu.dma_semaphore, #tpu.memory_space<semaphore_mem>>)
      %dma_wait3A_128 = arith.constant 0 : i32
      %dma_wait3A_129 = tpu.memref_slice %arg6[%add3A_119, %dma_wait3A_128] : memref<320000x64xf32, #tpu.memory_space<hbm>> -> memref<128x64xf32, #tpu.memory_space<hbm>>
      %dma_wait3A_130 = arith.constant 0 : i32
      %dma_wait3A_131 = tpu.memref_slice %arg6[%add3A_119, %dma_wait3A_130] : memref<320000x64xf32, #tpu.memory_space<hbm>> -> memref<128x64xf32, #tpu.memory_space<hbm>>
      tpu.wait_dma2 semaphore(%arg17 : memref<!tpu.dma_semaphore, #tpu.memory_space<semaphore_mem>>) src(%arg12 : memref<128x64xf32, #tpu.memory_space<vmem>>) dst(%dma_wait3A_131 : memref<128x64xf32, #tpu.memory_space<hbm>>)
      %dma_wait3A_132 = arith.constant 0 : i32
      %dma_wait3A_133 = tpu.memref_slice %arg7[%add3A_119, %dma_wait3A_132] : memref<320000x64xf32, #tpu.memory_space<hbm>> -> memref<128x64xf32, #tpu.memory_space<hbm>>
      %dma_wait3A_134 = arith.constant 0 : i32
      %dma_wait3A_135 = tpu.memref_slice %arg7[%add3A_119, %dma_wait3A_134] : memref<320000x64xf32, #tpu.memory_space<hbm>> -> memref<128x64xf32, #tpu.memory_space<hbm>>
      tpu.wait_dma2 semaphore(%arg17 : memref<!tpu.dma_semaphore, #tpu.memory_space<semaphore_mem>>) src(%arg13 : memref<128x64xf32, #tpu.memory_space<vmem>>) dst(%dma_wait3A_135 : memref<128x64xf32, #tpu.memory_space<hbm>>)
    }
    %scan3A_20 = arith.constant 39 : i32
    %dma_wait3A = arith.constant 78 : i32
    %dma_wait3A_21 = arith.constant 0 : i32
    %dma_wait3A_22 = tpu.memref_slice %arg8[%dma_wait3A, %dma_wait3A_21] : memref<79x128xi32, #tpu.memory_space<vmem>> -> memref<1x128xi32, #tpu.memory_space<vmem>>
    %dma_wait3A_23 = tpu.memref_squeeze %dma_wait3A_22 : memref<1x128xi32, #tpu.memory_space<vmem>> -> memref<128xi32, #tpu.memory_space<vmem>>
    %dma_wait3A_24 = arith.constant 0 : i32
    %dma_wait3A_25 = arith.constant 0 : i32
    %dma_wait3A_26 = tpu.memref_slice %arg2[%dma_wait3A_24, %dma_wait3A_25] : memref<10000x64xf32, #tpu.memory_space<hbm>> -> memref<10000x64xf32, #tpu.memory_space<hbm>>
    tpu.wait_indirect_dma semaphore(%arg14 : memref<!tpu.dma_semaphore, #tpu.memory_space<semaphore_mem>>) src(%dma_wait3A_26 : memref<10000x64xf32, #tpu.memory_space<hbm>>) dst(%arg10 : memref<128x64xf32, #tpu.memory_space<vmem>>)
    %dma_wait3A_27 = arith.constant 78 : i32
    %dma_wait3A_28 = arith.constant 0 : i32
    %dma_wait3A_29 = tpu.memref_slice %arg9[%dma_wait3A_27, %dma_wait3A_28] : memref<79x128xi32, #tpu.memory_space<vmem>> -> memref<1x128xi32, #tpu.memory_space<vmem>>
    %dma_wait3A_30 = tpu.memref_squeeze %dma_wait3A_29 : memref<1x128xi32, #tpu.memory_space<vmem>> -> memref<128xi32, #tpu.memory_space<vmem>>
    %dma_wait3A_31 = arith.constant 0 : i32
    %dma_wait3A_32 = arith.constant 0 : i32
    %dma_wait3A_33 = tpu.memref_slice %arg3[%dma_wait3A_31, %dma_wait3A_32] : memref<10000x64xf32, #tpu.memory_space<hbm>> -> memref<10000x64xf32, #tpu.memory_space<hbm>>
    tpu.wait_indirect_dma semaphore(%arg14 : memref<!tpu.dma_semaphore, #tpu.memory_space<semaphore_mem>>) src(%dma_wait3A_33 : memref<10000x64xf32, #tpu.memory_space<hbm>>) dst(%arg11 : memref<128x64xf32, #tpu.memory_space<vmem>>)
    %add3A_34 = arith.constant 9984 : i32
    %add3A_35 = arith.addi %mul3A_2, %add3A_34 : i32
    "tpu.region"() ({
      %run_scoped3A = tpu.sem_alloc : memref<!tpu.dma_semaphore, #tpu.memory_space<semaphore_mem>>
      %dma_start3A_36 = arith.constant 0 : i32
      %dma_start3A_37 = arith.constant 0 : i32
      %dma_start3A_38 = tpu.memref_slice %arg10[%dma_start3A_36, %dma_start3A_37] : memref<128x64xf32, #tpu.memory_space<vmem>> -> memref<16x64xf32, #tpu.memory_space<vmem>>
      %dma_start3A_39 = arith.constant 0 : i32
      %dma_start3A_40 = tpu.memref_slice %arg6[%add3A_35, %dma_start3A_39] : memref<320000x64xf32, #tpu.memory_space<hbm>> -> memref<16x64xf32, #tpu.memory_space<hbm>>
      %dma_start3A_41 = arith.constant 0 : i32
      %dma_start3A_42 = tpu.memref_slice %arg6[%add3A_35, %dma_start3A_41] : memref<320000x64xf32, #tpu.memory_space<hbm>> -> memref<16x64xf32, #tpu.memory_space<hbm>>
      %dma_start3A_43 = arith.constant 0 : i32
      %dma_start3A_44 = arith.constant 0 : i32
      %dma_start3A_45 = tpu.memref_slice %arg10[%dma_start3A_43, %dma_start3A_44] : memref<128x64xf32, #tpu.memory_space<vmem>> -> memref<16x64xf32, #tpu.memory_space<vmem>>
      tpu.enqueue_dma source(%dma_start3A_45 : memref<16x64xf32, #tpu.memory_space<vmem>>) target(%dma_start3A_42 : memref<16x64xf32, #tpu.memory_space<hbm>>) target_semaphore(%run_scoped3A : memref<!tpu.dma_semaphore, #tpu.memory_space<semaphore_mem>>)
      %dma_wait3A_46 = arith.constant 0 : i32
      %dma_wait3A_47 = arith.constant 0 : i32
      %dma_wait3A_48 = tpu.memref_slice %arg10[%dma_wait3A_46, %dma_wait3A_47] : memref<128x64xf32, #tpu.memory_space<vmem>> -> memref<16x64xf32, #tpu.memory_space<vmem>>
      %dma_wait3A_49 = arith.constant 0 : i32
      %dma_wait3A_50 = tpu.memref_slice %arg6[%add3A_35, %dma_wait3A_49] : memref<320000x64xf32, #tpu.memory_space<hbm>> -> memref<16x64xf32, #tpu.memory_space<hbm>>
      %dma_wait3A_51 = arith.constant 0 : i32
      %dma_wait3A_52 = tpu.memref_slice %arg6[%add3A_35, %dma_wait3A_51] : memref<320000x64xf32, #tpu.memory_space<hbm>> -> memref<16x64xf32, #tpu.memory_space<hbm>>
      %dma_wait3A_53 = arith.constant 0 : i32
      %dma_wait3A_54 = arith.constant 0 : i32
      %dma_wait3A_55 = tpu.memref_slice %arg10[%dma_wait3A_53, %dma_wait3A_54] : memref<128x64xf32, #tpu.memory_space<vmem>> -> memref<16x64xf32, #tpu.memory_space<vmem>>
      tpu.wait_dma2 semaphore(%run_scoped3A : memref<!tpu.dma_semaphore, #tpu.memory_space<semaphore_mem>>) src(%dma_wait3A_55 : memref<16x64xf32, #tpu.memory_space<vmem>>) dst(%dma_wait3A_52 : memref<16x64xf32, #tpu.memory_space<hbm>>)
      tpu.yield
    }) : () -> ()
    "tpu.region"() ({
      %run_scoped3A = tpu.sem_alloc : memref<!tpu.dma_semaphore, #tpu.memory_space<semaphore_mem>>
      %dma_start3A_36 = arith.constant 0 : i32
      %dma_start3A_37 = arith.constant 0 : i32
      %dma_start3A_38 = tpu.memref_slice %arg11[%dma_start3A_36, %dma_start3A_37] : memref<128x64xf32, #tpu.memory_space<vmem>> -> memref<16x64xf32, #tpu.memory_space<vmem>>
      %dma_start3A_39 = arith.constant 0 : i32
      %dma_start3A_40 = tpu.memref_slice %arg7[%add3A_35, %dma_start3A_39] : memref<320000x64xf32, #tpu.memory_space<hbm>> -> memref<16x64xf32, #tpu.memory_space<hbm>>
      %dma_start3A_41 = arith.constant 0 : i32
      %dma_start3A_42 = tpu.memref_slice %arg7[%add3A_35, %dma_start3A_41] : memref<320000x64xf32, #tpu.memory_space<hbm>> -> memref<16x64xf32, #tpu.memory_space<hbm>>
      %dma_start3A_43 = arith.constant 0 : i32
      %dma_start3A_44 = arith.constant 0 : i32
      %dma_start3A_45 = tpu.memref_slice %arg11[%dma_start3A_43, %dma_start3A_44] : memref<128x64xf32, #tpu.memory_space<vmem>> -> memref<16x64xf32, #tpu.memory_space<vmem>>
      tpu.enqueue_dma source(%dma_start3A_45 : memref<16x64xf32, #tpu.memory_space<vmem>>) target(%dma_start3A_42 : memref<16x64xf32, #tpu.memory_space<hbm>>) target_semaphore(%run_scoped3A : memref<!tpu.dma_semaphore, #tpu.memory_space<semaphore_mem>>)
      %dma_wait3A_46 = arith.constant 0 : i32
      %dma_wait3A_47 = arith.constant 0 : i32
      %dma_wait3A_48 = tpu.memref_slice %arg11[%dma_wait3A_46, %dma_wait3A_47] : memref<128x64xf32, #tpu.memory_space<vmem>> -> memref<16x64xf32, #tpu.memory_space<vmem>>
      %dma_wait3A_49 = arith.constant 0 : i32
      %dma_wait3A_50 = tpu.memref_slice %arg7[%add3A_35, %dma_wait3A_49] : memref<320000x64xf32, #tpu.memory_space<hbm>> -> memref<16x64xf32, #tpu.memory_space<hbm>>
      %dma_wait3A_51 = arith.constant 0 : i32
      %dma_wait3A_52 = tpu.memref_slice %arg7[%add3A_35, %dma_wait3A_51] : memref<320000x64xf32, #tpu.memory_space<hbm>> -> memref<16x64xf32, #tpu.memory_space<hbm>>
      %dma_wait3A_53 = arith.constant 0 : i32
      %dma_wait3A_54 = arith.constant 0 : i32
      %dma_wait3A_55 = tpu.memref_slice %arg11[%dma_wait3A_53, %dma_wait3A_54] : memref<128x64xf32, #tpu.memory_space<vmem>> -> memref<16x64xf32, #tpu.memory_space<vmem>>
      tpu.wait_dma2 semaphore(%run_scoped3A : memref<!tpu.dma_semaphore, #tpu.memory_space<semaphore_mem>>) src(%dma_wait3A_55 : memref<16x64xf32, #tpu.memory_space<vmem>>) dst(%dma_wait3A_52 : memref<16x64xf32, #tpu.memory_space<hbm>>)
      tpu.yield
    }) : () -> ()
    return
  }
}

module attributes {stable_mosaic.version = 14 : i64} {
  func.func @body(%arg0: i32, %arg1: memref<1000x128xf32, #tpu.memory_space<vmem>>, %arg2: memref<128x64xf32, #tpu.memory_space<vmem>>, %arg3: memref<1x64xf32, #tpu.memory_space<vmem>>, %arg4: memref<64x64xf32, #tpu.memory_space<vmem>>, %arg5: memref<1x64xf32, #tpu.memory_space<vmem>>, %arg6: memref<1x64xf32, #tpu.memory_space<vmem>>, %arg7: memref<1x64xf32, #tpu.memory_space<vmem>>, %arg8: memref<128x128xf32, #tpu.memory_space<vmem>>, %arg9: memref<64x64xf32, #tpu.memory_space<vmem>>, %arg10: memref<64x64xf32, #tpu.memory_space<vmem>>, %arg11: memref<64x64xf32, #tpu.memory_space<vmem>>, %arg12: memref<64x64xf32, #tpu.memory_space<vmem>>, %arg13: memref<1000x64xf32, #tpu.memory_space<vmem>>, %arg14: memref<1000x64xf32, #tpu.memory_space<vmem>>, %arg15: memref<1000x64xf32, #tpu.memory_space<vmem>>) attributes {dimension_semantics = [#tpu.dimension_semantics<arbitrary>], iteration_bounds = array<i64: 10>, scalar_prefetch = 0 : i64, scratch_operands = 0 : i64, tpu.core_type = #tpu.core_type<tc>, window_params = [{transform_indices = @transform_0, window_bounds = array<i64: 1000, 128>}, {pipeline_mode = #tpu.pipeline_mode<synchronous>, transform_indices = @transform_1, window_bounds = array<i64: 128, 64>}, {pipeline_mode = #tpu.pipeline_mode<synchronous>, transform_indices = @transform_2, window_bounds = array<i64: 1, 64>}, {pipeline_mode = #tpu.pipeline_mode<synchronous>, transform_indices = @transform_3, window_bounds = array<i64: 64, 64>}, {pipeline_mode = #tpu.pipeline_mode<synchronous>, transform_indices = @transform_4, window_bounds = array<i64: 1, 64>}, {pipeline_mode = #tpu.pipeline_mode<synchronous>, transform_indices = @transform_5, window_bounds = array<i64: 1, 64>}, {pipeline_mode = #tpu.pipeline_mode<synchronous>, transform_indices = @transform_6, window_bounds = array<i64: 1, 64>}, {pipeline_mode = #tpu.pipeline_mode<synchronous>, transform_indices = @transform_7, window_bounds = array<i64: 128, 128>}, {pipeline_mode = #tpu.pipeline_mode<synchronous>, transform_indices = @transform_8, window_bounds = array<i64: 64, 64>}, {pipeline_mode = #tpu.pipeline_mode<synchronous>, transform_indices = @transform_9, window_bounds = array<i64: 64, 64>}, {pipeline_mode = #tpu.pipeline_mode<synchronous>, transform_indices = @transform_10, window_bounds = array<i64: 64, 64>}, {pipeline_mode = #tpu.pipeline_mode<synchronous>, transform_indices = @transform_11, window_bounds = array<i64: 64, 64>}, {transform_indices = @transform_12, window_bounds = array<i64: 1000, 64>}, {transform_indices = @transform_13, window_bounds = array<i64: 1000, 64>}, {transform_indices = @transform_14, window_bounds = array<i64: 1000, 64>}]} {
    %get3A = arith.constant 0 : index
    %get3A_0 = arith.constant 0 : index
    %get3A_1 = vector.load %arg1[%get3A, %get3A_0] : memref<1000x128xf32, #tpu.memory_space<vmem>>, vector<1000x128xf32>
    %get3A_2 = arith.constant 0 : index
    %get3A_3 = arith.constant 0 : index
    %get3A_4 = vector.load %arg2[%get3A_2, %get3A_3] : memref<128x64xf32, #tpu.memory_space<vmem>>, vector<128x64xf32>
    %convert_element_type3A = arith.truncf %get3A_1 : vector<1000x128xf32> to vector<1000x128xbf16>
    %convert_element_type3A_5 = arith.truncf %get3A_4 : vector<128x64xf32> to vector<128x64xbf16>
    %dot_general3A = arith.constant dense<0.000000e+00> : vector<1000x64xf32>
    %dot_general3A_6 = tpu.matmul %convert_element_type3A, %convert_element_type3A_5, %dot_general3A {dimension_numbers = #tpu.dot_dimension_numbers<[1], [0], [0], [1], [0, 0, 1, 1], [], []>, transpose_lhs_hint = false} : vector<1000x128xbf16>, vector<128x64xbf16>, vector<1000x64xf32> -> vector<1000x64xf32>
    %get3A_7 = arith.constant 0 : index
    %get3A_8 = arith.constant 0 : index
    %get3A_9 = vector.load %arg3[%get3A_7, %get3A_8] : memref<1x64xf32, #tpu.memory_space<vmem>>, vector<1x64xf32>
    %add3A = vector.broadcast %get3A_9 : vector<1x64xf32> to vector<1000x64xf32>
    %add3A_10 = arith.addf %dot_general3A_6, %add3A : vector<1000x64xf32>
    %max3A = arith.constant 0.000000e+00 : f32
    %max3A_11 = vector.broadcast %max3A : f32 to vector<1000x64xf32>
    %max3A_12 = arith.maximumf %add3A_10, %max3A_11 : vector<1000x64xf32>
    %get3A_13 = arith.constant 0 : index
    %get3A_14 = arith.constant 0 : index
    %get3A_15 = vector.load %arg4[%get3A_13, %get3A_14] : memref<64x64xf32, #tpu.memory_space<vmem>>, vector<64x64xf32>
    %convert_element_type3A_16 = arith.truncf %max3A_12 : vector<1000x64xf32> to vector<1000x64xbf16>
    %convert_element_type3A_17 = arith.truncf %get3A_15 : vector<64x64xf32> to vector<64x64xbf16>
    %dot_general3A_18 = arith.constant dense<0.000000e+00> : vector<1000x64xf32>
    %dot_general3A_19 = tpu.matmul %convert_element_type3A_16, %convert_element_type3A_17, %dot_general3A_18 {dimension_numbers = #tpu.dot_dimension_numbers<[1], [0], [0], [1], [0, 0, 1, 1], [], []>, transpose_lhs_hint = false} : vector<1000x64xbf16>, vector<64x64xbf16>, vector<1000x64xf32> -> vector<1000x64xf32>
    %get3A_20 = arith.constant 0 : index
    %get3A_21 = arith.constant 0 : index
    %get3A_22 = vector.load %arg5[%get3A_20, %get3A_21] : memref<1x64xf32, #tpu.memory_space<vmem>>, vector<1x64xf32>
    %add3A_23 = vector.broadcast %get3A_22 : vector<1x64xf32> to vector<1000x64xf32>
    %add3A_24 = arith.addf %dot_general3A_19, %add3A_23 : vector<1000x64xf32>
    %max3A_25 = arith.constant 0.000000e+00 : f32
    %max3A_26 = vector.broadcast %max3A_25 : f32 to vector<1000x64xf32>
    %max3A_27 = arith.maximumf %add3A_24, %max3A_26 : vector<1000x64xf32>
    %mul3A = arith.mulf %max3A_27, %max3A_27 : vector<1000x64xf32>
    %concatenate3A = tpu.concatenate %max3A_27, %mul3A in 1 : vector<1000x64xf32>, vector<1000x64xf32> -> vector<1000x128xf32>
    %get3A_28 = arith.constant 0 : index
    %get3A_29 = arith.constant 0 : index
    %get3A_30 = vector.load %arg8[%get3A_28, %get3A_29] : memref<128x128xf32, #tpu.memory_space<vmem>>, vector<128x128xf32>
    %convert_element_type3A_31 = arith.truncf %concatenate3A : vector<1000x128xf32> to vector<1000x128xbf16>
    %convert_element_type3A_32 = arith.extf %convert_element_type3A_31 : vector<1000x128xbf16> to vector<1000x128xf32>
    %sub3A = arith.subf %concatenate3A, %convert_element_type3A_32 : vector<1000x128xf32>
    %convert_element_type3A_33 = arith.truncf %sub3A : vector<1000x128xf32> to vector<1000x128xbf16>
    %convert_element_type3A_34 = arith.extf %convert_element_type3A_33 : vector<1000x128xbf16> to vector<1000x128xf32>
    %sub3A_35 = arith.subf %sub3A, %convert_element_type3A_34 : vector<1000x128xf32>
    %convert_element_type3A_36 = arith.truncf %sub3A_35 : vector<1000x128xf32> to vector<1000x128xbf16>
    %convert_element_type3A_37 = arith.truncf %get3A_30 : vector<128x128xf32> to vector<128x128xbf16>
    %dot_general3A_38 = arith.constant dense<0.000000e+00> : vector<1000x128xf32>
    %dot_general3A_39 = tpu.matmul %convert_element_type3A_31, %convert_element_type3A_37, %dot_general3A_38 {dimension_numbers = #tpu.dot_dimension_numbers<[1], [0], [0], [1], [0, 0, 1, 1], [], []>, transpose_lhs_hint = false} : vector<1000x128xbf16>, vector<128x128xbf16>, vector<1000x128xf32> -> vector<1000x128xf32>
    %dot_general3A_40 = arith.constant dense<0.000000e+00> : vector<1000x128xf32>
    %dot_general3A_41 = tpu.matmul %convert_element_type3A_33, %convert_element_type3A_37, %dot_general3A_40 {dimension_numbers = #tpu.dot_dimension_numbers<[1], [0], [0], [1], [0, 0, 1, 1], [], []>, transpose_lhs_hint = false} : vector<1000x128xbf16>, vector<128x128xbf16>, vector<1000x128xf32> -> vector<1000x128xf32>
    %dot_general3A_42 = arith.constant dense<0.000000e+00> : vector<1000x128xf32>
    %dot_general3A_43 = tpu.matmul %convert_element_type3A_36, %convert_element_type3A_37, %dot_general3A_42 {dimension_numbers = #tpu.dot_dimension_numbers<[1], [0], [0], [1], [0, 0, 1, 1], [], []>, transpose_lhs_hint = false} : vector<1000x128xbf16>, vector<128x128xbf16>, vector<1000x128xf32> -> vector<1000x128xf32>
    %add3A_44 = arith.addf %dot_general3A_41, %dot_general3A_43 : vector<1000x128xf32>
    %add3A_45 = arith.addf %dot_general3A_39, %add3A_44 : vector<1000x128xf32>
    %slice3A = vector.extract_strided_slice %add3A_45 {offsets = [0, 0], sizes = [1000, 64], strides = [1, 1]} : vector<1000x128xf32> to vector<1000x64xf32>
    %slice3A_46 = vector.extract_strided_slice %add3A_45 {offsets = [0, 64], sizes = [1000, 64], strides = [1, 1]} : vector<1000x128xf32> to vector<1000x64xf32>
    %sub3A_47 = arith.subf %max3A_27, %slice3A : vector<1000x64xf32>
    %mul3A_48 = arith.mulf %slice3A, %slice3A : vector<1000x64xf32>
    %sub3A_49 = arith.subf %slice3A_46, %mul3A_48 : vector<1000x64xf32>
    %add3A_50 = arith.constant 9.99999974E-6 : f32
    %add3A_51 = vector.broadcast %add3A_50 : f32 to vector<1000x64xf32>
    %add3A_52 = arith.addf %sub3A_49, %add3A_51 : vector<1000x64xf32>
    %rsqrt3A = math.rsqrt %add3A_52 : vector<1000x64xf32>
    %mul3A_53 = arith.mulf %sub3A_47, %rsqrt3A : vector<1000x64xf32>
    %get3A_54 = arith.constant 0 : index
    %get3A_55 = arith.constant 0 : index
    %get3A_56 = vector.load %arg6[%get3A_54, %get3A_55] : memref<1x64xf32, #tpu.memory_space<vmem>>, vector<1x64xf32>
    %mul3A_57 = vector.broadcast %get3A_56 : vector<1x64xf32> to vector<1000x64xf32>
    %mul3A_58 = arith.mulf %mul3A_53, %mul3A_57 : vector<1000x64xf32>
    %get3A_59 = arith.constant 0 : index
    %get3A_60 = arith.constant 0 : index
    %get3A_61 = vector.load %arg7[%get3A_59, %get3A_60] : memref<1x64xf32, #tpu.memory_space<vmem>>, vector<1x64xf32>
    %add3A_62 = vector.broadcast %get3A_61 : vector<1x64xf32> to vector<1000x64xf32>
    %add3A_63 = arith.addf %mul3A_58, %add3A_62 : vector<1000x64xf32>
    %swap3A = arith.constant 0 : index
    %swap3A_64 = arith.constant 0 : index
    %swap3A_65 = vector.load %arg13[%swap3A, %swap3A_64] : memref<1000x64xf32, #tpu.memory_space<vmem>>, vector<1000x64xf32>
    tpu.vector_store %arg13[%swap3A, %swap3A_64], %add3A_63 {strides = array<i32>} : memref<1000x64xf32, #tpu.memory_space<vmem>>, vector<1000x64xf32>,
    %get3A_66 = arith.constant 0 : index
    %get3A_67 = arith.constant 0 : index
    %get3A_68 = vector.load %arg9[%get3A_66, %get3A_67] : memref<64x64xf32, #tpu.memory_space<vmem>>, vector<64x64xf32>
    %convert_element_type3A_69 = arith.truncf %add3A_63 : vector<1000x64xf32> to vector<1000x64xbf16>
    %convert_element_type3A_70 = arith.truncf %get3A_68 : vector<64x64xf32> to vector<64x64xbf16>
    %dot_general3A_71 = arith.constant dense<0.000000e+00> : vector<1000x64xf32>
    %dot_general3A_72 = tpu.matmul %convert_element_type3A_69, %convert_element_type3A_70, %dot_general3A_71 {dimension_numbers = #tpu.dot_dimension_numbers<[1], [0], [0], [1], [0, 0, 1, 1], [], []>, transpose_lhs_hint = false} : vector<1000x64xbf16>, vector<64x64xbf16>, vector<1000x64xf32> -> vector<1000x64xf32>
    %get3A_73 = arith.constant 0 : index
    %get3A_74 = arith.constant 0 : index
    %get3A_75 = vector.load %arg10[%get3A_73, %get3A_74] : memref<64x64xf32, #tpu.memory_space<vmem>>, vector<64x64xf32>
    %convert_element_type3A_76 = arith.truncf %add3A_63 : vector<1000x64xf32> to vector<1000x64xbf16>
    %convert_element_type3A_77 = arith.truncf %get3A_75 : vector<64x64xf32> to vector<64x64xbf16>
    %dot_general3A_78 = arith.constant dense<0.000000e+00> : vector<1000x64xf32>
    %dot_general3A_79 = tpu.matmul %convert_element_type3A_76, %convert_element_type3A_77, %dot_general3A_78 {dimension_numbers = #tpu.dot_dimension_numbers<[1], [0], [0], [1], [0, 0, 1, 1], [], []>, transpose_lhs_hint = false} : vector<1000x64xbf16>, vector<64x64xbf16>, vector<1000x64xf32> -> vector<1000x64xf32>
    %add3A_80 = arith.addf %dot_general3A_72, %dot_general3A_79 : vector<1000x64xf32>
    %swap3A_81 = arith.constant 0 : index
    %swap3A_82 = arith.constant 0 : index
    %swap3A_83 = vector.load %arg14[%swap3A_81, %swap3A_82] : memref<1000x64xf32, #tpu.memory_space<vmem>>, vector<1000x64xf32>
    tpu.vector_store %arg14[%swap3A_81, %swap3A_82], %add3A_80 {strides = array<i32>} : memref<1000x64xf32, #tpu.memory_space<vmem>>, vector<1000x64xf32>,
    %get3A_84 = arith.constant 0 : index
    %get3A_85 = arith.constant 0 : index
    %get3A_86 = vector.load %arg11[%get3A_84, %get3A_85] : memref<64x64xf32, #tpu.memory_space<vmem>>, vector<64x64xf32>
    %convert_element_type3A_87 = arith.truncf %add3A_63 : vector<1000x64xf32> to vector<1000x64xbf16>
    %convert_element_type3A_88 = arith.truncf %get3A_86 : vector<64x64xf32> to vector<64x64xbf16>
    %dot_general3A_89 = arith.constant dense<0.000000e+00> : vector<1000x64xf32>
    %dot_general3A_90 = tpu.matmul %convert_element_type3A_87, %convert_element_type3A_88, %dot_general3A_89 {dimension_numbers = #tpu.dot_dimension_numbers<[1], [0], [0], [1], [0, 0, 1, 1], [], []>, transpose_lhs_hint = false} : vector<1000x64xbf16>, vector<64x64xbf16>, vector<1000x64xf32> -> vector<1000x64xf32>
    %get3A_91 = arith.constant 0 : index
    %get3A_92 = arith.constant 0 : index
    %get3A_93 = vector.load %arg12[%get3A_91, %get3A_92] : memref<64x64xf32, #tpu.memory_space<vmem>>, vector<64x64xf32>
    %convert_element_type3A_94 = arith.truncf %add3A_63 : vector<1000x64xf32> to vector<1000x64xbf16>
    %convert_element_type3A_95 = arith.truncf %get3A_93 : vector<64x64xf32> to vector<64x64xbf16>
    %dot_general3A_96 = arith.constant dense<0.000000e+00> : vector<1000x64xf32>
    %dot_general3A_97 = tpu.matmul %convert_element_type3A_94, %convert_element_type3A_95, %dot_general3A_96 {dimension_numbers = #tpu.dot_dimension_numbers<[1], [0], [0], [1], [0, 0, 1, 1], [], []>, transpose_lhs_hint = false} : vector<1000x64xbf16>, vector<64x64xbf16>, vector<1000x64xf32> -> vector<1000x64xf32>
    %add3A_98 = arith.addf %dot_general3A_90, %dot_general3A_97 : vector<1000x64xf32>
    %swap3A_99 = arith.constant 0 : index
    %swap3A_100 = arith.constant 0 : index
    %swap3A_101 = vector.load %arg15[%swap3A_99, %swap3A_100] : memref<1000x64xf32, #tpu.memory_space<vmem>>, vector<1000x64xf32>
    tpu.vector_store %arg15[%swap3A_99, %swap3A_100], %add3A_98 {strides = array<i32>} : memref<1000x64xf32, #tpu.memory_space<vmem>>, vector<1000x64xf32>,
    return
  }
  func.func @transform_0(%arg0: i32) -> (i32, i32) {
    %c0_i32 = arith.constant 0 : i32
    %c0_i32_0 = arith.constant 0 : i32
    return %arg0, %c0_i32 : i32, i32
  }
  func.func @transform_1(%arg0: i32) -> (i32, i32) {
    %c0_i32 = arith.constant 0 : i32
    %c0_i32_0 = arith.constant 0 : i32
    %c0_i32_1 = arith.constant 0 : i32
    return %c0_i32, %c0_i32_0 : i32, i32
  }
  func.func @transform_2(%arg0: i32) -> (i32, i32) {
    %c0_i32 = arith.constant 0 : i32
    %c0_i32_0 = arith.constant 0 : i32
    %c0_i32_1 = arith.constant 0 : i32
    return %c0_i32, %c0_i32_0 : i32, i32
  }
  func.func @transform_3(%arg0: i32) -> (i32, i32) {
    %c0_i32 = arith.constant 0 : i32
    %c0_i32_0 = arith.constant 0 : i32
    %c0_i32_1 = arith.constant 0 : i32
    return %c0_i32, %c0_i32_0 : i32, i32
  }
  func.func @transform_4(%arg0: i32) -> (i32, i32) {
    %c0_i32 = arith.constant 0 : i32
    %c0_i32_0 = arith.constant 0 : i32
    %c0_i32_1 = arith.constant 0 : i32
    return %c0_i32, %c0_i32_0 : i32, i32
  }
  func.func @transform_5(%arg0: i32) -> (i32, i32) {
    %c0_i32 = arith.constant 0 : i32
    %c0_i32_0 = arith.constant 0 : i32
    %c0_i32_1 = arith.constant 0 : i32
    return %c0_i32, %c0_i32_0 : i32, i32
  }
  func.func @transform_6(%arg0: i32) -> (i32, i32) {
    %c0_i32 = arith.constant 0 : i32
    %c0_i32_0 = arith.constant 0 : i32
    %c0_i32_1 = arith.constant 0 : i32
    return %c0_i32, %c0_i32_0 : i32, i32
  }
  func.func @transform_7(%arg0: i32) -> (i32, i32) {
    %c0_i32 = arith.constant 0 : i32
    %c0_i32_0 = arith.constant 0 : i32
    %c0_i32_1 = arith.constant 0 : i32
    return %c0_i32, %c0_i32_0 : i32, i32
  }
  func.func @transform_8(%arg0: i32) -> (i32, i32) {
    %c0_i32 = arith.constant 0 : i32
    %c0_i32_0 = arith.constant 0 : i32
    %c0_i32_1 = arith.constant 0 : i32
    return %c0_i32, %c0_i32_0 : i32, i32
  }
  func.func @transform_9(%arg0: i32) -> (i32, i32) {
    %c0_i32 = arith.constant 0 : i32
    %c0_i32_0 = arith.constant 0 : i32
    %c0_i32_1 = arith.constant 0 : i32
    return %c0_i32, %c0_i32_0 : i32, i32
  }
  func.func @transform_10(%arg0: i32) -> (i32, i32) {
    %c0_i32 = arith.constant 0 : i32
    %c0_i32_0 = arith.constant 0 : i32
    %c0_i32_1 = arith.constant 0 : i32
    return %c0_i32, %c0_i32_0 : i32, i32
  }
  func.func @transform_11(%arg0: i32) -> (i32, i32) {
    %c0_i32 = arith.constant 0 : i32
    %c0_i32_0 = arith.constant 0 : i32
    %c0_i32_1 = arith.constant 0 : i32
    return %c0_i32, %c0_i32_0 : i32, i32
  }
  func.func @transform_12(%arg0: i32) -> (i32, i32) {
    %c0_i32 = arith.constant 0 : i32
    %c0_i32_0 = arith.constant 0 : i32
    return %arg0, %c0_i32 : i32, i32
  }
  func.func @transform_13(%arg0: i32) -> (i32, i32) {
    %c0_i32 = arith.constant 0 : i32
    %c0_i32_0 = arith.constant 0 : i32
    return %arg0, %c0_i32 : i32, i32
  }
  func.func @transform_14(%arg0: i32) -> (i32, i32) {
    %c0_i32 = arith.constant 0 : i32
    %c0_i32_0 = arith.constant 0 : i32
    return %arg0, %c0_i32 : i32, i32
  }
}

module attributes {stable_mosaic.version = 14 : i64} {
  func.func @body(%arg0: i32, %arg1: memref<1x16xf32, #tpu.memory_space<vmem>>, %arg2: memref<16x64xf32, #tpu.memory_space<vmem>>, %arg3: memref<1x64xf32, #tpu.memory_space<vmem>>, %arg4: memref<64x64xf32, #tpu.memory_space<vmem>>, %arg5: memref<1x64xf32, #tpu.memory_space<vmem>>, %arg6: memref<1x64xf32, #tpu.memory_space<vmem>>, %arg7: memref<1x64xf32, #tpu.memory_space<vmem>>, %arg8: memref<128x128xf32, #tpu.memory_space<vmem>>, %arg9: memref<64x64xf32, #tpu.memory_space<vmem>>, %arg10: memref<64x64xf32, #tpu.memory_space<vmem>>, %arg11: memref<64x64xf32, #tpu.memory_space<vmem>>, %arg12: memref<64x64xf32, #tpu.memory_space<vmem>>, %arg13: memref<1x64xf32, #tpu.memory_space<vmem>>, %arg14: memref<1x64xf32, #tpu.memory_space<vmem>>, %arg15: memref<1x64xf32, #tpu.memory_space<vmem>>, %arg16: memref<1x64xf32, #tpu.memory_space<vmem>>, %arg17: memref<1x64xf32, #tpu.memory_space<vmem>>) attributes {dimension_semantics = [#tpu.dimension_semantics<arbitrary>], iteration_bounds = array<i64: 1>, scalar_prefetch = 0 : i64, scratch_operands = 0 : i64, tpu.core_type = #tpu.core_type<tc>, window_params = [{transform_indices = @transform_0, window_bounds = array<i64: 1, 16>}, {pipeline_mode = #tpu.pipeline_mode<synchronous>, transform_indices = @transform_1, window_bounds = array<i64: 16, 64>}, {pipeline_mode = #tpu.pipeline_mode<synchronous>, transform_indices = @transform_2, window_bounds = array<i64: 1, 64>}, {pipeline_mode = #tpu.pipeline_mode<synchronous>, transform_indices = @transform_3, window_bounds = array<i64: 64, 64>}, {pipeline_mode = #tpu.pipeline_mode<synchronous>, transform_indices = @transform_4, window_bounds = array<i64: 1, 64>}, {pipeline_mode = #tpu.pipeline_mode<synchronous>, transform_indices = @transform_5, window_bounds = array<i64: 1, 64>}, {pipeline_mode = #tpu.pipeline_mode<synchronous>, transform_indices = @transform_6, window_bounds = array<i64: 1, 64>}, {pipeline_mode = #tpu.pipeline_mode<synchronous>, transform_indices = @transform_7, window_bounds = array<i64: 128, 128>}, {pipeline_mode = #tpu.pipeline_mode<synchronous>, transform_indices = @transform_8, window_bounds = array<i64: 64, 64>}, {pipeline_mode = #tpu.pipeline_mode<synchronous>, transform_indices = @transform_9, window_bounds = array<i64: 64, 64>}, {pipeline_mode = #tpu.pipeline_mode<synchronous>, transform_indices = @transform_10, window_bounds = array<i64: 64, 64>}, {pipeline_mode = #tpu.pipeline_mode<synchronous>, transform_indices = @transform_11, window_bounds = array<i64: 64, 64>}, {pipeline_mode = #tpu.pipeline_mode<synchronous>, transform_indices = @transform_12, window_bounds = array<i64: 1, 64>}, {pipeline_mode = #tpu.pipeline_mode<synchronous>, transform_indices = @transform_13, window_bounds = array<i64: 1, 64>}, {transform_indices = @transform_14, window_bounds = array<i64: 1, 64>}, {transform_indices = @transform_15, window_bounds = array<i64: 1, 64>}, {transform_indices = @transform_16, window_bounds = array<i64: 1, 64>}]} {
    %get3A = arith.constant 0 : index
    %get3A_0 = arith.constant 0 : index
    %get3A_1 = vector.load %arg1[%get3A, %get3A_0] : memref<1x16xf32, #tpu.memory_space<vmem>>, vector<1x16xf32>
    %get3A_2 = arith.constant 0 : index
    %get3A_3 = arith.constant 0 : index
    %get3A_4 = vector.load %arg2[%get3A_2, %get3A_3] : memref<16x64xf32, #tpu.memory_space<vmem>>, vector<16x64xf32>
    %convert_element_type3A = arith.truncf %get3A_1 : vector<1x16xf32> to vector<1x16xbf16>
    %convert_element_type3A_5 = arith.truncf %get3A_4 : vector<16x64xf32> to vector<16x64xbf16>
    %dot_general3A = arith.constant dense<0.000000e+00> : vector<1x64xf32>
    %dot_general3A_6 = tpu.matmul %convert_element_type3A, %convert_element_type3A_5, %dot_general3A {dimension_numbers = #tpu.dot_dimension_numbers<[1], [0], [0], [1], [0, 0, 1, 1], [], []>, transpose_lhs_hint = false} : vector<1x16xbf16>, vector<16x64xbf16>, vector<1x64xf32> -> vector<1x64xf32>
    %get3A_7 = arith.constant 0 : index
    %get3A_8 = arith.constant 0 : index
    %get3A_9 = vector.load %arg3[%get3A_7, %get3A_8] : memref<1x64xf32, #tpu.memory_space<vmem>>, vector<1x64xf32>
    %add3A = arith.addf %dot_general3A_6, %get3A_9 : vector<1x64xf32>
    %max3A = arith.constant 0.000000e+00 : f32
    %max3A_10 = vector.broadcast %max3A : f32 to vector<1x64xf32>
    %max3A_11 = arith.maximumf %add3A, %max3A_10 : vector<1x64xf32>
    %get3A_12 = arith.constant 0 : index
    %get3A_13 = arith.constant 0 : index
    %get3A_14 = vector.load %arg4[%get3A_12, %get3A_13] : memref<64x64xf32, #tpu.memory_space<vmem>>, vector<64x64xf32>
    %convert_element_type3A_15 = arith.truncf %max3A_11 : vector<1x64xf32> to vector<1x64xbf16>
    %convert_element_type3A_16 = arith.truncf %get3A_14 : vector<64x64xf32> to vector<64x64xbf16>
    %dot_general3A_17 = arith.constant dense<0.000000e+00> : vector<1x64xf32>
    %dot_general3A_18 = tpu.matmul %convert_element_type3A_15, %convert_element_type3A_16, %dot_general3A_17 {dimension_numbers = #tpu.dot_dimension_numbers<[1], [0], [0], [1], [0, 0, 1, 1], [], []>, transpose_lhs_hint = false} : vector<1x64xbf16>, vector<64x64xbf16>, vector<1x64xf32> -> vector<1x64xf32>
    %get3A_19 = arith.constant 0 : index
    %get3A_20 = arith.constant 0 : index
    %get3A_21 = vector.load %arg5[%get3A_19, %get3A_20] : memref<1x64xf32, #tpu.memory_space<vmem>>, vector<1x64xf32>
    %add3A_22 = arith.addf %dot_general3A_18, %get3A_21 : vector<1x64xf32>
    %max3A_23 = arith.constant 0.000000e+00 : f32
    %max3A_24 = vector.broadcast %max3A_23 : f32 to vector<1x64xf32>
    %max3A_25 = arith.maximumf %add3A_22, %max3A_24 : vector<1x64xf32>
    %mul3A = arith.mulf %max3A_25, %max3A_25 : vector<1x64xf32>
    %concatenate3A = tpu.concatenate %max3A_25, %mul3A in 1 : vector<1x64xf32>, vector<1x64xf32> -> vector<1x128xf32>
    %get3A_26 = arith.constant 0 : index
    %get3A_27 = arith.constant 0 : index
    %get3A_28 = vector.load %arg8[%get3A_26, %get3A_27] : memref<128x128xf32, #tpu.memory_space<vmem>>, vector<128x128xf32>
    %convert_element_type3A_29 = arith.truncf %concatenate3A : vector<1x128xf32> to vector<1x128xbf16>
    %convert_element_type3A_30 = arith.extf %convert_element_type3A_29 : vector<1x128xbf16> to vector<1x128xf32>
    %sub3A = arith.subf %concatenate3A, %convert_element_type3A_30 : vector<1x128xf32>
    %convert_element_type3A_31 = arith.truncf %sub3A : vector<1x128xf32> to vector<1x128xbf16>
    %convert_element_type3A_32 = arith.extf %convert_element_type3A_31 : vector<1x128xbf16> to vector<1x128xf32>
    %sub3A_33 = arith.subf %sub3A, %convert_element_type3A_32 : vector<1x128xf32>
    %convert_element_type3A_34 = arith.truncf %sub3A_33 : vector<1x128xf32> to vector<1x128xbf16>
    %convert_element_type3A_35 = arith.truncf %get3A_28 : vector<128x128xf32> to vector<128x128xbf16>
    %dot_general3A_36 = arith.constant dense<0.000000e+00> : vector<1x128xf32>
    %dot_general3A_37 = tpu.matmul %convert_element_type3A_29, %convert_element_type3A_35, %dot_general3A_36 {dimension_numbers = #tpu.dot_dimension_numbers<[1], [0], [0], [1], [0, 0, 1, 1], [], []>, transpose_lhs_hint = false} : vector<1x128xbf16>, vector<128x128xbf16>, vector<1x128xf32> -> vector<1x128xf32>
    %dot_general3A_38 = arith.constant dense<0.000000e+00> : vector<1x128xf32>
    %dot_general3A_39 = tpu.matmul %convert_element_type3A_31, %convert_element_type3A_35, %dot_general3A_38 {dimension_numbers = #tpu.dot_dimension_numbers<[1], [0], [0], [1], [0, 0, 1, 1], [], []>, transpose_lhs_hint = false} : vector<1x128xbf16>, vector<128x128xbf16>, vector<1x128xf32> -> vector<1x128xf32>
    %dot_general3A_40 = arith.constant dense<0.000000e+00> : vector<1x128xf32>
    %dot_general3A_41 = tpu.matmul %convert_element_type3A_34, %convert_element_type3A_35, %dot_general3A_40 {dimension_numbers = #tpu.dot_dimension_numbers<[1], [0], [0], [1], [0, 0, 1, 1], [], []>, transpose_lhs_hint = false} : vector<1x128xbf16>, vector<128x128xbf16>, vector<1x128xf32> -> vector<1x128xf32>
    %add3A_42 = arith.addf %dot_general3A_39, %dot_general3A_41 : vector<1x128xf32>
    %add3A_43 = arith.addf %dot_general3A_37, %add3A_42 : vector<1x128xf32>
    %slice3A = vector.extract_strided_slice %add3A_43 {offsets = [0, 0], sizes = [1, 64], strides = [1, 1]} : vector<1x128xf32> to vector<1x64xf32>
    %slice3A_44 = vector.extract_strided_slice %add3A_43 {offsets = [0, 64], sizes = [1, 64], strides = [1, 1]} : vector<1x128xf32> to vector<1x64xf32>
    %sub3A_45 = arith.subf %max3A_25, %slice3A : vector<1x64xf32>
    %mul3A_46 = arith.mulf %slice3A, %slice3A : vector<1x64xf32>
    %sub3A_47 = arith.subf %slice3A_44, %mul3A_46 : vector<1x64xf32>
    %add3A_48 = arith.constant 9.99999974E-6 : f32
    %add3A_49 = vector.broadcast %add3A_48 : f32 to vector<1x64xf32>
    %add3A_50 = arith.addf %sub3A_47, %add3A_49 : vector<1x64xf32>
    %rsqrt3A = math.rsqrt %add3A_50 : vector<1x64xf32>
    %mul3A_51 = arith.mulf %sub3A_45, %rsqrt3A : vector<1x64xf32>
    %get3A_52 = arith.constant 0 : index
    %get3A_53 = arith.constant 0 : index
    %get3A_54 = vector.load %arg6[%get3A_52, %get3A_53] : memref<1x64xf32, #tpu.memory_space<vmem>>, vector<1x64xf32>
    %mul3A_55 = arith.mulf %mul3A_51, %get3A_54 : vector<1x64xf32>
    %get3A_56 = arith.constant 0 : index
    %get3A_57 = arith.constant 0 : index
    %get3A_58 = vector.load %arg7[%get3A_56, %get3A_57] : memref<1x64xf32, #tpu.memory_space<vmem>>, vector<1x64xf32>
    %add3A_59 = arith.addf %mul3A_55, %get3A_58 : vector<1x64xf32>
    %swap3A = arith.constant 0 : index
    %swap3A_60 = arith.constant 0 : index
    %swap3A_61 = vector.load %arg15[%swap3A, %swap3A_60] : memref<1x64xf32, #tpu.memory_space<vmem>>, vector<1x64xf32>
    tpu.vector_store %arg15[%swap3A, %swap3A_60], %add3A_59 {strides = array<i32>} : memref<1x64xf32, #tpu.memory_space<vmem>>, vector<1x64xf32>,
    %get3A_62 = arith.constant 0 : index
    %get3A_63 = arith.constant 0 : index
    %get3A_64 = vector.load %arg9[%get3A_62, %get3A_63] : memref<64x64xf32, #tpu.memory_space<vmem>>, vector<64x64xf32>
    %convert_element_type3A_65 = arith.truncf %add3A_59 : vector<1x64xf32> to vector<1x64xbf16>
    %convert_element_type3A_66 = arith.truncf %get3A_64 : vector<64x64xf32> to vector<64x64xbf16>
    %dot_general3A_67 = arith.constant dense<0.000000e+00> : vector<1x64xf32>
    %dot_general3A_68 = tpu.matmul %convert_element_type3A_65, %convert_element_type3A_66, %dot_general3A_67 {dimension_numbers = #tpu.dot_dimension_numbers<[1], [0], [0], [1], [0, 0, 1, 1], [], []>, transpose_lhs_hint = false} : vector<1x64xbf16>, vector<64x64xbf16>, vector<1x64xf32> -> vector<1x64xf32>
    %get3A_69 = arith.constant 0 : index
    %get3A_70 = arith.constant 0 : index
    %get3A_71 = vector.load %arg10[%get3A_69, %get3A_70] : memref<64x64xf32, #tpu.memory_space<vmem>>, vector<64x64xf32>
    %convert_element_type3A_72 = arith.truncf %add3A_59 : vector<1x64xf32> to vector<1x64xbf16>
    %convert_element_type3A_73 = arith.truncf %get3A_71 : vector<64x64xf32> to vector<64x64xbf16>
    %dot_general3A_74 = arith.constant dense<0.000000e+00> : vector<1x64xf32>
    %dot_general3A_75 = tpu.matmul %convert_element_type3A_72, %convert_element_type3A_73, %dot_general3A_74 {dimension_numbers = #tpu.dot_dimension_numbers<[1], [0], [0], [1], [0, 0, 1, 1], [], []>, transpose_lhs_hint = false} : vector<1x64xbf16>, vector<64x64xbf16>, vector<1x64xf32> -> vector<1x64xf32>
    %add3A_76 = arith.addf %dot_general3A_68, %dot_general3A_75 : vector<1x64xf32>
    %get3A_77 = arith.constant 0 : index
    %get3A_78 = arith.constant 0 : index
    %get3A_79 = vector.load %arg13[%get3A_77, %get3A_78] : memref<1x64xf32, #tpu.memory_space<vmem>>, vector<1x64xf32>
    %add3A_80 = arith.addf %add3A_76, %get3A_79 : vector<1x64xf32>
    %swap3A_81 = arith.constant 0 : index
    %swap3A_82 = arith.constant 0 : index
    %swap3A_83 = vector.load %arg16[%swap3A_81, %swap3A_82] : memref<1x64xf32, #tpu.memory_space<vmem>>, vector<1x64xf32>
    tpu.vector_store %arg16[%swap3A_81, %swap3A_82], %add3A_80 {strides = array<i32>} : memref<1x64xf32, #tpu.memory_space<vmem>>, vector<1x64xf32>,
    %get3A_84 = arith.constant 0 : index
    %get3A_85 = arith.constant 0 : index
    %get3A_86 = vector.load %arg11[%get3A_84, %get3A_85] : memref<64x64xf32, #tpu.memory_space<vmem>>, vector<64x64xf32>
    %convert_element_type3A_87 = arith.truncf %add3A_59 : vector<1x64xf32> to vector<1x64xbf16>
    %convert_element_type3A_88 = arith.truncf %get3A_86 : vector<64x64xf32> to vector<64x64xbf16>
    %dot_general3A_89 = arith.constant dense<0.000000e+00> : vector<1x64xf32>
    %dot_general3A_90 = tpu.matmul %convert_element_type3A_87, %convert_element_type3A_88, %dot_general3A_89 {dimension_numbers = #tpu.dot_dimension_numbers<[1], [0], [0], [1], [0, 0, 1, 1], [], []>, transpose_lhs_hint = false} : vector<1x64xbf16>, vector<64x64xbf16>, vector<1x64xf32> -> vector<1x64xf32>
    %get3A_91 = arith.constant 0 : index
    %get3A_92 = arith.constant 0 : index
    %get3A_93 = vector.load %arg12[%get3A_91, %get3A_92] : memref<64x64xf32, #tpu.memory_space<vmem>>, vector<64x64xf32>
    %convert_element_type3A_94 = arith.truncf %add3A_59 : vector<1x64xf32> to vector<1x64xbf16>
    %convert_element_type3A_95 = arith.truncf %get3A_93 : vector<64x64xf32> to vector<64x64xbf16>
    %dot_general3A_96 = arith.constant dense<0.000000e+00> : vector<1x64xf32>
    %dot_general3A_97 = tpu.matmul %convert_element_type3A_94, %convert_element_type3A_95, %dot_general3A_96 {dimension_numbers = #tpu.dot_dimension_numbers<[1], [0], [0], [1], [0, 0, 1, 1], [], []>, transpose_lhs_hint = false} : vector<1x64xbf16>, vector<64x64xbf16>, vector<1x64xf32> -> vector<1x64xf32>
    %add3A_98 = arith.addf %dot_general3A_90, %dot_general3A_97 : vector<1x64xf32>
    %get3A_99 = arith.constant 0 : index
    %get3A_100 = arith.constant 0 : index
    %get3A_101 = vector.load %arg14[%get3A_99, %get3A_100] : memref<1x64xf32, #tpu.memory_space<vmem>>, vector<1x64xf32>
    %add3A_102 = arith.addf %add3A_98, %get3A_101 : vector<1x64xf32>
    %swap3A_103 = arith.constant 0 : index
    %swap3A_104 = arith.constant 0 : index
    %swap3A_105 = vector.load %arg17[%swap3A_103, %swap3A_104] : memref<1x64xf32, #tpu.memory_space<vmem>>, vector<1x64xf32>
    tpu.vector_store %arg17[%swap3A_103, %swap3A_104], %add3A_102 {strides = array<i32>} : memref<1x64xf32, #tpu.memory_space<vmem>>, vector<1x64xf32>,
    return
  }
  func.func @transform_0(%arg0: i32) -> (i32, i32) {
    %c0_i32 = arith.constant 0 : i32
    %c0_i32_0 = arith.constant 0 : i32
    return %arg0, %c0_i32 : i32, i32
  }
  func.func @transform_1(%arg0: i32) -> (i32, i32) {
    %c0_i32 = arith.constant 0 : i32
    %c0_i32_0 = arith.constant 0 : i32
    %c0_i32_1 = arith.constant 0 : i32
    return %c0_i32, %c0_i32_0 : i32, i32
  }
  func.func @transform_2(%arg0: i32) -> (i32, i32) {
    %c0_i32 = arith.constant 0 : i32
    %c0_i32_0 = arith.constant 0 : i32
    %c0_i32_1 = arith.constant 0 : i32
    return %c0_i32, %c0_i32_0 : i32, i32
  }
  func.func @transform_3(%arg0: i32) -> (i32, i32) {
    %c0_i32 = arith.constant 0 : i32
    %c0_i32_0 = arith.constant 0 : i32
    %c0_i32_1 = arith.constant 0 : i32
    return %c0_i32, %c0_i32_0 : i32, i32
  }
  func.func @transform_4(%arg0: i32) -> (i32, i32) {
    %c0_i32 = arith.constant 0 : i32
    %c0_i32_0 = arith.constant 0 : i32
    %c0_i32_1 = arith.constant 0 : i32
    return %c0_i32, %c0_i32_0 : i32, i32
  }
  func.func @transform_5(%arg0: i32) -> (i32, i32) {
    %c0_i32 = arith.constant 0 : i32
    %c0_i32_0 = arith.constant 0 : i32
    %c0_i32_1 = arith.constant 0 : i32
    return %c0_i32, %c0_i32_0 : i32, i32
  }
  func.func @transform_6(%arg0: i32) -> (i32, i32) {
    %c0_i32 = arith.constant 0 : i32
    %c0_i32_0 = arith.constant 0 : i32
    %c0_i32_1 = arith.constant 0 : i32
    return %c0_i32, %c0_i32_0 : i32, i32
  }
  func.func @transform_7(%arg0: i32) -> (i32, i32) {
    %c0_i32 = arith.constant 0 : i32
    %c0_i32_0 = arith.constant 0 : i32
    %c0_i32_1 = arith.constant 0 : i32
    return %c0_i32, %c0_i32_0 : i32, i32
  }
  func.func @transform_8(%arg0: i32) -> (i32, i32) {
    %c0_i32 = arith.constant 0 : i32
    %c0_i32_0 = arith.constant 0 : i32
    %c0_i32_1 = arith.constant 0 : i32
    return %c0_i32, %c0_i32_0 : i32, i32
  }
  func.func @transform_9(%arg0: i32) -> (i32, i32) {
    %c0_i32 = arith.constant 0 : i32
    %c0_i32_0 = arith.constant 0 : i32
    %c0_i32_1 = arith.constant 0 : i32
    return %c0_i32, %c0_i32_0 : i32, i32
  }
  func.func @transform_10(%arg0: i32) -> (i32, i32) {
    %c0_i32 = arith.constant 0 : i32
    %c0_i32_0 = arith.constant 0 : i32
    %c0_i32_1 = arith.constant 0 : i32
    return %c0_i32, %c0_i32_0 : i32, i32
  }
  func.func @transform_11(%arg0: i32) -> (i32, i32) {
    %c0_i32 = arith.constant 0 : i32
    %c0_i32_0 = arith.constant 0 : i32
    %c0_i32_1 = arith.constant 0 : i32
    return %c0_i32, %c0_i32_0 : i32, i32
  }
  func.func @transform_12(%arg0: i32) -> (i32, i32) {
    %c0_i32 = arith.constant 0 : i32
    %c0_i32_0 = arith.constant 0 : i32
    %c0_i32_1 = arith.constant 0 : i32
    return %c0_i32, %c0_i32_0 : i32, i32
  }
  func.func @transform_13(%arg0: i32) -> (i32, i32) {
    %c0_i32 = arith.constant 0 : i32
    %c0_i32_0 = arith.constant 0 : i32
    %c0_i32_1 = arith.constant 0 : i32
    return %c0_i32, %c0_i32_0 : i32, i32
  }
  func.func @transform_14(%arg0: i32) -> (i32, i32) {
    %c0_i32 = arith.constant 0 : i32
    %c0_i32_0 = arith.constant 0 : i32
    return %arg0, %c0_i32 : i32, i32
  }
  func.func @transform_15(%arg0: i32) -> (i32, i32) {
    %c0_i32 = arith.constant 0 : i32
    %c0_i32_0 = arith.constant 0 : i32
    return %arg0, %c0_i32 : i32, i32
  }
  func.func @transform_16(%arg0: i32) -> (i32, i32) {
    %c0_i32 = arith.constant 0 : i32
    %c0_i32_0 = arith.constant 0 : i32
    return %arg0, %c0_i32 : i32, i32
  }
}

module attributes {stable_mosaic.version = 14 : i64} {
  func.func @body(%arg0: i32, %arg1: memref<2000x8xf32, #tpu.memory_space<vmem>>, %arg2: memref<8x128xf32, #tpu.memory_space<vmem>>, %arg3: memref<1x128xf32, #tpu.memory_space<vmem>>, %arg4: memref<128x128xf32, #tpu.memory_space<vmem>>, %arg5: memref<1x128xf32, #tpu.memory_space<vmem>>, %arg6: memref<1x128xf32, #tpu.memory_space<vmem>>, %arg7: memref<1x128xf32, #tpu.memory_space<vmem>>, %arg8: memref<256x256xf32, #tpu.memory_space<vmem>>, %arg9: memref<2000x128xf32, #tpu.memory_space<vmem>>) attributes {dimension_semantics = [#tpu.dimension_semantics<arbitrary>], iteration_bounds = array<i64: 80>, scalar_prefetch = 0 : i64, scratch_operands = 0 : i64, tpu.core_type = #tpu.core_type<tc>, window_params = [{transform_indices = @transform_0, window_bounds = array<i64: 2000, 8>}, {pipeline_mode = #tpu.pipeline_mode<synchronous>, transform_indices = @transform_1, window_bounds = array<i64: 8, 128>}, {pipeline_mode = #tpu.pipeline_mode<synchronous>, transform_indices = @transform_2, window_bounds = array<i64: 1, 128>}, {pipeline_mode = #tpu.pipeline_mode<synchronous>, transform_indices = @transform_3, window_bounds = array<i64: 128, 128>}, {pipeline_mode = #tpu.pipeline_mode<synchronous>, transform_indices = @transform_4, window_bounds = array<i64: 1, 128>}, {pipeline_mode = #tpu.pipeline_mode<synchronous>, transform_indices = @transform_5, window_bounds = array<i64: 1, 128>}, {pipeline_mode = #tpu.pipeline_mode<synchronous>, transform_indices = @transform_6, window_bounds = array<i64: 1, 128>}, {pipeline_mode = #tpu.pipeline_mode<synchronous>, transform_indices = @transform_7, window_bounds = array<i64: 256, 256>}, {transform_indices = @transform_8, window_bounds = array<i64: 2000, 128>}]} {
    %get3A = arith.constant 0 : index
    %get3A_0 = arith.constant 0 : index
    %get3A_1 = vector.load %arg1[%get3A, %get3A_0] : memref<2000x8xf32, #tpu.memory_space<vmem>>, vector<2000x8xf32>
    %get3A_2 = arith.constant 0 : index
    %get3A_3 = arith.constant 0 : index
    %get3A_4 = vector.load %arg2[%get3A_2, %get3A_3] : memref<8x128xf32, #tpu.memory_space<vmem>>, vector<8x128xf32>
    %convert_element_type3A = arith.truncf %get3A_1 : vector<2000x8xf32> to vector<2000x8xbf16>
    %convert_element_type3A_5 = arith.truncf %get3A_4 : vector<8x128xf32> to vector<8x128xbf16>
    %dot_general3A = arith.constant dense<0.000000e+00> : vector<2000x128xf32>
    %dot_general3A_6 = tpu.matmul %convert_element_type3A, %convert_element_type3A_5, %dot_general3A {dimension_numbers = #tpu.dot_dimension_numbers<[1], [0], [0], [1], [0, 0, 1, 1], [], []>, transpose_lhs_hint = false} : vector<2000x8xbf16>, vector<8x128xbf16>, vector<2000x128xf32> -> vector<2000x128xf32>
    %get3A_7 = arith.constant 0 : index
    %get3A_8 = arith.constant 0 : index
    %get3A_9 = vector.load %arg3[%get3A_7, %get3A_8] : memref<1x128xf32, #tpu.memory_space<vmem>>, vector<1x128xf32>
    %add3A = vector.broadcast %get3A_9 : vector<1x128xf32> to vector<2000x128xf32>
    %add3A_10 = arith.addf %dot_general3A_6, %add3A : vector<2000x128xf32>
    %max3A = arith.constant 0.000000e+00 : f32
    %max3A_11 = vector.broadcast %max3A : f32 to vector<2000x128xf32>
    %max3A_12 = arith.maximumf %add3A_10, %max3A_11 : vector<2000x128xf32>
    %get3A_13 = arith.constant 0 : index
    %get3A_14 = arith.constant 0 : index
    %get3A_15 = vector.load %arg4[%get3A_13, %get3A_14] : memref<128x128xf32, #tpu.memory_space<vmem>>, vector<128x128xf32>
    %convert_element_type3A_16 = arith.truncf %max3A_12 : vector<2000x128xf32> to vector<2000x128xbf16>
    %convert_element_type3A_17 = arith.truncf %get3A_15 : vector<128x128xf32> to vector<128x128xbf16>
    %dot_general3A_18 = arith.constant dense<0.000000e+00> : vector<2000x128xf32>
    %dot_general3A_19 = tpu.matmul %convert_element_type3A_16, %convert_element_type3A_17, %dot_general3A_18 {dimension_numbers = #tpu.dot_dimension_numbers<[1], [0], [0], [1], [0, 0, 1, 1], [], []>, transpose_lhs_hint = false} : vector<2000x128xbf16>, vector<128x128xbf16>, vector<2000x128xf32> -> vector<2000x128xf32>
    %get3A_20 = arith.constant 0 : index
    %get3A_21 = arith.constant 0 : index
    %get3A_22 = vector.load %arg5[%get3A_20, %get3A_21] : memref<1x128xf32, #tpu.memory_space<vmem>>, vector<1x128xf32>
    %add3A_23 = vector.broadcast %get3A_22 : vector<1x128xf32> to vector<2000x128xf32>
    %add3A_24 = arith.addf %dot_general3A_19, %add3A_23 : vector<2000x128xf32>
    %max3A_25 = arith.constant 0.000000e+00 : f32
    %max3A_26 = vector.broadcast %max3A_25 : f32 to vector<2000x128xf32>
    %max3A_27 = arith.maximumf %add3A_24, %max3A_26 : vector<2000x128xf32>
    %mul3A = arith.mulf %max3A_27, %max3A_27 : vector<2000x128xf32>
    %concatenate3A = tpu.concatenate %max3A_27, %mul3A in 1 : vector<2000x128xf32>, vector<2000x128xf32> -> vector<2000x256xf32>
    %get3A_28 = arith.constant 0 : index
    %get3A_29 = arith.constant 0 : index
    %get3A_30 = vector.load %arg8[%get3A_28, %get3A_29] : memref<256x256xf32, #tpu.memory_space<vmem>>, vector<256x256xf32>
    %convert_element_type3A_31 = arith.truncf %concatenate3A : vector<2000x256xf32> to vector<2000x256xbf16>
    %convert_element_type3A_32 = arith.extf %convert_element_type3A_31 : vector<2000x256xbf16> to vector<2000x256xf32>
    %sub3A = arith.subf %concatenate3A, %convert_element_type3A_32 : vector<2000x256xf32>
    %convert_element_type3A_33 = arith.truncf %sub3A : vector<2000x256xf32> to vector<2000x256xbf16>
    %convert_element_type3A_34 = arith.extf %convert_element_type3A_33 : vector<2000x256xbf16> to vector<2000x256xf32>
    %sub3A_35 = arith.subf %sub3A, %convert_element_type3A_34 : vector<2000x256xf32>
    %convert_element_type3A_36 = arith.truncf %sub3A_35 : vector<2000x256xf32> to vector<2000x256xbf16>
    %convert_element_type3A_37 = arith.truncf %get3A_30 : vector<256x256xf32> to vector<256x256xbf16>
    %dot_general3A_38 = arith.constant dense<0.000000e+00> : vector<2000x256xf32>
    %dot_general3A_39 = tpu.matmul %convert_element_type3A_31, %convert_element_type3A_37, %dot_general3A_38 {dimension_numbers = #tpu.dot_dimension_numbers<[1], [0], [0], [1], [0, 0, 1, 1], [], []>, transpose_lhs_hint = false} : vector<2000x256xbf16>, vector<256x256xbf16>, vector<2000x256xf32> -> vector<2000x256xf32>
    %dot_general3A_40 = arith.constant dense<0.000000e+00> : vector<2000x256xf32>
    %dot_general3A_41 = tpu.matmul %convert_element_type3A_33, %convert_element_type3A_37, %dot_general3A_40 {dimension_numbers = #tpu.dot_dimension_numbers<[1], [0], [0], [1], [0, 0, 1, 1], [], []>, transpose_lhs_hint = false} : vector<2000x256xbf16>, vector<256x256xbf16>, vector<2000x256xf32> -> vector<2000x256xf32>
    %dot_general3A_42 = arith.constant dense<0.000000e+00> : vector<2000x256xf32>
    %dot_general3A_43 = tpu.matmul %convert_element_type3A_36, %convert_element_type3A_37, %dot_general3A_42 {dimension_numbers = #tpu.dot_dimension_numbers<[1], [0], [0], [1], [0, 0, 1, 1], [], []>, transpose_lhs_hint = false} : vector<2000x256xbf16>, vector<256x256xbf16>, vector<2000x256xf32> -> vector<2000x256xf32>
    %add3A_44 = arith.addf %dot_general3A_41, %dot_general3A_43 : vector<2000x256xf32>
    %add3A_45 = arith.addf %dot_general3A_39, %add3A_44 : vector<2000x256xf32>
    %slice3A = vector.extract_strided_slice %add3A_45 {offsets = [0, 0], sizes = [2000, 128], strides = [1, 1]} : vector<2000x256xf32> to vector<2000x128xf32>
    %slice3A_46 = vector.extract_strided_slice %add3A_45 {offsets = [0, 128], sizes = [2000, 128], strides = [1, 1]} : vector<2000x256xf32> to vector<2000x128xf32>
    %sub3A_47 = arith.subf %max3A_27, %slice3A : vector<2000x128xf32>
    %mul3A_48 = arith.mulf %slice3A, %slice3A : vector<2000x128xf32>
    %sub3A_49 = arith.subf %slice3A_46, %mul3A_48 : vector<2000x128xf32>
    %add3A_50 = arith.constant 9.99999974E-6 : f32
    %add3A_51 = vector.broadcast %add3A_50 : f32 to vector<2000x128xf32>
    %add3A_52 = arith.addf %sub3A_49, %add3A_51 : vector<2000x128xf32>
    %rsqrt3A = math.rsqrt %add3A_52 : vector<2000x128xf32>
    %mul3A_53 = arith.mulf %sub3A_47, %rsqrt3A : vector<2000x128xf32>
    %get3A_54 = arith.constant 0 : index
    %get3A_55 = arith.constant 0 : index
    %get3A_56 = vector.load %arg6[%get3A_54, %get3A_55] : memref<1x128xf32, #tpu.memory_space<vmem>>, vector<1x128xf32>
    %mul3A_57 = vector.broadcast %get3A_56 : vector<1x128xf32> to vector<2000x128xf32>
    %mul3A_58 = arith.mulf %mul3A_53, %mul3A_57 : vector<2000x128xf32>
    %get3A_59 = arith.constant 0 : index
    %get3A_60 = arith.constant 0 : index
    %get3A_61 = vector.load %arg7[%get3A_59, %get3A_60] : memref<1x128xf32, #tpu.memory_space<vmem>>, vector<1x128xf32>
    %add3A_62 = vector.broadcast %get3A_61 : vector<1x128xf32> to vector<2000x128xf32>
    %add3A_63 = arith.addf %mul3A_58, %add3A_62 : vector<2000x128xf32>
    %swap3A = arith.constant 0 : index
    %swap3A_64 = arith.constant 0 : index
    %swap3A_65 = vector.load %arg9[%swap3A, %swap3A_64] : memref<2000x128xf32, #tpu.memory_space<vmem>>, vector<2000x128xf32>
    tpu.vector_store %arg9[%swap3A, %swap3A_64], %add3A_63 {strides = array<i32>} : memref<2000x128xf32, #tpu.memory_space<vmem>>, vector<2000x128xf32>,
    return
  }
  func.func @transform_0(%arg0: i32) -> (i32, i32) {
    %c0_i32 = arith.constant 0 : i32
    %c0_i32_0 = arith.constant 0 : i32
    return %arg0, %c0_i32 : i32, i32
  }
  func.func @transform_1(%arg0: i32) -> (i32, i32) {
    %c0_i32 = arith.constant 0 : i32
    %c0_i32_0 = arith.constant 0 : i32
    %c0_i32_1 = arith.constant 0 : i32
    return %c0_i32, %c0_i32_0 : i32, i32
  }
  func.func @transform_2(%arg0: i32) -> (i32, i32) {
    %c0_i32 = arith.constant 0 : i32
    %c0_i32_0 = arith.constant 0 : i32
    %c0_i32_1 = arith.constant 0 : i32
    return %c0_i32, %c0_i32_0 : i32, i32
  }
  func.func @transform_3(%arg0: i32) -> (i32, i32) {
    %c0_i32 = arith.constant 0 : i32
    %c0_i32_0 = arith.constant 0 : i32
    %c0_i32_1 = arith.constant 0 : i32
    return %c0_i32, %c0_i32_0 : i32, i32
  }
  func.func @transform_4(%arg0: i32) -> (i32, i32) {
    %c0_i32 = arith.constant 0 : i32
    %c0_i32_0 = arith.constant 0 : i32
    %c0_i32_1 = arith.constant 0 : i32
    return %c0_i32, %c0_i32_0 : i32, i32
  }
  func.func @transform_5(%arg0: i32) -> (i32, i32) {
    %c0_i32 = arith.constant 0 : i32
    %c0_i32_0 = arith.constant 0 : i32
    %c0_i32_1 = arith.constant 0 : i32
    return %c0_i32, %c0_i32_0 : i32, i32
  }
  func.func @transform_6(%arg0: i32) -> (i32, i32) {
    %c0_i32 = arith.constant 0 : i32
    %c0_i32_0 = arith.constant 0 : i32
    %c0_i32_1 = arith.constant 0 : i32
    return %c0_i32, %c0_i32_0 : i32, i32
  }
  func.func @transform_7(%arg0: i32) -> (i32, i32) {
    %c0_i32 = arith.constant 0 : i32
    %c0_i32_0 = arith.constant 0 : i32
    %c0_i32_1 = arith.constant 0 : i32
    return %c0_i32, %c0_i32_0 : i32, i32
  }
  func.func @transform_8(%arg0: i32) -> (i32, i32) {
    %c0_i32 = arith.constant 0 : i32
    %c0_i32_0 = arith.constant 0 : i32
    return %arg0, %c0_i32 : i32, i32
  }
}

module attributes {stable_mosaic.version = 14 : i64} {
  func.func @body(%arg0: i32, %arg1: memref<2000x128xf32, #tpu.memory_space<vmem>>, %arg2: memref<2000x128xf32, #tpu.memory_space<vmem>>, %arg3: memref<2000x128xf32, #tpu.memory_space<vmem>>, %arg4: memref<128x128xf32, #tpu.memory_space<vmem>>, %arg5: memref<128x128xf32, #tpu.memory_space<vmem>>, %arg6: memref<1x128xf32, #tpu.memory_space<vmem>>, %arg7: memref<128x128xf32, #tpu.memory_space<vmem>>, %arg8: memref<1x128xf32, #tpu.memory_space<vmem>>, %arg9: memref<1x128xf32, #tpu.memory_space<vmem>>, %arg10: memref<1x128xf32, #tpu.memory_space<vmem>>, %arg11: memref<256x256xf32, #tpu.memory_space<vmem>>, %arg12: memref<2000x128xf32, #tpu.memory_space<vmem>>, %arg13: memref<1x128xf32, #tpu.memory_space<vmem>>) attributes {dimension_semantics = [#tpu.dimension_semantics<arbitrary>], iteration_bounds = array<i64: 80>, scalar_prefetch = 0 : i64, scratch_operands = 0 : i64, tpu.core_type = #tpu.core_type<tc>, window_params = [{transform_indices = @transform_0, window_bounds = array<i64: 2000, 128>}, {transform_indices = @transform_1, window_bounds = array<i64: 2000, 128>}, {transform_indices = @transform_2, window_bounds = array<i64: 2000, 128>}, {pipeline_mode = #tpu.pipeline_mode<synchronous>, transform_indices = @transform_3, window_bounds = array<i64: 128, 128>}, {pipeline_mode = #tpu.pipeline_mode<synchronous>, transform_indices = @transform_4, window_bounds = array<i64: 128, 128>}, {pipeline_mode = #tpu.pipeline_mode<synchronous>, transform_indices = @transform_5, window_bounds = array<i64: 1, 128>}, {pipeline_mode = #tpu.pipeline_mode<synchronous>, transform_indices = @transform_6, window_bounds = array<i64: 128, 128>}, {pipeline_mode = #tpu.pipeline_mode<synchronous>, transform_indices = @transform_7, window_bounds = array<i64: 1, 128>}, {pipeline_mode = #tpu.pipeline_mode<synchronous>, transform_indices = @transform_8, window_bounds = array<i64: 1, 128>}, {pipeline_mode = #tpu.pipeline_mode<synchronous>, transform_indices = @transform_9, window_bounds = array<i64: 1, 128>}, {pipeline_mode = #tpu.pipeline_mode<synchronous>, transform_indices = @transform_10, window_bounds = array<i64: 256, 256>}, {transform_indices = @transform_11, window_bounds = array<i64: 2000, 128>}, {pipeline_mode = #tpu.pipeline_mode<synchronous>, transform_indices = @transform_12, window_bounds = array<i64: 1, 128>}]} {
    %get3A = arith.constant 0 : index
    %get3A_0 = arith.constant 0 : index
    %get3A_1 = vector.load %arg1[%get3A, %get3A_0] : memref<2000x128xf32, #tpu.memory_space<vmem>>, vector<2000x128xf32>
    %get3A_2 = arith.constant 0 : index
    %get3A_3 = arith.constant 0 : index
    %get3A_4 = vector.load %arg4[%get3A_2, %get3A_3] : memref<128x128xf32, #tpu.memory_space<vmem>>, vector<128x128xf32>
    %convert_element_type3A = arith.truncf %get3A_1 : vector<2000x128xf32> to vector<2000x128xbf16>
    %convert_element_type3A_5 = arith.truncf %get3A_4 : vector<128x128xf32> to vector<128x128xbf16>
    %dot_general3A = arith.constant dense<0.000000e+00> : vector<2000x128xf32>
    %dot_general3A_6 = tpu.matmul %convert_element_type3A, %convert_element_type3A_5, %dot_general3A {dimension_numbers = #tpu.dot_dimension_numbers<[1], [0], [0], [1], [0, 0, 1, 1], [], []>, transpose_lhs_hint = false} : vector<2000x128xbf16>, vector<128x128xbf16>, vector<2000x128xf32> -> vector<2000x128xf32>
    %get3A_7 = arith.constant 0 : index
    %get3A_8 = arith.constant 0 : index
    %get3A_9 = vector.load %arg5[%get3A_7, %get3A_8] : memref<128x128xf32, #tpu.memory_space<vmem>>, vector<128x128xf32>
    %convert_element_type3A_10 = arith.truncf %get3A_1 : vector<2000x128xf32> to vector<2000x128xbf16>
    %convert_element_type3A_11 = arith.truncf %get3A_9 : vector<128x128xf32> to vector<128x128xbf16>
    %dot_general3A_12 = arith.constant dense<0.000000e+00> : vector<2000x128xf32>
    %dot_general3A_13 = tpu.matmul %convert_element_type3A_10, %convert_element_type3A_11, %dot_general3A_12 {dimension_numbers = #tpu.dot_dimension_numbers<[1], [0], [0], [1], [0, 0, 1, 1], [], []>, transpose_lhs_hint = false} : vector<2000x128xbf16>, vector<128x128xbf16>, vector<2000x128xf32> -> vector<2000x128xf32>
    %add3A = arith.addf %dot_general3A_6, %dot_general3A_13 : vector<2000x128xf32>
    %get3A_14 = arith.constant 0 : index
    %get3A_15 = arith.constant 0 : index
    %get3A_16 = vector.load %arg2[%get3A_14, %get3A_15] : memref<2000x128xf32, #tpu.memory_space<vmem>>, vector<2000x128xf32>
    %add3A_17 = arith.addf %add3A, %get3A_16 : vector<2000x128xf32>
    %get3A_18 = arith.constant 0 : index
    %get3A_19 = arith.constant 0 : index
    %get3A_20 = vector.load %arg3[%get3A_18, %get3A_19] : memref<2000x128xf32, #tpu.memory_space<vmem>>, vector<2000x128xf32>
    %add3A_21 = arith.addf %add3A_17, %get3A_20 : vector<2000x128xf32>
    %get3A_22 = arith.constant 0 : index
    %get3A_23 = arith.constant 0 : index
    %get3A_24 = vector.load %arg6[%get3A_22, %get3A_23] : memref<1x128xf32, #tpu.memory_space<vmem>>, vector<1x128xf32>
    %add3A_25 = vector.broadcast %get3A_24 : vector<1x128xf32> to vector<2000x128xf32>
    %add3A_26 = arith.addf %add3A_21, %add3A_25 : vector<2000x128xf32>
    %max3A = arith.constant 0.000000e+00 : f32
    %max3A_27 = vector.broadcast %max3A : f32 to vector<2000x128xf32>
    %max3A_28 = arith.maximumf %add3A_26, %max3A_27 : vector<2000x128xf32>
    %get3A_29 = arith.constant 0 : index
    %get3A_30 = arith.constant 0 : index
    %get3A_31 = vector.load %arg7[%get3A_29, %get3A_30] : memref<128x128xf32, #tpu.memory_space<vmem>>, vector<128x128xf32>
    %convert_element_type3A_32 = arith.truncf %max3A_28 : vector<2000x128xf32> to vector<2000x128xbf16>
    %convert_element_type3A_33 = arith.truncf %get3A_31 : vector<128x128xf32> to vector<128x128xbf16>
    %dot_general3A_34 = arith.constant dense<0.000000e+00> : vector<2000x128xf32>
    %dot_general3A_35 = tpu.matmul %convert_element_type3A_32, %convert_element_type3A_33, %dot_general3A_34 {dimension_numbers = #tpu.dot_dimension_numbers<[1], [0], [0], [1], [0, 0, 1, 1], [], []>, transpose_lhs_hint = false} : vector<2000x128xbf16>, vector<128x128xbf16>, vector<2000x128xf32> -> vector<2000x128xf32>
    %get3A_36 = arith.constant 0 : index
    %get3A_37 = arith.constant 0 : index
    %get3A_38 = vector.load %arg8[%get3A_36, %get3A_37] : memref<1x128xf32, #tpu.memory_space<vmem>>, vector<1x128xf32>
    %add3A_39 = vector.broadcast %get3A_38 : vector<1x128xf32> to vector<2000x128xf32>
    %add3A_40 = arith.addf %dot_general3A_35, %add3A_39 : vector<2000x128xf32>
    %max3A_41 = arith.constant 0.000000e+00 : f32
    %max3A_42 = vector.broadcast %max3A_41 : f32 to vector<2000x128xf32>
    %max3A_43 = arith.maximumf %add3A_40, %max3A_42 : vector<2000x128xf32>
    %mul3A = arith.mulf %max3A_43, %max3A_43 : vector<2000x128xf32>
    %concatenate3A = tpu.concatenate %max3A_43, %mul3A in 1 : vector<2000x128xf32>, vector<2000x128xf32> -> vector<2000x256xf32>
    %get3A_44 = arith.constant 0 : index
    %get3A_45 = arith.constant 0 : index
    %get3A_46 = vector.load %arg11[%get3A_44, %get3A_45] : memref<256x256xf32, #tpu.memory_space<vmem>>, vector<256x256xf32>
    %convert_element_type3A_47 = arith.truncf %concatenate3A : vector<2000x256xf32> to vector<2000x256xbf16>
    %convert_element_type3A_48 = arith.extf %convert_element_type3A_47 : vector<2000x256xbf16> to vector<2000x256xf32>
    %sub3A = arith.subf %concatenate3A, %convert_element_type3A_48 : vector<2000x256xf32>
    %convert_element_type3A_49 = arith.truncf %sub3A : vector<2000x256xf32> to vector<2000x256xbf16>
    %convert_element_type3A_50 = arith.extf %convert_element_type3A_49 : vector<2000x256xbf16> to vector<2000x256xf32>
    %sub3A_51 = arith.subf %sub3A, %convert_element_type3A_50 : vector<2000x256xf32>
    %convert_element_type3A_52 = arith.truncf %sub3A_51 : vector<2000x256xf32> to vector<2000x256xbf16>
    %convert_element_type3A_53 = arith.truncf %get3A_46 : vector<256x256xf32> to vector<256x256xbf16>
    %dot_general3A_54 = arith.constant dense<0.000000e+00> : vector<2000x256xf32>
    %dot_general3A_55 = tpu.matmul %convert_element_type3A_47, %convert_element_type3A_53, %dot_general3A_54 {dimension_numbers = #tpu.dot_dimension_numbers<[1], [0], [0], [1], [0, 0, 1, 1], [], []>, transpose_lhs_hint = false} : vector<2000x256xbf16>, vector<256x256xbf16>, vector<2000x256xf32> -> vector<2000x256xf32>
    %dot_general3A_56 = arith.constant dense<0.000000e+00> : vector<2000x256xf32>
    %dot_general3A_57 = tpu.matmul %convert_element_type3A_49, %convert_element_type3A_53, %dot_general3A_56 {dimension_numbers = #tpu.dot_dimension_numbers<[1], [0], [0], [1], [0, 0, 1, 1], [], []>, transpose_lhs_hint = false} : vector<2000x256xbf16>, vector<256x256xbf16>, vector<2000x256xf32> -> vector<2000x256xf32>
    %dot_general3A_58 = arith.constant dense<0.000000e+00> : vector<2000x256xf32>
    %dot_general3A_59 = tpu.matmul %convert_element_type3A_52, %convert_element_type3A_53, %dot_general3A_58 {dimension_numbers = #tpu.dot_dimension_numbers<[1], [0], [0], [1], [0, 0, 1, 1], [], []>, transpose_lhs_hint = false} : vector<2000x256xbf16>, vector<256x256xbf16>, vector<2000x256xf32> -> vector<2000x256xf32>
    %add3A_60 = arith.addf %dot_general3A_57, %dot_general3A_59 : vector<2000x256xf32>
    %add3A_61 = arith.addf %dot_general3A_55, %add3A_60 : vector<2000x256xf32>
    %slice3A = vector.extract_strided_slice %add3A_61 {offsets = [0, 0], sizes = [2000, 128], strides = [1, 1]} : vector<2000x256xf32> to vector<2000x128xf32>
    %slice3A_62 = vector.extract_strided_slice %add3A_61 {offsets = [0, 128], sizes = [2000, 128], strides = [1, 1]} : vector<2000x256xf32> to vector<2000x128xf32>
    %sub3A_63 = arith.subf %max3A_43, %slice3A : vector<2000x128xf32>
    %mul3A_64 = arith.mulf %slice3A, %slice3A : vector<2000x128xf32>
    %sub3A_65 = arith.subf %slice3A_62, %mul3A_64 : vector<2000x128xf32>
    %add3A_66 = arith.constant 9.99999974E-6 : f32
    %add3A_67 = vector.broadcast %add3A_66 : f32 to vector<2000x128xf32>
    %add3A_68 = arith.addf %sub3A_65, %add3A_67 : vector<2000x128xf32>
    %rsqrt3A = math.rsqrt %add3A_68 : vector<2000x128xf32>
    %mul3A_69 = arith.mulf %sub3A_63, %rsqrt3A : vector<2000x128xf32>
    %get3A_70 = arith.constant 0 : index
    %get3A_71 = arith.constant 0 : index
    %get3A_72 = vector.load %arg9[%get3A_70, %get3A_71] : memref<1x128xf32, #tpu.memory_space<vmem>>, vector<1x128xf32>
    %mul3A_73 = vector.broadcast %get3A_72 : vector<1x128xf32> to vector<2000x128xf32>
    %mul3A_74 = arith.mulf %mul3A_69, %mul3A_73 : vector<2000x128xf32>
    %get3A_75 = arith.constant 0 : index
    %get3A_76 = arith.constant 0 : index
    %get3A_77 = vector.load %arg10[%get3A_75, %get3A_76] : memref<1x128xf32, #tpu.memory_space<vmem>>, vector<1x128xf32>
    %add3A_78 = vector.broadcast %get3A_77 : vector<1x128xf32> to vector<2000x128xf32>
    %add3A_79 = arith.addf %mul3A_74, %add3A_78 : vector<2000x128xf32>
    %swap3A = arith.constant 0 : index
    %swap3A_80 = arith.constant 0 : index
    %swap3A_81 = vector.load %arg12[%swap3A, %swap3A_80] : memref<2000x128xf32, #tpu.memory_space<vmem>>, vector<2000x128xf32>
    tpu.vector_store %arg12[%swap3A, %swap3A_80], %add3A_79 {strides = array<i32>} : memref<2000x128xf32, #tpu.memory_space<vmem>>, vector<2000x128xf32>,
    %eq3A = arith.constant 0 : i32
    %eq3A_82 = arith.cmpi eq, %arg0, %eq3A : i32
    %convert_element_type3A_83 = arith.extui %eq3A_82 : i1 to i32
    %cond3A = arith.constant 0 : i32
    %cond3A_84 = arith.cmpi ne, %convert_element_type3A_83, %cond3A : i32
    scf.if %cond3A_84 {
      %broadcast_in_dim3A_93 = arith.constant 0.000000e+00 : f32
      %broadcast_in_dim3A_94 = vector.broadcast %broadcast_in_dim3A_93 : f32 to vector<1x128xf32>
      %swap3A_95 = arith.constant 0 : index
      %swap3A_96 = arith.constant 0 : index
      %swap3A_97 = vector.load %arg13[%swap3A_95, %swap3A_96] : memref<1x128xf32, #tpu.memory_space<vmem>>, vector<1x128xf32>
      tpu.vector_store %arg13[%swap3A_95, %swap3A_96], %broadcast_in_dim3A_94 {strides = array<i32>} : memref<1x128xf32, #tpu.memory_space<vmem>>, vector<1x128xf32>,
    } else {
    }
    %get3A_85 = arith.constant 0 : index
    %get3A_86 = arith.constant 0 : index
    %get3A_87 = vector.load %arg13[%get3A_85, %get3A_86] : memref<1x128xf32, #tpu.memory_space<vmem>>, vector<1x128xf32>
    %reduce_sum3A = arith.constant dense<0.000000e+00> : vector<128xf32>
    %reduce_sum3A_88 = vector.multi_reduction <add>, %add3A_79, %reduce_sum3A [0] : vector<2000x128xf32> to vector<128xf32>
    %broadcast_in_dim3A = vector.shape_cast %reduce_sum3A_88 : vector<128xf32> to vector<1x128xf32>
    %add3A_89 = arith.addf %get3A_87, %broadcast_in_dim3A : vector<1x128xf32>
    %swap3A_90 = arith.constant 0 : index
    %swap3A_91 = arith.constant 0 : index
    %swap3A_92 = vector.load %arg13[%swap3A_90, %swap3A_91] : memref<1x128xf32, #tpu.memory_space<vmem>>, vector<1x128xf32>
    tpu.vector_store %arg13[%swap3A_90, %swap3A_91], %add3A_89 {strides = array<i32>} : memref<1x128xf32, #tpu.memory_space<vmem>>, vector<1x128xf32>,
    return
  }
  func.func @transform_0(%arg0: i32) -> (i32, i32) {
    %c0_i32 = arith.constant 0 : i32
    %c0_i32_0 = arith.constant 0 : i32
    return %arg0, %c0_i32 : i32, i32
  }
  func.func @transform_1(%arg0: i32) -> (i32, i32) {
    %c0_i32 = arith.constant 0 : i32
    %c0_i32_0 = arith.constant 0 : i32
    return %arg0, %c0_i32 : i32, i32
  }
  func.func @transform_2(%arg0: i32) -> (i32, i32) {
    %c0_i32 = arith.constant 0 : i32
    %c0_i32_0 = arith.constant 0 : i32
    return %arg0, %c0_i32 : i32, i32
  }
  func.func @transform_3(%arg0: i32) -> (i32, i32) {
    %c0_i32 = arith.constant 0 : i32
    %c0_i32_0 = arith.constant 0 : i32
    %c0_i32_1 = arith.constant 0 : i32
    return %c0_i32, %c0_i32_0 : i32, i32
  }
  func.func @transform_4(%arg0: i32) -> (i32, i32) {
    %c0_i32 = arith.constant 0 : i32
    %c0_i32_0 = arith.constant 0 : i32
    %c0_i32_1 = arith.constant 0 : i32
    return %c0_i32, %c0_i32_0 : i32, i32
  }
  func.func @transform_5(%arg0: i32) -> (i32, i32) {
    %c0_i32 = arith.constant 0 : i32
    %c0_i32_0 = arith.constant 0 : i32
    %c0_i32_1 = arith.constant 0 : i32
    return %c0_i32, %c0_i32_0 : i32, i32
  }
  func.func @transform_6(%arg0: i32) -> (i32, i32) {
    %c0_i32 = arith.constant 0 : i32
    %c0_i32_0 = arith.constant 0 : i32
    %c0_i32_1 = arith.constant 0 : i32
    return %c0_i32, %c0_i32_0 : i32, i32
  }
  func.func @transform_7(%arg0: i32) -> (i32, i32) {
    %c0_i32 = arith.constant 0 : i32
    %c0_i32_0 = arith.constant 0 : i32
    %c0_i32_1 = arith.constant 0 : i32
    return %c0_i32, %c0_i32_0 : i32, i32
  }
  func.func @transform_8(%arg0: i32) -> (i32, i32) {
    %c0_i32 = arith.constant 0 : i32
    %c0_i32_0 = arith.constant 0 : i32
    %c0_i32_1 = arith.constant 0 : i32
    return %c0_i32, %c0_i32_0 : i32, i32
  }
  func.func @transform_9(%arg0: i32) -> (i32, i32) {
    %c0_i32 = arith.constant 0 : i32
    %c0_i32_0 = arith.constant 0 : i32
    %c0_i32_1 = arith.constant 0 : i32
    return %c0_i32, %c0_i32_0 : i32, i32
  }
  func.func @transform_10(%arg0: i32) -> (i32, i32) {
    %c0_i32 = arith.constant 0 : i32
    %c0_i32_0 = arith.constant 0 : i32
    %c0_i32_1 = arith.constant 0 : i32
    return %c0_i32, %c0_i32_0 : i32, i32
  }
  func.func @transform_11(%arg0: i32) -> (i32, i32) {
    %c0_i32 = arith.constant 0 : i32
    %c0_i32_0 = arith.constant 0 : i32
    return %arg0, %c0_i32 : i32, i32
  }
  func.func @transform_12(%arg0: i32) -> (i32, i32) {
    %c0_i32 = arith.constant 0 : i32
    %c0_i32_0 = arith.constant 0 : i32
    %c0_i32_1 = arith.constant 0 : i32
    return %c0_i32, %c0_i32_0 : i32, i32
  }
}

module attributes {stable_mosaic.version = 14 : i64} {
  func.func @body(%arg0: i32, %arg1: memref<1000x64xf32, #tpu.memory_space<vmem>>, %arg2: memref<1000x64xf32, #tpu.memory_space<vmem>>, %arg3: memref<1000x64xf32, #tpu.memory_space<vmem>>, %arg4: memref<1000x64xf32, #tpu.memory_space<vmem>>, %arg5: memref<1000x64xf32, #tpu.memory_space<vmem>>, %arg6: memref<64x64xf32, #tpu.memory_space<vmem>>, %arg7: memref<64x64xf32, #tpu.memory_space<vmem>>, %arg8: memref<64x64xf32, #tpu.memory_space<vmem>>, %arg9: memref<64x64xf32, #tpu.memory_space<vmem>>, %arg10: memref<1x64xf32, #tpu.memory_space<vmem>>, %arg11: memref<64x64xf32, #tpu.memory_space<vmem>>, %arg12: memref<1x64xf32, #tpu.memory_space<vmem>>, %arg13: memref<1x64xf32, #tpu.memory_space<vmem>>, %arg14: memref<1x64xf32, #tpu.memory_space<vmem>>, %arg15: memref<128x128xf32, #tpu.memory_space<vmem>>, %arg16: memref<64x64xf32, #tpu.memory_space<vmem>>, %arg17: memref<64x64xf32, #tpu.memory_space<vmem>>, %arg18: memref<64x64xf32, #tpu.memory_space<vmem>>, %arg19: memref<64x64xf32, #tpu.memory_space<vmem>>, %arg20: memref<1000x64xf32, #tpu.memory_space<vmem>>, %arg21: memref<1x64xf32, #tpu.memory_space<vmem>>, %arg22: memref<1000x64xf32, #tpu.memory_space<vmem>>, %arg23: memref<1000x64xf32, #tpu.memory_space<vmem>>) attributes {dimension_semantics = [#tpu.dimension_semantics<arbitrary>], iteration_bounds = array<i64: 10>, scalar_prefetch = 0 : i64, scratch_operands = 0 : i64, tpu.core_type = #tpu.core_type<tc>, window_params = [{transform_indices = @transform_0, window_bounds = array<i64: 1000, 64>}, {transform_indices = @transform_1, window_bounds = array<i64: 1000, 64>}, {transform_indices = @transform_2, window_bounds = array<i64: 1000, 64>}, {transform_indices = @transform_3, window_bounds = array<i64: 1000, 64>}, {transform_indices = @transform_4, window_bounds = array<i64: 1000, 64>}, {pipeline_mode = #tpu.pipeline_mode<synchronous>, transform_indices = @transform_5, window_bounds = array<i64: 64, 64>}, {pipeline_mode = #tpu.pipeline_mode<synchronous>, transform_indices = @transform_6, window_bounds = array<i64: 64, 64>}, {pipeline_mode = #tpu.pipeline_mode<synchronous>, transform_indices = @transform_7, window_bounds = array<i64: 64, 64>}, {pipeline_mode = #tpu.pipeline_mode<synchronous>, transform_indices = @transform_8, window_bounds = array<i64: 64, 64>}, {pipeline_mode = #tpu.pipeline_mode<synchronous>, transform_indices = @transform_9, window_bounds = array<i64: 1, 64>}, {pipeline_mode = #tpu.pipeline_mode<synchronous>, transform_indices = @transform_10, window_bounds = array<i64: 64, 64>}, {pipeline_mode = #tpu.pipeline_mode<synchronous>, transform_indices = @transform_11, window_bounds = array<i64: 1, 64>}, {pipeline_mode = #tpu.pipeline_mode<synchronous>, transform_indices = @transform_12, window_bounds = array<i64: 1, 64>}, {pipeline_mode = #tpu.pipeline_mode<synchronous>, transform_indices = @transform_13, window_bounds = array<i64: 1, 64>}, {pipeline_mode = #tpu.pipeline_mode<synchronous>, transform_indices = @transform_14, window_bounds = array<i64: 128, 128>}, {pipeline_mode = #tpu.pipeline_mode<synchronous>, transform_indices = @transform_15, window_bounds = array<i64: 64, 64>}, {pipeline_mode = #tpu.pipeline_mode<synchronous>, transform_indices = @transform_16, window_bounds = array<i64: 64, 64>}, {pipeline_mode = #tpu.pipeline_mode<synchronous>, transform_indices = @transform_17, window_bounds = array<i64: 64, 64>}, {pipeline_mode = #tpu.pipeline_mode<synchronous>, transform_indices = @transform_18, window_bounds = array<i64: 64, 64>}, {transform_indices = @transform_19, window_bounds = array<i64: 1000, 64>}, {pipeline_mode = #tpu.pipeline_mode<synchronous>, transform_indices = @transform_20, window_bounds = array<i64: 1, 64>}, {transform_indices = @transform_21, window_bounds = array<i64: 1000, 64>}, {transform_indices = @transform_22, window_bounds = array<i64: 1000, 64>}]} {
    %get3A = arith.constant 0 : index
    %get3A_0 = arith.constant 0 : index
    %get3A_1 = vector.load %arg1[%get3A, %get3A_0] : memref<1000x64xf32, #tpu.memory_space<vmem>>, vector<1000x64xf32>
    %get3A_2 = arith.constant 0 : index
    %get3A_3 = arith.constant 0 : index
    %get3A_4 = vector.load %arg2[%get3A_2, %get3A_3] : memref<1000x64xf32, #tpu.memory_space<vmem>>, vector<1000x64xf32>
    %get3A_5 = arith.constant 0 : index
    %get3A_6 = arith.constant 0 : index
    %get3A_7 = vector.load %arg3[%get3A_5, %get3A_6] : memref<1000x64xf32, #tpu.memory_space<vmem>>, vector<1000x64xf32>
    %add3A = arith.addf %get3A_4, %get3A_7 : vector<1000x64xf32>
    %get3A_8 = arith.constant 0 : index
    %get3A_9 = arith.constant 0 : index
    %get3A_10 = vector.load %arg4[%get3A_8, %get3A_9] : memref<1000x64xf32, #tpu.memory_space<vmem>>, vector<1000x64xf32>
    %get3A_11 = arith.constant 0 : index
    %get3A_12 = arith.constant 0 : index
    %get3A_13 = vector.load %arg5[%get3A_11, %get3A_12] : memref<1000x64xf32, #tpu.memory_space<vmem>>, vector<1000x64xf32>
    %add3A_14 = arith.addf %get3A_10, %get3A_13 : vector<1000x64xf32>
    %get3A_15 = arith.constant 0 : index
    %get3A_16 = arith.constant 0 : index
    %get3A_17 = vector.load %arg6[%get3A_15, %get3A_16] : memref<64x64xf32, #tpu.memory_space<vmem>>, vector<64x64xf32>
    %convert_element_type3A = arith.truncf %get3A_1 : vector<1000x64xf32> to vector<1000x64xbf16>
    %convert_element_type3A_18 = arith.truncf %get3A_17 : vector<64x64xf32> to vector<64x64xbf16>
    %dot_general3A = arith.constant dense<0.000000e+00> : vector<1000x64xf32>
    %dot_general3A_19 = tpu.matmul %convert_element_type3A, %convert_element_type3A_18, %dot_general3A {dimension_numbers = #tpu.dot_dimension_numbers<[1], [0], [0], [1], [0, 0, 1, 1], [], []>, transpose_lhs_hint = false} : vector<1000x64xbf16>, vector<64x64xbf16>, vector<1000x64xf32> -> vector<1000x64xf32>
    %get3A_20 = arith.constant 0 : index
    %get3A_21 = arith.constant 0 : index
    %get3A_22 = vector.load %arg7[%get3A_20, %get3A_21] : memref<64x64xf32, #tpu.memory_space<vmem>>, vector<64x64xf32>
    %convert_element_type3A_23 = arith.truncf %get3A_1 : vector<1000x64xf32> to vector<1000x64xbf16>
    %convert_element_type3A_24 = arith.truncf %get3A_22 : vector<64x64xf32> to vector<64x64xbf16>
    %dot_general3A_25 = arith.constant dense<0.000000e+00> : vector<1000x64xf32>
    %dot_general3A_26 = tpu.matmul %convert_element_type3A_23, %convert_element_type3A_24, %dot_general3A_25 {dimension_numbers = #tpu.dot_dimension_numbers<[1], [0], [0], [1], [0, 0, 1, 1], [], []>, transpose_lhs_hint = false} : vector<1000x64xbf16>, vector<64x64xbf16>, vector<1000x64xf32> -> vector<1000x64xf32>
    %add3A_27 = arith.addf %dot_general3A_19, %dot_general3A_26 : vector<1000x64xf32>
    %get3A_28 = arith.constant 0 : index
    %get3A_29 = arith.constant 0 : index
    %get3A_30 = vector.load %arg8[%get3A_28, %get3A_29] : memref<64x64xf32, #tpu.memory_space<vmem>>, vector<64x64xf32>
    %convert_element_type3A_31 = arith.truncf %add3A : vector<1000x64xf32> to vector<1000x64xbf16>
    %convert_element_type3A_32 = arith.truncf %get3A_30 : vector<64x64xf32> to vector<64x64xbf16>
    %dot_general3A_33 = arith.constant dense<0.000000e+00> : vector<1000x64xf32>
    %dot_general3A_34 = tpu.matmul %convert_element_type3A_31, %convert_element_type3A_32, %dot_general3A_33 {dimension_numbers = #tpu.dot_dimension_numbers<[1], [0], [0], [1], [0, 0, 1, 1], [], []>, transpose_lhs_hint = false} : vector<1000x64xbf16>, vector<64x64xbf16>, vector<1000x64xf32> -> vector<1000x64xf32>
    %add3A_35 = arith.addf %add3A_27, %dot_general3A_34 : vector<1000x64xf32>
    %get3A_36 = arith.constant 0 : index
    %get3A_37 = arith.constant 0 : index
    %get3A_38 = vector.load %arg9[%get3A_36, %get3A_37] : memref<64x64xf32, #tpu.memory_space<vmem>>, vector<64x64xf32>
    %convert_element_type3A_39 = arith.truncf %add3A_14 : vector<1000x64xf32> to vector<1000x64xbf16>
    %convert_element_type3A_40 = arith.truncf %get3A_38 : vector<64x64xf32> to vector<64x64xbf16>
    %dot_general3A_41 = arith.constant dense<0.000000e+00> : vector<1000x64xf32>
    %dot_general3A_42 = tpu.matmul %convert_element_type3A_39, %convert_element_type3A_40, %dot_general3A_41 {dimension_numbers = #tpu.dot_dimension_numbers<[1], [0], [0], [1], [0, 0, 1, 1], [], []>, transpose_lhs_hint = false} : vector<1000x64xbf16>, vector<64x64xbf16>, vector<1000x64xf32> -> vector<1000x64xf32>
    %add3A_43 = arith.addf %add3A_35, %dot_general3A_42 : vector<1000x64xf32>
    %get3A_44 = arith.constant 0 : index
    %get3A_45 = arith.constant 0 : index
    %get3A_46 = vector.load %arg10[%get3A_44, %get3A_45] : memref<1x64xf32, #tpu.memory_space<vmem>>, vector<1x64xf32>
    %add3A_47 = vector.broadcast %get3A_46 : vector<1x64xf32> to vector<1000x64xf32>
    %add3A_48 = arith.addf %add3A_43, %add3A_47 : vector<1000x64xf32>
    %max3A = arith.constant 0.000000e+00 : f32
    %max3A_49 = vector.broadcast %max3A : f32 to vector<1000x64xf32>
    %max3A_50 = arith.maximumf %add3A_48, %max3A_49 : vector<1000x64xf32>
    %get3A_51 = arith.constant 0 : index
    %get3A_52 = arith.constant 0 : index
    %get3A_53 = vector.load %arg11[%get3A_51, %get3A_52] : memref<64x64xf32, #tpu.memory_space<vmem>>, vector<64x64xf32>
    %convert_element_type3A_54 = arith.truncf %max3A_50 : vector<1000x64xf32> to vector<1000x64xbf16>
    %convert_element_type3A_55 = arith.truncf %get3A_53 : vector<64x64xf32> to vector<64x64xbf16>
    %dot_general3A_56 = arith.constant dense<0.000000e+00> : vector<1000x64xf32>
    %dot_general3A_57 = tpu.matmul %convert_element_type3A_54, %convert_element_type3A_55, %dot_general3A_56 {dimension_numbers = #tpu.dot_dimension_numbers<[1], [0], [0], [1], [0, 0, 1, 1], [], []>, transpose_lhs_hint = false} : vector<1000x64xbf16>, vector<64x64xbf16>, vector<1000x64xf32> -> vector<1000x64xf32>
    %get3A_58 = arith.constant 0 : index
    %get3A_59 = arith.constant 0 : index
    %get3A_60 = vector.load %arg12[%get3A_58, %get3A_59] : memref<1x64xf32, #tpu.memory_space<vmem>>, vector<1x64xf32>
    %add3A_61 = vector.broadcast %get3A_60 : vector<1x64xf32> to vector<1000x64xf32>
    %add3A_62 = arith.addf %dot_general3A_57, %add3A_61 : vector<1000x64xf32>
    %max3A_63 = arith.constant 0.000000e+00 : f32
    %max3A_64 = vector.broadcast %max3A_63 : f32 to vector<1000x64xf32>
    %max3A_65 = arith.maximumf %add3A_62, %max3A_64 : vector<1000x64xf32>
    %mul3A = arith.mulf %max3A_65, %max3A_65 : vector<1000x64xf32>
    %concatenate3A = tpu.concatenate %max3A_65, %mul3A in 1 : vector<1000x64xf32>, vector<1000x64xf32> -> vector<1000x128xf32>
    %get3A_66 = arith.constant 0 : index
    %get3A_67 = arith.constant 0 : index
    %get3A_68 = vector.load %arg15[%get3A_66, %get3A_67] : memref<128x128xf32, #tpu.memory_space<vmem>>, vector<128x128xf32>
    %convert_element_type3A_69 = arith.truncf %concatenate3A : vector<1000x128xf32> to vector<1000x128xbf16>
    %convert_element_type3A_70 = arith.extf %convert_element_type3A_69 : vector<1000x128xbf16> to vector<1000x128xf32>
    %sub3A = arith.subf %concatenate3A, %convert_element_type3A_70 : vector<1000x128xf32>
    %convert_element_type3A_71 = arith.truncf %sub3A : vector<1000x128xf32> to vector<1000x128xbf16>
    %convert_element_type3A_72 = arith.extf %convert_element_type3A_71 : vector<1000x128xbf16> to vector<1000x128xf32>
    %sub3A_73 = arith.subf %sub3A, %convert_element_type3A_72 : vector<1000x128xf32>
    %convert_element_type3A_74 = arith.truncf %sub3A_73 : vector<1000x128xf32> to vector<1000x128xbf16>
    %convert_element_type3A_75 = arith.truncf %get3A_68 : vector<128x128xf32> to vector<128x128xbf16>
    %dot_general3A_76 = arith.constant dense<0.000000e+00> : vector<1000x128xf32>
    %dot_general3A_77 = tpu.matmul %convert_element_type3A_69, %convert_element_type3A_75, %dot_general3A_76 {dimension_numbers = #tpu.dot_dimension_numbers<[1], [0], [0], [1], [0, 0, 1, 1], [], []>, transpose_lhs_hint = false} : vector<1000x128xbf16>, vector<128x128xbf16>, vector<1000x128xf32> -> vector<1000x128xf32>
    %dot_general3A_78 = arith.constant dense<0.000000e+00> : vector<1000x128xf32>
    %dot_general3A_79 = tpu.matmul %convert_element_type3A_71, %convert_element_type3A_75, %dot_general3A_78 {dimension_numbers = #tpu.dot_dimension_numbers<[1], [0], [0], [1], [0, 0, 1, 1], [], []>, transpose_lhs_hint = false} : vector<1000x128xbf16>, vector<128x128xbf16>, vector<1000x128xf32> -> vector<1000x128xf32>
    %dot_general3A_80 = arith.constant dense<0.000000e+00> : vector<1000x128xf32>
    %dot_general3A_81 = tpu.matmul %convert_element_type3A_74, %convert_element_type3A_75, %dot_general3A_80 {dimension_numbers = #tpu.dot_dimension_numbers<[1], [0], [0], [1], [0, 0, 1, 1], [], []>, transpose_lhs_hint = false} : vector<1000x128xbf16>, vector<128x128xbf16>, vector<1000x128xf32> -> vector<1000x128xf32>
    %add3A_82 = arith.addf %dot_general3A_79, %dot_general3A_81 : vector<1000x128xf32>
    %add3A_83 = arith.addf %dot_general3A_77, %add3A_82 : vector<1000x128xf32>
    %slice3A = vector.extract_strided_slice %add3A_83 {offsets = [0, 0], sizes = [1000, 64], strides = [1, 1]} : vector<1000x128xf32> to vector<1000x64xf32>
    %slice3A_84 = vector.extract_strided_slice %add3A_83 {offsets = [0, 64], sizes = [1000, 64], strides = [1, 1]} : vector<1000x128xf32> to vector<1000x64xf32>
    %sub3A_85 = arith.subf %max3A_65, %slice3A : vector<1000x64xf32>
    %mul3A_86 = arith.mulf %slice3A, %slice3A : vector<1000x64xf32>
    %sub3A_87 = arith.subf %slice3A_84, %mul3A_86 : vector<1000x64xf32>
    %add3A_88 = arith.constant 9.99999974E-6 : f32
    %add3A_89 = vector.broadcast %add3A_88 : f32 to vector<1000x64xf32>
    %add3A_90 = arith.addf %sub3A_87, %add3A_89 : vector<1000x64xf32>
    %rsqrt3A = math.rsqrt %add3A_90 : vector<1000x64xf32>
    %mul3A_91 = arith.mulf %sub3A_85, %rsqrt3A : vector<1000x64xf32>
    %get3A_92 = arith.constant 0 : index
    %get3A_93 = arith.constant 0 : index
    %get3A_94 = vector.load %arg13[%get3A_92, %get3A_93] : memref<1x64xf32, #tpu.memory_space<vmem>>, vector<1x64xf32>
    %mul3A_95 = vector.broadcast %get3A_94 : vector<1x64xf32> to vector<1000x64xf32>
    %mul3A_96 = arith.mulf %mul3A_91, %mul3A_95 : vector<1000x64xf32>
    %get3A_97 = arith.constant 0 : index
    %get3A_98 = arith.constant 0 : index
    %get3A_99 = vector.load %arg14[%get3A_97, %get3A_98] : memref<1x64xf32, #tpu.memory_space<vmem>>, vector<1x64xf32>
    %add3A_100 = vector.broadcast %get3A_99 : vector<1x64xf32> to vector<1000x64xf32>
    %add3A_101 = arith.addf %mul3A_96, %add3A_100 : vector<1000x64xf32>
    %swap3A = arith.constant 0 : index
    %swap3A_102 = arith.constant 0 : index
    %swap3A_103 = vector.load %arg20[%swap3A, %swap3A_102] : memref<1000x64xf32, #tpu.memory_space<vmem>>, vector<1000x64xf32>
    tpu.vector_store %arg20[%swap3A, %swap3A_102], %add3A_101 {strides = array<i32>} : memref<1000x64xf32, #tpu.memory_space<vmem>>, vector<1000x64xf32>,
    %eq3A = arith.constant 0 : i32
    %eq3A_104 = arith.cmpi eq, %arg0, %eq3A : i32
    %convert_element_type3A_105 = arith.extui %eq3A_104 : i1 to i32
    %cond3A = arith.constant 0 : i32
    %cond3A_106 = arith.cmpi ne, %convert_element_type3A_105, %cond3A : i32
    scf.if %cond3A_106 {
      %broadcast_in_dim3A_151 = arith.constant 0.000000e+00 : f32
      %broadcast_in_dim3A_152 = vector.broadcast %broadcast_in_dim3A_151 : f32 to vector<1x64xf32>
      %swap3A_153 = arith.constant 0 : index
      %swap3A_154 = arith.constant 0 : index
      %swap3A_155 = vector.load %arg21[%swap3A_153, %swap3A_154] : memref<1x64xf32, #tpu.memory_space<vmem>>, vector<1x64xf32>
      tpu.vector_store %arg21[%swap3A_153, %swap3A_154], %broadcast_in_dim3A_152 {strides = array<i32>} : memref<1x64xf32, #tpu.memory_space<vmem>>, vector<1x64xf32>,
    } else {
    }
    %get3A_107 = arith.constant 0 : index
    %get3A_108 = arith.constant 0 : index
    %get3A_109 = vector.load %arg21[%get3A_107, %get3A_108] : memref<1x64xf32, #tpu.memory_space<vmem>>, vector<1x64xf32>
    %reduce_sum3A = arith.constant dense<0.000000e+00> : vector<64xf32>
    %reduce_sum3A_110 = vector.multi_reduction <add>, %add3A_101, %reduce_sum3A [0] : vector<1000x64xf32> to vector<64xf32>
    %broadcast_in_dim3A = vector.shape_cast %reduce_sum3A_110 : vector<64xf32> to vector<1x64xf32>
    %add3A_111 = arith.addf %get3A_109, %broadcast_in_dim3A : vector<1x64xf32>
    %swap3A_112 = arith.constant 0 : index
    %swap3A_113 = arith.constant 0 : index
    %swap3A_114 = vector.load %arg21[%swap3A_112, %swap3A_113] : memref<1x64xf32, #tpu.memory_space<vmem>>, vector<1x64xf32>
    tpu.vector_store %arg21[%swap3A_112, %swap3A_113], %add3A_111 {strides = array<i32>} : memref<1x64xf32, #tpu.memory_space<vmem>>, vector<1x64xf32>,
    %get3A_115 = arith.constant 0 : index
    %get3A_116 = arith.constant 0 : index
    %get3A_117 = vector.load %arg16[%get3A_115, %get3A_116] : memref<64x64xf32, #tpu.memory_space<vmem>>, vector<64x64xf32>
    %convert_element_type3A_118 = arith.truncf %add3A_101 : vector<1000x64xf32> to vector<1000x64xbf16>
    %convert_element_type3A_119 = arith.truncf %get3A_117 : vector<64x64xf32> to vector<64x64xbf16>
    %dot_general3A_120 = arith.constant dense<0.000000e+00> : vector<1000x64xf32>
    %dot_general3A_121 = tpu.matmul %convert_element_type3A_118, %convert_element_type3A_119, %dot_general3A_120 {dimension_numbers = #tpu.dot_dimension_numbers<[1], [0], [0], [1], [0, 0, 1, 1], [], []>, transpose_lhs_hint = false} : vector<1000x64xbf16>, vector<64x64xbf16>, vector<1000x64xf32> -> vector<1000x64xf32>
    %get3A_122 = arith.constant 0 : index
    %get3A_123 = arith.constant 0 : index
    %get3A_124 = vector.load %arg17[%get3A_122, %get3A_123] : memref<64x64xf32, #tpu.memory_space<vmem>>, vector<64x64xf32>
    %convert_element_type3A_125 = arith.truncf %get3A_1 : vector<1000x64xf32> to vector<1000x64xbf16>
    %convert_element_type3A_126 = arith.truncf %get3A_124 : vector<64x64xf32> to vector<64x64xbf16>
    %dot_general3A_127 = arith.constant dense<0.000000e+00> : vector<1000x64xf32>
    %dot_general3A_128 = tpu.matmul %convert_element_type3A_125, %convert_element_type3A_126, %dot_general3A_127 {dimension_numbers = #tpu.dot_dimension_numbers<[1], [0], [0], [1], [0, 0, 1, 1], [], []>, transpose_lhs_hint = false} : vector<1000x64xbf16>, vector<64x64xbf16>, vector<1000x64xf32> -> vector<1000x64xf32>
    %add3A_129 = arith.addf %dot_general3A_121, %dot_general3A_128 : vector<1000x64xf32>
    %swap3A_130 = arith.constant 0 : index
    %swap3A_131 = arith.constant 0 : index
    %swap3A_132 = vector.load %arg22[%swap3A_130, %swap3A_131] : memref<1000x64xf32, #tpu.memory_space<vmem>>, vector<1000x64xf32>
    tpu.vector_store %arg22[%swap3A_130, %swap3A_131], %add3A_129 {strides = array<i32>} : memref<1000x64xf32, #tpu.memory_space<vmem>>, vector<1000x64xf32>,
    %get3A_133 = arith.constant 0 : index
    %get3A_134 = arith.constant 0 : index
    %get3A_135 = vector.load %arg18[%get3A_133, %get3A_134] : memref<64x64xf32, #tpu.memory_space<vmem>>, vector<64x64xf32>
    %convert_element_type3A_136 = arith.truncf %add3A_101 : vector<1000x64xf32> to vector<1000x64xbf16>
    %convert_element_type3A_137 = arith.truncf %get3A_135 : vector<64x64xf32> to vector<64x64xbf16>
    %dot_general3A_138 = arith.constant dense<0.000000e+00> : vector<1000x64xf32>
    %dot_general3A_139 = tpu.matmul %convert_element_type3A_136, %convert_element_type3A_137, %dot_general3A_138 {dimension_numbers = #tpu.dot_dimension_numbers<[1], [0], [0], [1], [0, 0, 1, 1], [], []>, transpose_lhs_hint = false} : vector<1000x64xbf16>, vector<64x64xbf16>, vector<1000x64xf32> -> vector<1000x64xf32>
    %get3A_140 = arith.constant 0 : index
    %get3A_141 = arith.constant 0 : index
    %get3A_142 = vector.load %arg19[%get3A_140, %get3A_141] : memref<64x64xf32, #tpu.memory_space<vmem>>, vector<64x64xf32>
    %convert_element_type3A_143 = arith.truncf %get3A_1 : vector<1000x64xf32> to vector<1000x64xbf16>
    %convert_element_type3A_144 = arith.truncf %get3A_142 : vector<64x64xf32> to vector<64x64xbf16>
    %dot_general3A_145 = arith.constant dense<0.000000e+00> : vector<1000x64xf32>
    %dot_general3A_146 = tpu.matmul %convert_element_type3A_143, %convert_element_type3A_144, %dot_general3A_145 {dimension_numbers = #tpu.dot_dimension_numbers<[1], [0], [0], [1], [0, 0, 1, 1], [], []>, transpose_lhs_hint = false} : vector<1000x64xbf16>, vector<64x64xbf16>, vector<1000x64xf32> -> vector<1000x64xf32>
    %add3A_147 = arith.addf %dot_general3A_139, %dot_general3A_146 : vector<1000x64xf32>
    %swap3A_148 = arith.constant 0 : index
    %swap3A_149 = arith.constant 0 : index
    %swap3A_150 = vector.load %arg23[%swap3A_148, %swap3A_149] : memref<1000x64xf32, #tpu.memory_space<vmem>>, vector<1000x64xf32>
    tpu.vector_store %arg23[%swap3A_148, %swap3A_149], %add3A_147 {strides = array<i32>} : memref<1000x64xf32, #tpu.memory_space<vmem>>, vector<1000x64xf32>,
    return
  }
  func.func @transform_0(%arg0: i32) -> (i32, i32) {
    %c0_i32 = arith.constant 0 : i32
    %c0_i32_0 = arith.constant 0 : i32
    return %arg0, %c0_i32 : i32, i32
  }
  func.func @transform_1(%arg0: i32) -> (i32, i32) {
    %c0_i32 = arith.constant 0 : i32
    %c0_i32_0 = arith.constant 0 : i32
    return %arg0, %c0_i32 : i32, i32
  }
  func.func @transform_2(%arg0: i32) -> (i32, i32) {
    %c0_i32 = arith.constant 0 : i32
    %c0_i32_0 = arith.constant 0 : i32
    return %arg0, %c0_i32 : i32, i32
  }
  func.func @transform_3(%arg0: i32) -> (i32, i32) {
    %c0_i32 = arith.constant 0 : i32
    %c0_i32_0 = arith.constant 0 : i32
    return %arg0, %c0_i32 : i32, i32
  }
  func.func @transform_4(%arg0: i32) -> (i32, i32) {
    %c0_i32 = arith.constant 0 : i32
    %c0_i32_0 = arith.constant 0 : i32
    return %arg0, %c0_i32 : i32, i32
  }
  func.func @transform_5(%arg0: i32) -> (i32, i32) {
    %c0_i32 = arith.constant 0 : i32
    %c0_i32_0 = arith.constant 0 : i32
    %c0_i32_1 = arith.constant 0 : i32
    return %c0_i32, %c0_i32_0 : i32, i32
  }
  func.func @transform_6(%arg0: i32) -> (i32, i32) {
    %c0_i32 = arith.constant 0 : i32
    %c0_i32_0 = arith.constant 0 : i32
    %c0_i32_1 = arith.constant 0 : i32
    return %c0_i32, %c0_i32_0 : i32, i32
  }
  func.func @transform_7(%arg0: i32) -> (i32, i32) {
    %c0_i32 = arith.constant 0 : i32
    %c0_i32_0 = arith.constant 0 : i32
    %c0_i32_1 = arith.constant 0 : i32
    return %c0_i32, %c0_i32_0 : i32, i32
  }
  func.func @transform_8(%arg0: i32) -> (i32, i32) {
    %c0_i32 = arith.constant 0 : i32
    %c0_i32_0 = arith.constant 0 : i32
    %c0_i32_1 = arith.constant 0 : i32
    return %c0_i32, %c0_i32_0 : i32, i32
  }
  func.func @transform_9(%arg0: i32) -> (i32, i32) {
    %c0_i32 = arith.constant 0 : i32
    %c0_i32_0 = arith.constant 0 : i32
    %c0_i32_1 = arith.constant 0 : i32
    return %c0_i32, %c0_i32_0 : i32, i32
  }
  func.func @transform_10(%arg0: i32) -> (i32, i32) {
    %c0_i32 = arith.constant 0 : i32
    %c0_i32_0 = arith.constant 0 : i32
    %c0_i32_1 = arith.constant 0 : i32
    return %c0_i32, %c0_i32_0 : i32, i32
  }
  func.func @transform_11(%arg0: i32) -> (i32, i32) {
    %c0_i32 = arith.constant 0 : i32
    %c0_i32_0 = arith.constant 0 : i32
    %c0_i32_1 = arith.constant 0 : i32
    return %c0_i32, %c0_i32_0 : i32, i32
  }
  func.func @transform_12(%arg0: i32) -> (i32, i32) {
    %c0_i32 = arith.constant 0 : i32
    %c0_i32_0 = arith.constant 0 : i32
    %c0_i32_1 = arith.constant 0 : i32
    return %c0_i32, %c0_i32_0 : i32, i32
  }
  func.func @transform_13(%arg0: i32) -> (i32, i32) {
    %c0_i32 = arith.constant 0 : i32
    %c0_i32_0 = arith.constant 0 : i32
    %c0_i32_1 = arith.constant 0 : i32
    return %c0_i32, %c0_i32_0 : i32, i32
  }
  func.func @transform_14(%arg0: i32) -> (i32, i32) {
    %c0_i32 = arith.constant 0 : i32
    %c0_i32_0 = arith.constant 0 : i32
    %c0_i32_1 = arith.constant 0 : i32
    return %c0_i32, %c0_i32_0 : i32, i32
  }
  func.func @transform_15(%arg0: i32) -> (i32, i32) {
    %c0_i32 = arith.constant 0 : i32
    %c0_i32_0 = arith.constant 0 : i32
    %c0_i32_1 = arith.constant 0 : i32
    return %c0_i32, %c0_i32_0 : i32, i32
  }
  func.func @transform_16(%arg0: i32) -> (i32, i32) {
    %c0_i32 = arith.constant 0 : i32
    %c0_i32_0 = arith.constant 0 : i32
    %c0_i32_1 = arith.constant 0 : i32
    return %c0_i32, %c0_i32_0 : i32, i32
  }
  func.func @transform_17(%arg0: i32) -> (i32, i32) {
    %c0_i32 = arith.constant 0 : i32
    %c0_i32_0 = arith.constant 0 : i32
    %c0_i32_1 = arith.constant 0 : i32
    return %c0_i32, %c0_i32_0 : i32, i32
  }
  func.func @transform_18(%arg0: i32) -> (i32, i32) {
    %c0_i32 = arith.constant 0 : i32
    %c0_i32_0 = arith.constant 0 : i32
    %c0_i32_1 = arith.constant 0 : i32
    return %c0_i32, %c0_i32_0 : i32, i32
  }
  func.func @transform_19(%arg0: i32) -> (i32, i32) {
    %c0_i32 = arith.constant 0 : i32
    %c0_i32_0 = arith.constant 0 : i32
    return %arg0, %c0_i32 : i32, i32
  }
  func.func @transform_20(%arg0: i32) -> (i32, i32) {
    %c0_i32 = arith.constant 0 : i32
    %c0_i32_0 = arith.constant 0 : i32
    %c0_i32_1 = arith.constant 0 : i32
    return %c0_i32, %c0_i32_0 : i32, i32
  }
  func.func @transform_21(%arg0: i32) -> (i32, i32) {
    %c0_i32 = arith.constant 0 : i32
    %c0_i32_0 = arith.constant 0 : i32
    return %arg0, %c0_i32 : i32, i32
  }
  func.func @transform_22(%arg0: i32) -> (i32, i32) {
    %c0_i32 = arith.constant 0 : i32
    %c0_i32_0 = arith.constant 0 : i32
    return %arg0, %c0_i32 : i32, i32
  }
}

module attributes {stable_mosaic.version = 14 : i64} {
  func.func @body(%arg0: i32, %arg1: memref<1x64xf32, #tpu.memory_space<vmem>>, %arg2: memref<1x64xf32, #tpu.memory_space<vmem>>, %arg3: memref<1x64xf32, #tpu.memory_space<vmem>>, %arg4: memref<1x64xf32, #tpu.memory_space<vmem>>, %arg5: memref<64x64xf32, #tpu.memory_space<vmem>>, %arg6: memref<64x64xf32, #tpu.memory_space<vmem>>, %arg7: memref<64x64xf32, #tpu.memory_space<vmem>>, %arg8: memref<64x64xf32, #tpu.memory_space<vmem>>, %arg9: memref<1x64xf32, #tpu.memory_space<vmem>>, %arg10: memref<64x64xf32, #tpu.memory_space<vmem>>, %arg11: memref<1x64xf32, #tpu.memory_space<vmem>>, %arg12: memref<1x64xf32, #tpu.memory_space<vmem>>, %arg13: memref<1x64xf32, #tpu.memory_space<vmem>>, %arg14: memref<128x128xf32, #tpu.memory_space<vmem>>, %arg15: memref<64x64xf32, #tpu.memory_space<vmem>>, %arg16: memref<64x64xf32, #tpu.memory_space<vmem>>, %arg17: memref<64x64xf32, #tpu.memory_space<vmem>>, %arg18: memref<64x64xf32, #tpu.memory_space<vmem>>, %arg19: memref<1x64xf32, #tpu.memory_space<vmem>>, %arg20: memref<1x64xf32, #tpu.memory_space<vmem>>, %arg21: memref<1x64xf32, #tpu.memory_space<vmem>>, %arg22: memref<1x64xf32, #tpu.memory_space<vmem>>, %arg23: memref<1x64xf32, #tpu.memory_space<vmem>>) attributes {dimension_semantics = [#tpu.dimension_semantics<arbitrary>], iteration_bounds = array<i64: 1>, scalar_prefetch = 0 : i64, scratch_operands = 0 : i64, tpu.core_type = #tpu.core_type<tc>, window_params = [{transform_indices = @transform_0, window_bounds = array<i64: 1, 64>}, {transform_indices = @transform_1, window_bounds = array<i64: 1, 64>}, {transform_indices = @transform_2, window_bounds = array<i64: 1, 64>}, {transform_indices = @transform_3, window_bounds = array<i64: 1, 64>}, {pipeline_mode = #tpu.pipeline_mode<synchronous>, transform_indices = @transform_4, window_bounds = array<i64: 64, 64>}, {pipeline_mode = #tpu.pipeline_mode<synchronous>, transform_indices = @transform_5, window_bounds = array<i64: 64, 64>}, {pipeline_mode = #tpu.pipeline_mode<synchronous>, transform_indices = @transform_6, window_bounds = array<i64: 64, 64>}, {pipeline_mode = #tpu.pipeline_mode<synchronous>, transform_indices = @transform_7, window_bounds = array<i64: 64, 64>}, {pipeline_mode = #tpu.pipeline_mode<synchronous>, transform_indices = @transform_8, window_bounds = array<i64: 1, 64>}, {pipeline_mode = #tpu.pipeline_mode<synchronous>, transform_indices = @transform_9, window_bounds = array<i64: 64, 64>}, {pipeline_mode = #tpu.pipeline_mode<synchronous>, transform_indices = @transform_10, window_bounds = array<i64: 1, 64>}, {pipeline_mode = #tpu.pipeline_mode<synchronous>, transform_indices = @transform_11, window_bounds = array<i64: 1, 64>}, {pipeline_mode = #tpu.pipeline_mode<synchronous>, transform_indices = @transform_12, window_bounds = array<i64: 1, 64>}, {pipeline_mode = #tpu.pipeline_mode<synchronous>, transform_indices = @transform_13, window_bounds = array<i64: 128, 128>}, {pipeline_mode = #tpu.pipeline_mode<synchronous>, transform_indices = @transform_14, window_bounds = array<i64: 64, 64>}, {pipeline_mode = #tpu.pipeline_mode<synchronous>, transform_indices = @transform_15, window_bounds = array<i64: 64, 64>}, {pipeline_mode = #tpu.pipeline_mode<synchronous>, transform_indices = @transform_16, window_bounds = array<i64: 64, 64>}, {pipeline_mode = #tpu.pipeline_mode<synchronous>, transform_indices = @transform_17, window_bounds = array<i64: 64, 64>}, {pipeline_mode = #tpu.pipeline_mode<synchronous>, transform_indices = @transform_18, window_bounds = array<i64: 1, 64>}, {pipeline_mode = #tpu.pipeline_mode<synchronous>, transform_indices = @transform_19, window_bounds = array<i64: 1, 64>}, {transform_indices = @transform_20, window_bounds = array<i64: 1, 64>}, {transform_indices = @transform_21, window_bounds = array<i64: 1, 64>}, {transform_indices = @transform_22, window_bounds = array<i64: 1, 64>}]} {
    %get3A = arith.constant 0 : index
    %get3A_0 = arith.constant 0 : index
    %get3A_1 = vector.load %arg1[%get3A, %get3A_0] : memref<1x64xf32, #tpu.memory_space<vmem>>, vector<1x64xf32>
    %get3A_2 = arith.constant 0 : index
    %get3A_3 = arith.constant 0 : index
    %get3A_4 = vector.load %arg2[%get3A_2, %get3A_3] : memref<1x64xf32, #tpu.memory_space<vmem>>, vector<1x64xf32>
    %get3A_5 = arith.constant 0 : index
    %get3A_6 = arith.constant 0 : index
    %get3A_7 = vector.load %arg3[%get3A_5, %get3A_6] : memref<1x64xf32, #tpu.memory_space<vmem>>, vector<1x64xf32>
    %add3A = arith.addf %get3A_4, %get3A_7 : vector<1x64xf32>
    %get3A_8 = arith.constant 0 : index
    %get3A_9 = arith.constant 0 : index
    %get3A_10 = vector.load %arg4[%get3A_8, %get3A_9] : memref<1x64xf32, #tpu.memory_space<vmem>>, vector<1x64xf32>
    %get3A_11 = arith.constant 0 : index
    %get3A_12 = arith.constant 0 : index
    %get3A_13 = vector.load %arg5[%get3A_11, %get3A_12] : memref<64x64xf32, #tpu.memory_space<vmem>>, vector<64x64xf32>
    %convert_element_type3A = arith.truncf %get3A_1 : vector<1x64xf32> to vector<1x64xbf16>
    %convert_element_type3A_14 = arith.truncf %get3A_13 : vector<64x64xf32> to vector<64x64xbf16>
    %dot_general3A = arith.constant dense<0.000000e+00> : vector<1x64xf32>
    %dot_general3A_15 = tpu.matmul %convert_element_type3A, %convert_element_type3A_14, %dot_general3A {dimension_numbers = #tpu.dot_dimension_numbers<[1], [0], [0], [1], [0, 0, 1, 1], [], []>, transpose_lhs_hint = false} : vector<1x64xbf16>, vector<64x64xbf16>, vector<1x64xf32> -> vector<1x64xf32>
    %get3A_16 = arith.constant 0 : index
    %get3A_17 = arith.constant 0 : index
    %get3A_18 = vector.load %arg6[%get3A_16, %get3A_17] : memref<64x64xf32, #tpu.memory_space<vmem>>, vector<64x64xf32>
    %convert_element_type3A_19 = arith.truncf %add3A : vector<1x64xf32> to vector<1x64xbf16>
    %convert_element_type3A_20 = arith.truncf %get3A_18 : vector<64x64xf32> to vector<64x64xbf16>
    %dot_general3A_21 = arith.constant dense<0.000000e+00> : vector<1x64xf32>
    %dot_general3A_22 = tpu.matmul %convert_element_type3A_19, %convert_element_type3A_20, %dot_general3A_21 {dimension_numbers = #tpu.dot_dimension_numbers<[1], [0], [0], [1], [0, 0, 1, 1], [], []>, transpose_lhs_hint = false} : vector<1x64xbf16>, vector<64x64xbf16>, vector<1x64xf32> -> vector<1x64xf32>
    %add3A_23 = arith.addf %dot_general3A_15, %dot_general3A_22 : vector<1x64xf32>
    %get3A_24 = arith.constant 0 : index
    %get3A_25 = arith.constant 0 : index
    %get3A_26 = vector.load %arg7[%get3A_24, %get3A_25] : memref<64x64xf32, #tpu.memory_space<vmem>>, vector<64x64xf32>
    %convert_element_type3A_27 = arith.truncf %get3A_10 : vector<1x64xf32> to vector<1x64xbf16>
    %convert_element_type3A_28 = arith.truncf %get3A_26 : vector<64x64xf32> to vector<64x64xbf16>
    %dot_general3A_29 = arith.constant dense<0.000000e+00> : vector<1x64xf32>
    %dot_general3A_30 = tpu.matmul %convert_element_type3A_27, %convert_element_type3A_28, %dot_general3A_29 {dimension_numbers = #tpu.dot_dimension_numbers<[1], [0], [0], [1], [0, 0, 1, 1], [], []>, transpose_lhs_hint = false} : vector<1x64xbf16>, vector<64x64xbf16>, vector<1x64xf32> -> vector<1x64xf32>
    %add3A_31 = arith.addf %add3A_23, %dot_general3A_30 : vector<1x64xf32>
    %get3A_32 = arith.constant 0 : index
    %get3A_33 = arith.constant 0 : index
    %get3A_34 = vector.load %arg8[%get3A_32, %get3A_33] : memref<64x64xf32, #tpu.memory_space<vmem>>, vector<64x64xf32>
    %convert_element_type3A_35 = arith.truncf %get3A_10 : vector<1x64xf32> to vector<1x64xbf16>
    %convert_element_type3A_36 = arith.truncf %get3A_34 : vector<64x64xf32> to vector<64x64xbf16>
    %dot_general3A_37 = arith.constant dense<0.000000e+00> : vector<1x64xf32>
    %dot_general3A_38 = tpu.matmul %convert_element_type3A_35, %convert_element_type3A_36, %dot_general3A_37 {dimension_numbers = #tpu.dot_dimension_numbers<[1], [0], [0], [1], [0, 0, 1, 1], [], []>, transpose_lhs_hint = false} : vector<1x64xbf16>, vector<64x64xbf16>, vector<1x64xf32> -> vector<1x64xf32>
    %add3A_39 = arith.addf %add3A_31, %dot_general3A_38 : vector<1x64xf32>
    %get3A_40 = arith.constant 0 : index
    %get3A_41 = arith.constant 0 : index
    %get3A_42 = vector.load %arg9[%get3A_40, %get3A_41] : memref<1x64xf32, #tpu.memory_space<vmem>>, vector<1x64xf32>
    %add3A_43 = arith.addf %add3A_39, %get3A_42 : vector<1x64xf32>
    %max3A = arith.constant 0.000000e+00 : f32
    %max3A_44 = vector.broadcast %max3A : f32 to vector<1x64xf32>
    %max3A_45 = arith.maximumf %add3A_43, %max3A_44 : vector<1x64xf32>
    %get3A_46 = arith.constant 0 : index
    %get3A_47 = arith.constant 0 : index
    %get3A_48 = vector.load %arg10[%get3A_46, %get3A_47] : memref<64x64xf32, #tpu.memory_space<vmem>>, vector<64x64xf32>
    %convert_element_type3A_49 = arith.truncf %max3A_45 : vector<1x64xf32> to vector<1x64xbf16>
    %convert_element_type3A_50 = arith.truncf %get3A_48 : vector<64x64xf32> to vector<64x64xbf16>
    %dot_general3A_51 = arith.constant dense<0.000000e+00> : vector<1x64xf32>
    %dot_general3A_52 = tpu.matmul %convert_element_type3A_49, %convert_element_type3A_50, %dot_general3A_51 {dimension_numbers = #tpu.dot_dimension_numbers<[1], [0], [0], [1], [0, 0, 1, 1], [], []>, transpose_lhs_hint = false} : vector<1x64xbf16>, vector<64x64xbf16>, vector<1x64xf32> -> vector<1x64xf32>
    %get3A_53 = arith.constant 0 : index
    %get3A_54 = arith.constant 0 : index
    %get3A_55 = vector.load %arg11[%get3A_53, %get3A_54] : memref<1x64xf32, #tpu.memory_space<vmem>>, vector<1x64xf32>
    %add3A_56 = arith.addf %dot_general3A_52, %get3A_55 : vector<1x64xf32>
    %max3A_57 = arith.constant 0.000000e+00 : f32
    %max3A_58 = vector.broadcast %max3A_57 : f32 to vector<1x64xf32>
    %max3A_59 = arith.maximumf %add3A_56, %max3A_58 : vector<1x64xf32>
    %mul3A = arith.mulf %max3A_59, %max3A_59 : vector<1x64xf32>
    %concatenate3A = tpu.concatenate %max3A_59, %mul3A in 1 : vector<1x64xf32>, vector<1x64xf32> -> vector<1x128xf32>
    %get3A_60 = arith.constant 0 : index
    %get3A_61 = arith.constant 0 : index
    %get3A_62 = vector.load %arg14[%get3A_60, %get3A_61] : memref<128x128xf32, #tpu.memory_space<vmem>>, vector<128x128xf32>
    %convert_element_type3A_63 = arith.truncf %concatenate3A : vector<1x128xf32> to vector<1x128xbf16>
    %convert_element_type3A_64 = arith.extf %convert_element_type3A_63 : vector<1x128xbf16> to vector<1x128xf32>
    %sub3A = arith.subf %concatenate3A, %convert_element_type3A_64 : vector<1x128xf32>
    %convert_element_type3A_65 = arith.truncf %sub3A : vector<1x128xf32> to vector<1x128xbf16>
    %convert_element_type3A_66 = arith.extf %convert_element_type3A_65 : vector<1x128xbf16> to vector<1x128xf32>
    %sub3A_67 = arith.subf %sub3A, %convert_element_type3A_66 : vector<1x128xf32>
    %convert_element_type3A_68 = arith.truncf %sub3A_67 : vector<1x128xf32> to vector<1x128xbf16>
    %convert_element_type3A_69 = arith.truncf %get3A_62 : vector<128x128xf32> to vector<128x128xbf16>
    %dot_general3A_70 = arith.constant dense<0.000000e+00> : vector<1x128xf32>
    %dot_general3A_71 = tpu.matmul %convert_element_type3A_63, %convert_element_type3A_69, %dot_general3A_70 {dimension_numbers = #tpu.dot_dimension_numbers<[1], [0], [0], [1], [0, 0, 1, 1], [], []>, transpose_lhs_hint = false} : vector<1x128xbf16>, vector<128x128xbf16>, vector<1x128xf32> -> vector<1x128xf32>
    %dot_general3A_72 = arith.constant dense<0.000000e+00> : vector<1x128xf32>
    %dot_general3A_73 = tpu.matmul %convert_element_type3A_65, %convert_element_type3A_69, %dot_general3A_72 {dimension_numbers = #tpu.dot_dimension_numbers<[1], [0], [0], [1], [0, 0, 1, 1], [], []>, transpose_lhs_hint = false} : vector<1x128xbf16>, vector<128x128xbf16>, vector<1x128xf32> -> vector<1x128xf32>
    %dot_general3A_74 = arith.constant dense<0.000000e+00> : vector<1x128xf32>
    %dot_general3A_75 = tpu.matmul %convert_element_type3A_68, %convert_element_type3A_69, %dot_general3A_74 {dimension_numbers = #tpu.dot_dimension_numbers<[1], [0], [0], [1], [0, 0, 1, 1], [], []>, transpose_lhs_hint = false} : vector<1x128xbf16>, vector<128x128xbf16>, vector<1x128xf32> -> vector<1x128xf32>
    %add3A_76 = arith.addf %dot_general3A_73, %dot_general3A_75 : vector<1x128xf32>
    %add3A_77 = arith.addf %dot_general3A_71, %add3A_76 : vector<1x128xf32>
    %slice3A = vector.extract_strided_slice %add3A_77 {offsets = [0, 0], sizes = [1, 64], strides = [1, 1]} : vector<1x128xf32> to vector<1x64xf32>
    %slice3A_78 = vector.extract_strided_slice %add3A_77 {offsets = [0, 64], sizes = [1, 64], strides = [1, 1]} : vector<1x128xf32> to vector<1x64xf32>
    %sub3A_79 = arith.subf %max3A_59, %slice3A : vector<1x64xf32>
    %mul3A_80 = arith.mulf %slice3A, %slice3A : vector<1x64xf32>
    %sub3A_81 = arith.subf %slice3A_78, %mul3A_80 : vector<1x64xf32>
    %add3A_82 = arith.constant 9.99999974E-6 : f32
    %add3A_83 = vector.broadcast %add3A_82 : f32 to vector<1x64xf32>
    %add3A_84 = arith.addf %sub3A_81, %add3A_83 : vector<1x64xf32>
    %rsqrt3A = math.rsqrt %add3A_84 : vector<1x64xf32>
    %mul3A_85 = arith.mulf %sub3A_79, %rsqrt3A : vector<1x64xf32>
    %get3A_86 = arith.constant 0 : index
    %get3A_87 = arith.constant 0 : index
    %get3A_88 = vector.load %arg12[%get3A_86, %get3A_87] : memref<1x64xf32, #tpu.memory_space<vmem>>, vector<1x64xf32>
    %mul3A_89 = arith.mulf %mul3A_85, %get3A_88 : vector<1x64xf32>
    %get3A_90 = arith.constant 0 : index
    %get3A_91 = arith.constant 0 : index
    %get3A_92 = vector.load %arg13[%get3A_90, %get3A_91] : memref<1x64xf32, #tpu.memory_space<vmem>>, vector<1x64xf32>
    %add3A_93 = arith.addf %mul3A_89, %get3A_92 : vector<1x64xf32>
    %swap3A = arith.constant 0 : index
    %swap3A_94 = arith.constant 0 : index
    %swap3A_95 = vector.load %arg21[%swap3A, %swap3A_94] : memref<1x64xf32, #tpu.memory_space<vmem>>, vector<1x64xf32>
    tpu.vector_store %arg21[%swap3A, %swap3A_94], %add3A_93 {strides = array<i32>} : memref<1x64xf32, #tpu.memory_space<vmem>>, vector<1x64xf32>,
    %get3A_96 = arith.constant 0 : index
    %get3A_97 = arith.constant 0 : index
    %get3A_98 = vector.load %arg15[%get3A_96, %get3A_97] : memref<64x64xf32, #tpu.memory_space<vmem>>, vector<64x64xf32>
    %convert_element_type3A_99 = arith.truncf %add3A_93 : vector<1x64xf32> to vector<1x64xbf16>
    %convert_element_type3A_100 = arith.truncf %get3A_98 : vector<64x64xf32> to vector<64x64xbf16>
    %dot_general3A_101 = arith.constant dense<0.000000e+00> : vector<1x64xf32>
    %dot_general3A_102 = tpu.matmul %convert_element_type3A_99, %convert_element_type3A_100, %dot_general3A_101 {dimension_numbers = #tpu.dot_dimension_numbers<[1], [0], [0], [1], [0, 0, 1, 1], [], []>, transpose_lhs_hint = false} : vector<1x64xbf16>, vector<64x64xbf16>, vector<1x64xf32> -> vector<1x64xf32>
    %get3A_103 = arith.constant 0 : index
    %get3A_104 = arith.constant 0 : index
    %get3A_105 = vector.load %arg16[%get3A_103, %get3A_104] : memref<64x64xf32, #tpu.memory_space<vmem>>, vector<64x64xf32>
    %convert_element_type3A_106 = arith.truncf %get3A_10 : vector<1x64xf32> to vector<1x64xbf16>
    %convert_element_type3A_107 = arith.truncf %get3A_105 : vector<64x64xf32> to vector<64x64xbf16>
    %dot_general3A_108 = arith.constant dense<0.000000e+00> : vector<1x64xf32>
    %dot_general3A_109 = tpu.matmul %convert_element_type3A_106, %convert_element_type3A_107, %dot_general3A_108 {dimension_numbers = #tpu.dot_dimension_numbers<[1], [0], [0], [1], [0, 0, 1, 1], [], []>, transpose_lhs_hint = false} : vector<1x64xbf16>, vector<64x64xbf16>, vector<1x64xf32> -> vector<1x64xf32>
    %add3A_110 = arith.addf %dot_general3A_102, %dot_general3A_109 : vector<1x64xf32>
    %get3A_111 = arith.constant 0 : index
    %get3A_112 = arith.constant 0 : index
    %get3A_113 = vector.load %arg19[%get3A_111, %get3A_112] : memref<1x64xf32, #tpu.memory_space<vmem>>, vector<1x64xf32>
    %add3A_114 = arith.addf %add3A_110, %get3A_113 : vector<1x64xf32>
    %swap3A_115 = arith.constant 0 : index
    %swap3A_116 = arith.constant 0 : index
    %swap3A_117 = vector.load %arg22[%swap3A_115, %swap3A_116] : memref<1x64xf32, #tpu.memory_space<vmem>>, vector<1x64xf32>
    tpu.vector_store %arg22[%swap3A_115, %swap3A_116], %add3A_114 {strides = array<i32>} : memref<1x64xf32, #tpu.memory_space<vmem>>, vector<1x64xf32>,
    %get3A_118 = arith.constant 0 : index
    %get3A_119 = arith.constant 0 : index
    %get3A_120 = vector.load %arg17[%get3A_118, %get3A_119] : memref<64x64xf32, #tpu.memory_space<vmem>>, vector<64x64xf32>
    %convert_element_type3A_121 = arith.truncf %add3A_93 : vector<1x64xf32> to vector<1x64xbf16>
    %convert_element_type3A_122 = arith.truncf %get3A_120 : vector<64x64xf32> to vector<64x64xbf16>
    %dot_general3A_123 = arith.constant dense<0.000000e+00> : vector<1x64xf32>
    %dot_general3A_124 = tpu.matmul %convert_element_type3A_121, %convert_element_type3A_122, %dot_general3A_123 {dimension_numbers = #tpu.dot_dimension_numbers<[1], [0], [0], [1], [0, 0, 1, 1], [], []>, transpose_lhs_hint = false} : vector<1x64xbf16>, vector<64x64xbf16>, vector<1x64xf32> -> vector<1x64xf32>
    %get3A_125 = arith.constant 0 : index
    %get3A_126 = arith.constant 0 : index
    %get3A_127 = vector.load %arg18[%get3A_125, %get3A_126] : memref<64x64xf32, #tpu.memory_space<vmem>>, vector<64x64xf32>
    %convert_element_type3A_128 = arith.truncf %get3A_10 : vector<1x64xf32> to vector<1x64xbf16>
    %convert_element_type3A_129 = arith.truncf %get3A_127 : vector<64x64xf32> to vector<64x64xbf16>
    %dot_general3A_130 = arith.constant dense<0.000000e+00> : vector<1x64xf32>
    %dot_general3A_131 = tpu.matmul %convert_element_type3A_128, %convert_element_type3A_129, %dot_general3A_130 {dimension_numbers = #tpu.dot_dimension_numbers<[1], [0], [0], [1], [0, 0, 1, 1], [], []>, transpose_lhs_hint = false} : vector<1x64xbf16>, vector<64x64xbf16>, vector<1x64xf32> -> vector<1x64xf32>
    %add3A_132 = arith.addf %dot_general3A_124, %dot_general3A_131 : vector<1x64xf32>
    %get3A_133 = arith.constant 0 : index
    %get3A_134 = arith.constant 0 : index
    %get3A_135 = vector.load %arg20[%get3A_133, %get3A_134] : memref<1x64xf32, #tpu.memory_space<vmem>>, vector<1x64xf32>
    %add3A_136 = arith.addf %add3A_132, %get3A_135 : vector<1x64xf32>
    %swap3A_137 = arith.constant 0 : index
    %swap3A_138 = arith.constant 0 : index
    %swap3A_139 = vector.load %arg23[%swap3A_137, %swap3A_138] : memref<1x64xf32, #tpu.memory_space<vmem>>, vector<1x64xf32>
    tpu.vector_store %arg23[%swap3A_137, %swap3A_138], %add3A_136 {strides = array<i32>} : memref<1x64xf32, #tpu.memory_space<vmem>>, vector<1x64xf32>,
    return
  }
  func.func @transform_0(%arg0: i32) -> (i32, i32) {
    %c0_i32 = arith.constant 0 : i32
    %c0_i32_0 = arith.constant 0 : i32
    return %arg0, %c0_i32 : i32, i32
  }
  func.func @transform_1(%arg0: i32) -> (i32, i32) {
    %c0_i32 = arith.constant 0 : i32
    %c0_i32_0 = arith.constant 0 : i32
    return %arg0, %c0_i32 : i32, i32
  }
  func.func @transform_2(%arg0: i32) -> (i32, i32) {
    %c0_i32 = arith.constant 0 : i32
    %c0_i32_0 = arith.constant 0 : i32
    return %arg0, %c0_i32 : i32, i32
  }
  func.func @transform_3(%arg0: i32) -> (i32, i32) {
    %c0_i32 = arith.constant 0 : i32
    %c0_i32_0 = arith.constant 0 : i32
    return %arg0, %c0_i32 : i32, i32
  }
  func.func @transform_4(%arg0: i32) -> (i32, i32) {
    %c0_i32 = arith.constant 0 : i32
    %c0_i32_0 = arith.constant 0 : i32
    %c0_i32_1 = arith.constant 0 : i32
    return %c0_i32, %c0_i32_0 : i32, i32
  }
  func.func @transform_5(%arg0: i32) -> (i32, i32) {
    %c0_i32 = arith.constant 0 : i32
    %c0_i32_0 = arith.constant 0 : i32
    %c0_i32_1 = arith.constant 0 : i32
    return %c0_i32, %c0_i32_0 : i32, i32
  }
  func.func @transform_6(%arg0: i32) -> (i32, i32) {
    %c0_i32 = arith.constant 0 : i32
    %c0_i32_0 = arith.constant 0 : i32
    %c0_i32_1 = arith.constant 0 : i32
    return %c0_i32, %c0_i32_0 : i32, i32
  }
  func.func @transform_7(%arg0: i32) -> (i32, i32) {
    %c0_i32 = arith.constant 0 : i32
    %c0_i32_0 = arith.constant 0 : i32
    %c0_i32_1 = arith.constant 0 : i32
    return %c0_i32, %c0_i32_0 : i32, i32
  }
  func.func @transform_8(%arg0: i32) -> (i32, i32) {
    %c0_i32 = arith.constant 0 : i32
    %c0_i32_0 = arith.constant 0 : i32
    %c0_i32_1 = arith.constant 0 : i32
    return %c0_i32, %c0_i32_0 : i32, i32
  }
  func.func @transform_9(%arg0: i32) -> (i32, i32) {
    %c0_i32 = arith.constant 0 : i32
    %c0_i32_0 = arith.constant 0 : i32
    %c0_i32_1 = arith.constant 0 : i32
    return %c0_i32, %c0_i32_0 : i32, i32
  }
  func.func @transform_10(%arg0: i32) -> (i32, i32) {
    %c0_i32 = arith.constant 0 : i32
    %c0_i32_0 = arith.constant 0 : i32
    %c0_i32_1 = arith.constant 0 : i32
    return %c0_i32, %c0_i32_0 : i32, i32
  }
  func.func @transform_11(%arg0: i32) -> (i32, i32) {
    %c0_i32 = arith.constant 0 : i32
    %c0_i32_0 = arith.constant 0 : i32
    %c0_i32_1 = arith.constant 0 : i32
    return %c0_i32, %c0_i32_0 : i32, i32
  }
  func.func @transform_12(%arg0: i32) -> (i32, i32) {
    %c0_i32 = arith.constant 0 : i32
    %c0_i32_0 = arith.constant 0 : i32
    %c0_i32_1 = arith.constant 0 : i32
    return %c0_i32, %c0_i32_0 : i32, i32
  }
  func.func @transform_13(%arg0: i32) -> (i32, i32) {
    %c0_i32 = arith.constant 0 : i32
    %c0_i32_0 = arith.constant 0 : i32
    %c0_i32_1 = arith.constant 0 : i32
    return %c0_i32, %c0_i32_0 : i32, i32
  }
  func.func @transform_14(%arg0: i32) -> (i32, i32) {
    %c0_i32 = arith.constant 0 : i32
    %c0_i32_0 = arith.constant 0 : i32
    %c0_i32_1 = arith.constant 0 : i32
    return %c0_i32, %c0_i32_0 : i32, i32
  }
  func.func @transform_15(%arg0: i32) -> (i32, i32) {
    %c0_i32 = arith.constant 0 : i32
    %c0_i32_0 = arith.constant 0 : i32
    %c0_i32_1 = arith.constant 0 : i32
    return %c0_i32, %c0_i32_0 : i32, i32
  }
  func.func @transform_16(%arg0: i32) -> (i32, i32) {
    %c0_i32 = arith.constant 0 : i32
    %c0_i32_0 = arith.constant 0 : i32
    %c0_i32_1 = arith.constant 0 : i32
    return %c0_i32, %c0_i32_0 : i32, i32
  }
  func.func @transform_17(%arg0: i32) -> (i32, i32) {
    %c0_i32 = arith.constant 0 : i32
    %c0_i32_0 = arith.constant 0 : i32
    %c0_i32_1 = arith.constant 0 : i32
    return %c0_i32, %c0_i32_0 : i32, i32
  }
  func.func @transform_18(%arg0: i32) -> (i32, i32) {
    %c0_i32 = arith.constant 0 : i32
    %c0_i32_0 = arith.constant 0 : i32
    %c0_i32_1 = arith.constant 0 : i32
    return %c0_i32, %c0_i32_0 : i32, i32
  }
  func.func @transform_19(%arg0: i32) -> (i32, i32) {
    %c0_i32 = arith.constant 0 : i32
    %c0_i32_0 = arith.constant 0 : i32
    %c0_i32_1 = arith.constant 0 : i32
    return %c0_i32, %c0_i32_0 : i32, i32
  }
  func.func @transform_20(%arg0: i32) -> (i32, i32) {
    %c0_i32 = arith.constant 0 : i32
    %c0_i32_0 = arith.constant 0 : i32
    return %arg0, %c0_i32 : i32, i32
  }
  func.func @transform_21(%arg0: i32) -> (i32, i32) {
    %c0_i32 = arith.constant 0 : i32
    %c0_i32_0 = arith.constant 0 : i32
    return %arg0, %c0_i32 : i32, i32
  }
  func.func @transform_22(%arg0: i32) -> (i32, i32) {
    %c0_i32 = arith.constant 0 : i32
    %c0_i32_0 = arith.constant 0 : i32
    return %arg0, %c0_i32 : i32, i32
  }
}

module attributes {stable_mosaic.version = 14 : i64} {
  func.func @body(%arg0: i32, %arg1: memref<2000x128xf32, #tpu.memory_space<vmem>>, %arg2: memref<2000x128xf32, #tpu.memory_space<vmem>>, %arg3: memref<2000x128xf32, #tpu.memory_space<vmem>>, %arg4: memref<2000x128xf32, #tpu.memory_space<vmem>>, %arg5: memref<128x128xf32, #tpu.memory_space<vmem>>, %arg6: memref<128x128xf32, #tpu.memory_space<vmem>>, %arg7: memref<1x128xf32, #tpu.memory_space<vmem>>, %arg8: memref<128x128xf32, #tpu.memory_space<vmem>>, %arg9: memref<1x128xf32, #tpu.memory_space<vmem>>, %arg10: memref<1x128xf32, #tpu.memory_space<vmem>>, %arg11: memref<1x128xf32, #tpu.memory_space<vmem>>, %arg12: memref<256x256xf32, #tpu.memory_space<vmem>>, %arg13: memref<2000x128xf32, #tpu.memory_space<vmem>>, %arg14: memref<1x128xf32, #tpu.memory_space<vmem>>) attributes {dimension_semantics = [#tpu.dimension_semantics<arbitrary>], iteration_bounds = array<i64: 80>, scalar_prefetch = 0 : i64, scratch_operands = 0 : i64, tpu.core_type = #tpu.core_type<tc>, window_params = [{transform_indices = @transform_0, window_bounds = array<i64: 2000, 128>}, {transform_indices = @transform_1, window_bounds = array<i64: 2000, 128>}, {transform_indices = @transform_2, window_bounds = array<i64: 2000, 128>}, {transform_indices = @transform_3, window_bounds = array<i64: 2000, 128>}, {pipeline_mode = #tpu.pipeline_mode<synchronous>, transform_indices = @transform_4, window_bounds = array<i64: 128, 128>}, {pipeline_mode = #tpu.pipeline_mode<synchronous>, transform_indices = @transform_5, window_bounds = array<i64: 128, 128>}, {pipeline_mode = #tpu.pipeline_mode<synchronous>, transform_indices = @transform_6, window_bounds = array<i64: 1, 128>}, {pipeline_mode = #tpu.pipeline_mode<synchronous>, transform_indices = @transform_7, window_bounds = array<i64: 128, 128>}, {pipeline_mode = #tpu.pipeline_mode<synchronous>, transform_indices = @transform_8, window_bounds = array<i64: 1, 128>}, {pipeline_mode = #tpu.pipeline_mode<synchronous>, transform_indices = @transform_9, window_bounds = array<i64: 1, 128>}, {pipeline_mode = #tpu.pipeline_mode<synchronous>, transform_indices = @transform_10, window_bounds = array<i64: 1, 128>}, {pipeline_mode = #tpu.pipeline_mode<synchronous>, transform_indices = @transform_11, window_bounds = array<i64: 256, 256>}, {transform_indices = @transform_12, window_bounds = array<i64: 2000, 128>}, {pipeline_mode = #tpu.pipeline_mode<synchronous>, transform_indices = @transform_13, window_bounds = array<i64: 1, 128>}]} {
    %get3A = arith.constant 0 : index
    %get3A_0 = arith.constant 0 : index
    %get3A_1 = vector.load %arg1[%get3A, %get3A_0] : memref<2000x128xf32, #tpu.memory_space<vmem>>, vector<2000x128xf32>
    %get3A_2 = arith.constant 0 : index
    %get3A_3 = arith.constant 0 : index
    %get3A_4 = vector.load %arg2[%get3A_2, %get3A_3] : memref<2000x128xf32, #tpu.memory_space<vmem>>, vector<2000x128xf32>
    %get3A_5 = arith.constant 0 : index
    %get3A_6 = arith.constant 0 : index
    %get3A_7 = vector.load %arg5[%get3A_5, %get3A_6] : memref<128x128xf32, #tpu.memory_space<vmem>>, vector<128x128xf32>
    %convert_element_type3A = arith.truncf %get3A_1 : vector<2000x128xf32> to vector<2000x128xbf16>
    %convert_element_type3A_8 = arith.truncf %get3A_7 : vector<128x128xf32> to vector<128x128xbf16>
    %dot_general3A = arith.constant dense<0.000000e+00> : vector<2000x128xf32>
    %dot_general3A_9 = tpu.matmul %convert_element_type3A, %convert_element_type3A_8, %dot_general3A {dimension_numbers = #tpu.dot_dimension_numbers<[1], [0], [0], [1], [0, 0, 1, 1], [], []>, transpose_lhs_hint = false} : vector<2000x128xbf16>, vector<128x128xbf16>, vector<2000x128xf32> -> vector<2000x128xf32>
    %get3A_10 = arith.constant 0 : index
    %get3A_11 = arith.constant 0 : index
    %get3A_12 = vector.load %arg6[%get3A_10, %get3A_11] : memref<128x128xf32, #tpu.memory_space<vmem>>, vector<128x128xf32>
    %convert_element_type3A_13 = arith.truncf %get3A_4 : vector<2000x128xf32> to vector<2000x128xbf16>
    %convert_element_type3A_14 = arith.truncf %get3A_12 : vector<128x128xf32> to vector<128x128xbf16>
    %dot_general3A_15 = arith.constant dense<0.000000e+00> : vector<2000x128xf32>
    %dot_general3A_16 = tpu.matmul %convert_element_type3A_13, %convert_element_type3A_14, %dot_general3A_15 {dimension_numbers = #tpu.dot_dimension_numbers<[1], [0], [0], [1], [0, 0, 1, 1], [], []>, transpose_lhs_hint = false} : vector<2000x128xbf16>, vector<128x128xbf16>, vector<2000x128xf32> -> vector<2000x128xf32>
    %add3A = arith.addf %dot_general3A_9, %dot_general3A_16 : vector<2000x128xf32>
    %get3A_17 = arith.constant 0 : index
    %get3A_18 = arith.constant 0 : index
    %get3A_19 = vector.load %arg3[%get3A_17, %get3A_18] : memref<2000x128xf32, #tpu.memory_space<vmem>>, vector<2000x128xf32>
    %add3A_20 = arith.addf %add3A, %get3A_19 : vector<2000x128xf32>
    %get3A_21 = arith.constant 0 : index
    %get3A_22 = arith.constant 0 : index
    %get3A_23 = vector.load %arg4[%get3A_21, %get3A_22] : memref<2000x128xf32, #tpu.memory_space<vmem>>, vector<2000x128xf32>
    %add3A_24 = arith.addf %add3A_20, %get3A_23 : vector<2000x128xf32>
    %get3A_25 = arith.constant 0 : index
    %get3A_26 = arith.constant 0 : index
    %get3A_27 = vector.load %arg7[%get3A_25, %get3A_26] : memref<1x128xf32, #tpu.memory_space<vmem>>, vector<1x128xf32>
    %add3A_28 = vector.broadcast %get3A_27 : vector<1x128xf32> to vector<2000x128xf32>
    %add3A_29 = arith.addf %add3A_24, %add3A_28 : vector<2000x128xf32>
    %max3A = arith.constant 0.000000e+00 : f32
    %max3A_30 = vector.broadcast %max3A : f32 to vector<2000x128xf32>
    %max3A_31 = arith.maximumf %add3A_29, %max3A_30 : vector<2000x128xf32>
    %get3A_32 = arith.constant 0 : index
    %get3A_33 = arith.constant 0 : index
    %get3A_34 = vector.load %arg8[%get3A_32, %get3A_33] : memref<128x128xf32, #tpu.memory_space<vmem>>, vector<128x128xf32>
    %convert_element_type3A_35 = arith.truncf %max3A_31 : vector<2000x128xf32> to vector<2000x128xbf16>
    %convert_element_type3A_36 = arith.truncf %get3A_34 : vector<128x128xf32> to vector<128x128xbf16>
    %dot_general3A_37 = arith.constant dense<0.000000e+00> : vector<2000x128xf32>
    %dot_general3A_38 = tpu.matmul %convert_element_type3A_35, %convert_element_type3A_36, %dot_general3A_37 {dimension_numbers = #tpu.dot_dimension_numbers<[1], [0], [0], [1], [0, 0, 1, 1], [], []>, transpose_lhs_hint = false} : vector<2000x128xbf16>, vector<128x128xbf16>, vector<2000x128xf32> -> vector<2000x128xf32>
    %get3A_39 = arith.constant 0 : index
    %get3A_40 = arith.constant 0 : index
    %get3A_41 = vector.load %arg9[%get3A_39, %get3A_40] : memref<1x128xf32, #tpu.memory_space<vmem>>, vector<1x128xf32>
    %add3A_42 = vector.broadcast %get3A_41 : vector<1x128xf32> to vector<2000x128xf32>
    %add3A_43 = arith.addf %dot_general3A_38, %add3A_42 : vector<2000x128xf32>
    %max3A_44 = arith.constant 0.000000e+00 : f32
    %max3A_45 = vector.broadcast %max3A_44 : f32 to vector<2000x128xf32>
    %max3A_46 = arith.maximumf %add3A_43, %max3A_45 : vector<2000x128xf32>
    %mul3A = arith.mulf %max3A_46, %max3A_46 : vector<2000x128xf32>
    %concatenate3A = tpu.concatenate %max3A_46, %mul3A in 1 : vector<2000x128xf32>, vector<2000x128xf32> -> vector<2000x256xf32>
    %get3A_47 = arith.constant 0 : index
    %get3A_48 = arith.constant 0 : index
    %get3A_49 = vector.load %arg12[%get3A_47, %get3A_48] : memref<256x256xf32, #tpu.memory_space<vmem>>, vector<256x256xf32>
    %convert_element_type3A_50 = arith.truncf %concatenate3A : vector<2000x256xf32> to vector<2000x256xbf16>
    %convert_element_type3A_51 = arith.extf %convert_element_type3A_50 : vector<2000x256xbf16> to vector<2000x256xf32>
    %sub3A = arith.subf %concatenate3A, %convert_element_type3A_51 : vector<2000x256xf32>
    %convert_element_type3A_52 = arith.truncf %sub3A : vector<2000x256xf32> to vector<2000x256xbf16>
    %convert_element_type3A_53 = arith.extf %convert_element_type3A_52 : vector<2000x256xbf16> to vector<2000x256xf32>
    %sub3A_54 = arith.subf %sub3A, %convert_element_type3A_53 : vector<2000x256xf32>
    %convert_element_type3A_55 = arith.truncf %sub3A_54 : vector<2000x256xf32> to vector<2000x256xbf16>
    %convert_element_type3A_56 = arith.truncf %get3A_49 : vector<256x256xf32> to vector<256x256xbf16>
    %dot_general3A_57 = arith.constant dense<0.000000e+00> : vector<2000x256xf32>
    %dot_general3A_58 = tpu.matmul %convert_element_type3A_50, %convert_element_type3A_56, %dot_general3A_57 {dimension_numbers = #tpu.dot_dimension_numbers<[1], [0], [0], [1], [0, 0, 1, 1], [], []>, transpose_lhs_hint = false} : vector<2000x256xbf16>, vector<256x256xbf16>, vector<2000x256xf32> -> vector<2000x256xf32>
    %dot_general3A_59 = arith.constant dense<0.000000e+00> : vector<2000x256xf32>
    %dot_general3A_60 = tpu.matmul %convert_element_type3A_52, %convert_element_type3A_56, %dot_general3A_59 {dimension_numbers = #tpu.dot_dimension_numbers<[1], [0], [0], [1], [0, 0, 1, 1], [], []>, transpose_lhs_hint = false} : vector<2000x256xbf16>, vector<256x256xbf16>, vector<2000x256xf32> -> vector<2000x256xf32>
    %dot_general3A_61 = arith.constant dense<0.000000e+00> : vector<2000x256xf32>
    %dot_general3A_62 = tpu.matmul %convert_element_type3A_55, %convert_element_type3A_56, %dot_general3A_61 {dimension_numbers = #tpu.dot_dimension_numbers<[1], [0], [0], [1], [0, 0, 1, 1], [], []>, transpose_lhs_hint = false} : vector<2000x256xbf16>, vector<256x256xbf16>, vector<2000x256xf32> -> vector<2000x256xf32>
    %add3A_63 = arith.addf %dot_general3A_60, %dot_general3A_62 : vector<2000x256xf32>
    %add3A_64 = arith.addf %dot_general3A_58, %add3A_63 : vector<2000x256xf32>
    %slice3A = vector.extract_strided_slice %add3A_64 {offsets = [0, 0], sizes = [2000, 128], strides = [1, 1]} : vector<2000x256xf32> to vector<2000x128xf32>
    %slice3A_65 = vector.extract_strided_slice %add3A_64 {offsets = [0, 128], sizes = [2000, 128], strides = [1, 1]} : vector<2000x256xf32> to vector<2000x128xf32>
    %sub3A_66 = arith.subf %max3A_46, %slice3A : vector<2000x128xf32>
    %mul3A_67 = arith.mulf %slice3A, %slice3A : vector<2000x128xf32>
    %sub3A_68 = arith.subf %slice3A_65, %mul3A_67 : vector<2000x128xf32>
    %add3A_69 = arith.constant 9.99999974E-6 : f32
    %add3A_70 = vector.broadcast %add3A_69 : f32 to vector<2000x128xf32>
    %add3A_71 = arith.addf %sub3A_68, %add3A_70 : vector<2000x128xf32>
    %rsqrt3A = math.rsqrt %add3A_71 : vector<2000x128xf32>
    %mul3A_72 = arith.mulf %sub3A_66, %rsqrt3A : vector<2000x128xf32>
    %get3A_73 = arith.constant 0 : index
    %get3A_74 = arith.constant 0 : index
    %get3A_75 = vector.load %arg10[%get3A_73, %get3A_74] : memref<1x128xf32, #tpu.memory_space<vmem>>, vector<1x128xf32>
    %mul3A_76 = vector.broadcast %get3A_75 : vector<1x128xf32> to vector<2000x128xf32>
    %mul3A_77 = arith.mulf %mul3A_72, %mul3A_76 : vector<2000x128xf32>
    %get3A_78 = arith.constant 0 : index
    %get3A_79 = arith.constant 0 : index
    %get3A_80 = vector.load %arg11[%get3A_78, %get3A_79] : memref<1x128xf32, #tpu.memory_space<vmem>>, vector<1x128xf32>
    %add3A_81 = vector.broadcast %get3A_80 : vector<1x128xf32> to vector<2000x128xf32>
    %add3A_82 = arith.addf %mul3A_77, %add3A_81 : vector<2000x128xf32>
    %swap3A = arith.constant 0 : index
    %swap3A_83 = arith.constant 0 : index
    %swap3A_84 = vector.load %arg13[%swap3A, %swap3A_83] : memref<2000x128xf32, #tpu.memory_space<vmem>>, vector<2000x128xf32>
    tpu.vector_store %arg13[%swap3A, %swap3A_83], %add3A_82 {strides = array<i32>} : memref<2000x128xf32, #tpu.memory_space<vmem>>, vector<2000x128xf32>,
    %eq3A = arith.constant 0 : i32
    %eq3A_85 = arith.cmpi eq, %arg0, %eq3A : i32
    %convert_element_type3A_86 = arith.extui %eq3A_85 : i1 to i32
    %cond3A = arith.constant 0 : i32
    %cond3A_87 = arith.cmpi ne, %convert_element_type3A_86, %cond3A : i32
    scf.if %cond3A_87 {
      %broadcast_in_dim3A_96 = arith.constant 0.000000e+00 : f32
      %broadcast_in_dim3A_97 = vector.broadcast %broadcast_in_dim3A_96 : f32 to vector<1x128xf32>
      %swap3A_98 = arith.constant 0 : index
      %swap3A_99 = arith.constant 0 : index
      %swap3A_100 = vector.load %arg14[%swap3A_98, %swap3A_99] : memref<1x128xf32, #tpu.memory_space<vmem>>, vector<1x128xf32>
      tpu.vector_store %arg14[%swap3A_98, %swap3A_99], %broadcast_in_dim3A_97 {strides = array<i32>} : memref<1x128xf32, #tpu.memory_space<vmem>>, vector<1x128xf32>,
    } else {
    }
    %get3A_88 = arith.constant 0 : index
    %get3A_89 = arith.constant 0 : index
    %get3A_90 = vector.load %arg14[%get3A_88, %get3A_89] : memref<1x128xf32, #tpu.memory_space<vmem>>, vector<1x128xf32>
    %reduce_sum3A = arith.constant dense<0.000000e+00> : vector<128xf32>
    %reduce_sum3A_91 = vector.multi_reduction <add>, %add3A_82, %reduce_sum3A [0] : vector<2000x128xf32> to vector<128xf32>
    %broadcast_in_dim3A = vector.shape_cast %reduce_sum3A_91 : vector<128xf32> to vector<1x128xf32>
    %add3A_92 = arith.addf %get3A_90, %broadcast_in_dim3A : vector<1x128xf32>
    %swap3A_93 = arith.constant 0 : index
    %swap3A_94 = arith.constant 0 : index
    %swap3A_95 = vector.load %arg14[%swap3A_93, %swap3A_94] : memref<1x128xf32, #tpu.memory_space<vmem>>, vector<1x128xf32>
    tpu.vector_store %arg14[%swap3A_93, %swap3A_94], %add3A_92 {strides = array<i32>} : memref<1x128xf32, #tpu.memory_space<vmem>>, vector<1x128xf32>,
    return
  }
  func.func @transform_0(%arg0: i32) -> (i32, i32) {
    %c0_i32 = arith.constant 0 : i32
    %c0_i32_0 = arith.constant 0 : i32
    return %arg0, %c0_i32 : i32, i32
  }
  func.func @transform_1(%arg0: i32) -> (i32, i32) {
    %c0_i32 = arith.constant 0 : i32
    %c0_i32_0 = arith.constant 0 : i32
    return %arg0, %c0_i32 : i32, i32
  }
  func.func @transform_2(%arg0: i32) -> (i32, i32) {
    %c0_i32 = arith.constant 0 : i32
    %c0_i32_0 = arith.constant 0 : i32
    return %arg0, %c0_i32 : i32, i32
  }
  func.func @transform_3(%arg0: i32) -> (i32, i32) {
    %c0_i32 = arith.constant 0 : i32
    %c0_i32_0 = arith.constant 0 : i32
    return %arg0, %c0_i32 : i32, i32
  }
  func.func @transform_4(%arg0: i32) -> (i32, i32) {
    %c0_i32 = arith.constant 0 : i32
    %c0_i32_0 = arith.constant 0 : i32
    %c0_i32_1 = arith.constant 0 : i32
    return %c0_i32, %c0_i32_0 : i32, i32
  }
  func.func @transform_5(%arg0: i32) -> (i32, i32) {
    %c0_i32 = arith.constant 0 : i32
    %c0_i32_0 = arith.constant 0 : i32
    %c0_i32_1 = arith.constant 0 : i32
    return %c0_i32, %c0_i32_0 : i32, i32
  }
  func.func @transform_6(%arg0: i32) -> (i32, i32) {
    %c0_i32 = arith.constant 0 : i32
    %c0_i32_0 = arith.constant 0 : i32
    %c0_i32_1 = arith.constant 0 : i32
    return %c0_i32, %c0_i32_0 : i32, i32
  }
  func.func @transform_7(%arg0: i32) -> (i32, i32) {
    %c0_i32 = arith.constant 0 : i32
    %c0_i32_0 = arith.constant 0 : i32
    %c0_i32_1 = arith.constant 0 : i32
    return %c0_i32, %c0_i32_0 : i32, i32
  }
  func.func @transform_8(%arg0: i32) -> (i32, i32) {
    %c0_i32 = arith.constant 0 : i32
    %c0_i32_0 = arith.constant 0 : i32
    %c0_i32_1 = arith.constant 0 : i32
    return %c0_i32, %c0_i32_0 : i32, i32
  }
  func.func @transform_9(%arg0: i32) -> (i32, i32) {
    %c0_i32 = arith.constant 0 : i32
    %c0_i32_0 = arith.constant 0 : i32
    %c0_i32_1 = arith.constant 0 : i32
    return %c0_i32, %c0_i32_0 : i32, i32
  }
  func.func @transform_10(%arg0: i32) -> (i32, i32) {
    %c0_i32 = arith.constant 0 : i32
    %c0_i32_0 = arith.constant 0 : i32
    %c0_i32_1 = arith.constant 0 : i32
    return %c0_i32, %c0_i32_0 : i32, i32
  }
  func.func @transform_11(%arg0: i32) -> (i32, i32) {
    %c0_i32 = arith.constant 0 : i32
    %c0_i32_0 = arith.constant 0 : i32
    %c0_i32_1 = arith.constant 0 : i32
    return %c0_i32, %c0_i32_0 : i32, i32
  }
  func.func @transform_12(%arg0: i32) -> (i32, i32) {
    %c0_i32 = arith.constant 0 : i32
    %c0_i32_0 = arith.constant 0 : i32
    return %arg0, %c0_i32 : i32, i32
  }
  func.func @transform_13(%arg0: i32) -> (i32, i32) {
    %c0_i32 = arith.constant 0 : i32
    %c0_i32_0 = arith.constant 0 : i32
    %c0_i32_1 = arith.constant 0 : i32
    return %c0_i32, %c0_i32_0 : i32, i32
  }
}

module attributes {stable_mosaic.version = 14 : i64} {
  func.func @body(%arg0: i32, %arg1: memref<1000x64xf32, #tpu.memory_space<vmem>>, %arg2: memref<1000x64xf32, #tpu.memory_space<vmem>>, %arg3: memref<1000x64xf32, #tpu.memory_space<vmem>>, %arg4: memref<1000x64xf32, #tpu.memory_space<vmem>>, %arg5: memref<1000x64xf32, #tpu.memory_space<vmem>>, %arg6: memref<1000x64xf32, #tpu.memory_space<vmem>>, %arg7: memref<64x64xf32, #tpu.memory_space<vmem>>, %arg8: memref<64x64xf32, #tpu.memory_space<vmem>>, %arg9: memref<64x64xf32, #tpu.memory_space<vmem>>, %arg10: memref<64x64xf32, #tpu.memory_space<vmem>>, %arg11: memref<1x64xf32, #tpu.memory_space<vmem>>, %arg12: memref<64x64xf32, #tpu.memory_space<vmem>>, %arg13: memref<1x64xf32, #tpu.memory_space<vmem>>, %arg14: memref<1x64xf32, #tpu.memory_space<vmem>>, %arg15: memref<1x64xf32, #tpu.memory_space<vmem>>, %arg16: memref<128x128xf32, #tpu.memory_space<vmem>>, %arg17: memref<1000x64xf32, #tpu.memory_space<vmem>>, %arg18: memref<1x64xf32, #tpu.memory_space<vmem>>) attributes {dimension_semantics = [#tpu.dimension_semantics<arbitrary>], iteration_bounds = array<i64: 10>, scalar_prefetch = 0 : i64, scratch_operands = 0 : i64, tpu.core_type = #tpu.core_type<tc>, window_params = [{transform_indices = @transform_0, window_bounds = array<i64: 1000, 64>}, {transform_indices = @transform_1, window_bounds = array<i64: 1000, 64>}, {transform_indices = @transform_2, window_bounds = array<i64: 1000, 64>}, {transform_indices = @transform_3, window_bounds = array<i64: 1000, 64>}, {transform_indices = @transform_4, window_bounds = array<i64: 1000, 64>}, {transform_indices = @transform_5, window_bounds = array<i64: 1000, 64>}, {pipeline_mode = #tpu.pipeline_mode<synchronous>, transform_indices = @transform_6, window_bounds = array<i64: 64, 64>}, {pipeline_mode = #tpu.pipeline_mode<synchronous>, transform_indices = @transform_7, window_bounds = array<i64: 64, 64>}, {pipeline_mode = #tpu.pipeline_mode<synchronous>, transform_indices = @transform_8, window_bounds = array<i64: 64, 64>}, {pipeline_mode = #tpu.pipeline_mode<synchronous>, transform_indices = @transform_9, window_bounds = array<i64: 64, 64>}, {pipeline_mode = #tpu.pipeline_mode<synchronous>, transform_indices = @transform_10, window_bounds = array<i64: 1, 64>}, {pipeline_mode = #tpu.pipeline_mode<synchronous>, transform_indices = @transform_11, window_bounds = array<i64: 64, 64>}, {pipeline_mode = #tpu.pipeline_mode<synchronous>, transform_indices = @transform_12, window_bounds = array<i64: 1, 64>}, {pipeline_mode = #tpu.pipeline_mode<synchronous>, transform_indices = @transform_13, window_bounds = array<i64: 1, 64>}, {pipeline_mode = #tpu.pipeline_mode<synchronous>, transform_indices = @transform_14, window_bounds = array<i64: 1, 64>}, {pipeline_mode = #tpu.pipeline_mode<synchronous>, transform_indices = @transform_15, window_bounds = array<i64: 128, 128>}, {transform_indices = @transform_16, window_bounds = array<i64: 1000, 64>}, {pipeline_mode = #tpu.pipeline_mode<synchronous>, transform_indices = @transform_17, window_bounds = array<i64: 1, 64>}]} {
    %get3A = arith.constant 0 : index
    %get3A_0 = arith.constant 0 : index
    %get3A_1 = vector.load %arg1[%get3A, %get3A_0] : memref<1000x64xf32, #tpu.memory_space<vmem>>, vector<1000x64xf32>
    %get3A_2 = arith.constant 0 : index
    %get3A_3 = arith.constant 0 : index
    %get3A_4 = vector.load %arg2[%get3A_2, %get3A_3] : memref<1000x64xf32, #tpu.memory_space<vmem>>, vector<1000x64xf32>
    %get3A_5 = arith.constant 0 : index
    %get3A_6 = arith.constant 0 : index
    %get3A_7 = vector.load %arg3[%get3A_5, %get3A_6] : memref<1000x64xf32, #tpu.memory_space<vmem>>, vector<1000x64xf32>
    %get3A_8 = arith.constant 0 : index
    %get3A_9 = arith.constant 0 : index
    %get3A_10 = vector.load %arg4[%get3A_8, %get3A_9] : memref<1000x64xf32, #tpu.memory_space<vmem>>, vector<1000x64xf32>
    %add3A = arith.addf %get3A_7, %get3A_10 : vector<1000x64xf32>
    %get3A_11 = arith.constant 0 : index
    %get3A_12 = arith.constant 0 : index
    %get3A_13 = vector.load %arg5[%get3A_11, %get3A_12] : memref<1000x64xf32, #tpu.memory_space<vmem>>, vector<1000x64xf32>
    %get3A_14 = arith.constant 0 : index
    %get3A_15 = arith.constant 0 : index
    %get3A_16 = vector.load %arg6[%get3A_14, %get3A_15] : memref<1000x64xf32, #tpu.memory_space<vmem>>, vector<1000x64xf32>
    %add3A_17 = arith.addf %get3A_13, %get3A_16 : vector<1000x64xf32>
    %get3A_18 = arith.constant 0 : index
    %get3A_19 = arith.constant 0 : index
    %get3A_20 = vector.load %arg7[%get3A_18, %get3A_19] : memref<64x64xf32, #tpu.memory_space<vmem>>, vector<64x64xf32>
    %convert_element_type3A = arith.truncf %get3A_1 : vector<1000x64xf32> to vector<1000x64xbf16>
    %convert_element_type3A_21 = arith.truncf %get3A_20 : vector<64x64xf32> to vector<64x64xbf16>
    %dot_general3A = arith.constant dense<0.000000e+00> : vector<1000x64xf32>
    %dot_general3A_22 = tpu.matmul %convert_element_type3A, %convert_element_type3A_21, %dot_general3A {dimension_numbers = #tpu.dot_dimension_numbers<[1], [0], [0], [1], [0, 0, 1, 1], [], []>, transpose_lhs_hint = false} : vector<1000x64xbf16>, vector<64x64xbf16>, vector<1000x64xf32> -> vector<1000x64xf32>
    %get3A_23 = arith.constant 0 : index
    %get3A_24 = arith.constant 0 : index
    %get3A_25 = vector.load %arg8[%get3A_23, %get3A_24] : memref<64x64xf32, #tpu.memory_space<vmem>>, vector<64x64xf32>
    %convert_element_type3A_26 = arith.truncf %get3A_4 : vector<1000x64xf32> to vector<1000x64xbf16>
    %convert_element_type3A_27 = arith.truncf %get3A_25 : vector<64x64xf32> to vector<64x64xbf16>
    %dot_general3A_28 = arith.constant dense<0.000000e+00> : vector<1000x64xf32>
    %dot_general3A_29 = tpu.matmul %convert_element_type3A_26, %convert_element_type3A_27, %dot_general3A_28 {dimension_numbers = #tpu.dot_dimension_numbers<[1], [0], [0], [1], [0, 0, 1, 1], [], []>, transpose_lhs_hint = false} : vector<1000x64xbf16>, vector<64x64xbf16>, vector<1000x64xf32> -> vector<1000x64xf32>
    %add3A_30 = arith.addf %dot_general3A_22, %dot_general3A_29 : vector<1000x64xf32>
    %get3A_31 = arith.constant 0 : index
    %get3A_32 = arith.constant 0 : index
    %get3A_33 = vector.load %arg9[%get3A_31, %get3A_32] : memref<64x64xf32, #tpu.memory_space<vmem>>, vector<64x64xf32>
    %convert_element_type3A_34 = arith.truncf %add3A : vector<1000x64xf32> to vector<1000x64xbf16>
    %convert_element_type3A_35 = arith.truncf %get3A_33 : vector<64x64xf32> to vector<64x64xbf16>
    %dot_general3A_36 = arith.constant dense<0.000000e+00> : vector<1000x64xf32>
    %dot_general3A_37 = tpu.matmul %convert_element_type3A_34, %convert_element_type3A_35, %dot_general3A_36 {dimension_numbers = #tpu.dot_dimension_numbers<[1], [0], [0], [1], [0, 0, 1, 1], [], []>, transpose_lhs_hint = false} : vector<1000x64xbf16>, vector<64x64xbf16>, vector<1000x64xf32> -> vector<1000x64xf32>
    %add3A_38 = arith.addf %add3A_30, %dot_general3A_37 : vector<1000x64xf32>
    %get3A_39 = arith.constant 0 : index
    %get3A_40 = arith.constant 0 : index
    %get3A_41 = vector.load %arg10[%get3A_39, %get3A_40] : memref<64x64xf32, #tpu.memory_space<vmem>>, vector<64x64xf32>
    %convert_element_type3A_42 = arith.truncf %add3A_17 : vector<1000x64xf32> to vector<1000x64xbf16>
    %convert_element_type3A_43 = arith.truncf %get3A_41 : vector<64x64xf32> to vector<64x64xbf16>
    %dot_general3A_44 = arith.constant dense<0.000000e+00> : vector<1000x64xf32>
    %dot_general3A_45 = tpu.matmul %convert_element_type3A_42, %convert_element_type3A_43, %dot_general3A_44 {dimension_numbers = #tpu.dot_dimension_numbers<[1], [0], [0], [1], [0, 0, 1, 1], [], []>, transpose_lhs_hint = false} : vector<1000x64xbf16>, vector<64x64xbf16>, vector<1000x64xf32> -> vector<1000x64xf32>
    %add3A_46 = arith.addf %add3A_38, %dot_general3A_45 : vector<1000x64xf32>
    %get3A_47 = arith.constant 0 : index
    %get3A_48 = arith.constant 0 : index
    %get3A_49 = vector.load %arg11[%get3A_47, %get3A_48] : memref<1x64xf32, #tpu.memory_space<vmem>>, vector<1x64xf32>
    %add3A_50 = vector.broadcast %get3A_49 : vector<1x64xf32> to vector<1000x64xf32>
    %add3A_51 = arith.addf %add3A_46, %add3A_50 : vector<1000x64xf32>
    %max3A = arith.constant 0.000000e+00 : f32
    %max3A_52 = vector.broadcast %max3A : f32 to vector<1000x64xf32>
    %max3A_53 = arith.maximumf %add3A_51, %max3A_52 : vector<1000x64xf32>
    %get3A_54 = arith.constant 0 : index
    %get3A_55 = arith.constant 0 : index
    %get3A_56 = vector.load %arg12[%get3A_54, %get3A_55] : memref<64x64xf32, #tpu.memory_space<vmem>>, vector<64x64xf32>
    %convert_element_type3A_57 = arith.truncf %max3A_53 : vector<1000x64xf32> to vector<1000x64xbf16>
    %convert_element_type3A_58 = arith.truncf %get3A_56 : vector<64x64xf32> to vector<64x64xbf16>
    %dot_general3A_59 = arith.constant dense<0.000000e+00> : vector<1000x64xf32>
    %dot_general3A_60 = tpu.matmul %convert_element_type3A_57, %convert_element_type3A_58, %dot_general3A_59 {dimension_numbers = #tpu.dot_dimension_numbers<[1], [0], [0], [1], [0, 0, 1, 1], [], []>, transpose_lhs_hint = false} : vector<1000x64xbf16>, vector<64x64xbf16>, vector<1000x64xf32> -> vector<1000x64xf32>
    %get3A_61 = arith.constant 0 : index
    %get3A_62 = arith.constant 0 : index
    %get3A_63 = vector.load %arg13[%get3A_61, %get3A_62] : memref<1x64xf32, #tpu.memory_space<vmem>>, vector<1x64xf32>
    %add3A_64 = vector.broadcast %get3A_63 : vector<1x64xf32> to vector<1000x64xf32>
    %add3A_65 = arith.addf %dot_general3A_60, %add3A_64 : vector<1000x64xf32>
    %max3A_66 = arith.constant 0.000000e+00 : f32
    %max3A_67 = vector.broadcast %max3A_66 : f32 to vector<1000x64xf32>
    %max3A_68 = arith.maximumf %add3A_65, %max3A_67 : vector<1000x64xf32>
    %mul3A = arith.mulf %max3A_68, %max3A_68 : vector<1000x64xf32>
    %concatenate3A = tpu.concatenate %max3A_68, %mul3A in 1 : vector<1000x64xf32>, vector<1000x64xf32> -> vector<1000x128xf32>
    %get3A_69 = arith.constant 0 : index
    %get3A_70 = arith.constant 0 : index
    %get3A_71 = vector.load %arg16[%get3A_69, %get3A_70] : memref<128x128xf32, #tpu.memory_space<vmem>>, vector<128x128xf32>
    %convert_element_type3A_72 = arith.truncf %concatenate3A : vector<1000x128xf32> to vector<1000x128xbf16>
    %convert_element_type3A_73 = arith.extf %convert_element_type3A_72 : vector<1000x128xbf16> to vector<1000x128xf32>
    %sub3A = arith.subf %concatenate3A, %convert_element_type3A_73 : vector<1000x128xf32>
    %convert_element_type3A_74 = arith.truncf %sub3A : vector<1000x128xf32> to vector<1000x128xbf16>
    %convert_element_type3A_75 = arith.extf %convert_element_type3A_74 : vector<1000x128xbf16> to vector<1000x128xf32>
    %sub3A_76 = arith.subf %sub3A, %convert_element_type3A_75 : vector<1000x128xf32>
    %convert_element_type3A_77 = arith.truncf %sub3A_76 : vector<1000x128xf32> to vector<1000x128xbf16>
    %convert_element_type3A_78 = arith.truncf %get3A_71 : vector<128x128xf32> to vector<128x128xbf16>
    %dot_general3A_79 = arith.constant dense<0.000000e+00> : vector<1000x128xf32>
    %dot_general3A_80 = tpu.matmul %convert_element_type3A_72, %convert_element_type3A_78, %dot_general3A_79 {dimension_numbers = #tpu.dot_dimension_numbers<[1], [0], [0], [1], [0, 0, 1, 1], [], []>, transpose_lhs_hint = false} : vector<1000x128xbf16>, vector<128x128xbf16>, vector<1000x128xf32> -> vector<1000x128xf32>
    %dot_general3A_81 = arith.constant dense<0.000000e+00> : vector<1000x128xf32>
    %dot_general3A_82 = tpu.matmul %convert_element_type3A_74, %convert_element_type3A_78, %dot_general3A_81 {dimension_numbers = #tpu.dot_dimension_numbers<[1], [0], [0], [1], [0, 0, 1, 1], [], []>, transpose_lhs_hint = false} : vector<1000x128xbf16>, vector<128x128xbf16>, vector<1000x128xf32> -> vector<1000x128xf32>
    %dot_general3A_83 = arith.constant dense<0.000000e+00> : vector<1000x128xf32>
    %dot_general3A_84 = tpu.matmul %convert_element_type3A_77, %convert_element_type3A_78, %dot_general3A_83 {dimension_numbers = #tpu.dot_dimension_numbers<[1], [0], [0], [1], [0, 0, 1, 1], [], []>, transpose_lhs_hint = false} : vector<1000x128xbf16>, vector<128x128xbf16>, vector<1000x128xf32> -> vector<1000x128xf32>
    %add3A_85 = arith.addf %dot_general3A_82, %dot_general3A_84 : vector<1000x128xf32>
    %add3A_86 = arith.addf %dot_general3A_80, %add3A_85 : vector<1000x128xf32>
    %slice3A = vector.extract_strided_slice %add3A_86 {offsets = [0, 0], sizes = [1000, 64], strides = [1, 1]} : vector<1000x128xf32> to vector<1000x64xf32>
    %slice3A_87 = vector.extract_strided_slice %add3A_86 {offsets = [0, 64], sizes = [1000, 64], strides = [1, 1]} : vector<1000x128xf32> to vector<1000x64xf32>
    %sub3A_88 = arith.subf %max3A_68, %slice3A : vector<1000x64xf32>
    %mul3A_89 = arith.mulf %slice3A, %slice3A : vector<1000x64xf32>
    %sub3A_90 = arith.subf %slice3A_87, %mul3A_89 : vector<1000x64xf32>
    %add3A_91 = arith.constant 9.99999974E-6 : f32
    %add3A_92 = vector.broadcast %add3A_91 : f32 to vector<1000x64xf32>
    %add3A_93 = arith.addf %sub3A_90, %add3A_92 : vector<1000x64xf32>
    %rsqrt3A = math.rsqrt %add3A_93 : vector<1000x64xf32>
    %mul3A_94 = arith.mulf %sub3A_88, %rsqrt3A : vector<1000x64xf32>
    %get3A_95 = arith.constant 0 : index
    %get3A_96 = arith.constant 0 : index
    %get3A_97 = vector.load %arg14[%get3A_95, %get3A_96] : memref<1x64xf32, #tpu.memory_space<vmem>>, vector<1x64xf32>
    %mul3A_98 = vector.broadcast %get3A_97 : vector<1x64xf32> to vector<1000x64xf32>
    %mul3A_99 = arith.mulf %mul3A_94, %mul3A_98 : vector<1000x64xf32>
    %get3A_100 = arith.constant 0 : index
    %get3A_101 = arith.constant 0 : index
    %get3A_102 = vector.load %arg15[%get3A_100, %get3A_101] : memref<1x64xf32, #tpu.memory_space<vmem>>, vector<1x64xf32>
    %add3A_103 = vector.broadcast %get3A_102 : vector<1x64xf32> to vector<1000x64xf32>
    %add3A_104 = arith.addf %mul3A_99, %add3A_103 : vector<1000x64xf32>
    %swap3A = arith.constant 0 : index
    %swap3A_105 = arith.constant 0 : index
    %swap3A_106 = vector.load %arg17[%swap3A, %swap3A_105] : memref<1000x64xf32, #tpu.memory_space<vmem>>, vector<1000x64xf32>
    tpu.vector_store %arg17[%swap3A, %swap3A_105], %add3A_104 {strides = array<i32>} : memref<1000x64xf32, #tpu.memory_space<vmem>>, vector<1000x64xf32>,
    %eq3A = arith.constant 0 : i32
    %eq3A_107 = arith.cmpi eq, %arg0, %eq3A : i32
    %convert_element_type3A_108 = arith.extui %eq3A_107 : i1 to i32
    %cond3A = arith.constant 0 : i32
    %cond3A_109 = arith.cmpi ne, %convert_element_type3A_108, %cond3A : i32
    scf.if %cond3A_109 {
      %broadcast_in_dim3A_118 = arith.constant 0.000000e+00 : f32
      %broadcast_in_dim3A_119 = vector.broadcast %broadcast_in_dim3A_118 : f32 to vector<1x64xf32>
      %swap3A_120 = arith.constant 0 : index
      %swap3A_121 = arith.constant 0 : index
      %swap3A_122 = vector.load %arg18[%swap3A_120, %swap3A_121] : memref<1x64xf32, #tpu.memory_space<vmem>>, vector<1x64xf32>
      tpu.vector_store %arg18[%swap3A_120, %swap3A_121], %broadcast_in_dim3A_119 {strides = array<i32>} : memref<1x64xf32, #tpu.memory_space<vmem>>, vector<1x64xf32>,
    } else {
    }
    %get3A_110 = arith.constant 0 : index
    %get3A_111 = arith.constant 0 : index
    %get3A_112 = vector.load %arg18[%get3A_110, %get3A_111] : memref<1x64xf32, #tpu.memory_space<vmem>>, vector<1x64xf32>
    %reduce_sum3A = arith.constant dense<0.000000e+00> : vector<64xf32>
    %reduce_sum3A_113 = vector.multi_reduction <add>, %add3A_104, %reduce_sum3A [0] : vector<1000x64xf32> to vector<64xf32>
    %broadcast_in_dim3A = vector.shape_cast %reduce_sum3A_113 : vector<64xf32> to vector<1x64xf32>
    %add3A_114 = arith.addf %get3A_112, %broadcast_in_dim3A : vector<1x64xf32>
    %swap3A_115 = arith.constant 0 : index
    %swap3A_116 = arith.constant 0 : index
    %swap3A_117 = vector.load %arg18[%swap3A_115, %swap3A_116] : memref<1x64xf32, #tpu.memory_space<vmem>>, vector<1x64xf32>
    tpu.vector_store %arg18[%swap3A_115, %swap3A_116], %add3A_114 {strides = array<i32>} : memref<1x64xf32, #tpu.memory_space<vmem>>, vector<1x64xf32>,
    return
  }
  func.func @transform_0(%arg0: i32) -> (i32, i32) {
    %c0_i32 = arith.constant 0 : i32
    %c0_i32_0 = arith.constant 0 : i32
    return %arg0, %c0_i32 : i32, i32
  }
  func.func @transform_1(%arg0: i32) -> (i32, i32) {
    %c0_i32 = arith.constant 0 : i32
    %c0_i32_0 = arith.constant 0 : i32
    return %arg0, %c0_i32 : i32, i32
  }
  func.func @transform_2(%arg0: i32) -> (i32, i32) {
    %c0_i32 = arith.constant 0 : i32
    %c0_i32_0 = arith.constant 0 : i32
    return %arg0, %c0_i32 : i32, i32
  }
  func.func @transform_3(%arg0: i32) -> (i32, i32) {
    %c0_i32 = arith.constant 0 : i32
    %c0_i32_0 = arith.constant 0 : i32
    return %arg0, %c0_i32 : i32, i32
  }
  func.func @transform_4(%arg0: i32) -> (i32, i32) {
    %c0_i32 = arith.constant 0 : i32
    %c0_i32_0 = arith.constant 0 : i32
    return %arg0, %c0_i32 : i32, i32
  }
  func.func @transform_5(%arg0: i32) -> (i32, i32) {
    %c0_i32 = arith.constant 0 : i32
    %c0_i32_0 = arith.constant 0 : i32
    return %arg0, %c0_i32 : i32, i32
  }
  func.func @transform_6(%arg0: i32) -> (i32, i32) {
    %c0_i32 = arith.constant 0 : i32
    %c0_i32_0 = arith.constant 0 : i32
    %c0_i32_1 = arith.constant 0 : i32
    return %c0_i32, %c0_i32_0 : i32, i32
  }
  func.func @transform_7(%arg0: i32) -> (i32, i32) {
    %c0_i32 = arith.constant 0 : i32
    %c0_i32_0 = arith.constant 0 : i32
    %c0_i32_1 = arith.constant 0 : i32
    return %c0_i32, %c0_i32_0 : i32, i32
  }
  func.func @transform_8(%arg0: i32) -> (i32, i32) {
    %c0_i32 = arith.constant 0 : i32
    %c0_i32_0 = arith.constant 0 : i32
    %c0_i32_1 = arith.constant 0 : i32
    return %c0_i32, %c0_i32_0 : i32, i32
  }
  func.func @transform_9(%arg0: i32) -> (i32, i32) {
    %c0_i32 = arith.constant 0 : i32
    %c0_i32_0 = arith.constant 0 : i32
    %c0_i32_1 = arith.constant 0 : i32
    return %c0_i32, %c0_i32_0 : i32, i32
  }
  func.func @transform_10(%arg0: i32) -> (i32, i32) {
    %c0_i32 = arith.constant 0 : i32
    %c0_i32_0 = arith.constant 0 : i32
    %c0_i32_1 = arith.constant 0 : i32
    return %c0_i32, %c0_i32_0 : i32, i32
  }
  func.func @transform_11(%arg0: i32) -> (i32, i32) {
    %c0_i32 = arith.constant 0 : i32
    %c0_i32_0 = arith.constant 0 : i32
    %c0_i32_1 = arith.constant 0 : i32
    return %c0_i32, %c0_i32_0 : i32, i32
  }
  func.func @transform_12(%arg0: i32) -> (i32, i32) {
    %c0_i32 = arith.constant 0 : i32
    %c0_i32_0 = arith.constant 0 : i32
    %c0_i32_1 = arith.constant 0 : i32
    return %c0_i32, %c0_i32_0 : i32, i32
  }
  func.func @transform_13(%arg0: i32) -> (i32, i32) {
    %c0_i32 = arith.constant 0 : i32
    %c0_i32_0 = arith.constant 0 : i32
    %c0_i32_1 = arith.constant 0 : i32
    return %c0_i32, %c0_i32_0 : i32, i32
  }
  func.func @transform_14(%arg0: i32) -> (i32, i32) {
    %c0_i32 = arith.constant 0 : i32
    %c0_i32_0 = arith.constant 0 : i32
    %c0_i32_1 = arith.constant 0 : i32
    return %c0_i32, %c0_i32_0 : i32, i32
  }
  func.func @transform_15(%arg0: i32) -> (i32, i32) {
    %c0_i32 = arith.constant 0 : i32
    %c0_i32_0 = arith.constant 0 : i32
    %c0_i32_1 = arith.constant 0 : i32
    return %c0_i32, %c0_i32_0 : i32, i32
  }
  func.func @transform_16(%arg0: i32) -> (i32, i32) {
    %c0_i32 = arith.constant 0 : i32
    %c0_i32_0 = arith.constant 0 : i32
    return %arg0, %c0_i32 : i32, i32
  }
  func.func @transform_17(%arg0: i32) -> (i32, i32) {
    %c0_i32 = arith.constant 0 : i32
    %c0_i32_0 = arith.constant 0 : i32
    %c0_i32_1 = arith.constant 0 : i32
    return %c0_i32, %c0_i32_0 : i32, i32
  }
}

module attributes {stable_mosaic.version = 14 : i64} {
  func.func @body(%arg0: i32, %arg1: memref<1x64xf32, #tpu.memory_space<vmem>>, %arg2: memref<1x64xf32, #tpu.memory_space<vmem>>, %arg3: memref<1x64xf32, #tpu.memory_space<vmem>>, %arg4: memref<1x64xf32, #tpu.memory_space<vmem>>, %arg5: memref<1x64xf32, #tpu.memory_space<vmem>>, %arg6: memref<64x64xf32, #tpu.memory_space<vmem>>, %arg7: memref<64x64xf32, #tpu.memory_space<vmem>>, %arg8: memref<64x64xf32, #tpu.memory_space<vmem>>, %arg9: memref<64x64xf32, #tpu.memory_space<vmem>>, %arg10: memref<1x64xf32, #tpu.memory_space<vmem>>, %arg11: memref<64x64xf32, #tpu.memory_space<vmem>>, %arg12: memref<1x64xf32, #tpu.memory_space<vmem>>, %arg13: memref<1x64xf32, #tpu.memory_space<vmem>>, %arg14: memref<1x64xf32, #tpu.memory_space<vmem>>, %arg15: memref<128x128xf32, #tpu.memory_space<vmem>>, %arg16: memref<1x64xf32, #tpu.memory_space<vmem>>) attributes {dimension_semantics = [#tpu.dimension_semantics<arbitrary>], iteration_bounds = array<i64: 1>, scalar_prefetch = 0 : i64, scratch_operands = 0 : i64, tpu.core_type = #tpu.core_type<tc>, window_params = [{transform_indices = @transform_0, window_bounds = array<i64: 1, 64>}, {transform_indices = @transform_1, window_bounds = array<i64: 1, 64>}, {transform_indices = @transform_2, window_bounds = array<i64: 1, 64>}, {transform_indices = @transform_3, window_bounds = array<i64: 1, 64>}, {transform_indices = @transform_4, window_bounds = array<i64: 1, 64>}, {pipeline_mode = #tpu.pipeline_mode<synchronous>, transform_indices = @transform_5, window_bounds = array<i64: 64, 64>}, {pipeline_mode = #tpu.pipeline_mode<synchronous>, transform_indices = @transform_6, window_bounds = array<i64: 64, 64>}, {pipeline_mode = #tpu.pipeline_mode<synchronous>, transform_indices = @transform_7, window_bounds = array<i64: 64, 64>}, {pipeline_mode = #tpu.pipeline_mode<synchronous>, transform_indices = @transform_8, window_bounds = array<i64: 64, 64>}, {pipeline_mode = #tpu.pipeline_mode<synchronous>, transform_indices = @transform_9, window_bounds = array<i64: 1, 64>}, {pipeline_mode = #tpu.pipeline_mode<synchronous>, transform_indices = @transform_10, window_bounds = array<i64: 64, 64>}, {pipeline_mode = #tpu.pipeline_mode<synchronous>, transform_indices = @transform_11, window_bounds = array<i64: 1, 64>}, {pipeline_mode = #tpu.pipeline_mode<synchronous>, transform_indices = @transform_12, window_bounds = array<i64: 1, 64>}, {pipeline_mode = #tpu.pipeline_mode<synchronous>, transform_indices = @transform_13, window_bounds = array<i64: 1, 64>}, {pipeline_mode = #tpu.pipeline_mode<synchronous>, transform_indices = @transform_14, window_bounds = array<i64: 128, 128>}, {transform_indices = @transform_15, window_bounds = array<i64: 1, 64>}]} {
    %get3A = arith.constant 0 : index
    %get3A_0 = arith.constant 0 : index
    %get3A_1 = vector.load %arg1[%get3A, %get3A_0] : memref<1x64xf32, #tpu.memory_space<vmem>>, vector<1x64xf32>
    %get3A_2 = arith.constant 0 : index
    %get3A_3 = arith.constant 0 : index
    %get3A_4 = vector.load %arg2[%get3A_2, %get3A_3] : memref<1x64xf32, #tpu.memory_space<vmem>>, vector<1x64xf32>
    %get3A_5 = arith.constant 0 : index
    %get3A_6 = arith.constant 0 : index
    %get3A_7 = vector.load %arg3[%get3A_5, %get3A_6] : memref<1x64xf32, #tpu.memory_space<vmem>>, vector<1x64xf32>
    %add3A = arith.addf %get3A_4, %get3A_7 : vector<1x64xf32>
    %get3A_8 = arith.constant 0 : index
    %get3A_9 = arith.constant 0 : index
    %get3A_10 = vector.load %arg4[%get3A_8, %get3A_9] : memref<1x64xf32, #tpu.memory_space<vmem>>, vector<1x64xf32>
    %get3A_11 = arith.constant 0 : index
    %get3A_12 = arith.constant 0 : index
    %get3A_13 = vector.load %arg5[%get3A_11, %get3A_12] : memref<1x64xf32, #tpu.memory_space<vmem>>, vector<1x64xf32>
    %get3A_14 = arith.constant 0 : index
    %get3A_15 = arith.constant 0 : index
    %get3A_16 = vector.load %arg6[%get3A_14, %get3A_15] : memref<64x64xf32, #tpu.memory_space<vmem>>, vector<64x64xf32>
    %convert_element_type3A = arith.truncf %get3A_1 : vector<1x64xf32> to vector<1x64xbf16>
    %convert_element_type3A_17 = arith.truncf %get3A_16 : vector<64x64xf32> to vector<64x64xbf16>
    %dot_general3A = arith.constant dense<0.000000e+00> : vector<1x64xf32>
    %dot_general3A_18 = tpu.matmul %convert_element_type3A, %convert_element_type3A_17, %dot_general3A {dimension_numbers = #tpu.dot_dimension_numbers<[1], [0], [0], [1], [0, 0, 1, 1], [], []>, transpose_lhs_hint = false} : vector<1x64xbf16>, vector<64x64xbf16>, vector<1x64xf32> -> vector<1x64xf32>
    %get3A_19 = arith.constant 0 : index
    %get3A_20 = arith.constant 0 : index
    %get3A_21 = vector.load %arg7[%get3A_19, %get3A_20] : memref<64x64xf32, #tpu.memory_space<vmem>>, vector<64x64xf32>
    %convert_element_type3A_22 = arith.truncf %add3A : vector<1x64xf32> to vector<1x64xbf16>
    %convert_element_type3A_23 = arith.truncf %get3A_21 : vector<64x64xf32> to vector<64x64xbf16>
    %dot_general3A_24 = arith.constant dense<0.000000e+00> : vector<1x64xf32>
    %dot_general3A_25 = tpu.matmul %convert_element_type3A_22, %convert_element_type3A_23, %dot_general3A_24 {dimension_numbers = #tpu.dot_dimension_numbers<[1], [0], [0], [1], [0, 0, 1, 1], [], []>, transpose_lhs_hint = false} : vector<1x64xbf16>, vector<64x64xbf16>, vector<1x64xf32> -> vector<1x64xf32>
    %add3A_26 = arith.addf %dot_general3A_18, %dot_general3A_25 : vector<1x64xf32>
    %get3A_27 = arith.constant 0 : index
    %get3A_28 = arith.constant 0 : index
    %get3A_29 = vector.load %arg8[%get3A_27, %get3A_28] : memref<64x64xf32, #tpu.memory_space<vmem>>, vector<64x64xf32>
    %convert_element_type3A_30 = arith.truncf %get3A_10 : vector<1x64xf32> to vector<1x64xbf16>
    %convert_element_type3A_31 = arith.truncf %get3A_29 : vector<64x64xf32> to vector<64x64xbf16>
    %dot_general3A_32 = arith.constant dense<0.000000e+00> : vector<1x64xf32>
    %dot_general3A_33 = tpu.matmul %convert_element_type3A_30, %convert_element_type3A_31, %dot_general3A_32 {dimension_numbers = #tpu.dot_dimension_numbers<[1], [0], [0], [1], [0, 0, 1, 1], [], []>, transpose_lhs_hint = false} : vector<1x64xbf16>, vector<64x64xbf16>, vector<1x64xf32> -> vector<1x64xf32>
    %add3A_34 = arith.addf %add3A_26, %dot_general3A_33 : vector<1x64xf32>
    %get3A_35 = arith.constant 0 : index
    %get3A_36 = arith.constant 0 : index
    %get3A_37 = vector.load %arg9[%get3A_35, %get3A_36] : memref<64x64xf32, #tpu.memory_space<vmem>>, vector<64x64xf32>
    %convert_element_type3A_38 = arith.truncf %get3A_13 : vector<1x64xf32> to vector<1x64xbf16>
    %convert_element_type3A_39 = arith.truncf %get3A_37 : vector<64x64xf32> to vector<64x64xbf16>
    %dot_general3A_40 = arith.constant dense<0.000000e+00> : vector<1x64xf32>
    %dot_general3A_41 = tpu.matmul %convert_element_type3A_38, %convert_element_type3A_39, %dot_general3A_40 {dimension_numbers = #tpu.dot_dimension_numbers<[1], [0], [0], [1], [0, 0, 1, 1], [], []>, transpose_lhs_hint = false} : vector<1x64xbf16>, vector<64x64xbf16>, vector<1x64xf32> -> vector<1x64xf32>
    %add3A_42 = arith.addf %add3A_34, %dot_general3A_41 : vector<1x64xf32>
    %get3A_43 = arith.constant 0 : index
    %get3A_44 = arith.constant 0 : index
    %get3A_45 = vector.load %arg10[%get3A_43, %get3A_44] : memref<1x64xf32, #tpu.memory_space<vmem>>, vector<1x64xf32>
    %add3A_46 = arith.addf %add3A_42, %get3A_45 : vector<1x64xf32>
    %max3A = arith.constant 0.000000e+00 : f32
    %max3A_47 = vector.broadcast %max3A : f32 to vector<1x64xf32>
    %max3A_48 = arith.maximumf %add3A_46, %max3A_47 : vector<1x64xf32>
    %get3A_49 = arith.constant 0 : index
    %get3A_50 = arith.constant 0 : index
    %get3A_51 = vector.load %arg11[%get3A_49, %get3A_50] : memref<64x64xf32, #tpu.memory_space<vmem>>, vector<64x64xf32>
    %convert_element_type3A_52 = arith.truncf %max3A_48 : vector<1x64xf32> to vector<1x64xbf16>
    %convert_element_type3A_53 = arith.truncf %get3A_51 : vector<64x64xf32> to vector<64x64xbf16>
    %dot_general3A_54 = arith.constant dense<0.000000e+00> : vector<1x64xf32>
    %dot_general3A_55 = tpu.matmul %convert_element_type3A_52, %convert_element_type3A_53, %dot_general3A_54 {dimension_numbers = #tpu.dot_dimension_numbers<[1], [0], [0], [1], [0, 0, 1, 1], [], []>, transpose_lhs_hint = false} : vector<1x64xbf16>, vector<64x64xbf16>, vector<1x64xf32> -> vector<1x64xf32>
    %get3A_56 = arith.constant 0 : index
    %get3A_57 = arith.constant 0 : index
    %get3A_58 = vector.load %arg12[%get3A_56, %get3A_57] : memref<1x64xf32, #tpu.memory_space<vmem>>, vector<1x64xf32>
    %add3A_59 = arith.addf %dot_general3A_55, %get3A_58 : vector<1x64xf32>
    %max3A_60 = arith.constant 0.000000e+00 : f32
    %max3A_61 = vector.broadcast %max3A_60 : f32 to vector<1x64xf32>
    %max3A_62 = arith.maximumf %add3A_59, %max3A_61 : vector<1x64xf32>
    %mul3A = arith.mulf %max3A_62, %max3A_62 : vector<1x64xf32>
    %concatenate3A = tpu.concatenate %max3A_62, %mul3A in 1 : vector<1x64xf32>, vector<1x64xf32> -> vector<1x128xf32>
    %get3A_63 = arith.constant 0 : index
    %get3A_64 = arith.constant 0 : index
    %get3A_65 = vector.load %arg15[%get3A_63, %get3A_64] : memref<128x128xf32, #tpu.memory_space<vmem>>, vector<128x128xf32>
    %convert_element_type3A_66 = arith.truncf %concatenate3A : vector<1x128xf32> to vector<1x128xbf16>
    %convert_element_type3A_67 = arith.extf %convert_element_type3A_66 : vector<1x128xbf16> to vector<1x128xf32>
    %sub3A = arith.subf %concatenate3A, %convert_element_type3A_67 : vector<1x128xf32>
    %convert_element_type3A_68 = arith.truncf %sub3A : vector<1x128xf32> to vector<1x128xbf16>
    %convert_element_type3A_69 = arith.extf %convert_element_type3A_68 : vector<1x128xbf16> to vector<1x128xf32>
    %sub3A_70 = arith.subf %sub3A, %convert_element_type3A_69 : vector<1x128xf32>
    %convert_element_type3A_71 = arith.truncf %sub3A_70 : vector<1x128xf32> to vector<1x128xbf16>
    %convert_element_type3A_72 = arith.truncf %get3A_65 : vector<128x128xf32> to vector<128x128xbf16>
    %dot_general3A_73 = arith.constant dense<0.000000e+00> : vector<1x128xf32>
    %dot_general3A_74 = tpu.matmul %convert_element_type3A_66, %convert_element_type3A_72, %dot_general3A_73 {dimension_numbers = #tpu.dot_dimension_numbers<[1], [0], [0], [1], [0, 0, 1, 1], [], []>, transpose_lhs_hint = false} : vector<1x128xbf16>, vector<128x128xbf16>, vector<1x128xf32> -> vector<1x128xf32>
    %dot_general3A_75 = arith.constant dense<0.000000e+00> : vector<1x128xf32>
    %dot_general3A_76 = tpu.matmul %convert_element_type3A_68, %convert_element_type3A_72, %dot_general3A_75 {dimension_numbers = #tpu.dot_dimension_numbers<[1], [0], [0], [1], [0, 0, 1, 1], [], []>, transpose_lhs_hint = false} : vector<1x128xbf16>, vector<128x128xbf16>, vector<1x128xf32> -> vector<1x128xf32>
    %dot_general3A_77 = arith.constant dense<0.000000e+00> : vector<1x128xf32>
    %dot_general3A_78 = tpu.matmul %convert_element_type3A_71, %convert_element_type3A_72, %dot_general3A_77 {dimension_numbers = #tpu.dot_dimension_numbers<[1], [0], [0], [1], [0, 0, 1, 1], [], []>, transpose_lhs_hint = false} : vector<1x128xbf16>, vector<128x128xbf16>, vector<1x128xf32> -> vector<1x128xf32>
    %add3A_79 = arith.addf %dot_general3A_76, %dot_general3A_78 : vector<1x128xf32>
    %add3A_80 = arith.addf %dot_general3A_74, %add3A_79 : vector<1x128xf32>
    %slice3A = vector.extract_strided_slice %add3A_80 {offsets = [0, 0], sizes = [1, 64], strides = [1, 1]} : vector<1x128xf32> to vector<1x64xf32>
    %slice3A_81 = vector.extract_strided_slice %add3A_80 {offsets = [0, 64], sizes = [1, 64], strides = [1, 1]} : vector<1x128xf32> to vector<1x64xf32>
    %sub3A_82 = arith.subf %max3A_62, %slice3A : vector<1x64xf32>
    %mul3A_83 = arith.mulf %slice3A, %slice3A : vector<1x64xf32>
    %sub3A_84 = arith.subf %slice3A_81, %mul3A_83 : vector<1x64xf32>
    %add3A_85 = arith.constant 9.99999974E-6 : f32
    %add3A_86 = vector.broadcast %add3A_85 : f32 to vector<1x64xf32>
    %add3A_87 = arith.addf %sub3A_84, %add3A_86 : vector<1x64xf32>
    %rsqrt3A = math.rsqrt %add3A_87 : vector<1x64xf32>
    %mul3A_88 = arith.mulf %sub3A_82, %rsqrt3A : vector<1x64xf32>
    %get3A_89 = arith.constant 0 : index
    %get3A_90 = arith.constant 0 : index
    %get3A_91 = vector.load %arg13[%get3A_89, %get3A_90] : memref<1x64xf32, #tpu.memory_space<vmem>>, vector<1x64xf32>
    %mul3A_92 = arith.mulf %mul3A_88, %get3A_91 : vector<1x64xf32>
    %get3A_93 = arith.constant 0 : index
    %get3A_94 = arith.constant 0 : index
    %get3A_95 = vector.load %arg14[%get3A_93, %get3A_94] : memref<1x64xf32, #tpu.memory_space<vmem>>, vector<1x64xf32>
    %add3A_96 = arith.addf %mul3A_92, %get3A_95 : vector<1x64xf32>
    %swap3A = arith.constant 0 : index
    %swap3A_97 = arith.constant 0 : index
    %swap3A_98 = vector.load %arg16[%swap3A, %swap3A_97] : memref<1x64xf32, #tpu.memory_space<vmem>>, vector<1x64xf32>
    tpu.vector_store %arg16[%swap3A, %swap3A_97], %add3A_96 {strides = array<i32>} : memref<1x64xf32, #tpu.memory_space<vmem>>, vector<1x64xf32>,
    return
  }
  func.func @transform_0(%arg0: i32) -> (i32, i32) {
    %c0_i32 = arith.constant 0 : i32
    %c0_i32_0 = arith.constant 0 : i32
    return %arg0, %c0_i32 : i32, i32
  }
  func.func @transform_1(%arg0: i32) -> (i32, i32) {
    %c0_i32 = arith.constant 0 : i32
    %c0_i32_0 = arith.constant 0 : i32
    return %arg0, %c0_i32 : i32, i32
  }
  func.func @transform_2(%arg0: i32) -> (i32, i32) {
    %c0_i32 = arith.constant 0 : i32
    %c0_i32_0 = arith.constant 0 : i32
    return %arg0, %c0_i32 : i32, i32
  }
  func.func @transform_3(%arg0: i32) -> (i32, i32) {
    %c0_i32 = arith.constant 0 : i32
    %c0_i32_0 = arith.constant 0 : i32
    return %arg0, %c0_i32 : i32, i32
  }
  func.func @transform_4(%arg0: i32) -> (i32, i32) {
    %c0_i32 = arith.constant 0 : i32
    %c0_i32_0 = arith.constant 0 : i32
    return %arg0, %c0_i32 : i32, i32
  }
  func.func @transform_5(%arg0: i32) -> (i32, i32) {
    %c0_i32 = arith.constant 0 : i32
    %c0_i32_0 = arith.constant 0 : i32
    %c0_i32_1 = arith.constant 0 : i32
    return %c0_i32, %c0_i32_0 : i32, i32
  }
  func.func @transform_6(%arg0: i32) -> (i32, i32) {
    %c0_i32 = arith.constant 0 : i32
    %c0_i32_0 = arith.constant 0 : i32
    %c0_i32_1 = arith.constant 0 : i32
    return %c0_i32, %c0_i32_0 : i32, i32
  }
  func.func @transform_7(%arg0: i32) -> (i32, i32) {
    %c0_i32 = arith.constant 0 : i32
    %c0_i32_0 = arith.constant 0 : i32
    %c0_i32_1 = arith.constant 0 : i32
    return %c0_i32, %c0_i32_0 : i32, i32
  }
  func.func @transform_8(%arg0: i32) -> (i32, i32) {
    %c0_i32 = arith.constant 0 : i32
    %c0_i32_0 = arith.constant 0 : i32
    %c0_i32_1 = arith.constant 0 : i32
    return %c0_i32, %c0_i32_0 : i32, i32
  }
  func.func @transform_9(%arg0: i32) -> (i32, i32) {
    %c0_i32 = arith.constant 0 : i32
    %c0_i32_0 = arith.constant 0 : i32
    %c0_i32_1 = arith.constant 0 : i32
    return %c0_i32, %c0_i32_0 : i32, i32
  }
  func.func @transform_10(%arg0: i32) -> (i32, i32) {
    %c0_i32 = arith.constant 0 : i32
    %c0_i32_0 = arith.constant 0 : i32
    %c0_i32_1 = arith.constant 0 : i32
    return %c0_i32, %c0_i32_0 : i32, i32
  }
  func.func @transform_11(%arg0: i32) -> (i32, i32) {
    %c0_i32 = arith.constant 0 : i32
    %c0_i32_0 = arith.constant 0 : i32
    %c0_i32_1 = arith.constant 0 : i32
    return %c0_i32, %c0_i32_0 : i32, i32
  }
  func.func @transform_12(%arg0: i32) -> (i32, i32) {
    %c0_i32 = arith.constant 0 : i32
    %c0_i32_0 = arith.constant 0 : i32
    %c0_i32_1 = arith.constant 0 : i32
    return %c0_i32, %c0_i32_0 : i32, i32
  }
  func.func @transform_13(%arg0: i32) -> (i32, i32) {
    %c0_i32 = arith.constant 0 : i32
    %c0_i32_0 = arith.constant 0 : i32
    %c0_i32_1 = arith.constant 0 : i32
    return %c0_i32, %c0_i32_0 : i32, i32
  }
  func.func @transform_14(%arg0: i32) -> (i32, i32) {
    %c0_i32 = arith.constant 0 : i32
    %c0_i32_0 = arith.constant 0 : i32
    %c0_i32_1 = arith.constant 0 : i32
    return %c0_i32, %c0_i32_0 : i32, i32
  }
  func.func @transform_15(%arg0: i32) -> (i32, i32) {
    %c0_i32 = arith.constant 0 : i32
    %c0_i32_0 = arith.constant 0 : i32
    return %arg0, %c0_i32 : i32, i32
  }
}

</mosaic_0001>

<sc_bundles>
// kernel: kernel.15.cloned.1.call-start
scs
__scs_entry_jumppad:
0x0: {  	(pc) =	sbr.rel $0x88, $3  }
0x1: {  	(tag) =	ssettag $0x0;
	lr =	simm.s32 $0x1  }
0x2: {  	[smem:$0x3F66] =	sst lr;
	_ =	strace $0xD0000000  }
0x3: {  	_ = 	snop  }
0x4: {  	_ = 	snop  }
0x5: {  	_ = 	snop  }
0x6: {  	_ = 	snop  }
0x7: {  	_ = 	snop  }
__scs_overlays_trampoline_lowered:
0x8: {  	[smem:$0x3F75] =	sst s0  }
0x9: {  	[smem:$0x3F76] =	sst s1  }
0xa: {  	[smem:$0x3F77] =	sst s2  }
0xb: {  	[smem:$0x3F78] =	sst s3  }
0xc: {  	[smem:$0x3F79] =	sst s4  }
0xd: {  	[smem:$0x3F7A] =	sst s5  }
0xe: {  	[smem:$0x3F7B] =	sst s6  }
0xf: {  	[smem:$0x3F7C] =	sst s7  }
0x10: {  	[smem:$0x3F7D] =	sst s8  }
0x11: {  	[smem:$0x3F7E] =	sst s9;
	s0 =	simm.s32 @!p0 $0x0  }
0x12: {  	s1 =	sld [smem:$0x3F64];
	s0 =	simm.s32 @p0 $0x1  }
0x13: {  	[smem:$0x3F7F] =	sst s0;
	s0 =	simm.s32 @!p1 $0x0  }
0x14: {  	s2 =	sld [smem:$0x3F63];
	s0 =	simm.s32 @p1 $0x1  }
0x15: {  	[smem:$0x3F80] =	sst s0;
	s0 =	simm.s32 @!p2 $0x0  }
0x16: {  	s3 =	sld [smem:$0x3FDB];
	s0 =	simm.s32 @p2 $0x1  }
0x17: {  	s4 =	simm.s32 $0x1BF5;
	[smem:$0x3F82] =	sst s0  }
0x18: {  	s0 =	sld [smem:$0x3F65];
	_ =	swait.ge [sflag:s4], $0x0  }
0x19: {  	s7 =	sld [smem:$0x3F66]  }
0x1a: {  	s8 =	sadd.s32 $0xFFFFE003, lr  }
0x1b: {  	s9 =	sadd.s32 $0xFFFFFEF7, lr;
	s5 =	simm.s32 $0xFFFFFFFF;
	p2 =	slt.u32 s8, $0xFFFFF086  }
0x1c: {  	p1 =	slt.u32 s9, $0xF7A;
	s5 =	simm.s32 @!p2 $0x0  }
0x1d: {  	s5 =	simm.s32 @p1 $0x1;
	p0 =	seq.s32 s7, s2  }
0x1e: {  	s7 =	smul.u32 @!p0 $0xF7A, s2;
	p2 =	seq.s32 @!p0 s5, $0x0  }
0x1f: {  	s9 =	smul.u32 $0xF7A, s1;
	s8 =	simm.s32 @!p0 $0x1BF5;
	p2 =	por !p2, p0  }
0x20: {  	[sflag:s8] =	ssyncset.s32 @!p0 $0xFFFFF086;
	s6 =	sadd.s32 @!p0 s3, s7;
	s7 =	simm.s32 @!p0 $0x108  }
0x21: {  	s3 =	sadd.s32 s3, s9;
	s6 =	sadd.s32 @!p0 $0x88, s6;
	s7 =	simm.s32 @p2 $0x1082  }
0x22: {  	[simem:s7], [sflag:s8] =	dma.local @!p0 [hbm:s6], $0xF7A  }
0x23: {  	s9 =	sor.u32 $0xD0000000, s2;
	s6 =	simm.s32 $0x108;
	_ =	swait.ge @!p0 [sflag:s8], $0x0  }
0x24: {  	s3 =	sadd.s32 $0x88, s3;
	s6 =	simm.s32 @!p1 $0x1082;
	[sflag:s4] =	ssyncset.s32 $0xFFFFF086  }
0x25: {  	[simem:s6], [sflag:s4] =	dma.local [hbm:s3], $0xF7A  }
0x26: {  	[smem:$0x3F66] =	sst s1;
	(tag) =	ssettag s2;
	_ =	strace s9  }
0x27: {  	s1 =	sld [smem:$0x3F76]  }
0x28: {  	s2 =	sld [smem:$0x3F77]  }
0x29: {  	s4 =	sld [smem:$0x3F79]  }
0x2a: {  	p0 =	seq.s32 s5, $0x0;
	s5 =	sld [smem:$0x3F7A]  }
0x2b: {  	s6 =	sld [smem:$0x3F7B]  }
0x2c: {  	s7 =	sld [smem:$0x3F7C]  }
0x2d: {  	s3 =	simm.s32 $0x108;
	s8 =	sld [smem:$0x3F7D]  }
0x2e: {  	s3 =	simm.s32 @!p0 $0x1082;
	s9 =	sld [smem:$0x3F7E]  }
0x2f: {  	lr =	sadd.s32 s0, s3;
	s0 =	sld [smem:$0x3F75]  }
0x30: {  	s3 =	sld [smem:$0x3F78]  }
0x31: {  	[smem:$0x3F81] =	sst s10  }
0x32: {  	s10 =	sld [smem:$0x3F7F];
	_ =	sdelay $0x3  }
0x33: {  	p0 =	seq.s32 s10, $0x1;
	s10 =	sld [smem:$0x3F81];
	_ =	sdelay $0x3  }
0x34: {  	[smem:$0x3F81] =	sst s10  }
0x35: {  	s10 =	sld [smem:$0x3F80];
	_ =	sdelay $0x3  }
0x36: {  	p1 =	seq.s32 s10, $0x1;
	s10 =	sld [smem:$0x3F81];
	_ =	sdelay $0x3  }
0x37: {  	[smem:$0x3F81] =	sst s10  }
0x38: {  	s10 =	sld [smem:$0x3F82]  }
0x39: {  	_ = 	snop;
	(pc) =	sbr.ind lr, $3  }
0x3a: {  	_ = 	snop  }
0x3b: {  	_ = 	snop  }
0x3c: {  	p2 =	seq.s32 s10, $0x1;
	s10 =	sld [smem:$0x3F81]  }
0x3d: {  	_ =	shalt  }
0x3e: {  	_ =	shalt  }
0x3f: {  	_ =	shalt  }
0x40: {  	_ =	shalt  }
0x41: {  	_ =	shalt  }
0x42: {  	_ =	shalt  }
0x43: {  	_ =	shalt  }
0x44: {  	_ =	shalt  }
0x45: {  	_ =	shalt  }
0x46: {  	_ =	shalt  }
0x47: {  	_ =	shalt  }
0x48: {  	_ =	shalt  }
0x49: {  	_ =	shalt  }
0x4a: {  	_ =	shalt  }
0x4b: {  	_ =	shalt  }
0x4c: {  	_ =	shalt  }
0x4d: {  	_ =	shalt  }
0x4e: {  	_ =	shalt  }
0x4f: {  	_ =	shalt  }
0x50: {  	_ =	shalt  }
0x51: {  	_ =	shalt  }
0x52: {  	_ =	shalt  }
0x53: {  	_ =	shalt  }
0x54: {  	_ =	shalt  }
0x55: {  	_ =	shalt  }
0x56: {  	_ =	shalt  }
0x57: {  	_ =	shalt  }
0x58: {  	_ =	shalt  }
0x59: {  	_ =	shalt  }
0x5a: {  	_ =	shalt  }
0x5b: {  	_ =	shalt  }
0x5c: {  	_ =	shalt  }
0x5d: {  	_ =	shalt  }
0x5e: {  	_ =	shalt  }
0x5f: {  	_ =	shalt  }
0x60: {  	_ =	shalt  }
0x61: {  	_ =	shalt  }
0x62: {  	_ =	shalt  }
0x63: {  	_ =	shalt  }
0x64: {  	_ =	shalt  }
0x65: {  	_ =	shalt  }
0x66: {  	_ =	shalt  }
0x67: {  	_ =	shalt  }
0x68: {  	_ =	shalt  }
0x69: {  	_ =	shalt  }
0x6a: {  	_ =	shalt  }
0x6b: {  	_ =	shalt  }
0x6c: {  	_ =	shalt  }
0x6d: {  	_ =	shalt  }
0x6e: {  	_ =	shalt  }
0x6f: {  	_ =	shalt  }
0x70: {  	_ =	shalt  }
0x71: {  	_ =	shalt  }
0x72: {  	_ =	shalt  }
0x73: {  	_ =	shalt  }
0x74: {  	_ =	shalt  }
0x75: {  	_ =	shalt  }
0x76: {  	_ =	shalt  }
0x77: {  	_ =	shalt  }
0x78: {  	_ =	shalt  }
0x79: {  	_ =	shalt  }
0x7a: {  	_ =	shalt  }
0x7b: {  	_ =	shalt  }
0x7c: {  	_ =	shalt  }
0x7d: {  	_ =	shalt  }
0x7e: {  	_ =	shalt  }
0x7f: {  	_ =	shalt  }
0x80: {  	_ =	shalt  }
0x81: {  	_ =	shalt  }
0x82: {  	_ =	shalt  }
0x83: {  	_ =	shalt  }
0x84: {  	_ =	shalt  }
0x85: {  	_ =	shalt  }
0x86: {  	_ =	shalt  }
0x87: {  	_ =	shalt  }
.Lfunc_end0:
.L_simem_size_0:
called_computation.1_lowered:
.L_overlay_start_0:
0x88: {  	s2 =	sld [smem:$0x3FD9]  }
0x89: {  	s3 =	sld [smem:$0x3FFE];
	_ =	sdelay $0x1  }
0x8a: {  	s1 =	srdreg.scid  }
0x8b: {  	s0 =	sand.u32 $0x1, s1  }
0x8c: {  	s14 =	sshll.u32 s0, $0xA;
	s2 =	sadd.s32 s3, s2  }
0x8d: {  	s2 =	sadd.s32 s2, s14  }
0x8e: {  	[smem:$0x3F8D] =	sst s2  }
0x8f: {  	_ = 	snop  }
0x90: {  	s2 =	sld [smem:$0x3FD0];
	_ =	sdelay $0x2  }
0x91: {  	s15 =	simm.s32 $0xB;
	s4 =	simm.s32 $0x10  }
0x92: {  	[smem:s4], [sflag:s15] =	dma.local [hbm:s2], $0x1  }
0x93: {  	_ =	swait.eq [sflag:s15], $0x1  }
0x94: {  	[sflag:s15] =	ssyncset.done $0x0  }
0x95: {  	[sflag:s15] =	ssyncadd.s32 $0xFFFFFFFF  }
0x96: {  	s16 =	sld [smem:$0x10];
	(tm) =	ssettm $0x1  }
0x97: {  	s17 =	sld [smem:$0x3FFB];
	_ =	sdelay $0x3  }
0x98: {  	_ =	strace s17  }
0x99: {  	s3 =	sld [smem:$0x3FFC];
	_ =	sdelay $0x3  }
0x9a: {  	_ =	strace s3  }
0x9b: {  	s3 =	sld [smem:$0x3FFD];
	_ =	sdelay $0x3  }
0x9c: {  	_ =	strace s3  }
0x9d: {  	_ =	strace $0x8FFFFFFF  }
0x9e: {  	s18 =	sld [smem:$0x3FDB];
	_ =	sdelay $0x1  }
0x9f: {  	s19 =	simm.s32 $_scs_section_size  }
0xa0: {  	s5 =	simm.s32 $_size__tile_overlayer_lowered;
	s6 =	simm.s32 $_tile_overlayer_lowered  }
0xa1: {  	s22 =	simm.s32 $0x1BFF;
	s21 =	sshll.u32 s6, $0x1;
	s3 =	sadd.s32 s19, s18  }
0xa2: {  	s7 =	simm.s32 $0x0;
	s20 =	sshll.u32 s5, $0x1;
	s5 =	sadd.s32 s21, s3  }
0xa3: {  	[timem:s7], [sflag:s22] =	dma.local [hbm:s5], s20  }
0xa4: {  	_ =	swait.ge [sflag:s22], s20  }
0xa5: {  	s4 =	ssub.s32 $0x0, s20;
	[sflag:s22] =	ssyncset.done $0x0  }
0xa6: {  	[sflag:s22] =	ssyncadd.s32 s4;
	_ =	sdelay $0x1  }
0xa7: {  	s23 =	simm.s32 $0x1B8B  }
0xa8: {  	_ =	swait.ge [sflag:s23], $0x1  }
0xa9: {  	[sflag:s23] =	ssyncset.done $0x0  }
0xaa: {  	s25 =	simm.s32 $0x1B8E;
	s24 =	sld [smem:$0x3FFE];
	[sflag:s23] =	ssyncadd.s32 $0xFFFFFFFF  }
0xab: {  	s26 =	simm.s32 $execute0_lowered;
	[smem:$0x3FD2] =	sst s25  }
0xac: {  	s5 =	sshll.u32 s26, $0x1;
	_ =	strace $0x80000046;
	[dreg:$0x1] =	wrdreg $0xFFFFFFFF  }
0xad: {  	s28 =	simm.s32 $_size_execute0_lowered;
	s3 =	sadd.s32 s3, s5;
	[dreg:$0x0] =	wrdreg $0x0  }
0xae: {  	s5 =	sshll.u32 s28, $0x1;
	[dreg:$0x2] =	wrdreg s3  }
0xaf: {  	[dreg:$0x3] =	wrdreg s5  }
0xb0: {  	[dreg:$0x4] =	wrdreg $0xC0  }
0xb1: {  	_ =	task [dreg:s7], $0x5FFFF  }
0xb2: {  	[dreg:$0x1] =	wrdreg $0xFFFFFFFF  }
0xb3: {  	[dreg:$0x0] =	wrdreg $0x60  }
0xb4: {  	[dreg:$0x2] =	wrdreg s16  }
0xb5: {  	[dreg:$0x3] =	wrdreg s24  }
0xb6: {  	[dreg:$0x4] =	wrdreg $0x9  }
0xb7: {  	_ =	task.clear_ibuf [dreg:s7], $0x5FFFF;
	_ =	strace $0x90000046  }
0xb8: {  	s29 =	simm.s32 $0x9;
	_ =	strace $0x80000048  }
0xb9: {  	_ =	swait.ge [sflag:s29], $0x1  }
0xba: {  	[sflag:s29] =	ssyncadd.s32 $0xFFFFFFFF  }
0xbb: {  	_ =	strace $0x90000048  }
0xbc: {  	_ =	sfence  }
0xbd: {  	s30 =	sld [smem:$0x0];
	_ =	sdelay $0x2  }
0xbe: {  	s31 =	sshll.u32 s1, $0xD;
	s1 =	sshrl.u32 s1, $0x2  }
0xbf: {  	s3 =	sand.u32 $0x4000, s31;
	s1 =	sadd.s32 s1, s30  }
0xc0: {  	s0 =	sor.u32 s3, s0;
	s1 =	sshll.u32 s1, $0x11  }
0xc1: {  	s0 =	sor.u32 s1, s0  }
0xc2: {  	s0 =	sadd.s32 $0x8F2B, s0  }
0xc3: {  	[sflag:s0] =	ssyncadd.remote.s32 $0x1  }
0xc4: {  	_ =	sfence.sel $0xFFFF  }
0xc5: {  	[dreg:$0x0] =	wrdreg $0xFFFFFFFF;
	(pc) =	sbr.abs _section_cstart, $3  }
0xc6: {  	[dreg:$0x1] =	wrdreg $0xFFFFFFFF  }
0xc7: {  	_ =	task.clear_ibuf [dreg:s7], $0x2FFFF;
	_ =	strace $0x9FFFFFFF  }
0xc8: {  	(tm) =	ssettm $0x7FFFFFFF  }
0xc9: {  	_ =	shalt  }
tec
execute0_lowered:
.L_overlay_start_1:
0x0: {  	(tag) =	ssettag $0x1  }
0x1: {  	s2 =	rddreg [dreg:$0x0]  }
0x2: {  	s5 =	rddreg [dreg:$0x1]  }
0x3: {  	s0 =	rddreg [dreg:$0x2]  }
0x4: {  	s4 =	srdreg.scid;
	s1 =	stileid.u32;
	s3 =	simm.s32 $0x0  }
0x5: {  	s15 =	simm.s32 $0x6F00;
	s16 =	simm.s32 $0x80;
	s17 =	simm.s32 $0x8F00  }
0x6: {  	s18 =	simm.s32 $0xAF00;
	s19 =	simm.s32 $0x1;
	s20 =	simm.s32 $0x3  }
0x7: {  	s21 =	simm.s32 $0x2;
	s22 =	simm.s32 $0x4;
	s23 =	simm.s32 $0x0  }
0x8: {  	s8 =	sand.u32 $0x1, s4;
	s28 =	sshll.u32 s1, $0x1;
	[smem:$0x7FF] =	sst s3  }
0x9: {  	s4 =	sadd.s32 $0x3A400, s5;
	s10 =	sadd.s32 $0x61A00, s5;
	s13 =	smul.u32 $0x27100, s1  }
0xa: {  	s12 =	sadd.s32 $0x2D2A00, s5;
	s6 =	sor.u32 s8, s28;
	s14 =	smul.u32 $0x13880, s8  }
0xb: {  	_ =	strace $0x80000047;
	s9 =	ssub.s32 $0x2, s8;
	s7 =	smul.u32 $0x4F0, s6  }
0xc: {  	s6 =	smul.u32 $0x9C400, s6;
	s11 =	sshrl.u32 s9, $0x1;
	s30 =	sadd.s32 s13, s12  }
0xd: {  	s31 =	sadd.s32 s13, s10;
	s13 =	simm.s32 $0x2780;
	s9 =	ssub.s32 s9, s11  }
0xe: {  	s11 =	sadd.s32 s14, s31;
	s7 =	sadd.s32 s7, s5;
	s6 =	sshrl.u32 s6, $0x3  }
0xf: {  	s9 =	smax.u32 s9, $0x1;
	s5 =	sadd.s32 $0x4DE00, s7;
	s29 =	sadd.s32 $0x13800, s6  }
0x10: {  	s6 =	sadd.s32 $0x57C00, s7;
	s7 =	sadd.s32 s10, s29;
	s8 =	sadd.s32 s12, s29  }
0x11: {  	s10 =	sadd.s32 s14, s30;
	s12 =	simm.s32 $0x5;
	s14 =	simm.s32 $0x4F00  }
.LBB2_1:
0x12: {  	[tilespmem:s3], [sflag:$0x5] =	stream.linear.gather [hbm4b:s5+s3], $0x2780, $0x38;
	[tilespmem:$0xCF00] =	vst v63  }
0x13: {  	_ =	swait.ge [sflag:s12], $0x2780  }
0x14: {  	[sflag:s12] =	ssyncset.done $0x0  }
0x15: {  	[sflag:s12] =	ssyncadd.s32 $0xFFFFD880  }
0x16: {  	[tilespmem:s13], [sflag:$0x5] =	stream.linear.gather [hbm4b:s6+s3], $0x2780, $0x38;
	[tilespmem:$0xCF00] =	vst v63  }
0x17: {  	_ =	swait.ge [sflag:s12], $0x2780  }
0x18: {  	[sflag:s12] =	ssyncset.done $0x0  }
0x19: {  	[sflag:s12] =	ssyncadd.s32 $0xFFFFD880  }
0x1a: {  	[tilespmem:s14], [sflag:$0x1] =	stream.indirect.gather [hbm4b:s2+s16], $0x40, s3, s16, $0xb8;
	[tilespmem:$0xCF00] =	vst v63  }
0x1b: {  	_ = 	snop  }
0x1c: {  	[tilespmem:s15], [sflag:$0x1] =	stream.indirect.gather [hbm4b:s4+s16], $0x40, s13, s16, $0xb8;
	[tilespmem:$0xCF00] =	vst v63  }
0x1d: {  	_ = 	snop  }
0x1e: {  	[tilespmem:s17], [sflag:$0x2] =	stream.indirect.gather [hbm4b:s2+s16], $0x40, s16, s16, $0xb8;
	[tilespmem:$0xCF00] =	vst v63  }
0x1f: {  	s24 =	simm.s32 $0x2800  }
0x20: {  	[tilespmem:s18], [sflag:$0x2] =	stream.indirect.gather [hbm4b:s4+s16], $0x40, s24, s16, $0xb8;
	[tilespmem:$0xCF00] =	vst v63  }
0x21: {  	_ =	swait.ge [sflag:s19], $0x2000  }
0x22: {  	[sflag:s19] =	ssyncset.done $0x0  }
0x23: {  	[sflag:s19] =	ssyncadd.s32 $0xFFFFE000  }
0x24: {  	_ =	swait.ge [sflag:s19], $0x2000  }
0x25: {  	[sflag:s19] =	ssyncset.done $0x0  }
0x26: {  	s25 =	sadd.s32 $0x0, s11;
	[sflag:s19] =	ssyncadd.s32 $0xFFFFE000  }
0x27: {  	[hbm4b:s25+s3] =	stream.linear.scatter [tilespmem:s14], [sflag:$0x3], $0x2000, $0x38;
	[tilespmem:$0xCF00] =	vst v63  }
0x28: {  	s26 =	sadd.s32 $0x0, s10  }
0x29: {  	[hbm4b:s26+s3] =	stream.linear.scatter [tilespmem:s15], [sflag:$0x3], $0x2000, $0x38;
	[tilespmem:$0xCF00] =	vst v63  }
0x2a: {  	_ =	swait.ge [sflag:s20], $0x2000  }
0x2b: {  	[sflag:s20] =	ssyncset.done $0x0  }
0x2c: {  	[sflag:s20] =	ssyncadd.s32 $0xFFFFE000  }
0x2d: {  	_ =	swait.ge [sflag:s20], $0x2000  }
0x2e: {  	[sflag:s20] =	ssyncset.done $0x0  }
0x2f: {  	s28 =	simm.s32 $0x100;
	[sflag:s20] =	ssyncadd.s32 $0xFFFFE000  }
0x30: {  	[tilespmem:s14], [sflag:$0x1] =	stream.indirect.gather [hbm4b:s2+s16], $0x40, s28, s16, $0xb8;
	[tilespmem:$0xCF00] =	vst v63  }
0x31: {  	s30 =	simm.s32 $0x2880  }
0x32: {  	[tilespmem:s15], [sflag:$0x1] =	stream.indirect.gather [hbm4b:s4+s16], $0x40, s30, s16, $0xb8;
	[tilespmem:$0xCF00] =	vst v63  }
0x33: {  	_ =	swait.ge [sflag:s21], $0x2000  }
0x34: {  	[sflag:s21] =	ssyncset.done $0x0  }
0x35: {  	[sflag:s21] =	ssyncadd.s32 $0xFFFFE000  }
0x36: {  	_ =	swait.ge [sflag:s21], $0x2000  }
0x37: {  	[sflag:s21] =	ssyncset.done $0x0  }
0x38: {  	s25 =	sadd.s32 $0x400, s25;
	[sflag:s21] =	ssyncadd.s32 $0xFFFFE000  }
0x39: {  	[hbm4b:s25+s3] =	stream.linear.scatter [tilespmem:s17], [sflag:$0x4], $0x2000, $0x38;
	[tilespmem:$0xCF00] =	vst v63  }
0x3a: {  	s31 =	sadd.s32 $0x400, s26  }
0x3b: {  	[hbm4b:s31+s3] =	stream.linear.scatter [tilespmem:s18], [sflag:$0x4], $0x2000, $0x38;
	[tilespmem:$0xCF00] =	vst v63  }
0x3c: {  	_ =	swait.ge [sflag:s22], $0x2000  }
0x3d: {  	[sflag:s22] =	ssyncset.done $0x0  }
0x3e: {  	[sflag:s22] =	ssyncadd.s32 $0xFFFFE000  }
0x3f: {  	_ =	swait.ge [sflag:s22], $0x2000  }
0x40: {  	s26 =	simm.s32 $0x80;
	s25 =	simm.s32 $0x800;
	[sflag:s22] =	ssyncset.done $0x0  }
.LBB2_2:
0x41: {  	[sflag:s22] =	ssyncadd.s32 $0xFFFFE000;
	s24 =	sadd.s32 $0x100, s24;
	s26 =	sadd.s32 $0x100, s26  }
0x42: {  	[tilespmem:s17], [sflag:$0x2] =	stream.indirect.gather [hbm4b:s2+s16], $0x40, s26, s16, $0xb8;
	[tilespmem:$0xCF00] =	vst v63  }
0x43: {  	p0 =	sne.s32 s25, $0x13000;
	s28 =	smov.u32 s25;
	s25 =	sadd.s32 $0x800, s25  }
0x44: {  	[tilespmem:s18], [sflag:$0x2] =	stream.indirect.gather [hbm4b:s4+s16], $0x40, s24, s16, $0xb8;
	[tilespmem:$0xCF00] =	vst v63  }
0x45: {  	_ =	swait.ge [sflag:s19], $0x2000  }
0x46: {  	[sflag:s19] =	ssyncset.done $0x0  }
0x47: {  	[sflag:s19] =	ssyncadd.s32 $0xFFFFE000  }
0x48: {  	_ =	swait.ge [sflag:s19], $0x2000  }
0x49: {  	[sflag:s19] =	ssyncset.done $0x0  }
0x4a: {  	s29 =	sadd.s32 s28, s11;
	[sflag:s19] =	ssyncadd.s32 $0xFFFFE000  }
0x4b: {  	[hbm4b:s29+s3] =	stream.linear.scatter [tilespmem:s14], [sflag:$0x3], $0x2000, $0x38;
	[tilespmem:$0xCF00] =	vst v63  }
0x4c: {  	s28 =	sadd.s32 s28, s10  }
0x4d: {  	[hbm4b:s28+s3] =	stream.linear.scatter [tilespmem:s15], [sflag:$0x3], $0x2000, $0x38;
	[tilespmem:$0xCF00] =	vst v63  }
0x4e: {  	_ =	swait.ge [sflag:s20], $0x2000  }
0x4f: {  	[sflag:s20] =	ssyncset.done $0x0  }
0x50: {  	[sflag:s20] =	ssyncadd.s32 $0xFFFFE000  }
0x51: {  	_ =	swait.ge [sflag:s20], $0x2000  }
0x52: {  	[sflag:s20] =	ssyncset.done $0x0  }
0x53: {  	s30 =	sadd.s32 $0x80, s26;
	[sflag:s20] =	ssyncadd.s32 $0xFFFFE000  }
0x54: {  	[tilespmem:s14], [sflag:$0x1] =	stream.indirect.gather [hbm4b:s2+s16], $0x40, s30, s16, $0xb8;
	[tilespmem:$0xCF00] =	vst v63  }
0x55: {  	s30 =	sadd.s32 $0x80, s24  }
0x56: {  	[tilespmem:s15], [sflag:$0x1] =	stream.indirect.gather [hbm4b:s4+s16], $0x40, s30, s16, $0xb8;
	[tilespmem:$0xCF00] =	vst v63  }
0x57: {  	_ =	swait.ge [sflag:s21], $0x2000  }
0x58: {  	[sflag:s21] =	ssyncset.done $0x0  }
0x59: {  	[sflag:s21] =	ssyncadd.s32 $0xFFFFE000  }
0x5a: {  	_ =	swait.ge [sflag:s21], $0x2000  }
0x5b: {  	[sflag:s21] =	ssyncset.done $0x0  }
0x5c: {  	s29 =	sadd.s32 $0x400, s29;
	[sflag:s21] =	ssyncadd.s32 $0xFFFFE000  }
0x5d: {  	[hbm4b:s29+s3] =	stream.linear.scatter [tilespmem:s17], [sflag:$0x4], $0x2000, $0x38;
	[tilespmem:$0xCF00] =	vst v63  }
0x5e: {  	s28 =	sadd.s32 $0x400, s28  }
0x5f: {  	[hbm4b:s28+s3] =	stream.linear.scatter [tilespmem:s18], [sflag:$0x4], $0x2000, $0x38;
	[tilespmem:$0xCF00] =	vst v63  }
.Ltmp0:
0x60: {  	_ =	swait.ge [sflag:s22], $0x2000;
	(pc) =	sbr.rel @p0 .LBB2_2-.Ltmp0, $4  }
0x61: {  	[sflag:s22] =	ssyncset.done $0x0  }
0x62: {  	[sflag:s22] =	ssyncadd.s32 $0xFFFFE000  }
0x63: {  	_ =	swait.ge [sflag:s22], $0x2000  }
0x64: {  	[sflag:s22] =	ssyncset.done $0x0  }
0x65: {  	[sflag:s22] =	ssyncadd.s32 $0xFFFFE000  }
0x66: {  	_ =	swait.ge [sflag:s19], $0x2000  }
0x67: {  	[sflag:s19] =	ssyncset.done $0x0  }
0x68: {  	[sflag:s19] =	ssyncadd.s32 $0xFFFFE000  }
0x69: {  	_ =	swait.ge [sflag:s19], $0x2000  }
0x6a: {  	[sflag:s19] =	ssyncset.done $0x0  }
0x6b: {  	[sflag:s19] =	ssyncadd.s32 $0xFFFFE000  }
0x6c: {  	[hbm4b:s7+s3] =	stream.linear.scatter [tilespmem:s14], [sflag:$0x5], $0x400, $0x38;
	[tilespmem:$0xCF00] =	vst v63  }
0x6d: {  	s23 =	sadd.s32 $0x1, s23;
	_ =	swait.ge [sflag:s12], $0x400  }
0x6e: {  	p0 =	sne.s32 s23, s9;
	[sflag:s12] =	ssyncset.done $0x0  }
.Ltmp1:
0x6f: {  	[sflag:s12] =	ssyncadd.s32 $0xFFFFFC00;
	(pc) =	sbr.rel @p0 .LBB2_1-.Ltmp1, $4  }
0x70: {  	[hbm4b:s8+s3] =	stream.linear.scatter [tilespmem:s15], [sflag:$0x5], $0x400, $0x38;
	[tilespmem:$0xCF00] =	vst v63  }
0x71: {  	_ =	swait.ge [sflag:s12], $0x400  }
0x72: {  	[sflag:s12] =	ssyncset.done $0x0  }
0x73: {  	[sflag:s12] =	ssyncadd.s32 $0xFFFFFC00  }
0x74: {  	_ =	sfence.sel $0x180000  }
0x75: {  	[bflag:$0x0] =	sbarrier.arrive $0xFFFF  }
0x76: {  	p0 =	sne.s32 s1, $0x0;
	_ =	strace $0x90000047  }
0x77: {  	s0 =	sadd.s32 @!p0 $0x100000, s0;
	[bflag:$0x2] =	sbarrier.arrive $0xFFFF  }
0x78: {  	[sflag:s0] =	ssyncadd.tile.s32 @!p0 $0x1;
	_ =	shalt  }
.Lfunc_end2:
_tile_overlayer_lowered:
.L_overlay_start_2:
0x79: {  	(tag) =	ssettag $0x2  }
0x7a: {  	s0 =	rddreg [dreg:$0x0];
	s2 =	stileid.u32  }
0x7b: {  	s1 =	rddreg [dreg:$0x1];
	p0 =	sne.s32 s2, $0x0  }
0x7c: {  	s3 =	rddreg [dreg:$0x2];
	[bflag:$0x3] =	sbarrier.arrive $0xFFFF;
	s2 =	simm.s32 @!p0 $0x1C05  }
0x7d: {  	[timem:s3], [sflag:s2] =	dma.local @!p0 [hbm:s0], s1  }
0x7e: {  	s0 =	simm.s32 @!p0 $0x5  }
0x7f: {  	_ =	swait.ge @!p0 [sflag:s0], s1  }
0x80: {  	s1 =	ssub.s32 @!p0 $0x0, s1;
	[sflag:s0] =	ssyncset.done @!p0 $0x0  }
0x81: {  	[sflag:s0] =	ssyncadd.s32 @!p0 s1  }
0x82: {  	[bflag:$0x3] =	sbarrier.arrive $0xFFFF  }
0x83: {  	_ =	shalt  }

// kernel: kernel.18.cloned.1.call-start
scs
__scs_entry_jumppad:
0x0: {  	(pc) =	sbr.rel $0x88, $3  }
0x1: {  	(tag) =	ssettag $0x0;
	lr =	simm.s32 $0x1  }
0x2: {  	[smem:$0x3F66] =	sst lr;
	_ =	strace $0xD0000000  }
0x3: {  	_ = 	snop  }
0x4: {  	_ = 	snop  }
0x5: {  	_ = 	snop  }
0x6: {  	_ = 	snop  }
0x7: {  	_ = 	snop  }
__scs_overlays_trampoline_lowered:
0x8: {  	[smem:$0x3F75] =	sst s0  }
0x9: {  	[smem:$0x3F76] =	sst s1  }
0xa: {  	[smem:$0x3F77] =	sst s2  }
0xb: {  	[smem:$0x3F78] =	sst s3  }
0xc: {  	[smem:$0x3F79] =	sst s4  }
0xd: {  	[smem:$0x3F7A] =	sst s5  }
0xe: {  	[smem:$0x3F7B] =	sst s6  }
0xf: {  	[smem:$0x3F7C] =	sst s7  }
0x10: {  	[smem:$0x3F7D] =	sst s8  }
0x11: {  	[smem:$0x3F7E] =	sst s9;
	s0 =	simm.s32 @!p0 $0x0  }
0x12: {  	s1 =	sld [smem:$0x3F64];
	s0 =	simm.s32 @p0 $0x1  }
0x13: {  	[smem:$0x3F7F] =	sst s0;
	s0 =	simm.s32 @!p1 $0x0  }
0x14: {  	s2 =	sld [smem:$0x3F63];
	s0 =	simm.s32 @p1 $0x1  }
0x15: {  	[smem:$0x3F80] =	sst s0;
	s0 =	simm.s32 @!p2 $0x0  }
0x16: {  	s3 =	sld [smem:$0x3FDB];
	s0 =	simm.s32 @p2 $0x1  }
0x17: {  	s4 =	simm.s32 $0x1BF5;
	[smem:$0x3F82] =	sst s0  }
0x18: {  	s0 =	sld [smem:$0x3F65];
	_ =	swait.ge [sflag:s4], $0x0  }
0x19: {  	s7 =	sld [smem:$0x3F66]  }
0x1a: {  	s8 =	sadd.s32 $0xFFFFE003, lr  }
0x1b: {  	s9 =	sadd.s32 $0xFFFFFEF7, lr;
	s5 =	simm.s32 $0xFFFFFFFF;
	p2 =	slt.u32 s8, $0xFFFFF086  }
0x1c: {  	p1 =	slt.u32 s9, $0xF7A;
	s5 =	simm.s32 @!p2 $0x0  }
0x1d: {  	s5 =	simm.s32 @p1 $0x1;
	p0 =	seq.s32 s7, s2  }
0x1e: {  	s7 =	smul.u32 @!p0 $0xF7A, s2;
	p2 =	seq.s32 @!p0 s5, $0x0  }
0x1f: {  	s9 =	smul.u32 $0xF7A, s1;
	s8 =	simm.s32 @!p0 $0x1BF5;
	p2 =	por !p2, p0  }
0x20: {  	[sflag:s8] =	ssyncset.s32 @!p0 $0xFFFFF086;
	s6 =	sadd.s32 @!p0 s3, s7;
	s7 =	simm.s32 @!p0 $0x108  }
0x21: {  	s3 =	sadd.s32 s3, s9;
	s6 =	sadd.s32 @!p0 $0x88, s6;
	s7 =	simm.s32 @p2 $0x1082  }
0x22: {  	[simem:s7], [sflag:s8] =	dma.local @!p0 [hbm:s6], $0xF7A  }
0x23: {  	s9 =	sor.u32 $0xD0000000, s2;
	s6 =	simm.s32 $0x108;
	_ =	swait.ge @!p0 [sflag:s8], $0x0  }
0x24: {  	s3 =	sadd.s32 $0x88, s3;
	s6 =	simm.s32 @!p1 $0x1082;
	[sflag:s4] =	ssyncset.s32 $0xFFFFF086  }
0x25: {  	[simem:s6], [sflag:s4] =	dma.local [hbm:s3], $0xF7A  }
0x26: {  	[smem:$0x3F66] =	sst s1;
	(tag) =	ssettag s2;
	_ =	strace s9  }
0x27: {  	s1 =	sld [smem:$0x3F76]  }
0x28: {  	s2 =	sld [smem:$0x3F77]  }
0x29: {  	s4 =	sld [smem:$0x3F79]  }
0x2a: {  	p0 =	seq.s32 s5, $0x0;
	s5 =	sld [smem:$0x3F7A]  }
0x2b: {  	s6 =	sld [smem:$0x3F7B]  }
0x2c: {  	s7 =	sld [smem:$0x3F7C]  }
0x2d: {  	s3 =	simm.s32 $0x108;
	s8 =	sld [smem:$0x3F7D]  }
0x2e: {  	s3 =	simm.s32 @!p0 $0x1082;
	s9 =	sld [smem:$0x3F7E]  }
0x2f: {  	lr =	sadd.s32 s0, s3;
	s0 =	sld [smem:$0x3F75]  }
0x30: {  	s3 =	sld [smem:$0x3F78]  }
0x31: {  	[smem:$0x3F81] =	sst s10  }
0x32: {  	s10 =	sld [smem:$0x3F7F];
	_ =	sdelay $0x3  }
0x33: {  	p0 =	seq.s32 s10, $0x1;
	s10 =	sld [smem:$0x3F81];
	_ =	sdelay $0x3  }
0x34: {  	[smem:$0x3F81] =	sst s10  }
0x35: {  	s10 =	sld [smem:$0x3F80];
	_ =	sdelay $0x3  }
0x36: {  	p1 =	seq.s32 s10, $0x1;
	s10 =	sld [smem:$0x3F81];
	_ =	sdelay $0x3  }
0x37: {  	[smem:$0x3F81] =	sst s10  }
0x38: {  	s10 =	sld [smem:$0x3F82]  }
0x39: {  	_ = 	snop;
	(pc) =	sbr.ind lr, $3  }
0x3a: {  	_ = 	snop  }
0x3b: {  	_ = 	snop  }
0x3c: {  	p2 =	seq.s32 s10, $0x1;
	s10 =	sld [smem:$0x3F81]  }
0x3d: {  	_ =	shalt  }
0x3e: {  	_ =	shalt  }
0x3f: {  	_ =	shalt  }
0x40: {  	_ =	shalt  }
0x41: {  	_ =	shalt  }
0x42: {  	_ =	shalt  }
0x43: {  	_ =	shalt  }
0x44: {  	_ =	shalt  }
0x45: {  	_ =	shalt  }
0x46: {  	_ =	shalt  }
0x47: {  	_ =	shalt  }
0x48: {  	_ =	shalt  }
0x49: {  	_ =	shalt  }
0x4a: {  	_ =	shalt  }
0x4b: {  	_ =	shalt  }
0x4c: {  	_ =	shalt  }
0x4d: {  	_ =	shalt  }
0x4e: {  	_ =	shalt  }
0x4f: {  	_ =	shalt  }
0x50: {  	_ =	shalt  }
0x51: {  	_ =	shalt  }
0x52: {  	_ =	shalt  }
0x53: {  	_ =	shalt  }
0x54: {  	_ =	shalt  }
0x55: {  	_ =	shalt  }
0x56: {  	_ =	shalt  }
0x57: {  	_ =	shalt  }
0x58: {  	_ =	shalt  }
0x59: {  	_ =	shalt  }
0x5a: {  	_ =	shalt  }
0x5b: {  	_ =	shalt  }
0x5c: {  	_ =	shalt  }
0x5d: {  	_ =	shalt  }
0x5e: {  	_ =	shalt  }
0x5f: {  	_ =	shalt  }
0x60: {  	_ =	shalt  }
0x61: {  	_ =	shalt  }
0x62: {  	_ =	shalt  }
0x63: {  	_ =	shalt  }
0x64: {  	_ =	shalt  }
0x65: {  	_ =	shalt  }
0x66: {  	_ =	shalt  }
0x67: {  	_ =	shalt  }
0x68: {  	_ =	shalt  }
0x69: {  	_ =	shalt  }
0x6a: {  	_ =	shalt  }
0x6b: {  	_ =	shalt  }
0x6c: {  	_ =	shalt  }
0x6d: {  	_ =	shalt  }
0x6e: {  	_ =	shalt  }
0x6f: {  	_ =	shalt  }
0x70: {  	_ =	shalt  }
0x71: {  	_ =	shalt  }
0x72: {  	_ =	shalt  }
0x73: {  	_ =	shalt  }
0x74: {  	_ =	shalt  }
0x75: {  	_ =	shalt  }
0x76: {  	_ =	shalt  }
0x77: {  	_ =	shalt  }
0x78: {  	_ =	shalt  }
0x79: {  	_ =	shalt  }
0x7a: {  	_ =	shalt  }
0x7b: {  	_ =	shalt  }
0x7c: {  	_ =	shalt  }
0x7d: {  	_ =	shalt  }
0x7e: {  	_ =	shalt  }
0x7f: {  	_ =	shalt  }
0x80: {  	_ =	shalt  }
0x81: {  	_ =	shalt  }
0x82: {  	_ =	shalt  }
0x83: {  	_ =	shalt  }
0x84: {  	_ =	shalt  }
0x85: {  	_ =	shalt  }
0x86: {  	_ =	shalt  }
0x87: {  	_ =	shalt  }
.Lfunc_end0:
.L_simem_size_0:
called_computation.2_lowered:
.L_overlay_start_0:
0x88: {  	s2 =	sld [smem:$0x3FD9]  }
0x89: {  	s3 =	sld [smem:$0x3FFE];
	_ =	sdelay $0x1  }
0x8a: {  	s1 =	srdreg.scid  }
0x8b: {  	s0 =	sand.u32 $0x1, s1  }
0x8c: {  	s14 =	sshll.u32 s0, $0xA;
	s2 =	sadd.s32 s3, s2  }
0x8d: {  	s2 =	sadd.s32 s2, s14  }
0x8e: {  	[smem:$0x3F8D] =	sst s2  }
0x8f: {  	_ = 	snop  }
0x90: {  	s2 =	sld [smem:$0x3FD0];
	_ =	sdelay $0x1  }
0x91: {  	s15 =	sld [smem:$0x3FC7]  }
0x92: {  	s5 =	simm.s32 $0xB;
	s6 =	simm.s32 $0x10;
	s4 =	sld [smem:$0x3FC6]  }
0x93: {  	[smem:s6], [sflag:s5] =	dma.local [hbm:s2], $0x1  }
0x94: {  	_ =	swait.eq [sflag:s5], $0x1  }
0x95: {  	[sflag:s5] =	ssyncset.done $0x0  }
0x96: {  	s16 =	sld [smem:$0x10];
	[sflag:s5] =	ssyncadd.s32 $0xFFFFFFFF  }
0x97: {  	s17 =	sld [smem:$0x11];
	(tm) =	ssettm $0x1  }
0x98: {  	s18 =	sld [smem:$0x3FFB];
	_ =	sdelay $0x3  }
0x99: {  	_ =	strace s18  }
0x9a: {  	s6 =	sld [smem:$0x3FFC];
	_ =	sdelay $0x3  }
0x9b: {  	_ =	strace s6  }
0x9c: {  	s6 =	sld [smem:$0x3FFD];
	_ =	sdelay $0x3  }
0x9d: {  	_ =	strace s6  }
0x9e: {  	_ =	strace $0x8FFFFFFF  }
0x9f: {  	s19 =	sld [smem:$0x3FDB];
	_ =	sdelay $0x1  }
0xa0: {  	s7 =	simm.s32 $_scs_section_size  }
0xa1: {  	s8 =	simm.s32 $_size__tile_overlayer_lowered;
	s9 =	simm.s32 $_tile_overlayer_lowered  }
0xa2: {  	s22 =	simm.s32 $0x1BFF;
	s21 =	sshll.u32 s9, $0x1;
	s6 =	sadd.s32 s7, s19  }
0xa3: {  	s10 =	simm.s32 $0x0;
	s20 =	sshll.u32 s8, $0x1;
	s8 =	sadd.s32 s21, s6  }
0xa4: {  	[timem:s10], [sflag:s22] =	dma.local [hbm:s8], s20  }
0xa5: {  	_ =	swait.ge [sflag:s22], s20  }
0xa6: {  	s7 =	ssub.s32 $0x0, s20;
	[sflag:s22] =	ssyncset.done $0x0  }
0xa7: {  	[sflag:s22] =	ssyncadd.s32 s7;
	_ =	sdelay $0x1  }
0xa8: {  	s23 =	simm.s32 $0x1B8B  }
0xa9: {  	_ =	swait.ge [sflag:s23], $0x1  }
0xaa: {  	[sflag:s23] =	ssyncset.done $0x0  }
0xab: {  	s25 =	simm.s32 $0x1B8E;
	s24 =	sld [smem:$0x3FFE];
	[sflag:s23] =	ssyncadd.s32 $0xFFFFFFFF  }
0xac: {  	s26 =	simm.s32 $execute0_lowered;
	[smem:$0x3FD2] =	sst s25  }
0xad: {  	s8 =	sshll.u32 s26, $0x1;
	_ =	strace $0x80000049;
	[dreg:$0x1] =	wrdreg $0xFFFFFFFF  }
0xae: {  	s28 =	simm.s32 $_size_execute0_lowered;
	s6 =	sadd.s32 s6, s8;
	[dreg:$0x0] =	wrdreg $0x0  }
0xaf: {  	s8 =	sshll.u32 s28, $0x1;
	[dreg:$0x2] =	wrdreg s6  }
0xb0: {  	[dreg:$0x3] =	wrdreg s8  }
0xb1: {  	[dreg:$0x4] =	wrdreg $0xC0  }
0xb2: {  	_ =	task [dreg:s10], $0x5FFFF  }
0xb3: {  	[dreg:$0x1] =	wrdreg $0xFFFFFFFF  }
0xb4: {  	[dreg:$0x0] =	wrdreg $0x60  }
0xb5: {  	[dreg:$0x2] =	wrdreg s17  }
0xb6: {  	[dreg:$0x3] =	wrdreg s24  }
0xb7: {  	[dreg:$0x4] =	wrdreg s15  }
0xb8: {  	[dreg:$0x5] =	wrdreg s4  }
0xb9: {  	[dreg:$0x6] =	wrdreg s16  }
0xba: {  	[dreg:$0x7] =	wrdreg $0x93200  }
0xbb: {  	[dreg:$0x8] =	wrdreg $0x12F600  }
0xbc: {  	[dreg:$0x9] =	wrdreg $0x9  }
0xbd: {  	_ =	task.clear_ibuf [dreg:s10], $0xAFFFF;
	_ =	strace $0x90000049  }
0xbe: {  	s29 =	simm.s32 $0x9;
	_ =	strace $0x8000004B  }
0xbf: {  	_ =	swait.ge [sflag:s29], $0x1  }
0xc0: {  	[sflag:s29] =	ssyncadd.s32 $0xFFFFFFFF  }
0xc1: {  	_ =	strace $0x9000004B  }
0xc2: {  	_ =	sfence  }
0xc3: {  	s30 =	sld [smem:$0x0];
	_ =	sdelay $0x2  }
0xc4: {  	s31 =	sshll.u32 s1, $0xD;
	s1 =	sshrl.u32 s1, $0x2  }
0xc5: {  	s3 =	sand.u32 $0x4000, s31;
	s1 =	sadd.s32 s1, s30  }
0xc6: {  	s0 =	sor.u32 s3, s0;
	s1 =	sshll.u32 s1, $0x11  }
0xc7: {  	s0 =	sor.u32 s1, s0  }
0xc8: {  	s0 =	sadd.s32 $0x8F2B, s0  }
0xc9: {  	[sflag:s0] =	ssyncadd.remote.s32 $0x1  }
0xca: {  	_ =	sfence.sel $0xFFFF  }
0xcb: {  	[dreg:$0x0] =	wrdreg $0xFFFFFFFF;
	(pc) =	sbr.abs _section_cstart, $3  }
0xcc: {  	[dreg:$0x1] =	wrdreg $0xFFFFFFFF  }
0xcd: {  	_ =	task.clear_ibuf [dreg:s10], $0x2FFFF;
	_ =	strace $0x9FFFFFFF  }
0xce: {  	(tm) =	ssettm $0x7FFFFFFF  }
0xcf: {  	_ =	shalt  }
tec
execute0_lowered:
.L_overlay_start_1:
0x0: {  	(tag) =	ssettag $0x1  }
0x1: {  	s0 =	rddreg [dreg:$0x0]  }
0x2: {  	s1 =	rddreg [dreg:$0x1]  }
0x3: {  	s2 =	rddreg [dreg:$0x2]  }
0x4: {  	s6 =	rddreg [dreg:$0x3]  }
0x5: {  	s7 =	rddreg [dreg:$0x4]  }
0x6: {  	s3 =	rddreg [dreg:$0x5]  }
0x7: {  	s4 =	rddreg [dreg:$0x6]  }
0x8: {  	s5 =	srdreg.scid;
	s16 =	stileid.u32  }
0x9: {  	s28 =	simm.s32 $0x2;
	s29 =	simm.s32 $0x8F20;
	s10 =	smul.u32 $0x271, s16  }
0xa: {  	s30 =	simm.s32 $0x10;
	s31 =	simm.s32 $0x0;
	s14 =	smul.u32 $0x9C40, s16  }
0xb: {  	s8 =	sand.u32 $0x1, s5;
	s9 =	sshll.u32 s16, $0x1;
	s23 =	smul.u32 $0x4E20, s16  }
0xc: {  	s5 =	simm.s32 $0x0;
	s24 =	smul.u32 $0x138800, s16;
	s9 =	sor.u32 s8, s9  }
0xd: {  	s12 =	smul.u32 $0x2710, s8;
	[smem:$0x7FF] =	sst s5;
	s13 =	ssub.s32 $0x2, s8  }
0xe: {  	s11 =	smul.u32 $0x4F0, s9;
	_ =	strace $0x8000004A;
	s25 =	sshrl.u32 s13, $0x1  }
0xf: {  	s26 =	smul.u32 $0x2710, s9;
	s17 =	sshrl.u32 s14, $0x3;
	s19 =	sadd.s32 s14, s3  }
0x10: {  	s18 =	smul.u32 $0x13880, s9;
	s21 =	sadd.s32 s14, s4;
	[dreg:$0xa] =	wrdreg s19  }
0x11: {  	s10 =	sadd.s32 s10, s12;
	s9 =	sadd.s32 s7, s17;
	[dreg:$0xb] =	wrdreg s21  }
0x12: {  	s7 =	sadd.s32 s12, s23;
	s21 =	simm.s32 $0x3;
	s23 =	simm.s32 $0x4F00  }
0x13: {  	s11 =	sadd.s32 s11, s1;
	s10 =	sshll.u32 s10, $0x3;
	s20 =	sadd.s32 $0x2700, s26  }
0x14: {  	s26 =	sshll.u32 s7, $0x3;
	s1 =	sadd.s32 s10, s1;
	s10 =	ssub.s32 s13, s25  }
0x15: {  	s15 =	sadd.s32 $0x4DE00, s11;
	s11 =	sadd.s32 $0x57C00, s11;
	s13 =	sshrl.u32 s20, $0x3  }
0x16: {  	s22 =	sshll.u32 s20, $0x3;
	s25 =	smul.u32 $0x9C400, s8;
	[dreg:$0x8] =	wrdreg s15  }
0x17: {  	[dreg:$0x9] =	wrdreg s11;
	s11 =	sadd.s32 s0, s18;
	s2 =	sadd.s32 s2, s13  }
0x18: {  	s6 =	sadd.s32 s6, s13;
	s15 =	sadd.s32 $0x88C00, s1;
	s16 =	sadd.s32 $0x61A00, s1  }
0x19: {  	s17 =	smax.u32 s10, $0x1;
	s1 =	sadd.s32 s0, s26;
	[dreg:$0xc] =	wrdreg s2  }
0x1a: {  	s26 =	simm.s32 $0x80;
	[dreg:$0xd] =	wrdreg s6;
	s2 =	sadd.s32 s0, s22  }
0x1b: {  	s18 =	sadd.s32 $0x13400, s11;
	s12 =	sadd.s32 $0x400, s1;
	s22 =	simm.s32 $0x8F10  }
0x1c: {  	[dreg:$0xe] =	wrdreg s2;
	s2 =	sadd.s32 s25, s24;
	s24 =	simm.s32 $0x6F00  }
0x1d: {  	s25 =	simm.s32 $0x1;
	s10 =	sadd.s32 $0x4000, s2;
	s2 =	simm.s32 $0x8F00  }
.LBB2_1:
0x1e: {  	s1 =	rddreg [dreg:$0x8]  }
0x1f: {  	[tilespmem:s5], [sflag:$0x3] =	stream.linear.gather [hbm4b:s1+s5], $0x2780, $0x38;
	[tilespmem:$0x1CBA0] =	vst v63  }
0x20: {  	_ =	swait.ge [sflag:s21], $0x2780  }
0x21: {  	[sflag:s21] =	ssyncset.done $0x0  }
0x22: {  	s6 =	simm.s32 $0x2780;
	s20 =	rddreg [dreg:$0x9];
	[sflag:s21] =	ssyncadd.s32 $0xFFFFD880  }
0x23: {  	[tilespmem:s6], [sflag:$0x3] =	stream.linear.gather [hbm4b:s20+s5], $0x2780, $0x38;
	[tilespmem:$0x1CBA0] =	vst v63  }
0x24: {  	s7 =	stileid.u32;
	_ =	swait.ge [sflag:s21], $0x2780  }
0x25: {  	s1 =	sshll.u32 s7, $0x6;
	[sflag:s21] =	ssyncset.done $0x0;
	s8 =	rddreg [dreg:$0xa]  }
0x26: {  	s1 =	sor.u32 $0x1C03, s1;
	[sflag:s21] =	ssyncadd.s32 $0xFFFFD880;
	s6 =	sshrl.u32 s8, $0x3  }
0x27: {  	[spmem:s6], [sflag:s1] =	dma.local [hbm:s9], $0x1388  }
0x28: {  	_ =	swait.ge [sflag:s21], $0x1388  }
0x29: {  	[sflag:s21] =	ssyncset.done $0x0;
	s7 =	rddreg [dreg:$0xb]  }
0x2a: {  	[sflag:s21] =	ssyncadd.s32 $0xFFFFEC78;
	s7 =	sshrl.u32 s7, $0x3  }
0x2b: {  	[spmem:s7], [sflag:s1] =	dma.local [hbm:s9], $0x1388  }
0x2c: {  	_ =	swait.ge [sflag:s21], $0x1388  }
0x2d: {  	[sflag:s21] =	ssyncset.done $0x0  }
0x2e: {  	[sflag:s21] =	ssyncadd.s32 $0xFFFFEC78  }
0x2f: {  	[bflag:$0x0] =	sbarrier.arrive $0xFFFF  }
0x30: {  	[tilespmem:s23], [sflag:$0x1] =	stream.linear.gather [hbm4b:s11+s5], $0x2000, $0x38;
	[tilespmem:$0x1CBA0] =	vst v63  }
0x31: {  	_ = 	snop  }
0x32: {  	[tilespmem:s24], [sflag:$0x2] =	stream.linear.gather [hbm4b:s12+s5], $0x2000, $0x38;
	[tilespmem:$0x1CBA0] =	vst v63  }
0x33: {  	_ =	swait.ge [sflag:s25], $0x2000  }
0x34: {  	[sflag:s25] =	ssyncset.done $0x0  }
0x35: {  	s8 =	simm.s32 $0x0;
	[sflag:s25] =	ssyncadd.s32 $0xFFFFE000  }
0x36: {  	[spmem:s3] =	stream.indirect.scatter.add.f32 [tilespmem:s23], [sflag:$0x3], $0x40, s8, s26, $0xb8;
	[tilespmem:$0x1CBA0] =	vst v63  }
0x37: {  	_ =	swait.ge [sflag:s21], $0x2000  }
0x38: {  	[sflag:s21] =	ssyncset.done $0x0  }
0x39: {  	s13 =	simm.s32 $0x2780;
	[sflag:s21] =	ssyncadd.s32 $0xFFFFE000  }
0x3a: {  	[spmem:s4] =	stream.indirect.scatter.add.f32 [tilespmem:s23], [sflag:$0x3], $0x40, s13, s26, $0xb8;
	[tilespmem:$0x1CBA0] =	vst v63  }
0x3b: {  	_ =	swait.ge [sflag:s21], $0x2000  }
0x3c: {  	s14 =	sshrl.u32 s10, $0x3;
	[sflag:s21] =	ssyncset.done $0x0  }
0x3d: {  	s8 =	sadd.s32 s0, s14;
	[sflag:s21] =	ssyncadd.s32 $0xFFFFE000  }
0x3e: {  	[tilespmem:s23], [sflag:$0x1] =	stream.linear.gather [hbm4b:s8+s5], $0x2000, $0x38;
	[tilespmem:$0x1CBA0] =	vst v63  }
0x3f: {  	_ =	swait.ge [sflag:s28], $0x2000  }
0x40: {  	[sflag:s28] =	ssyncset.done $0x0  }
0x41: {  	s19 =	simm.s32 $0x80;
	[sflag:s28] =	ssyncadd.s32 $0xFFFFE000  }
0x42: {  	[spmem:s3] =	stream.indirect.scatter.add.f32 [tilespmem:s24], [sflag:$0x3], $0x40, s19, s26, $0xb8;
	[tilespmem:$0x1CBA0] =	vst v63  }
0x43: {  	_ =	swait.ge [sflag:s21], $0x2000  }
0x44: {  	[sflag:s21] =	ssyncset.done $0x0  }
0x45: {  	s20 =	simm.s32 $0x2800;
	[sflag:s21] =	ssyncadd.s32 $0xFFFFE000  }
0x46: {  	[spmem:s4] =	stream.indirect.scatter.add.f32 [tilespmem:s24], [sflag:$0x3], $0x40, s20, s26, $0xb8;
	[tilespmem:$0x1CBA0] =	vst v63  }
0x47: {  	s8 =	simm.s32 $0x400;
	_ =	swait.ge [sflag:s21], $0x2000  }
0x48: {  	s19 =	smov.u32 s10;
	s20 =	smov.u32 s12;
	[sflag:s21] =	ssyncset.done $0x0  }
.LBB2_2:
0x49: {  	[sflag:s21] =	ssyncadd.s32 $0xFFFFE000  }
0x4a: {  	s19 =	sadd.s32 $0x4000, s19;
	s20 =	sadd.s32 $0x800, s20;
	s13 =	smov.u32 s8  }
0x4b: {  	[tilespmem:s24], [sflag:$0x2] =	stream.linear.gather [hbm4b:s20+s5], $0x2000, $0x38;
	[tilespmem:$0x1CBA0] =	vst v63  }
0x4c: {  	p0 =	sne.s32 s8, $0x9400;
	s8 =	sadd.s32 $0x400, s8;
	_ =	swait.ge [sflag:s25], $0x2000  }
0x4d: {  	[sflag:s25] =	ssyncset.done $0x0  }
0x4e: {  	s13 =	sshra.s32 s13, $0x2;
	[sflag:s25] =	ssyncadd.s32 $0xFFFFE000  }
0x4f: {  	[spmem:s3] =	stream.indirect.scatter.add.f32 [tilespmem:s23], [sflag:$0x3], $0x40, s13, s26, $0xb8;
	[tilespmem:$0x1CBA0] =	vst v63  }
0x50: {  	_ =	swait.ge [sflag:s21], $0x2000  }
0x51: {  	[sflag:s21] =	ssyncset.done $0x0  }
0x52: {  	s14 =	sadd.s32 $0x2780, s13;
	[sflag:s21] =	ssyncadd.s32 $0xFFFFE000  }
0x53: {  	[spmem:s4] =	stream.indirect.scatter.add.f32 [tilespmem:s23], [sflag:$0x3], $0x40, s14, s26, $0xb8;
	[tilespmem:$0x1CBA0] =	vst v63  }
0x54: {  	_ =	swait.ge [sflag:s21], $0x2000  }
0x55: {  	s14 =	sshrl.u32 s19, $0x3;
	[sflag:s21] =	ssyncset.done $0x0  }
0x56: {  	s14 =	sadd.s32 s0, s14;
	[sflag:s21] =	ssyncadd.s32 $0xFFFFE000  }
0x57: {  	[tilespmem:s23], [sflag:$0x1] =	stream.linear.gather [hbm4b:s14+s5], $0x2000, $0x38;
	[tilespmem:$0x1CBA0] =	vst v63  }
0x58: {  	_ =	swait.ge [sflag:s28], $0x2000  }
0x59: {  	[sflag:s28] =	ssyncset.done $0x0  }
0x5a: {  	s14 =	sadd.s32 $0x80, s13;
	[sflag:s28] =	ssyncadd.s32 $0xFFFFE000  }
0x5b: {  	[spmem:s3] =	stream.indirect.scatter.add.f32 [tilespmem:s24], [sflag:$0x3], $0x40, s14, s26, $0xb8;
	[tilespmem:$0x1CBA0] =	vst v63  }
0x5c: {  	_ =	swait.ge [sflag:s21], $0x2000  }
.Ltmp0:
0x5d: {  	[sflag:s21] =	ssyncset.done $0x0;
	(pc) =	sbr.rel @p0 .LBB2_2-.Ltmp0, $4  }
0x5e: {  	s13 =	sadd.s32 $0x2800, s13;
	[sflag:s21] =	ssyncadd.s32 $0xFFFFE000  }
0x5f: {  	[spmem:s4] =	stream.indirect.scatter.add.f32 [tilespmem:s24], [sflag:$0x3], $0x40, s13, s26, $0xb8;
	[tilespmem:$0x1CBA0] =	vst v63  }
0x60: {  	_ =	swait.ge [sflag:s21], $0x2000  }
0x61: {  	[sflag:s21] =	ssyncset.done $0x0  }
0x62: {  	[sflag:s21] =	ssyncadd.s32 $0xFFFFE000  }
0x63: {  	[tilespmem:s24], [sflag:$0x2] =	stream.linear.gather [hbm4b:s18+s5], $0x2000, $0x38;
	[tilespmem:$0x1CBA0] =	vst v63  }
0x64: {  	_ =	swait.ge [sflag:s25], $0x2000  }
0x65: {  	[sflag:s25] =	ssyncset.done $0x0  }
0x66: {  	s8 =	simm.s32 $0x2600;
	[sflag:s25] =	ssyncadd.s32 $0xFFFFE000  }
0x67: {  	[spmem:s3] =	stream.indirect.scatter.add.f32 [tilespmem:s23], [sflag:$0x3], $0x40, s8, s26, $0xb8;
	[tilespmem:$0x1CBA0] =	vst v63  }
0x68: {  	_ =	swait.ge [sflag:s21], $0x2000  }
0x69: {  	[sflag:s21] =	ssyncset.done $0x0  }
0x6a: {  	s19 =	simm.s32 $0x4D80;
	[sflag:s21] =	ssyncadd.s32 $0xFFFFE000  }
0x6b: {  	[spmem:s4] =	stream.indirect.scatter.add.f32 [tilespmem:s23], [sflag:$0x3], $0x40, s19, s26, $0xb8;
	[tilespmem:$0x1CBA0] =	vst v63  }
0x6c: {  	_ =	swait.ge [sflag:s21], $0x2000  }
0x6d: {  	[sflag:s21] =	ssyncset.done $0x0  }
0x6e: {  	[sflag:s21] =	ssyncadd.s32 $0xFFFFE000  }
0x6f: {  	_ =	swait.ge [sflag:s28], $0x2000  }
0x70: {  	[sflag:s28] =	ssyncset.done $0x0  }
0x71: {  	s20 =	simm.s32 $0x2680;
	[sflag:s28] =	ssyncadd.s32 $0xFFFFE000  }
0x72: {  	[spmem:s3] =	stream.indirect.scatter.add.f32 [tilespmem:s24], [sflag:$0x3], $0x40, s20, s26, $0xb8;
	[tilespmem:$0x1CBA0] =	vst v63  }
0x73: {  	_ =	swait.ge [sflag:s21], $0x2000  }
0x74: {  	[sflag:s21] =	ssyncset.done $0x0  }
0x75: {  	s13 =	simm.s32 $0x4E00;
	[sflag:s21] =	ssyncadd.s32 $0xFFFFE000  }
0x76: {  	[spmem:s4] =	stream.indirect.scatter.add.f32 [tilespmem:s24], [sflag:$0x3], $0x40, s13, s26, $0xb8;
	[tilespmem:$0x1CBA0] =	vst v63  }
0x77: {  	_ =	swait.ge [sflag:s21], $0x2000  }
0x78: {  	[sflag:s21] =	ssyncset.done $0x0  }
0x79: {  	s14 =	rddreg [dreg:$0xc];
	[sflag:s21] =	ssyncadd.s32 $0xFFFFE000  }
0x7a: {  	[tilespmem:s2], [sflag:$0x3] =	stream.linear.gather [hbm4b:s14+s5], $0x10, $0x38;
	[tilespmem:$0x1CBA0] =	vst v63  }
0x7b: {  	_ =	swait.ge [sflag:s21], $0x10  }
0x7c: {  	[sflag:s21] =	ssyncset.done $0x0  }
0x7d: {  	s19 =	rddreg [dreg:$0xd];
	[sflag:s21] =	ssyncadd.s32 $0xFFFFFFF0  }
0x7e: {  	[tilespmem:s22], [sflag:$0x3] =	stream.linear.gather [hbm4b:s19+s5], $0x10, $0x38;
	[tilespmem:$0x1CBA0] =	vst v63  }
0x7f: {  	_ =	swait.ge [sflag:s21], $0x10  }
0x80: {  	[sflag:s21] =	ssyncset.done $0x0  }
0x81: {  	s20 =	rddreg [dreg:$0xe];
	[sflag:s21] =	ssyncadd.s32 $0xFFFFFFF0  }
0x82: {  	[tilespmem:s29], [sflag:$0x3] =	stream.linear.gather [hbm4b:s20+s5], $0x400, $0x38;
	[tilespmem:$0x1CBA0] =	vst v63  }
0x83: {  	_ =	swait.ge [sflag:s21], $0x400  }
0x84: {  	[sflag:s21] =	ssyncset.done $0x0  }
0x85: {  	[sflag:s21] =	ssyncadd.s32 $0xFFFFFC00  }
0x86: {  	[spmem:s3] =	stream.indirect.scatter.add.f32 [tilespmem:s29], [sflag:$0x3], $0x40, s2, s30, $0xb8;
	[tilespmem:$0x1CBA0] =	vst v63  }
0x87: {  	_ =	swait.ge [sflag:s21], $0x400  }
0x88: {  	[sflag:s21] =	ssyncset.done $0x0  }
0x89: {  	[sflag:s21] =	ssyncadd.s32 $0xFFFFFC00  }
0x8a: {  	[spmem:s4] =	stream.indirect.scatter.add.f32 [tilespmem:s29], [sflag:$0x3], $0x40, s22, s30, $0xb8;
	[tilespmem:$0x1CBA0] =	vst v63  }
0x8b: {  	_ =	swait.ge [sflag:s21], $0x400  }
0x8c: {  	[sflag:s21] =	ssyncset.done $0x0  }
0x8d: {  	[sflag:s21] =	ssyncadd.s32 $0xFFFFFC00  }
0x8e: {  	[bflag:$0x0] =	sbarrier.arrive $0xFFFF  }
0x8f: {  	[hbm:s15], [sflag:s1] =	dma.local [spmem:s6], $0x1388  }
0x90: {  	s31 =	sadd.s32 $0x1, s31;
	_ =	swait.ge [sflag:s21], $0x1388  }
0x91: {  	p0 =	sne.s32 s31, s17;
	[sflag:s21] =	ssyncset.done $0x0  }
.Ltmp1:
0x92: {  	[sflag:s21] =	ssyncadd.s32 $0xFFFFEC78;
	(pc) =	sbr.rel @p0 .LBB2_1-.Ltmp1, $4  }
0x93: {  	[hbm:s16], [sflag:s1] =	dma.local [spmem:s7], $0x1388  }
0x94: {  	_ =	swait.ge [sflag:s21], $0x1388  }
0x95: {  	[sflag:s21] =	ssyncset.done $0x0  }
0x96: {  	[sflag:s21] =	ssyncadd.s32 $0xFFFFEC78  }
0x97: {  	_ =	sfence.sel $0x180000  }
0x98: {  	[bflag:$0x0] =	sbarrier.arrive $0xFFFF  }
0x99: {  	_ =	strace $0x9000004A  }
0x9a: {  	s0 =	stileid.u32;
	[bflag:$0x2] =	sbarrier.arrive $0xFFFF  }
0x9b: {  	p0 =	sne.s32 s0, $0x0;
	s0 =	rddreg [dreg:$0x7]  }
0x9c: {  	s0 =	sadd.s32 @!p0 $0x100000, s0  }
0x9d: {  	[sflag:s0] =	ssyncadd.tile.s32 @!p0 $0x1;
	_ =	shalt  }
.Lfunc_end2:
_tile_overlayer_lowered:
.L_overlay_start_2:
0x9e: {  	(tag) =	ssettag $0x2  }
0x9f: {  	s0 =	rddreg [dreg:$0x0];
	s2 =	stileid.u32  }
0xa0: {  	s1 =	rddreg [dreg:$0x1];
	p0 =	sne.s32 s2, $0x0  }
0xa1: {  	s3 =	rddreg [dreg:$0x2];
	[bflag:$0x3] =	sbarrier.arrive $0xFFFF;
	s2 =	simm.s32 @!p0 $0x1C03  }
0xa2: {  	[timem:s3], [sflag:s2] =	dma.local @!p0 [hbm:s0], s1  }
0xa3: {  	s0 =	simm.s32 @!p0 $0x3  }
0xa4: {  	_ =	swait.ge @!p0 [sflag:s0], s1  }
0xa5: {  	s1 =	ssub.s32 @!p0 $0x0, s1;
	[sflag:s0] =	ssyncset.done @!p0 $0x0  }
0xa6: {  	[sflag:s0] =	ssyncadd.s32 @!p0 s1  }
0xa7: {  	[bflag:$0x3] =	sbarrier.arrive $0xFFFF  }
0xa8: {  	_ =	shalt  }

// kernel: kernel.21.cloned.1.call-start
scs
__scs_entry_jumppad:
0x0: {  	(pc) =	sbr.rel $0x88, $3  }
0x1: {  	(tag) =	ssettag $0x0;
	lr =	simm.s32 $0x1  }
0x2: {  	[smem:$0x3F66] =	sst lr;
	_ =	strace $0xD0000000  }
0x3: {  	_ = 	snop  }
0x4: {  	_ = 	snop  }
0x5: {  	_ = 	snop  }
0x6: {  	_ = 	snop  }
0x7: {  	_ = 	snop  }
__scs_overlays_trampoline_lowered:
0x8: {  	[smem:$0x3F75] =	sst s0  }
0x9: {  	[smem:$0x3F76] =	sst s1  }
0xa: {  	[smem:$0x3F77] =	sst s2  }
0xb: {  	[smem:$0x3F78] =	sst s3  }
0xc: {  	[smem:$0x3F79] =	sst s4  }
0xd: {  	[smem:$0x3F7A] =	sst s5  }
0xe: {  	[smem:$0x3F7B] =	sst s6  }
0xf: {  	[smem:$0x3F7C] =	sst s7  }
0x10: {  	[smem:$0x3F7D] =	sst s8  }
0x11: {  	[smem:$0x3F7E] =	sst s9;
	s0 =	simm.s32 @!p0 $0x0  }
0x12: {  	s1 =	sld [smem:$0x3F64];
	s0 =	simm.s32 @p0 $0x1  }
0x13: {  	[smem:$0x3F7F] =	sst s0;
	s0 =	simm.s32 @!p1 $0x0  }
0x14: {  	s2 =	sld [smem:$0x3F63];
	s0 =	simm.s32 @p1 $0x1  }
0x15: {  	[smem:$0x3F80] =	sst s0;
	s0 =	simm.s32 @!p2 $0x0  }
0x16: {  	s3 =	sld [smem:$0x3FDB];
	s0 =	simm.s32 @p2 $0x1  }
0x17: {  	s4 =	simm.s32 $0x1BF5;
	[smem:$0x3F82] =	sst s0  }
0x18: {  	s0 =	sld [smem:$0x3F65];
	_ =	swait.ge [sflag:s4], $0x0  }
0x19: {  	s7 =	sld [smem:$0x3F66]  }
0x1a: {  	s8 =	sadd.s32 $0xFFFFE003, lr  }
0x1b: {  	s9 =	sadd.s32 $0xFFFFFEF7, lr;
	s5 =	simm.s32 $0xFFFFFFFF;
	p2 =	slt.u32 s8, $0xFFFFF086  }
0x1c: {  	p1 =	slt.u32 s9, $0xF7A;
	s5 =	simm.s32 @!p2 $0x0  }
0x1d: {  	s5 =	simm.s32 @p1 $0x1;
	p0 =	seq.s32 s7, s2  }
0x1e: {  	s7 =	smul.u32 @!p0 $0xF7A, s2;
	p2 =	seq.s32 @!p0 s5, $0x0  }
0x1f: {  	s9 =	smul.u32 $0xF7A, s1;
	s8 =	simm.s32 @!p0 $0x1BF5;
	p2 =	por !p2, p0  }
0x20: {  	[sflag:s8] =	ssyncset.s32 @!p0 $0xFFFFF086;
	s6 =	sadd.s32 @!p0 s3, s7;
	s7 =	simm.s32 @!p0 $0x108  }
0x21: {  	s3 =	sadd.s32 s3, s9;
	s6 =	sadd.s32 @!p0 $0x88, s6;
	s7 =	simm.s32 @p2 $0x1082  }
0x22: {  	[simem:s7], [sflag:s8] =	dma.local @!p0 [hbm:s6], $0xF7A  }
0x23: {  	s9 =	sor.u32 $0xD0000000, s2;
	s6 =	simm.s32 $0x108;
	_ =	swait.ge @!p0 [sflag:s8], $0x0  }
0x24: {  	s3 =	sadd.s32 $0x88, s3;
	s6 =	simm.s32 @!p1 $0x1082;
	[sflag:s4] =	ssyncset.s32 $0xFFFFF086  }
0x25: {  	[simem:s6], [sflag:s4] =	dma.local [hbm:s3], $0xF7A  }
0x26: {  	[smem:$0x3F66] =	sst s1;
	(tag) =	ssettag s2;
	_ =	strace s9  }
0x27: {  	s1 =	sld [smem:$0x3F76]  }
0x28: {  	s2 =	sld [smem:$0x3F77]  }
0x29: {  	s4 =	sld [smem:$0x3F79]  }
0x2a: {  	p0 =	seq.s32 s5, $0x0;
	s5 =	sld [smem:$0x3F7A]  }
0x2b: {  	s6 =	sld [smem:$0x3F7B]  }
0x2c: {  	s7 =	sld [smem:$0x3F7C]  }
0x2d: {  	s3 =	simm.s32 $0x108;
	s8 =	sld [smem:$0x3F7D]  }
0x2e: {  	s3 =	simm.s32 @!p0 $0x1082;
	s9 =	sld [smem:$0x3F7E]  }
0x2f: {  	lr =	sadd.s32 s0, s3;
	s0 =	sld [smem:$0x3F75]  }
0x30: {  	s3 =	sld [smem:$0x3F78]  }
0x31: {  	[smem:$0x3F81] =	sst s10  }
0x32: {  	s10 =	sld [smem:$0x3F7F];
	_ =	sdelay $0x3  }
0x33: {  	p0 =	seq.s32 s10, $0x1;
	s10 =	sld [smem:$0x3F81];
	_ =	sdelay $0x3  }
0x34: {  	[smem:$0x3F81] =	sst s10  }
0x35: {  	s10 =	sld [smem:$0x3F80];
	_ =	sdelay $0x3  }
0x36: {  	p1 =	seq.s32 s10, $0x1;
	s10 =	sld [smem:$0x3F81];
	_ =	sdelay $0x3  }
0x37: {  	[smem:$0x3F81] =	sst s10  }
0x38: {  	s10 =	sld [smem:$0x3F82]  }
0x39: {  	_ = 	snop;
	(pc) =	sbr.ind lr, $3  }
0x3a: {  	_ = 	snop  }
0x3b: {  	_ = 	snop  }
0x3c: {  	p2 =	seq.s32 s10, $0x1;
	s10 =	sld [smem:$0x3F81]  }
0x3d: {  	_ =	shalt  }
0x3e: {  	_ =	shalt  }
0x3f: {  	_ =	shalt  }
0x40: {  	_ =	shalt  }
0x41: {  	_ =	shalt  }
0x42: {  	_ =	shalt  }
0x43: {  	_ =	shalt  }
0x44: {  	_ =	shalt  }
0x45: {  	_ =	shalt  }
0x46: {  	_ =	shalt  }
0x47: {  	_ =	shalt  }
0x48: {  	_ =	shalt  }
0x49: {  	_ =	shalt  }
0x4a: {  	_ =	shalt  }
0x4b: {  	_ =	shalt  }
0x4c: {  	_ =	shalt  }
0x4d: {  	_ =	shalt  }
0x4e: {  	_ =	shalt  }
0x4f: {  	_ =	shalt  }
0x50: {  	_ =	shalt  }
0x51: {  	_ =	shalt  }
0x52: {  	_ =	shalt  }
0x53: {  	_ =	shalt  }
0x54: {  	_ =	shalt  }
0x55: {  	_ =	shalt  }
0x56: {  	_ =	shalt  }
0x57: {  	_ =	shalt  }
0x58: {  	_ =	shalt  }
0x59: {  	_ =	shalt  }
0x5a: {  	_ =	shalt  }
0x5b: {  	_ =	shalt  }
0x5c: {  	_ =	shalt  }
0x5d: {  	_ =	shalt  }
0x5e: {  	_ =	shalt  }
0x5f: {  	_ =	shalt  }
0x60: {  	_ =	shalt  }
0x61: {  	_ =	shalt  }
0x62: {  	_ =	shalt  }
0x63: {  	_ =	shalt  }
0x64: {  	_ =	shalt  }
0x65: {  	_ =	shalt  }
0x66: {  	_ =	shalt  }
0x67: {  	_ =	shalt  }
0x68: {  	_ =	shalt  }
0x69: {  	_ =	shalt  }
0x6a: {  	_ =	shalt  }
0x6b: {  	_ =	shalt  }
0x6c: {  	_ =	shalt  }
0x6d: {  	_ =	shalt  }
0x6e: {  	_ =	shalt  }
0x6f: {  	_ =	shalt  }
0x70: {  	_ =	shalt  }
0x71: {  	_ =	shalt  }
0x72: {  	_ =	shalt  }
0x73: {  	_ =	shalt  }
0x74: {  	_ =	shalt  }
0x75: {  	_ =	shalt  }
0x76: {  	_ =	shalt  }
0x77: {  	_ =	shalt  }
0x78: {  	_ =	shalt  }
0x79: {  	_ =	shalt  }
0x7a: {  	_ =	shalt  }
0x7b: {  	_ =	shalt  }
0x7c: {  	_ =	shalt  }
0x7d: {  	_ =	shalt  }
0x7e: {  	_ =	shalt  }
0x7f: {  	_ =	shalt  }
0x80: {  	_ =	shalt  }
0x81: {  	_ =	shalt  }
0x82: {  	_ =	shalt  }
0x83: {  	_ =	shalt  }
0x84: {  	_ =	shalt  }
0x85: {  	_ =	shalt  }
0x86: {  	_ =	shalt  }
0x87: {  	_ =	shalt  }
.Lfunc_end0:
.L_simem_size_0:
called_computation.3_lowered:
.L_overlay_start_0:
0x88: {  	s2 =	sld [smem:$0x3FD9]  }
0x89: {  	s3 =	sld [smem:$0x3FFE];
	_ =	sdelay $0x1  }
0x8a: {  	s1 =	srdreg.scid  }
0x8b: {  	s0 =	sand.u32 $0x1, s1  }
0x8c: {  	s16 =	sshll.u32 s0, $0xA;
	s2 =	sadd.s32 s3, s2  }
0x8d: {  	s2 =	sadd.s32 s2, s16  }
0x8e: {  	[smem:$0x3F8D] =	sst s2  }
0x8f: {  	_ = 	snop  }
0x90: {  	(tm) =	ssettm $0x1  }
0x91: {  	s17 =	sld [smem:$0x3FFB];
	_ =	sdelay $0x3  }
0x92: {  	_ =	strace s17  }
0x93: {  	s2 =	sld [smem:$0x3FFC];
	_ =	sdelay $0x3  }
0x94: {  	_ =	strace s2  }
0x95: {  	s2 =	sld [smem:$0x3FFD];
	_ =	sdelay $0x3  }
0x96: {  	_ =	strace s2  }
0x97: {  	_ =	strace $0x8FFFFFFF  }
0x98: {  	s18 =	sld [smem:$0x3FDB];
	_ =	sdelay $0x1  }
0x99: {  	s19 =	simm.s32 $_scs_section_size  }
0x9a: {  	s4 =	simm.s32 $_size__tile_overlayer_lowered;
	s5 =	simm.s32 $_tile_overlayer_lowered  }
0x9b: {  	s22 =	simm.s32 $0x1BFF;
	s21 =	sshll.u32 s5, $0x1;
	s2 =	sadd.s32 s19, s18  }
0x9c: {  	s6 =	simm.s32 $0x0;
	s20 =	sshll.u32 s4, $0x1;
	s4 =	sadd.s32 s21, s2  }
0x9d: {  	[timem:s6], [sflag:s22] =	dma.local [hbm:s4], s20  }
0x9e: {  	_ =	swait.ge [sflag:s22], s20  }
0x9f: {  	s3 =	ssub.s32 $0x0, s20;
	[sflag:s22] =	ssyncset.done $0x0  }
0xa0: {  	[sflag:s22] =	ssyncadd.s32 s3;
	_ =	sdelay $0x1  }
0xa1: {  	s23 =	simm.s32 $0x1B8B  }
0xa2: {  	_ =	swait.ge [sflag:s23], $0x1  }
0xa3: {  	[sflag:s23] =	ssyncset.done $0x0  }
0xa4: {  	s25 =	simm.s32 $0x1B8E;
	s24 =	sld [smem:$0x3FFE];
	[sflag:s23] =	ssyncadd.s32 $0xFFFFFFFF  }
0xa5: {  	s26 =	simm.s32 $execute0_lowered;
	[smem:$0x3FD2] =	sst s25  }
0xa6: {  	s4 =	sshll.u32 s26, $0x1;
	_ =	strace $0x8000004C;
	[dreg:$0x1] =	wrdreg $0xFFFFFFFF  }
0xa7: {  	s28 =	simm.s32 $_size_execute0_lowered;
	s2 =	sadd.s32 s2, s4;
	[dreg:$0x0] =	wrdreg $0x0  }
0xa8: {  	s4 =	sshll.u32 s28, $0x1;
	[dreg:$0x2] =	wrdreg s2  }
0xa9: {  	[dreg:$0x3] =	wrdreg s4  }
0xaa: {  	[dreg:$0x4] =	wrdreg $0xC0  }
0xab: {  	_ =	task [dreg:s6], $0x5FFFF  }
0xac: {  	[dreg:$0x1] =	wrdreg $0xFFFFFFFF  }
0xad: {  	[dreg:$0x0] =	wrdreg $0x60  }
0xae: {  	[dreg:$0x2] =	wrdreg s24  }
0xaf: {  	[dreg:$0x3] =	wrdreg $0x9  }
0xb0: {  	_ =	task.clear_ibuf [dreg:s6], $0x4FFFF;
	_ =	strace $0x9000004C  }
0xb1: {  	s29 =	simm.s32 $0x9;
	_ =	strace $0x8000004E  }
0xb2: {  	_ =	swait.ge [sflag:s29], $0x1  }
0xb3: {  	[sflag:s29] =	ssyncadd.s32 $0xFFFFFFFF  }
0xb4: {  	_ =	strace $0x9000004E  }
0xb5: {  	_ =	sfence  }
0xb6: {  	s30 =	sld [smem:$0x0];
	_ =	sdelay $0x2  }
0xb7: {  	s31 =	sshll.u32 s1, $0xD;
	s1 =	sshrl.u32 s1, $0x2  }
0xb8: {  	s3 =	sand.u32 $0x4000, s31;
	s1 =	sadd.s32 s1, s30  }
0xb9: {  	s0 =	sor.u32 s3, s0;
	s1 =	sshll.u32 s1, $0x11  }
0xba: {  	s0 =	sor.u32 s1, s0  }
0xbb: {  	s0 =	sadd.s32 $0x8F2B, s0  }
0xbc: {  	[sflag:s0] =	ssyncadd.remote.s32 $0x1  }
0xbd: {  	_ =	sfence.sel $0xFFFF  }
0xbe: {  	[dreg:$0x0] =	wrdreg $0xFFFFFFFF;
	(pc) =	sbr.abs _section_cstart, $3  }
0xbf: {  	[dreg:$0x1] =	wrdreg $0xFFFFFFFF  }
0xc0: {  	_ =	task.clear_ibuf [dreg:s6], $0x2FFFF;
	_ =	strace $0x9FFFFFFF  }
0xc1: {  	(tm) =	ssettm $0x7FFFFFFF  }
tec
execute0_lowered:
.L_overlay_start_1:
0x0: {  	(tag) =	ssettag $0x1  }
0x1: {  	s5 =	rddreg [dreg:$0x0]  }
0x2: {  	s0 =	rddreg [dreg:$0x1];
	s3 =	srdreg.scid  }
0x3: {  	s1 =	stileid.u32;
	s2 =	simm.s32 $0x0;
	s15 =	simm.s32 $0x6F00  }
0x4: {  	s16 =	simm.s32 $0x80;
	s17 =	simm.s32 $0x8F00;
	s18 =	simm.s32 $0xAF00  }
0x5: {  	s19 =	simm.s32 $0x1;
	s20 =	simm.s32 $0x3;
	s21 =	simm.s32 $0x2  }
0x6: {  	s22 =	simm.s32 $0x4;
	s23 =	simm.s32 $0x0;
	s8 =	sand.u32 $0x1, s3  }
0x7: {  	s28 =	sshll.u32 s1, $0x1;
	[smem:$0x7FF] =	sst s2;
	s3 =	sadd.s32 $0x3A400, s5  }
0x8: {  	s4 =	sadd.s32 $0x88C00, s5;
	s10 =	sadd.s32 $0x9C600, s5;
	s13 =	smul.u32 $0x27100, s1  }
0x9: {  	s12 =	sadd.s32 $0x7BA400, s5;
	s6 =	sor.u32 s8, s28;
	s14 =	smul.u32 $0x13880, s8  }
0xa: {  	_ =	strace $0x8000004D;
	s9 =	ssub.s32 $0x2, s8;
	s7 =	smul.u32 $0x4F0, s6  }
0xb: {  	s6 =	smul.u32 $0x9C400, s6;
	s11 =	sshrl.u32 s9, $0x1;
	s30 =	sadd.s32 s13, s12  }
0xc: {  	s31 =	sadd.s32 s13, s10;
	s13 =	simm.s32 $0x2780;
	s9 =	ssub.s32 s9, s11  }
0xd: {  	s11 =	sadd.s32 s14, s31;
	s7 =	sadd.s32 s7, s5;
	s6 =	sshrl.u32 s6, $0x3  }
0xe: {  	s9 =	smax.u32 s9, $0x1;
	s5 =	sadd.s32 $0x4DE00, s7;
	s29 =	sadd.s32 $0x13800, s6  }
0xf: {  	s6 =	sadd.s32 $0x57C00, s7;
	s7 =	sadd.s32 s10, s29;
	s8 =	sadd.s32 s12, s29  }
0x10: {  	s10 =	sadd.s32 s14, s30;
	s12 =	simm.s32 $0x5;
	s14 =	simm.s32 $0x4F00  }
.LBB2_1:
0x11: {  	[tilespmem:s2], [sflag:$0x5] =	stream.linear.gather [hbm4b:s5+s2], $0x2780, $0x38;
	[tilespmem:$0xCF00] =	vst v63  }
0x12: {  	_ =	swait.ge [sflag:s12], $0x2780  }
0x13: {  	[sflag:s12] =	ssyncset.done $0x0  }
0x14: {  	[sflag:s12] =	ssyncadd.s32 $0xFFFFD880  }
0x15: {  	[tilespmem:s13], [sflag:$0x5] =	stream.linear.gather [hbm4b:s6+s2], $0x2780, $0x38;
	[tilespmem:$0xCF00] =	vst v63  }
0x16: {  	_ =	swait.ge [sflag:s12], $0x2780  }
0x17: {  	[sflag:s12] =	ssyncset.done $0x0  }
0x18: {  	[sflag:s12] =	ssyncadd.s32 $0xFFFFD880  }
0x19: {  	[tilespmem:s14], [sflag:$0x1] =	stream.indirect.gather [hbm4b:s3+s16], $0x40, s2, s16, $0xb8;
	[tilespmem:$0xCF00] =	vst v63  }
0x1a: {  	_ = 	snop  }
0x1b: {  	[tilespmem:s15], [sflag:$0x1] =	stream.indirect.gather [hbm4b:s4+s16], $0x40, s13, s16, $0xb8;
	[tilespmem:$0xCF00] =	vst v63  }
0x1c: {  	_ = 	snop  }
0x1d: {  	[tilespmem:s17], [sflag:$0x2] =	stream.indirect.gather [hbm4b:s3+s16], $0x40, s16, s16, $0xb8;
	[tilespmem:$0xCF00] =	vst v63  }
0x1e: {  	s24 =	simm.s32 $0x2800  }
0x1f: {  	[tilespmem:s18], [sflag:$0x2] =	stream.indirect.gather [hbm4b:s4+s16], $0x40, s24, s16, $0xb8;
	[tilespmem:$0xCF00] =	vst v63  }
0x20: {  	_ =	swait.ge [sflag:s19], $0x2000  }
0x21: {  	[sflag:s19] =	ssyncset.done $0x0  }
0x22: {  	[sflag:s19] =	ssyncadd.s32 $0xFFFFE000  }
0x23: {  	_ =	swait.ge [sflag:s19], $0x2000  }
0x24: {  	[sflag:s19] =	ssyncset.done $0x0  }
0x25: {  	s25 =	sadd.s32 $0x0, s11;
	[sflag:s19] =	ssyncadd.s32 $0xFFFFE000  }
0x26: {  	[hbm4b:s25+s2] =	stream.linear.scatter [tilespmem:s14], [sflag:$0x3], $0x2000, $0x38;
	[tilespmem:$0xCF00] =	vst v63  }
0x27: {  	s26 =	sadd.s32 $0x0, s10  }
0x28: {  	[hbm4b:s26+s2] =	stream.linear.scatter [tilespmem:s15], [sflag:$0x3], $0x2000, $0x38;
	[tilespmem:$0xCF00] =	vst v63  }
0x29: {  	_ =	swait.ge [sflag:s20], $0x2000  }
0x2a: {  	[sflag:s20] =	ssyncset.done $0x0  }
0x2b: {  	[sflag:s20] =	ssyncadd.s32 $0xFFFFE000  }
0x2c: {  	_ =	swait.ge [sflag:s20], $0x2000  }
0x2d: {  	[sflag:s20] =	ssyncset.done $0x0  }
0x2e: {  	s28 =	simm.s32 $0x100;
	[sflag:s20] =	ssyncadd.s32 $0xFFFFE000  }
0x2f: {  	[tilespmem:s14], [sflag:$0x1] =	stream.indirect.gather [hbm4b:s3+s16], $0x40, s28, s16, $0xb8;
	[tilespmem:$0xCF00] =	vst v63  }
0x30: {  	s30 =	simm.s32 $0x2880  }
0x31: {  	[tilespmem:s15], [sflag:$0x1] =	stream.indirect.gather [hbm4b:s4+s16], $0x40, s30, s16, $0xb8;
	[tilespmem:$0xCF00] =	vst v63  }
0x32: {  	_ =	swait.ge [sflag:s21], $0x2000  }
0x33: {  	[sflag:s21] =	ssyncset.done $0x0  }
0x34: {  	[sflag:s21] =	ssyncadd.s32 $0xFFFFE000  }
0x35: {  	_ =	swait.ge [sflag:s21], $0x2000  }
0x36: {  	[sflag:s21] =	ssyncset.done $0x0  }
0x37: {  	s25 =	sadd.s32 $0x400, s25;
	[sflag:s21] =	ssyncadd.s32 $0xFFFFE000  }
0x38: {  	[hbm4b:s25+s2] =	stream.linear.scatter [tilespmem:s17], [sflag:$0x4], $0x2000, $0x38;
	[tilespmem:$0xCF00] =	vst v63  }
0x39: {  	s31 =	sadd.s32 $0x400, s26  }
0x3a: {  	[hbm4b:s31+s2] =	stream.linear.scatter [tilespmem:s18], [sflag:$0x4], $0x2000, $0x38;
	[tilespmem:$0xCF00] =	vst v63  }
0x3b: {  	_ =	swait.ge [sflag:s22], $0x2000  }
0x3c: {  	[sflag:s22] =	ssyncset.done $0x0  }
0x3d: {  	[sflag:s22] =	ssyncadd.s32 $0xFFFFE000  }
0x3e: {  	_ =	swait.ge [sflag:s22], $0x2000  }
0x3f: {  	s26 =	simm.s32 $0x80;
	s25 =	simm.s32 $0x800;
	[sflag:s22] =	ssyncset.done $0x0  }
.LBB2_2:
0x40: {  	[sflag:s22] =	ssyncadd.s32 $0xFFFFE000;
	s24 =	sadd.s32 $0x100, s24;
	s26 =	sadd.s32 $0x100, s26  }
0x41: {  	[tilespmem:s17], [sflag:$0x2] =	stream.indirect.gather [hbm4b:s3+s16], $0x40, s26, s16, $0xb8;
	[tilespmem:$0xCF00] =	vst v63  }
0x42: {  	p0 =	sne.s32 s25, $0x13000;
	s28 =	smov.u32 s25;
	s25 =	sadd.s32 $0x800, s25  }
0x43: {  	[tilespmem:s18], [sflag:$0x2] =	stream.indirect.gather [hbm4b:s4+s16], $0x40, s24, s16, $0xb8;
	[tilespmem:$0xCF00] =	vst v63  }
0x44: {  	_ =	swait.ge [sflag:s19], $0x2000  }
0x45: {  	[sflag:s19] =	ssyncset.done $0x0  }
0x46: {  	[sflag:s19] =	ssyncadd.s32 $0xFFFFE000  }
0x47: {  	_ =	swait.ge [sflag:s19], $0x2000  }
0x48: {  	[sflag:s19] =	ssyncset.done $0x0  }
0x49: {  	s29 =	sadd.s32 s28, s11;
	[sflag:s19] =	ssyncadd.s32 $0xFFFFE000  }
0x4a: {  	[hbm4b:s29+s2] =	stream.linear.scatter [tilespmem:s14], [sflag:$0x3], $0x2000, $0x38;
	[tilespmem:$0xCF00] =	vst v63  }
0x4b: {  	s28 =	sadd.s32 s28, s10  }
0x4c: {  	[hbm4b:s28+s2] =	stream.linear.scatter [tilespmem:s15], [sflag:$0x3], $0x2000, $0x38;
	[tilespmem:$0xCF00] =	vst v63  }
0x4d: {  	_ =	swait.ge [sflag:s20], $0x2000  }
0x4e: {  	[sflag:s20] =	ssyncset.done $0x0  }
0x4f: {  	[sflag:s20] =	ssyncadd.s32 $0xFFFFE000  }
0x50: {  	_ =	swait.ge [sflag:s20], $0x2000  }
0x51: {  	[sflag:s20] =	ssyncset.done $0x0  }
0x52: {  	s30 =	sadd.s32 $0x80, s26;
	[sflag:s20] =	ssyncadd.s32 $0xFFFFE000  }
0x53: {  	[tilespmem:s14], [sflag:$0x1] =	stream.indirect.gather [hbm4b:s3+s16], $0x40, s30, s16, $0xb8;
	[tilespmem:$0xCF00] =	vst v63  }
0x54: {  	s30 =	sadd.s32 $0x80, s24  }
0x55: {  	[tilespmem:s15], [sflag:$0x1] =	stream.indirect.gather [hbm4b:s4+s16], $0x40, s30, s16, $0xb8;
	[tilespmem:$0xCF00] =	vst v63  }
0x56: {  	_ =	swait.ge [sflag:s21], $0x2000  }
0x57: {  	[sflag:s21] =	ssyncset.done $0x0  }
0x58: {  	[sflag:s21] =	ssyncadd.s32 $0xFFFFE000  }
0x59: {  	_ =	swait.ge [sflag:s21], $0x2000  }
0x5a: {  	[sflag:s21] =	ssyncset.done $0x0  }
0x5b: {  	s29 =	sadd.s32 $0x400, s29;
	[sflag:s21] =	ssyncadd.s32 $0xFFFFE000  }
0x5c: {  	[hbm4b:s29+s2] =	stream.linear.scatter [tilespmem:s17], [sflag:$0x4], $0x2000, $0x38;
	[tilespmem:$0xCF00] =	vst v63  }
0x5d: {  	s28 =	sadd.s32 $0x400, s28  }
0x5e: {  	[hbm4b:s28+s2] =	stream.linear.scatter [tilespmem:s18], [sflag:$0x4], $0x2000, $0x38;
	[tilespmem:$0xCF00] =	vst v63  }
.Ltmp0:
0x5f: {  	_ =	swait.ge [sflag:s22], $0x2000;
	(pc) =	sbr.rel @p0 .LBB2_2-.Ltmp0, $4  }
0x60: {  	[sflag:s22] =	ssyncset.done $0x0  }
0x61: {  	[sflag:s22] =	ssyncadd.s32 $0xFFFFE000  }
0x62: {  	_ =	swait.ge [sflag:s22], $0x2000  }
0x63: {  	[sflag:s22] =	ssyncset.done $0x0  }
0x64: {  	[sflag:s22] =	ssyncadd.s32 $0xFFFFE000  }
0x65: {  	_ =	swait.ge [sflag:s19], $0x2000  }
0x66: {  	[sflag:s19] =	ssyncset.done $0x0  }
0x67: {  	[sflag:s19] =	ssyncadd.s32 $0xFFFFE000  }
0x68: {  	_ =	swait.ge [sflag:s19], $0x2000  }
0x69: {  	[sflag:s19] =	ssyncset.done $0x0  }
0x6a: {  	[sflag:s19] =	ssyncadd.s32 $0xFFFFE000  }
0x6b: {  	[hbm4b:s7+s2] =	stream.linear.scatter [tilespmem:s14], [sflag:$0x5], $0x400, $0x38;
	[tilespmem:$0xCF00] =	vst v63  }
0x6c: {  	s23 =	sadd.s32 $0x1, s23;
	_ =	swait.ge [sflag:s12], $0x400  }
0x6d: {  	p0 =	sne.s32 s23, s9;
	[sflag:s12] =	ssyncset.done $0x0  }
.Ltmp1:
0x6e: {  	[sflag:s12] =	ssyncadd.s32 $0xFFFFFC00;
	(pc) =	sbr.rel @p0 .LBB2_1-.Ltmp1, $4  }
0x6f: {  	[hbm4b:s8+s2] =	stream.linear.scatter [tilespmem:s15], [sflag:$0x5], $0x400, $0x38;
	[tilespmem:$0xCF00] =	vst v63  }
0x70: {  	_ =	swait.ge [sflag:s12], $0x400  }
0x71: {  	[sflag:s12] =	ssyncset.done $0x0  }
0x72: {  	[sflag:s12] =	ssyncadd.s32 $0xFFFFFC00  }
0x73: {  	_ =	sfence.sel $0x180000  }
0x74: {  	[bflag:$0x0] =	sbarrier.arrive $0xFFFF  }
0x75: {  	p0 =	sne.s32 s1, $0x0;
	_ =	strace $0x9000004D  }
0x76: {  	s0 =	sadd.s32 @!p0 $0x100000, s0;
	[bflag:$0x2] =	sbarrier.arrive $0xFFFF  }
0x77: {  	[sflag:s0] =	ssyncadd.tile.s32 @!p0 $0x1;
	_ =	shalt  }
.Lfunc_end2:
_tile_overlayer_lowered:
.L_overlay_start_2:
0x78: {  	(tag) =	ssettag $0x2  }
0x79: {  	s0 =	rddreg [dreg:$0x0];
	s2 =	stileid.u32  }
0x7a: {  	s1 =	rddreg [dreg:$0x1];
	p0 =	sne.s32 s2, $0x0  }
0x7b: {  	s3 =	rddreg [dreg:$0x2];
	[bflag:$0x3] =	sbarrier.arrive $0xFFFF;
	s2 =	simm.s32 @!p0 $0x1C05  }
0x7c: {  	[timem:s3], [sflag:s2] =	dma.local @!p0 [hbm:s0], s1  }
0x7d: {  	s0 =	simm.s32 @!p0 $0x5  }
0x7e: {  	_ =	swait.ge @!p0 [sflag:s0], s1  }
0x7f: {  	s1 =	ssub.s32 @!p0 $0x0, s1;
	[sflag:s0] =	ssyncset.done @!p0 $0x0  }
0x80: {  	[sflag:s0] =	ssyncadd.s32 @!p0 s1  }
0x81: {  	[bflag:$0x3] =	sbarrier.arrive $0xFFFF  }
0x82: {  	_ =	shalt  }

// kernel: kernel.24.cloned.1.call-start
scs
__scs_entry_jumppad:
0x0: {  	(pc) =	sbr.rel $0x88, $3  }
0x1: {  	(tag) =	ssettag $0x0;
	lr =	simm.s32 $0x1  }
0x2: {  	[smem:$0x3F66] =	sst lr;
	_ =	strace $0xD0000000  }
0x3: {  	_ = 	snop  }
0x4: {  	_ = 	snop  }
0x5: {  	_ = 	snop  }
0x6: {  	_ = 	snop  }
0x7: {  	_ = 	snop  }
__scs_overlays_trampoline_lowered:
0x8: {  	[smem:$0x3F75] =	sst s0  }
0x9: {  	[smem:$0x3F76] =	sst s1  }
0xa: {  	[smem:$0x3F77] =	sst s2  }
0xb: {  	[smem:$0x3F78] =	sst s3  }
0xc: {  	[smem:$0x3F79] =	sst s4  }
0xd: {  	[smem:$0x3F7A] =	sst s5  }
0xe: {  	[smem:$0x3F7B] =	sst s6  }
0xf: {  	[smem:$0x3F7C] =	sst s7  }
0x10: {  	[smem:$0x3F7D] =	sst s8  }
0x11: {  	[smem:$0x3F7E] =	sst s9;
	s0 =	simm.s32 @!p0 $0x0  }
0x12: {  	s1 =	sld [smem:$0x3F64];
	s0 =	simm.s32 @p0 $0x1  }
0x13: {  	[smem:$0x3F7F] =	sst s0;
	s0 =	simm.s32 @!p1 $0x0  }
0x14: {  	s2 =	sld [smem:$0x3F63];
	s0 =	simm.s32 @p1 $0x1  }
0x15: {  	[smem:$0x3F80] =	sst s0;
	s0 =	simm.s32 @!p2 $0x0  }
0x16: {  	s3 =	sld [smem:$0x3FDB];
	s0 =	simm.s32 @p2 $0x1  }
0x17: {  	s4 =	simm.s32 $0x1BF5;
	[smem:$0x3F82] =	sst s0  }
0x18: {  	s0 =	sld [smem:$0x3F65];
	_ =	swait.ge [sflag:s4], $0x0  }
0x19: {  	s7 =	sld [smem:$0x3F66]  }
0x1a: {  	s8 =	sadd.s32 $0xFFFFE003, lr  }
0x1b: {  	s9 =	sadd.s32 $0xFFFFFEF7, lr;
	s5 =	simm.s32 $0xFFFFFFFF;
	p2 =	slt.u32 s8, $0xFFFFF086  }
0x1c: {  	p1 =	slt.u32 s9, $0xF7A;
	s5 =	simm.s32 @!p2 $0x0  }
0x1d: {  	s5 =	simm.s32 @p1 $0x1;
	p0 =	seq.s32 s7, s2  }
0x1e: {  	s7 =	smul.u32 @!p0 $0xF7A, s2;
	p2 =	seq.s32 @!p0 s5, $0x0  }
0x1f: {  	s9 =	smul.u32 $0xF7A, s1;
	s8 =	simm.s32 @!p0 $0x1BF5;
	p2 =	por !p2, p0  }
0x20: {  	[sflag:s8] =	ssyncset.s32 @!p0 $0xFFFFF086;
	s6 =	sadd.s32 @!p0 s3, s7;
	s7 =	simm.s32 @!p0 $0x108  }
0x21: {  	s3 =	sadd.s32 s3, s9;
	s6 =	sadd.s32 @!p0 $0x88, s6;
	s7 =	simm.s32 @p2 $0x1082  }
0x22: {  	[simem:s7], [sflag:s8] =	dma.local @!p0 [hbm:s6], $0xF7A  }
0x23: {  	s9 =	sor.u32 $0xD0000000, s2;
	s6 =	simm.s32 $0x108;
	_ =	swait.ge @!p0 [sflag:s8], $0x0  }
0x24: {  	s3 =	sadd.s32 $0x88, s3;
	s6 =	simm.s32 @!p1 $0x1082;
	[sflag:s4] =	ssyncset.s32 $0xFFFFF086  }
0x25: {  	[simem:s6], [sflag:s4] =	dma.local [hbm:s3], $0xF7A  }
0x26: {  	[smem:$0x3F66] =	sst s1;
	(tag) =	ssettag s2;
	_ =	strace s9  }
0x27: {  	s1 =	sld [smem:$0x3F76]  }
0x28: {  	s2 =	sld [smem:$0x3F77]  }
0x29: {  	s4 =	sld [smem:$0x3F79]  }
0x2a: {  	p0 =	seq.s32 s5, $0x0;
	s5 =	sld [smem:$0x3F7A]  }
0x2b: {  	s6 =	sld [smem:$0x3F7B]  }
0x2c: {  	s7 =	sld [smem:$0x3F7C]  }
0x2d: {  	s3 =	simm.s32 $0x108;
	s8 =	sld [smem:$0x3F7D]  }
0x2e: {  	s3 =	simm.s32 @!p0 $0x1082;
	s9 =	sld [smem:$0x3F7E]  }
0x2f: {  	lr =	sadd.s32 s0, s3;
	s0 =	sld [smem:$0x3F75]  }
0x30: {  	s3 =	sld [smem:$0x3F78]  }
0x31: {  	[smem:$0x3F81] =	sst s10  }
0x32: {  	s10 =	sld [smem:$0x3F7F];
	_ =	sdelay $0x3  }
0x33: {  	p0 =	seq.s32 s10, $0x1;
	s10 =	sld [smem:$0x3F81];
	_ =	sdelay $0x3  }
0x34: {  	[smem:$0x3F81] =	sst s10  }
0x35: {  	s10 =	sld [smem:$0x3F80];
	_ =	sdelay $0x3  }
0x36: {  	p1 =	seq.s32 s10, $0x1;
	s10 =	sld [smem:$0x3F81];
	_ =	sdelay $0x3  }
0x37: {  	[smem:$0x3F81] =	sst s10  }
0x38: {  	s10 =	sld [smem:$0x3F82]  }
0x39: {  	_ = 	snop;
	(pc) =	sbr.ind lr, $3  }
0x3a: {  	_ = 	snop  }
0x3b: {  	_ = 	snop  }
0x3c: {  	p2 =	seq.s32 s10, $0x1;
	s10 =	sld [smem:$0x3F81]  }
0x3d: {  	_ =	shalt  }
0x3e: {  	_ =	shalt  }
0x3f: {  	_ =	shalt  }
0x40: {  	_ =	shalt  }
0x41: {  	_ =	shalt  }
0x42: {  	_ =	shalt  }
0x43: {  	_ =	shalt  }
0x44: {  	_ =	shalt  }
0x45: {  	_ =	shalt  }
0x46: {  	_ =	shalt  }
0x47: {  	_ =	shalt  }
0x48: {  	_ =	shalt  }
0x49: {  	_ =	shalt  }
0x4a: {  	_ =	shalt  }
0x4b: {  	_ =	shalt  }
0x4c: {  	_ =	shalt  }
0x4d: {  	_ =	shalt  }
0x4e: {  	_ =	shalt  }
0x4f: {  	_ =	shalt  }
0x50: {  	_ =	shalt  }
0x51: {  	_ =	shalt  }
0x52: {  	_ =	shalt  }
0x53: {  	_ =	shalt  }
0x54: {  	_ =	shalt  }
0x55: {  	_ =	shalt  }
0x56: {  	_ =	shalt  }
0x57: {  	_ =	shalt  }
0x58: {  	_ =	shalt  }
0x59: {  	_ =	shalt  }
0x5a: {  	_ =	shalt  }
0x5b: {  	_ =	shalt  }
0x5c: {  	_ =	shalt  }
0x5d: {  	_ =	shalt  }
0x5e: {  	_ =	shalt  }
0x5f: {  	_ =	shalt  }
0x60: {  	_ =	shalt  }
0x61: {  	_ =	shalt  }
0x62: {  	_ =	shalt  }
0x63: {  	_ =	shalt  }
0x64: {  	_ =	shalt  }
0x65: {  	_ =	shalt  }
0x66: {  	_ =	shalt  }
0x67: {  	_ =	shalt  }
0x68: {  	_ =	shalt  }
0x69: {  	_ =	shalt  }
0x6a: {  	_ =	shalt  }
0x6b: {  	_ =	shalt  }
0x6c: {  	_ =	shalt  }
0x6d: {  	_ =	shalt  }
0x6e: {  	_ =	shalt  }
0x6f: {  	_ =	shalt  }
0x70: {  	_ =	shalt  }
0x71: {  	_ =	shalt  }
0x72: {  	_ =	shalt  }
0x73: {  	_ =	shalt  }
0x74: {  	_ =	shalt  }
0x75: {  	_ =	shalt  }
0x76: {  	_ =	shalt  }
0x77: {  	_ =	shalt  }
0x78: {  	_ =	shalt  }
0x79: {  	_ =	shalt  }
0x7a: {  	_ =	shalt  }
0x7b: {  	_ =	shalt  }
0x7c: {  	_ =	shalt  }
0x7d: {  	_ =	shalt  }
0x7e: {  	_ =	shalt  }
0x7f: {  	_ =	shalt  }
0x80: {  	_ =	shalt  }
0x81: {  	_ =	shalt  }
0x82: {  	_ =	shalt  }
0x83: {  	_ =	shalt  }
0x84: {  	_ =	shalt  }
0x85: {  	_ =	shalt  }
0x86: {  	_ =	shalt  }
0x87: {  	_ =	shalt  }
.Lfunc_end0:
.L_simem_size_0:
called_computation.4_lowered:
.L_overlay_start_0:
0x88: {  	s2 =	sld [smem:$0x3FD9]  }
0x89: {  	s3 =	sld [smem:$0x3FFE];
	_ =	sdelay $0x1  }
0x8a: {  	s1 =	srdreg.scid  }
0x8b: {  	s0 =	sand.u32 $0x1, s1  }
0x8c: {  	s14 =	sshll.u32 s0, $0xA;
	s2 =	sadd.s32 s3, s2  }
0x8d: {  	s2 =	sadd.s32 s2, s14  }
0x8e: {  	[smem:$0x3F8D] =	sst s2  }
0x8f: {  	_ = 	snop  }
0x90: {  	s2 =	sld [smem:$0x3FD0];
	_ =	sdelay $0x1  }
0x91: {  	s15 =	sld [smem:$0x3FC7]  }
0x92: {  	s5 =	simm.s32 $0xB;
	s6 =	simm.s32 $0x10;
	s4 =	sld [smem:$0x3FC6]  }
0x93: {  	[smem:s6], [sflag:s5] =	dma.local [hbm:s2], $0x1  }
0x94: {  	_ =	swait.eq [sflag:s5], $0x1  }
0x95: {  	[sflag:s5] =	ssyncset.done $0x0  }
0x96: {  	[sflag:s5] =	ssyncadd.s32 $0xFFFFFFFF  }
0x97: {  	s16 =	sld [smem:$0x10];
	(tm) =	ssettm $0x1  }
0x98: {  	s17 =	sld [smem:$0x3FFB];
	_ =	sdelay $0x3  }
0x99: {  	_ =	strace s17  }
0x9a: {  	s5 =	sld [smem:$0x3FFC];
	_ =	sdelay $0x3  }
0x9b: {  	_ =	strace s5  }
0x9c: {  	s5 =	sld [smem:$0x3FFD];
	_ =	sdelay $0x3  }
0x9d: {  	_ =	strace s5  }
0x9e: {  	_ =	strace $0x8FFFFFFF  }
0x9f: {  	s18 =	sld [smem:$0x3FDB];
	_ =	sdelay $0x1  }
0xa0: {  	s19 =	simm.s32 $_scs_section_size  }
0xa1: {  	s7 =	simm.s32 $_size__tile_overlayer_lowered;
	s8 =	simm.s32 $_tile_overlayer_lowered  }
0xa2: {  	s22 =	simm.s32 $0x1BFF;
	s21 =	sshll.u32 s8, $0x1;
	s5 =	sadd.s32 s19, s18  }
0xa3: {  	s9 =	simm.s32 $0x0;
	s20 =	sshll.u32 s7, $0x1;
	s7 =	sadd.s32 s21, s5  }
0xa4: {  	[timem:s9], [sflag:s22] =	dma.local [hbm:s7], s20  }
0xa5: {  	_ =	swait.ge [sflag:s22], s20  }
0xa6: {  	s6 =	ssub.s32 $0x0, s20;
	[sflag:s22] =	ssyncset.done $0x0  }
0xa7: {  	[sflag:s22] =	ssyncadd.s32 s6;
	_ =	sdelay $0x1  }
0xa8: {  	s23 =	simm.s32 $0x1B8B  }
0xa9: {  	_ =	swait.ge [sflag:s23], $0x1  }
0xaa: {  	[sflag:s23] =	ssyncset.done $0x0  }
0xab: {  	s25 =	simm.s32 $0x1B8E;
	s24 =	sld [smem:$0x3FFE];
	[sflag:s23] =	ssyncadd.s32 $0xFFFFFFFF  }
0xac: {  	s26 =	simm.s32 $execute0_lowered;
	[smem:$0x3FD2] =	sst s25  }
0xad: {  	s7 =	sshll.u32 s26, $0x1;
	_ =	strace $0x8000004F;
	[dreg:$0x1] =	wrdreg $0xFFFFFFFF  }
0xae: {  	s28 =	simm.s32 $_size_execute0_lowered;
	s5 =	sadd.s32 s5, s7;
	[dreg:$0x0] =	wrdreg $0x0  }
0xaf: {  	s7 =	sshll.u32 s28, $0x1;
	[dreg:$0x2] =	wrdreg s5  }
0xb0: {  	[dreg:$0x3] =	wrdreg s7  }
0xb1: {  	[dreg:$0x4] =	wrdreg $0xC0  }
0xb2: {  	_ =	task [dreg:s9], $0x5FFFF  }
0xb3: {  	[dreg:$0x1] =	wrdreg $0xFFFFFFFF  }
0xb4: {  	[dreg:$0x0] =	wrdreg $0x60  }
0xb5: {  	[dreg:$0x2] =	wrdreg s24  }
0xb6: {  	[dreg:$0x3] =	wrdreg s15  }
0xb7: {  	[dreg:$0x4] =	wrdreg s4  }
0xb8: {  	[dreg:$0x5] =	wrdreg s16  }
0xb9: {  	[dreg:$0x6] =	wrdreg $0x93200  }
0xba: {  	[dreg:$0x7] =	wrdreg $0x12F600  }
0xbb: {  	[dreg:$0x8] =	wrdreg $0xA  }
0xbc: {  	_ =	task.clear_ibuf [dreg:s9], $0x9FFFF;
	_ =	strace $0x9000004F  }
0xbd: {  	s29 =	simm.s32 $0xA;
	_ =	strace $0x80000051  }
0xbe: {  	_ =	swait.ge [sflag:s29], $0x1  }
0xbf: {  	[sflag:s29] =	ssyncadd.s32 $0xFFFFFFFF  }
0xc0: {  	_ =	strace $0x90000051  }
0xc1: {  	_ =	sfence  }
0xc2: {  	s30 =	sld [smem:$0x0];
	_ =	sdelay $0x2  }
0xc3: {  	s31 =	sshll.u32 s1, $0xD;
	s1 =	sshrl.u32 s1, $0x2  }
0xc4: {  	s3 =	sand.u32 $0x4000, s31;
	s1 =	sadd.s32 s1, s30  }
0xc5: {  	s0 =	sor.u32 s3, s0;
	s1 =	sshll.u32 s1, $0x11  }
0xc6: {  	s0 =	sor.u32 s1, s0  }
0xc7: {  	s0 =	sadd.s32 $0x8F2B, s0  }
0xc8: {  	[sflag:s0] =	ssyncadd.remote.s32 $0x1  }
0xc9: {  	_ =	sfence.sel $0xFFFF  }
0xca: {  	[dreg:$0x0] =	wrdreg $0xFFFFFFFF;
	(pc) =	sbr.abs _section_cstart, $3  }
0xcb: {  	[dreg:$0x1] =	wrdreg $0xFFFFFFFF  }
0xcc: {  	_ =	task.clear_ibuf [dreg:s9], $0x2FFFF;
	_ =	strace $0x9FFFFFFF  }
0xcd: {  	(tm) =	ssettm $0x7FFFFFFF  }
tec
execute0_lowered:
.L_overlay_start_1:
0x0: {  	(tag) =	ssettag $0x1  }
0x1: {  	s0 =	rddreg [dreg:$0x0]  }
0x2: {  	s1 =	rddreg [dreg:$0x1]  }
0x3: {  	s6 =	rddreg [dreg:$0x2]  }
0x4: {  	s7 =	rddreg [dreg:$0x3]  }
0x5: {  	s2 =	rddreg [dreg:$0x4]  }
0x6: {  	s3 =	rddreg [dreg:$0x5]  }
0x7: {  	s4 =	srdreg.scid;
	s15 =	stileid.u32;
	s28 =	simm.s32 $0x2  }
0x8: {  	s29 =	simm.s32 $0x8F20;
	s30 =	simm.s32 $0x10;
	s9 =	smul.u32 $0x271, s15  }
0x9: {  	s31 =	simm.s32 $0x0;
	s8 =	sand.u32 $0x1, s4;
	s14 =	smul.u32 $0x9C40, s15  }
0xa: {  	s5 =	sshll.u32 s15, $0x1;
	s4 =	simm.s32 $0x0;
	s23 =	smul.u32 $0x4E20, s15  }
0xb: {  	s10 =	sor.u32 s8, s5;
	s12 =	smul.u32 $0x2710, s8;
	[smem:$0x7FF] =	sst s4  }
0xc: {  	s5 =	sadd.s32 $0xA2B400, s0;
	s13 =	ssub.s32 $0x2, s8;
	s11 =	smul.u32 $0x4F0, s10  }
0xd: {  	_ =	strace $0x80000050;
	s24 =	sshrl.u32 s13, $0x1;
	s25 =	smul.u32 $0x2710, s10  }
0xe: {  	s16 =	sshrl.u32 s14, $0x3;
	s10 =	smul.u32 $0x13880, s10;
	s18 =	sadd.s32 s14, s2  }
0xf: {  	s20 =	sadd.s32 s14, s3;
	s9 =	sadd.s32 s9, s12;
	[dreg:$0x9] =	wrdreg s18  }
0x10: {  	s17 =	ssub.s32 s13, s24;
	[dreg:$0xa] =	wrdreg s20;
	s24 =	smul.u32 $0x138800, s15  }
0x11: {  	s11 =	sadd.s32 s11, s0;
	s9 =	sshll.u32 s9, $0x3;
	s19 =	sadd.s32 $0x2700, s25  }
0x12: {  	s25 =	smul.u32 $0x9C400, s8;
	s17 =	smax.u32 s17, $0x1;
	s0 =	sadd.s32 s9, s0  }
0x13: {  	s26 =	sadd.s32 $0x4DE00, s11;
	s11 =	sadd.s32 $0x57C00, s11;
	s9 =	sadd.s32 s7, s16  }
0x14: {  	s21 =	sshrl.u32 s19, $0x3;
	s22 =	sshll.u32 s19, $0x3;
	[dreg:$0x7] =	wrdreg s26  }
0x15: {  	s7 =	sadd.s32 s12, s23;
	s23 =	simm.s32 $0x4F00;
	[dreg:$0x8] =	wrdreg s11  }
0x16: {  	s11 =	sadd.s32 s5, s10;
	s1 =	sadd.s32 s1, s21;
	s6 =	sadd.s32 s6, s21  }
0x17: {  	s15 =	sadd.s32 $0x30D800, s0;
	s16 =	sadd.s32 $0x334A00, s0;
	[dreg:$0xb] =	wrdreg s1  }
0x18: {  	s26 =	sshll.u32 s7, $0x3;
	s21 =	simm.s32 $0x3;
	[dreg:$0xc] =	wrdreg s6  }
0x19: {  	s1 =	sadd.s32 s5, s22;
	s18 =	sadd.s32 $0x13400, s11;
	s0 =	sadd.s32 s5, s26  }
0x1a: {  	s26 =	simm.s32 $0x80;
	s22 =	simm.s32 $0x8F10;
	[dreg:$0xd] =	wrdreg s1  }
0x1b: {  	s1 =	sadd.s32 s25, s24;
	s12 =	sadd.s32 $0x400, s0;
	s24 =	simm.s32 $0x6F00  }
0x1c: {  	s25 =	simm.s32 $0x1;
	s10 =	sadd.s32 $0x4000, s1;
	s1 =	simm.s32 $0x8F00  }
.LBB2_1:
0x1d: {  	s0 =	rddreg [dreg:$0x7]  }
0x1e: {  	[tilespmem:s4], [sflag:$0x3] =	stream.linear.gather [hbm4b:s0+s4], $0x2780, $0x38;
	[tilespmem:$0x1CBA0] =	vst v63  }
0x1f: {  	_ =	swait.ge [sflag:s21], $0x2780  }
0x20: {  	[sflag:s21] =	ssyncset.done $0x0  }
0x21: {  	s6 =	simm.s32 $0x2780;
	s20 =	rddreg [dreg:$0x8];
	[sflag:s21] =	ssyncadd.s32 $0xFFFFD880  }
0x22: {  	[tilespmem:s6], [sflag:$0x3] =	stream.linear.gather [hbm4b:s20+s4], $0x2780, $0x38;
	[tilespmem:$0x1CBA0] =	vst v63  }
0x23: {  	s7 =	stileid.u32;
	_ =	swait.ge [sflag:s21], $0x2780  }
0x24: {  	s0 =	sshll.u32 s7, $0x6;
	[sflag:s21] =	ssyncset.done $0x0;
	s8 =	rddreg [dreg:$0x9]  }
0x25: {  	s0 =	sor.u32 $0x1C03, s0;
	[sflag:s21] =	ssyncadd.s32 $0xFFFFD880;
	s6 =	sshrl.u32 s8, $0x3  }
0x26: {  	[spmem:s6], [sflag:s0] =	dma.local [hbm:s9], $0x1388  }
0x27: {  	_ =	swait.ge [sflag:s21], $0x1388  }
0x28: {  	[sflag:s21] =	ssyncset.done $0x0;
	s7 =	rddreg [dreg:$0xa]  }
0x29: {  	[sflag:s21] =	ssyncadd.s32 $0xFFFFEC78;
	s7 =	sshrl.u32 s7, $0x3  }
0x2a: {  	[spmem:s7], [sflag:s0] =	dma.local [hbm:s9], $0x1388  }
0x2b: {  	_ =	swait.ge [sflag:s21], $0x1388  }
0x2c: {  	[sflag:s21] =	ssyncset.done $0x0  }
0x2d: {  	[sflag:s21] =	ssyncadd.s32 $0xFFFFEC78  }
0x2e: {  	[bflag:$0x0] =	sbarrier.arrive $0xFFFF  }
0x2f: {  	[tilespmem:s23], [sflag:$0x1] =	stream.linear.gather [hbm4b:s11+s4], $0x2000, $0x38;
	[tilespmem:$0x1CBA0] =	vst v63  }
0x30: {  	_ = 	snop  }
0x31: {  	[tilespmem:s24], [sflag:$0x2] =	stream.linear.gather [hbm4b:s12+s4], $0x2000, $0x38;
	[tilespmem:$0x1CBA0] =	vst v63  }
0x32: {  	_ =	swait.ge [sflag:s25], $0x2000  }
0x33: {  	[sflag:s25] =	ssyncset.done $0x0  }
0x34: {  	s8 =	simm.s32 $0x0;
	[sflag:s25] =	ssyncadd.s32 $0xFFFFE000  }
0x35: {  	[spmem:s2] =	stream.indirect.scatter.add.f32 [tilespmem:s23], [sflag:$0x3], $0x40, s8, s26, $0xb8;
	[tilespmem:$0x1CBA0] =	vst v63  }
0x36: {  	_ =	swait.ge [sflag:s21], $0x2000  }
0x37: {  	[sflag:s21] =	ssyncset.done $0x0  }
0x38: {  	s13 =	simm.s32 $0x2780;
	[sflag:s21] =	ssyncadd.s32 $0xFFFFE000  }
0x39: {  	[spmem:s3] =	stream.indirect.scatter.add.f32 [tilespmem:s23], [sflag:$0x3], $0x40, s13, s26, $0xb8;
	[tilespmem:$0x1CBA0] =	vst v63  }
0x3a: {  	_ =	swait.ge [sflag:s21], $0x2000  }
0x3b: {  	s14 =	sshrl.u32 s10, $0x3;
	[sflag:s21] =	ssyncset.done $0x0  }
0x3c: {  	s8 =	sadd.s32 s5, s14;
	[sflag:s21] =	ssyncadd.s32 $0xFFFFE000  }
0x3d: {  	[tilespmem:s23], [sflag:$0x1] =	stream.linear.gather [hbm4b:s8+s4], $0x2000, $0x38;
	[tilespmem:$0x1CBA0] =	vst v63  }
0x3e: {  	_ =	swait.ge [sflag:s28], $0x2000  }
0x3f: {  	[sflag:s28] =	ssyncset.done $0x0  }
0x40: {  	s19 =	simm.s32 $0x80;
	[sflag:s28] =	ssyncadd.s32 $0xFFFFE000  }
0x41: {  	[spmem:s2] =	stream.indirect.scatter.add.f32 [tilespmem:s24], [sflag:$0x3], $0x40, s19, s26, $0xb8;
	[tilespmem:$0x1CBA0] =	vst v63  }
0x42: {  	_ =	swait.ge [sflag:s21], $0x2000  }
0x43: {  	[sflag:s21] =	ssyncset.done $0x0  }
0x44: {  	s20 =	simm.s32 $0x2800;
	[sflag:s21] =	ssyncadd.s32 $0xFFFFE000  }
0x45: {  	[spmem:s3] =	stream.indirect.scatter.add.f32 [tilespmem:s24], [sflag:$0x3], $0x40, s20, s26, $0xb8;
	[tilespmem:$0x1CBA0] =	vst v63  }
0x46: {  	s8 =	simm.s32 $0x400;
	_ =	swait.ge [sflag:s21], $0x2000  }
0x47: {  	s19 =	smov.u32 s10;
	s20 =	smov.u32 s12;
	[sflag:s21] =	ssyncset.done $0x0  }
.LBB2_2:
0x48: {  	[sflag:s21] =	ssyncadd.s32 $0xFFFFE000  }
0x49: {  	s19 =	sadd.s32 $0x4000, s19;
	s20 =	sadd.s32 $0x800, s20;
	s13 =	smov.u32 s8  }
0x4a: {  	[tilespmem:s24], [sflag:$0x2] =	stream.linear.gather [hbm4b:s20+s4], $0x2000, $0x38;
	[tilespmem:$0x1CBA0] =	vst v63  }
0x4b: {  	p0 =	sne.s32 s8, $0x9400;
	s8 =	sadd.s32 $0x400, s8;
	_ =	swait.ge [sflag:s25], $0x2000  }
0x4c: {  	[sflag:s25] =	ssyncset.done $0x0  }
0x4d: {  	s13 =	sshra.s32 s13, $0x2;
	[sflag:s25] =	ssyncadd.s32 $0xFFFFE000  }
0x4e: {  	[spmem:s2] =	stream.indirect.scatter.add.f32 [tilespmem:s23], [sflag:$0x3], $0x40, s13, s26, $0xb8;
	[tilespmem:$0x1CBA0] =	vst v63  }
0x4f: {  	_ =	swait.ge [sflag:s21], $0x2000  }
0x50: {  	[sflag:s21] =	ssyncset.done $0x0  }
0x51: {  	s14 =	sadd.s32 $0x2780, s13;
	[sflag:s21] =	ssyncadd.s32 $0xFFFFE000  }
0x52: {  	[spmem:s3] =	stream.indirect.scatter.add.f32 [tilespmem:s23], [sflag:$0x3], $0x40, s14, s26, $0xb8;
	[tilespmem:$0x1CBA0] =	vst v63  }
0x53: {  	_ =	swait.ge [sflag:s21], $0x2000  }
0x54: {  	s14 =	sshrl.u32 s19, $0x3;
	[sflag:s21] =	ssyncset.done $0x0  }
0x55: {  	s14 =	sadd.s32 s5, s14;
	[sflag:s21] =	ssyncadd.s32 $0xFFFFE000  }
0x56: {  	[tilespmem:s23], [sflag:$0x1] =	stream.linear.gather [hbm4b:s14+s4], $0x2000, $0x38;
	[tilespmem:$0x1CBA0] =	vst v63  }
0x57: {  	_ =	swait.ge [sflag:s28], $0x2000  }
0x58: {  	[sflag:s28] =	ssyncset.done $0x0  }
0x59: {  	s14 =	sadd.s32 $0x80, s13;
	[sflag:s28] =	ssyncadd.s32 $0xFFFFE000  }
0x5a: {  	[spmem:s2] =	stream.indirect.scatter.add.f32 [tilespmem:s24], [sflag:$0x3], $0x40, s14, s26, $0xb8;
	[tilespmem:$0x1CBA0] =	vst v63  }
0x5b: {  	_ =	swait.ge [sflag:s21], $0x2000  }
.Ltmp0:
0x5c: {  	[sflag:s21] =	ssyncset.done $0x0;
	(pc) =	sbr.rel @p0 .LBB2_2-.Ltmp0, $4  }
0x5d: {  	s13 =	sadd.s32 $0x2800, s13;
	[sflag:s21] =	ssyncadd.s32 $0xFFFFE000  }
0x5e: {  	[spmem:s3] =	stream.indirect.scatter.add.f32 [tilespmem:s24], [sflag:$0x3], $0x40, s13, s26, $0xb8;
	[tilespmem:$0x1CBA0] =	vst v63  }
0x5f: {  	_ =	swait.ge [sflag:s21], $0x2000  }
0x60: {  	[sflag:s21] =	ssyncset.done $0x0  }
0x61: {  	[sflag:s21] =	ssyncadd.s32 $0xFFFFE000  }
0x62: {  	[tilespmem:s24], [sflag:$0x2] =	stream.linear.gather [hbm4b:s18+s4], $0x2000, $0x38;
	[tilespmem:$0x1CBA0] =	vst v63  }
0x63: {  	_ =	swait.ge [sflag:s25], $0x2000  }
0x64: {  	[sflag:s25] =	ssyncset.done $0x0  }
0x65: {  	s8 =	simm.s32 $0x2600;
	[sflag:s25] =	ssyncadd.s32 $0xFFFFE000  }
0x66: {  	[spmem:s2] =	stream.indirect.scatter.add.f32 [tilespmem:s23], [sflag:$0x3], $0x40, s8, s26, $0xb8;
	[tilespmem:$0x1CBA0] =	vst v63  }
0x67: {  	_ =	swait.ge [sflag:s21], $0x2000  }
0x68: {  	[sflag:s21] =	ssyncset.done $0x0  }
0x69: {  	s19 =	simm.s32 $0x4D80;
	[sflag:s21] =	ssyncadd.s32 $0xFFFFE000  }
0x6a: {  	[spmem:s3] =	stream.indirect.scatter.add.f32 [tilespmem:s23], [sflag:$0x3], $0x40, s19, s26, $0xb8;
	[tilespmem:$0x1CBA0] =	vst v63  }
0x6b: {  	_ =	swait.ge [sflag:s21], $0x2000  }
0x6c: {  	[sflag:s21] =	ssyncset.done $0x0  }
0x6d: {  	[sflag:s21] =	ssyncadd.s32 $0xFFFFE000  }
0x6e: {  	_ =	swait.ge [sflag:s28], $0x2000  }
0x6f: {  	[sflag:s28] =	ssyncset.done $0x0  }
0x70: {  	s20 =	simm.s32 $0x2680;
	[sflag:s28] =	ssyncadd.s32 $0xFFFFE000  }
0x71: {  	[spmem:s2] =	stream.indirect.scatter.add.f32 [tilespmem:s24], [sflag:$0x3], $0x40, s20, s26, $0xb8;
	[tilespmem:$0x1CBA0] =	vst v63  }
0x72: {  	_ =	swait.ge [sflag:s21], $0x2000  }
0x73: {  	[sflag:s21] =	ssyncset.done $0x0  }
0x74: {  	s13 =	simm.s32 $0x4E00;
	[sflag:s21] =	ssyncadd.s32 $0xFFFFE000  }
0x75: {  	[spmem:s3] =	stream.indirect.scatter.add.f32 [tilespmem:s24], [sflag:$0x3], $0x40, s13, s26, $0xb8;
	[tilespmem:$0x1CBA0] =	vst v63  }
0x76: {  	_ =	swait.ge [sflag:s21], $0x2000  }
0x77: {  	[sflag:s21] =	ssyncset.done $0x0  }
0x78: {  	s14 =	rddreg [dreg:$0xb];
	[sflag:s21] =	ssyncadd.s32 $0xFFFFE000  }
0x79: {  	[tilespmem:s1], [sflag:$0x3] =	stream.linear.gather [hbm4b:s14+s4], $0x10, $0x38;
	[tilespmem:$0x1CBA0] =	vst v63  }
0x7a: {  	_ =	swait.ge [sflag:s21], $0x10  }
0x7b: {  	[sflag:s21] =	ssyncset.done $0x0  }
0x7c: {  	s19 =	rddreg [dreg:$0xc];
	[sflag:s21] =	ssyncadd.s32 $0xFFFFFFF0  }
0x7d: {  	[tilespmem:s22], [sflag:$0x3] =	stream.linear.gather [hbm4b:s19+s4], $0x10, $0x38;
	[tilespmem:$0x1CBA0] =	vst v63  }
0x7e: {  	_ =	swait.ge [sflag:s21], $0x10  }
0x7f: {  	[sflag:s21] =	ssyncset.done $0x0  }
0x80: {  	s20 =	rddreg [dreg:$0xd];
	[sflag:s21] =	ssyncadd.s32 $0xFFFFFFF0  }
0x81: {  	[tilespmem:s29], [sflag:$0x3] =	stream.linear.gather [hbm4b:s20+s4], $0x400, $0x38;
	[tilespmem:$0x1CBA0] =	vst v63  }
0x82: {  	_ =	swait.ge [sflag:s21], $0x400  }
0x83: {  	[sflag:s21] =	ssyncset.done $0x0  }
0x84: {  	[sflag:s21] =	ssyncadd.s32 $0xFFFFFC00  }
0x85: {  	[spmem:s2] =	stream.indirect.scatter.add.f32 [tilespmem:s29], [sflag:$0x3], $0x40, s1, s30, $0xb8;
	[tilespmem:$0x1CBA0] =	vst v63  }
0x86: {  	_ =	swait.ge [sflag:s21], $0x400  }
0x87: {  	[sflag:s21] =	ssyncset.done $0x0  }
0x88: {  	[sflag:s21] =	ssyncadd.s32 $0xFFFFFC00  }
0x89: {  	[spmem:s3] =	stream.indirect.scatter.add.f32 [tilespmem:s29], [sflag:$0x3], $0x40, s22, s30, $0xb8;
	[tilespmem:$0x1CBA0] =	vst v63  }
0x8a: {  	_ =	swait.ge [sflag:s21], $0x400  }
0x8b: {  	[sflag:s21] =	ssyncset.done $0x0  }
0x8c: {  	[sflag:s21] =	ssyncadd.s32 $0xFFFFFC00  }
0x8d: {  	[bflag:$0x0] =	sbarrier.arrive $0xFFFF  }
0x8e: {  	[hbm:s15], [sflag:s0] =	dma.local [spmem:s6], $0x1388  }
0x8f: {  	s31 =	sadd.s32 $0x1, s31;
	_ =	swait.ge [sflag:s21], $0x1388  }
0x90: {  	p0 =	sne.s32 s31, s17;
	[sflag:s21] =	ssyncset.done $0x0  }
.Ltmp1:
0x91: {  	[sflag:s21] =	ssyncadd.s32 $0xFFFFEC78;
	(pc) =	sbr.rel @p0 .LBB2_1-.Ltmp1, $4  }
0x92: {  	[hbm:s16], [sflag:s0] =	dma.local [spmem:s7], $0x1388  }
0x93: {  	_ =	swait.ge [sflag:s21], $0x1388  }
0x94: {  	[sflag:s21] =	ssyncset.done $0x0  }
0x95: {  	[sflag:s21] =	ssyncadd.s32 $0xFFFFEC78  }
0x96: {  	_ =	sfence.sel $0x180000  }
0x97: {  	[bflag:$0x0] =	sbarrier.arrive $0xFFFF  }
0x98: {  	_ =	strace $0x90000050  }
0x99: {  	s0 =	stileid.u32;
	[bflag:$0x2] =	sbarrier.arrive $0xFFFF  }
0x9a: {  	p0 =	sne.s32 s0, $0x0;
	s0 =	rddreg [dreg:$0x6]  }
0x9b: {  	s0 =	sadd.s32 @!p0 $0x100000, s0  }
0x9c: {  	[sflag:s0] =	ssyncadd.tile.s32 @!p0 $0x1;
	_ =	shalt  }
.Lfunc_end2:
_tile_overlayer_lowered:
.L_overlay_start_2:
0x9d: {  	(tag) =	ssettag $0x2  }
0x9e: {  	s0 =	rddreg [dreg:$0x0];
	s2 =	stileid.u32  }
0x9f: {  	s1 =	rddreg [dreg:$0x1];
	p0 =	sne.s32 s2, $0x0  }
0xa0: {  	s3 =	rddreg [dreg:$0x2];
	[bflag:$0x3] =	sbarrier.arrive $0xFFFF;
	s2 =	simm.s32 @!p0 $0x1C03  }
0xa1: {  	[timem:s3], [sflag:s2] =	dma.local @!p0 [hbm:s0], s1  }
0xa2: {  	s0 =	simm.s32 @!p0 $0x3  }
0xa3: {  	_ =	swait.ge @!p0 [sflag:s0], s1  }
0xa4: {  	s1 =	ssub.s32 @!p0 $0x0, s1;
	[sflag:s0] =	ssyncset.done @!p0 $0x0  }
0xa5: {  	[sflag:s0] =	ssyncadd.s32 @!p0 s1  }
0xa6: {  	[bflag:$0x3] =	sbarrier.arrive $0xFFFF  }
0xa7: {  	_ =	shalt  }

// kernel: sparse-core-data-format-call.cloned.1.call-start
scs
called_computation_lowered:
.L_overlay_start_0:
0x0: {  	s2 =	sld [smem:$0x3FD9]  }
0x1: {  	s3 =	sld [smem:$0x3FFE];
	_ =	sdelay $0x1  }
0x2: {  	s1 =	srdreg.scid  }
0x3: {  	s0 =	sand.u32 $0x1, s1  }
0x4: {  	s16 =	sshll.u32 s0, $0xA;
	s2 =	sadd.s32 s3, s2  }
0x5: {  	s2 =	sadd.s32 s2, s16  }
0x6: {  	[smem:$0x3F8D] =	sst s2  }
0x7: {  	_ = 	snop  }
0x8: {  	s2 =	sld [smem:$0x3FD0];
	_ =	sdelay $0x2  }
0x9: {  	s17 =	simm.s32 $0xB;
	s4 =	simm.s32 $0x10  }
0xa: {  	[smem:s4], [sflag:s17] =	dma.local [hbm:s2], $0x1  }
0xb: {  	_ =	swait.eq [sflag:s17], $0x1  }
0xc: {  	[sflag:s17] =	ssyncset.done $0x0  }
0xd: {  	[sflag:s17] =	ssyncadd.s32 $0xFFFFFFFF  }
0xe: {  	s18 =	sld [smem:$0x11];
	(tm) =	ssettm $0x1  }
0xf: {  	s19 =	sld [smem:$0x3FFB];
	_ =	sdelay $0x3  }
0x10: {  	_ =	strace s19  }
0x11: {  	s2 =	sld [smem:$0x3FFC];
	_ =	sdelay $0x3  }
0x12: {  	_ =	strace s2  }
0x13: {  	s2 =	sld [smem:$0x3FFD];
	_ =	sdelay $0x3  }
0x14: {  	_ =	strace s2  }
0x15: {  	_ =	strace $0x8FFFFFFF  }
0x16: {  	s20 =	sld [smem:$0x3FDB];
	_ =	sdelay $0x1  }
0x17: {  	s21 =	simm.s32 $_scs_section_size  }
0x18: {  	s5 =	simm.s32 $_size__tile_overlayer_lowered;
	s6 =	simm.s32 $_tile_overlayer_lowered  }
0x19: {  	s7 =	simm.s32 $0x1BFF;
	s22 =	sshll.u32 s6, $0x1;
	s4 =	sadd.s32 s21, s20  }
0x1a: {  	s23 =	simm.s32 $0x0;
	s5 =	sshll.u32 s5, $0x1;
	s6 =	sadd.s32 s22, s4  }
0x1b: {  	[timem:s23], [sflag:s7] =	dma.local [hbm:s6], s5  }
0x1c: {  	_ =	swait.ge [sflag:s7], s5  }
0x1d: {  	s5 =	ssub.s32 $0x0, s5;
	[sflag:s7] =	ssyncset.done $0x0  }
0x1e: {  	[sflag:s7] =	ssyncadd.s32 s5;
	_ =	sdelay $0x1  }
0x1f: {  	s24 =	simm.s32 $0x1B8B  }
0x20: {  	_ =	swait.ge [sflag:s24], $0x1  }
0x21: {  	[sflag:s24] =	ssyncset.done $0x0  }
0x22: {  	[sflag:s24] =	ssyncadd.s32 $0xFFFFFFFF  }
0x23: {  	s5 =	sld [smem:$0x0]  }
0x24: {  	s6 =	sand.u32 $0xFFFFFFFE, s1  }
0x25: {  	p0 =	sne.s32 s1, s6  }
0x26: {  	s6 =	sshll.u32 @p0 s6, $0xE  }
0x27: {  	s6 =	sadd.s32 @p0 $0x11B8D, s6;
	s7 =	sshll.u32 @p0 s5, $0x11  }
0x28: {  	s6 =	sor.u32 @p0 s7, s6  }
0x29: {  	[sflag:s6] =	ssyncadd.remote.s32 @p0 $0x1;
	_ =	sdelay $0x1  }
0x2a: {  	s6 =	simm.s32 @p0 $0x1B8D  }
0x2b: {  	_ =	swait.eq @p0 [sflag:s6], $0x1  }
0x2c: {  	[sflag:s6] =	ssyncadd.s32 @p0 $0xFFFFFFFF  }
0x2d: {  	s7 =	sshll.u32 @!p0 s1, $0xE  }
0x2e: {  	s7 =	sor.u32 @!p0 $0x4000, s7;
	s6 =	simm.s32 @!p0 $0x1B8D  }
0x2f: {  	s5 =	sshll.u32 @!p0 s5, $0x11;
	s7 =	sadd.s32 @!p0 $0x11B8D, s7;
	_ =	swait.eq @!p0 [sflag:s6], $0x1  }
0x30: {  	s5 =	sor.u32 @!p0 s5, s7;
	[sflag:s6] =	ssyncadd.s32 @!p0 $0xFFFFFFFF  }
0x31: {  	s26 =	simm.s32 $0x1B8E;
	s25 =	sld [smem:$0x3FFE];
	[sflag:s5] =	ssyncadd.remote.s32 @!p0 $0x1  }
0x32: {  	s27 =	simm.s32 $execute0_lowered;
	[smem:$0x3FD2] =	sst s26  }
0x33: {  	s6 =	sshll.u32 s27, $0x1;
	_ =	strace $0x80000052;
	[dreg:$0x1] =	wrdreg $0xFFFFFFFF  }
0x34: {  	s28 =	simm.s32 $_size_execute0_lowered;
	s4 =	sadd.s32 s4, s6;
	[dreg:$0x0] =	wrdreg $0x0  }
0x35: {  	s6 =	sshll.u32 s28, $0x1;
	[dreg:$0x2] =	wrdreg s4  }
0x36: {  	[dreg:$0x3] =	wrdreg s6  }
0x37: {  	[dreg:$0x4] =	wrdreg $0xC0  }
0x38: {  	_ =	task [dreg:s23], $0x5FFFF  }
0x39: {  	[dreg:$0x1] =	wrdreg $0xFFFFFFFF  }
0x3a: {  	[dreg:$0x0] =	wrdreg $0x60  }
0x3b: {  	[dreg:$0x2] =	wrdreg s25  }
0x3c: {  	[dreg:$0x3] =	wrdreg s18  }
0x3d: {  	[dreg:$0x4] =	wrdreg $0x9  }
0x3e: {  	_ =	task.clear_ibuf [dreg:s23], $0x5FFFF;
	_ =	strace $0x90000052  }
0x3f: {  	s29 =	simm.s32 $0x9;
	_ =	strace $0x80000054  }
0x40: {  	_ =	swait.ge [sflag:s29], $0x1  }
0x41: {  	[sflag:s29] =	ssyncadd.s32 $0xFFFFFFFF  }
0x42: {  	_ =	strace $0x90000054  }
0x43: {  	_ =	sfence  }
0x44: {  	s30 =	sld [smem:$0x0];
	_ =	sdelay $0x2  }
0x45: {  	s31 =	sshll.u32 s1, $0xD;
	s1 =	sshrl.u32 s1, $0x2  }
0x46: {  	s4 =	sand.u32 $0x4000, s31;
	s1 =	sadd.s32 s1, s30  }
0x47: {  	s0 =	sor.u32 s4, s0;
	s1 =	sshll.u32 s1, $0x11  }
0x48: {  	s0 =	sor.u32 s1, s0  }
0x49: {  	s0 =	sadd.s32 $0x8F2B, s0  }
0x4a: {  	[sflag:s0] =	ssyncadd.remote.s32 $0x1  }
0x4b: {  	_ =	sfence.sel $0xFFFF  }
0x4c: {  	[dreg:$0x0] =	wrdreg $0xFFFFFFFF;
	(pc) =	sbr.abs _section_cstart, $3  }
0x4d: {  	[dreg:$0x1] =	wrdreg $0xFFFFFFFF  }
0x4e: {  	_ =	task.clear_ibuf [dreg:s23], $0x2FFFF;
	_ =	strace $0x9FFFFFFF  }
0x4f: {  	(tm) =	ssettm $0x7FFFFFFF  }
tec
execute0_lowered:
.L_overlay_start_1:
0x0: {  	(tag) =	ssettag $0x1  }
0x1: {  	s0 =	srdreg.scid  }
0x2: {  	s1 =	sshll.u32 s0, $0x4  }
0x3: {  	s4 =	rddreg [dreg:$0x0];
	s0 =	stileid.u32;
	s1 =	sand.u32 $0x10, s1  }
0x4: {  	s2 =	rddreg [dreg:$0x1];
	s7 =	simm.s32 $0x1;
	s1 =	sor.u32 s0, s1  }
0x5: {  	s8 =	simm.s32 $0x2;
	s11 =	simm.s32 $0x0;
	s3 =	sshll.u32 s1, $0x7  }
0x6: {  	s10 =	simm.s32 $0x0;
	s4 =	sadd.s32 $0x549400, s4;
	s6 =	ssub.s32 $0x4E200, s3  }
.Ltmp0:
0x7: {  	s1 =	rddreg [dreg:$0x2];
	s5 =	sand.u32 $0xF80, s6;
	(pc) =	sbr.rel .LBB1_1-.Ltmp0, $4  }
0x8: {  	_ =	strace $0x80000053;
	s9 =	smov.u32 s3;
	p0 =	sne.s32 s5, $0x0  }
0x9: {  	s6 =	sshrl.u32 s6, $0xC;
	s5 =	simm.s32 $0x1;
	s7 =	simm.s32 @!p0 $0x0  }
0xa: {  	[sflag:s5] =	ssyncpa.u1 $0x0;
	p0 =	por $0x0, $0x0;
	s6 =	sadd.s32 s7, s6  }
0xb: {  	[sflag:s8] =	ssyncpa.u1 $0x0;
	s8 =	simm.s32 $0x271000;
	s7 =	sadd.s32 $0x1, s6  }
.LBB1_4:
0xc: {  	s14 =	sshll.u32 s11, $0x3  }
0xd: {  	s30 =	sand.u32 $0x7F, s11;
	s14 =	sand.u32 $0xFFFFFC00, s14  }
0xe: {  	s11 =	sor.u32 s30, s14  }
0xf: {  	s15 =	smulhi.u32 $0xD1B71759, s11;
	_ =	sdelay $0x1  }
0x10: {  	s14 =	smulhi.u32 $0xD1B71759, s14;
	s15 =	sshrl.u32 s15, $0x12  }
0x11: {  	s15 =	smul.u32 $0x4E200, s15  }
0x12: {  	s14 =	sshrl.u32 s14, $0x12  }
0x13: {  	s14 =	sand.u32 $0x3F, s14;
	s11 =	ssub.s32 s11, s15  }
0x14: {  	[tilespmem:s13+$0x810 ss:$0x81] =	vst.msk $0xffff, v2;
	s14 =	smul.u32 $0x9C40, s14;
	s15 =	sshrl.u32 s11, $0x3;
	s11 =	sand.u32 $0x7, s11  }
0x15: {  	[tilespmem:s13+$0x1020 ss:$0x81] =	vst.msk $0xffff, v0;
	s15 =	sadd.s32 s2, s15;
	s11 =	sshll.u32 s11, $0x12  }
0x16: {  	[tilespmem:s13+$0x0 ss:$0x81] =	vst.msk $0xffff, v1;
	s31 =	sadd.s32 s14, s15;
	s11 =	sor.u32 $0x400, s11  }
0x17: {  	[hbm4b:s31+s11] =	stream.strided.scatter [tilespmem:s12], [sflag:$0x2], $0x2000, s8, s11, $0x20;
	[tilespmem:$0x8080] =	vst v63  }
.LBB1_5:
0x18: {  	s13 =	sadd.s32 $0x1000, s9  }
0x19: {  	p2 =	sgt.s32 s13, $0x4E1FF  }
0x1a: {  	s13 =	smov.u32 @p2 s3;
	p2 =	sne.s32 s10, s7  }
.Ltmp1:
0x1b: {  	p1 =	slt.u32 s10, $0x2;
	(pc) =	sbr.rel @!p2 .LBB1_6-.Ltmp1, $4  }
0x1c: {  	s12 =	simm.s32 @!p1 $0x2  }
0x1d: {  	s14 =	sadd.s32 $0x1, s10;
	_ =	swait.ge @!p1 [sflag:s12], $0x2000  }
0x1e: {  	s11 =	smov.u32 s9;
	p0 =	por !p0, !p0;
	[sflag:s12] =	ssyncset.done @!p1 $0x0  }
0x1f: {  	s10 =	smov.u32 s14;
	s9 =	smov.u32 s13;
	[sflag:s12] =	ssyncadd.s32 @!p1 $0xFFFFE000  }
.LBB1_1:
0x20: {  	p1 =	sge.u32 s10, s6  }
0x21: {  	s12 =	sand.u32 @!p1 $0x1FFFFFF, s9  }
0x22: {  	s13 =	smulhi.u32 @!p1 $0x1A36E2F, s12;
	_ =	sdelay $0x1  }
0x23: {  	s13 =	sshrl.u32 @!p1 s13, $0xB  }
0x24: {  	s13 =	smul.u32 @!p1 $0x4E200, s13;
	_ =	sdelay $0x1  }
0x25: {  	s31 =	sadd.s32 $0xFFFFFFFF, s10;
	s14 =	sxor.u32 @!p1 $0xFFFFFFFF, s10;
	s12 =	ssub.s32 @!p1 s12, s13  }
0x26: {  	s15 =	simm.s32 @!p1 $0x80;
	s14 =	sshll.u32 @!p1 s14, $0xD;
	s12 =	sshll.u32 @!p1 s12, $0x4  }
0x27: {  	s13 =	sand.u32 @!p1 $0x2000, s14;
	s14 =	simm.s32 @!p1 $0x40;
	s12 =	sadd.s32 @!p1 s4, s12  }
0x28: {  	[tilespmem:s13], [sflag:$0x1] =	stream.strided.gather @!p1 [hbm4b:s12+s14], $0x2000, s15, s14, $0x38;
	[tilespmem:$0x8080] =	vst v63  }
0x29: {  	p1 =	sge.u32 s31, s6  }
.Ltmp2:
0x2a: {  	_ = 	snop;
	(pc) =	sbr.rel @p1 .LBB1_5-.Ltmp2, $1  }
0x2b: {  	_ =	sdelay $0x3  }
0x2c: {  	s12 =	simm.s32 $0x1  }
0x2d: {  	_ =	swait.ge [sflag:s5], $0x2000;
	s12 =	simm.s32 @!p0 $0x0  }
0x2e: {  	[sflag:s5] =	ssyncset.done $0x0;
	s13 =	sshll.u32 s12, $0xD  }
0x2f: {  	[sflag:s5] =	ssyncadd.s32 $0xFFFFE000;
	s16 =	sor.u32 $0x20, s13  }
0x30: {  	s12 =	smul.u32 $0x8100, s12;
	v3 =	vld [tilespmem:s16+$0x10]  }
0x31: {  	s30 =	sand.u32 $0x1, s10;
	v2 =	vld [tilespmem:s16+$0xFFFFFFF0]  }
0x32: {  	s13 =	smul.u32 $0x8100, s30;
	s12 =	sshrl.u32 s12, $0x2;
	v0 =	vld [tilespmem:s16+$0x0]  }
0x33: {  	v1 =	vld [tilespmem:s16+$0xFFFFFFE0];
	s14 =	sor.u32 $0x4000, s12  }
0x34: {  	s31 =	sshrl.u32 s13, $0x2;
	s13 =	sadd.s32 $0x0, s14  }
0x35: {  	s15 =	simm.s32 $0x4;
	s16 =	sadd.s32 $0x40, s16;
	s12 =	sor.u32 $0x4000, s31;
	[tilespmem:s13+$0x1830 ss:$0x81] =	vst.msk $0xffff, v3  }
.LBB1_3:
0x36: {  	v3 =	vld [tilespmem:s16+$0x10];
	p1 =	sne.s32 s15, $0x1FC;
	[tilespmem:s13+$0x810 ss:$0x81] =	vst.msk $0xffff, v2;
	s17 =	smov.u32 s15;
	s15 =	sadd.s32 $0x4, s15  }
.Ltmp3:
0x37: {  	v2 =	vld [tilespmem:s16+$0xFFFFFFF0];
	[tilespmem:s13+$0x1020 ss:$0x81] =	vst.msk $0xffff, v0;
	(pc) =	sbr.rel @p1 .LBB1_3-.Ltmp3, $4  }
0x38: {  	v0 =	vld [tilespmem:s16+$0x0];
	[tilespmem:s13+$0x0 ss:$0x81] =	vst.msk $0xffff, v1  }
0x39: {  	s13 =	sshra.s32 s17, $0x2;
	v1 =	vld [tilespmem:s16+$0xFFFFFFE0]  }
0x3a: {  	s13 =	sadd.s32 s13, s14  }
0x3b: {  	s16 =	sadd.s32 $0x40, s16;
	[tilespmem:s13+$0x1830 ss:$0x81] =	vst.msk $0xffff, v3  }
.Ltmp4:
0x3c: {  	_ = 	snop;
	(pc) =	sbr.rel .LBB1_4-.Ltmp4, $1  }
0x3d: {  	_ =	sdelay $0x3  }
.LBB1_6:
0x3e: {  	_ =	sfence.sel $0x180000  }
0x3f: {  	s2 =	simm.s32 $0x1;
	[bflag:$0x0] =	sbarrier.arrive $0xFFFF  }
0x40: {  	s31 =	simm.s32 $0x2;
	[sflag:s2] =	ssyncpa.u1 $0x1  }
0x41: {  	[sflag:s31] =	ssyncpa.u1 $0x1  }
0x42: {  	p0 =	sne.s32 s0, $0x0;
	_ =	strace $0x90000053  }
0x43: {  	s0 =	sadd.s32 @!p0 $0x100000, s1;
	[bflag:$0x2] =	sbarrier.arrive $0xFFFF  }
0x44: {  	[sflag:s0] =	ssyncadd.tile.s32 @!p0 $0x1;
	_ =	shalt  }
.Lfunc_end1:
_tile_overlayer_lowered:
.L_overlay_start_2:
0x45: {  	(tag) =	ssettag $0x2  }
0x46: {  	s0 =	rddreg [dreg:$0x0];
	s2 =	stileid.u32  }
0x47: {  	s1 =	rddreg [dreg:$0x1];
	p0 =	sne.s32 s2, $0x0  }
0x48: {  	s3 =	rddreg [dreg:$0x2];
	[bflag:$0x3] =	sbarrier.arrive $0xFFFF;
	s2 =	simm.s32 @!p0 $0x1C01  }
0x49: {  	[timem:s3], [sflag:s2] =	dma.local @!p0 [hbm:s0], s1  }
0x4a: {  	s0 =	simm.s32 @!p0 $0x1  }
0x4b: {  	_ =	swait.ge @!p0 [sflag:s0], s1  }
0x4c: {  	s1 =	ssub.s32 @!p0 $0x0, s1;
	[sflag:s0] =	ssyncset.done @!p0 $0x0  }
0x4d: {  	[sflag:s0] =	ssyncadd.s32 @!p0 s1  }
0x4e: {  	[bflag:$0x3] =	sbarrier.arrive $0xFFFF  }
0x4f: {  	_ =	shalt  }

</sc_bundles>
